<compile_context>
chip_gen: v7x
topology: tpu7x:2x2x1
jax: 0.10.2.dev20260603
libtpu: 0.0.44.dev20260713+nightly
codegen_flags: <defaults>
</compile_context>

<pallas_src>
import functools

import jax
import jax.numpy as jnp
from jax import lax
from jax.experimental import pallas as pl
from jax.experimental.pallas import tpu as pltpu
from jax.experimental.pallas import tpu_sc as plsc

NUM_FACTORS = 32
BATCH = 16384
NUM_CORES = 2
NUM_SUBCORES = 16
NUM_WORKERS = NUM_CORES * NUM_SUBCORES
BPW = BATCH // NUM_WORKERS
LANES = 16
HALF = BPW // 2
HGROUPS = HALF // LANES

_mesh = plsc.VectorSubcoreMesh(core_axis_name="c", subcore_axis_name="s")


def _make_repack(n_rows: int, bk: int):
    grid = -(-n_rows // (4 * bk))

    def body(x, out):
        xt = jnp.swapaxes(x[...], 0, 1)
        out[...] = jnp.concatenate(
            [xt[s * bk:(s + 1) * bk, :] for s in range(4)], axis=1)

    return pl.pallas_call(
        body,
        grid=(grid,),
        in_specs=[pl.BlockSpec((NUM_FACTORS, 4 * bk), lambda g: (0, g))],
        out_specs=pl.BlockSpec((bk, 128), lambda g: (g, 0)),
        out_shape=jax.ShapeDtypeStruct((grid * bk, 128), jnp.float32),
    )


@functools.partial(
    pl.kernel,
    out_type=jax.ShapeDtypeStruct((BATCH,), jnp.float32),
    mesh=_mesh,
    scratch_types=[
        pltpu.VMEM((BPW,), jnp.int32),
        pltpu.VMEM((BPW,), jnp.int32),
        pltpu.VMEM((BPW,), jnp.int32),
        pltpu.VMEM((BPW,), jnp.int32),
        pltpu.VMEM((BPW,), jnp.int32),
        pltpu.VMEM((BPW,), jnp.int32),
        pltpu.VMEM((BPW,), jnp.int32),
        pltpu.VMEM((BPW,), jnp.int32),
        pltpu.VMEM((BPW,), jnp.int32),
        pltpu.VMEM((HALF, 128), jnp.float32),
        pltpu.VMEM((HALF, 128), jnp.float32),
        pltpu.VMEM((HALF, 128), jnp.float32),
        pltpu.VMEM((BPW,), jnp.float32),
        pltpu.VMEM((BPW,), jnp.float32),
        pltpu.VMEM((BPW,), jnp.float32),
        pltpu.VMEM((LANES,), jnp.float32),
        pltpu.VMEM((BPW,), jnp.float32),
        pltpu.VMEM((LANES * LANES,), jnp.float32),
        pltpu.SemaphoreType.DMA,
        pltpu.SemaphoreType.DMA,
    ],
    compiler_params=pltpu.CompilerParams(
        needs_layout_passes=False, use_tc_tiling_on_sc=False
    ),
)
def _mf_sc(r_inv, r_tic, r_dat, inv_b, tic_b, dat_b, gb, ki, kt, kd,
           si, st, sd, oi_h, ot_h, od_h, out, idx_inv, idx_tic, idx_dat,
           sub_inv, sub_tic, sub_dat, oidx_inv, oidx_tic, oidx_dat,
           rows_inv, rows_tic, rows_dat, bias_inv, bias_tic,
           bias_dat, gb_v, out_v, part_v, semb, semr):
    wid = lax.axis_index("s") * NUM_CORES + lax.axis_index("c")
    base = wid * BPW

    pltpu.sync_copy(ki.at[pl.ds(base, BPW)], idx_inv)
    pltpu.sync_copy(kt.at[pl.ds(base, BPW)], idx_tic)
    pltpu.sync_copy(kd.at[pl.ds(base, BPW)], idx_dat)
    pltpu.sync_copy(si.at[pl.ds(base, BPW)], sub_inv)
    pltpu.sync_copy(st.at[pl.ds(base, BPW)], sub_tic)
    pltpu.sync_copy(sd.at[pl.ds(base, BPW)], sub_dat)
    pltpu.sync_copy(oi_h.at[pl.ds(base, BPW)], oidx_inv)
    pltpu.sync_copy(ot_h.at[pl.ds(base, BPW)], oidx_tic)
    pltpu.sync_copy(od_h.at[pl.ds(base, BPW)], oidx_dat)
    pltpu.sync_copy(gb, gb_v)

    b1 = pltpu.async_copy(inv_b.at[oidx_inv], bias_inv, semb)
    b2 = pltpu.async_copy(tic_b.at[oidx_tic], bias_tic, semb)
    b3 = pltpu.async_copy(dat_b.at[oidx_dat], bias_dat, semb)

    gbv = gb_v[...]

    def do_half(h, carry):
        hbase = h * HALF
        g1 = pltpu.async_copy(
            r_inv.at[idx_inv.at[pl.ds(hbase, HALF)]], rows_inv, semr)
        g2 = pltpu.async_copy(
            r_tic.at[idx_tic.at[pl.ds(hbase, HALF)]], rows_tic, semr)
        g3 = pltpu.async_copy(
            r_dat.at[idx_dat.at[pl.ds(hbase, HALF)]], rows_dat, semr)
        g1.wait()
        g2.wait()
        g3.wait()

        lanes = lax.iota(jnp.int32, LANES)

        def group(g, c):
            o = g * LANES
            go = hbase + o
            sv_i = sub_inv[pl.ds(go, LANES)]
            sv_t = sub_tic[pl.ds(go, LANES)]
            sv_d = sub_dat[pl.ds(go, LANES)]
            for j in range(LANES):
                e = o + j
                jv = jnp.full((LANES,), j, jnp.int32)
                spl_i = jnp.take_along_axis(sv_i, jv, axis=0,
                                            mode="promise_in_bounds")
                spl_t = jnp.take_along_axis(sv_t, jv, axis=0,
                                            mode="promise_in_bounds")
                spl_d = jnp.take_along_axis(sv_d, jv, axis=0,
                                            mode="promise_in_bounds")

                def pick(rows, spl, off):
                    v = rows[e, pl.ds(off, LANES)]
                    for s in range(1, 4):
                        v = jnp.where(spl == s,
                                      rows[e, pl.ds(32 * s + off, LANES)], v)
                    return v

                a_lo = pick(rows_inv, spl_i, 0)
                a_hi = pick(rows_inv, spl_i, LANES)
                t_lo = pick(rows_tic, spl_t, 0)
                t_hi = pick(rows_tic, spl_t, LANES)
                d_lo = pick(rows_dat, spl_d, 0)
                d_hi = pick(rows_dat, spl_d, LANES)
                part_v[pl.ds(j * LANES, LANES)] = (
                    a_lo * t_lo * d_lo + a_hi * t_hi * d_hi)
            acc = bias_inv[pl.ds(go, LANES)] + bias_tic[pl.ds(go, LANES)]
            acc = acc + bias_dat[pl.ds(go, LANES)] + gbv
            rbase = lanes * LANES
            for col in range(LANES):
                acc = acc + plsc.load_gather(part_v, [rbase + col])
            out_v[pl.ds(go, LANES)] = acc
            return c

        lax.fori_loop(0, HGROUPS, group, 0)
        return carry

    b1.wait()
    b2.wait()
    b3.wait()
    lax.fori_loop(0, 2, do_half, 0)
    pltpu.sync_copy(out_v, out.at[pl.ds(base, BPW)])


def kernel(investor, ticker, date, investor_factors, ticker_factors,
           date_factors, investor_bias, ticker_bias, date_bias, global_bias):
    gb16 = jnp.broadcast_to(global_bias.astype(jnp.float32), (LANES,))
    inv = investor.astype(jnp.int32)
    tic = ticker.astype(jnp.int32)
    dat = date.astype(jnp.int32)

    def submap(i, bk_log2):
        s = (i >> bk_log2) & 3
        row = ((i >> (bk_log2 + 2)) << bk_log2) | (i & ((1 << bk_log2) - 1))
        return s, row

    s_i, ki = submap(inv, 12)
    s_t, kt = submap(tic, 12)
    s_d, kd = submap(dat, 8)

    r_inv = _make_repack(1000000, 4096)(investor_factors.T)
    r_tic = _make_repack(100000, 4096)(ticker_factors.T)
    r_dat = _make_repack(1000, 256)(date_factors.T)

    return _mf_sc(
        r_inv, r_tic, r_dat,
        investor_bias.reshape(-1),
        ticker_bias.reshape(-1),
        date_bias.reshape(-1),
        gb16,
        ki, kt, kd, s_i, s_t, s_d, inv, tic, dat,
    )

# --- scband reference (transcript-rebuilt; emitter-appended) ---
"""Pipeline reference for scband-matrix-factorization-17918603559370 (READ-ONLY COPY).

The authoritative reference and input builder live on the scoring server;
editing this copy changes nothing except your own understanding.
"""

import jax, jax.numpy as jnp
import numpy as np

NUM_INVESTORS = 1000000
NUM_TICKERS = 100000
NUM_DATES = 1000
NUM_FACTORS = 32
BATCH = 16384


def setup_inputs(seed: int = 0) -> dict:
    key = jax.random.key(seed)
    ks = jax.random.split(key, 10)
    investor = jax.random.randint(ks[0], (BATCH,), 0, NUM_INVESTORS, dtype=jnp.int64 if jax.config.jax_enable_x64 else jnp.int32)
    ticker = jax.random.randint(ks[1], (BATCH,), 0, NUM_TICKERS, dtype=jnp.int64 if jax.config.jax_enable_x64 else jnp.int32)
    date = jax.random.randint(ks[2], (BATCH,), 0, NUM_DATES, dtype=jnp.int64 if jax.config.jax_enable_x64 else jnp.int32)
    investor_factors = jax.random.normal(ks[3], (NUM_INVESTORS, NUM_FACTORS), dtype=jnp.float32)
    ticker_factors = jax.random.normal(ks[4], (NUM_TICKERS, NUM_FACTORS), dtype=jnp.float32)
    date_factors = jax.random.normal(ks[5], (NUM_DATES, NUM_FACTORS), dtype=jnp.float32)
    investor_bias = jax.random.normal(ks[6], (NUM_INVESTORS, 1), dtype=jnp.float32)
    ticker_bias = jax.random.normal(ks[7], (NUM_TICKERS, 1), dtype=jnp.float32)
    date_bias = jax.random.normal(ks[8], (NUM_DATES, 1), dtype=jnp.float32)
    global_bias = jnp.zeros((), dtype=jnp.float32)
    return {
        "investor": investor,
        "ticker": ticker,
        "date": date,
        "investor_factors": investor_factors,
        "ticker_factors": ticker_factors,
        "date_factors": date_factors,
        "investor_bias": investor_bias,
        "ticker_bias": ticker_bias,
        "date_bias": date_bias,
        "global_bias": global_bias,
    }


def reference(investor, ticker, date, investor_factors, ticker_factors, date_factors,
              investor_bias, ticker_bias, date_bias, global_bias):
    inv_f = jnp.take(investor_factors, investor, axis=0)   # [B, F]
    tic_f = jnp.take(ticker_factors, ticker, axis=0)       # [B, F]
    dat_f = jnp.take(date_factors, date, axis=0)           # [B, F]
    inv_b = jnp.take(investor_bias, investor, axis=0).squeeze(-1)  # [B]
    tic_b = jnp.take(ticker_bias, ticker, axis=0).squeeze(-1)      # [B]
    dat_b = jnp.take(date_bias, date, axis=0).squeeze(-1)          # [B]
    dot = jnp.sum(inv_f * tic_f * dat_f, axis=1)           # [B]
    return dot + inv_b + tic_b + dat_b + global_bias

if __name__ == "__main__":
    import jax
    _d = setup_inputs()
    print(jax.jit(kernel)(*tuple(_d.values())))

</pallas_src>

<mosaic_0001>
#map = affine_map<(d0, d1) -> (0, 0)>
#map1 = affine_map<(d0, d1) -> (0)>
module attributes {stable_mosaic.version = 14 : i64} {
  func.func @_mf_sc(%arg0: i32, %arg1: i32, %arg2: memref<253952x128xf32, #tpu.memory_space<hbm>>, %arg3: memref<28672x128xf32, #tpu.memory_space<hbm>>, %arg4: memref<256x128xf32, #tpu.memory_space<hbm>>, %arg5: memref<1000000xf32, #tpu.memory_space<hbm>>, %arg6: memref<100000xf32, #tpu.memory_space<hbm>>, %arg7: memref<1000xf32, #tpu.memory_space<hbm>>, %arg8: memref<16xf32, #tpu.memory_space<hbm>>, %arg9: memref<16384xi32, #tpu.memory_space<hbm>>, %arg10: memref<16384xi32, #tpu.memory_space<hbm>>, %arg11: memref<16384xi32, #tpu.memory_space<hbm>>, %arg12: memref<16384xi32, #tpu.memory_space<hbm>>, %arg13: memref<16384xi32, #tpu.memory_space<hbm>>, %arg14: memref<16384xi32, #tpu.memory_space<hbm>>, %arg15: memref<16384xi32, #tpu.memory_space<hbm>>, %arg16: memref<16384xi32, #tpu.memory_space<hbm>>, %arg17: memref<16384xi32, #tpu.memory_space<hbm>>, %arg18: memref<16384xf32, #tpu.memory_space<hbm>>, %arg19: memref<512xi32, #tpu.memory_space<vmem>>, %arg20: memref<512xi32, #tpu.memory_space<vmem>>, %arg21: memref<512xi32, #tpu.memory_space<vmem>>, %arg22: memref<512xi32, #tpu.memory_space<vmem>>, %arg23: memref<512xi32, #tpu.memory_space<vmem>>, %arg24: memref<512xi32, #tpu.memory_space<vmem>>, %arg25: memref<512xi32, #tpu.memory_space<vmem>>, %arg26: memref<512xi32, #tpu.memory_space<vmem>>, %arg27: memref<512xi32, #tpu.memory_space<vmem>>, %arg28: memref<256x128xf32, #tpu.memory_space<vmem>>, %arg29: memref<256x128xf32, #tpu.memory_space<vmem>>, %arg30: memref<256x128xf32, #tpu.memory_space<vmem>>, %arg31: memref<512xf32, #tpu.memory_space<vmem>>, %arg32: memref<512xf32, #tpu.memory_space<vmem>>, %arg33: memref<512xf32, #tpu.memory_space<vmem>>, %arg34: memref<16xf32, #tpu.memory_space<vmem>>, %arg35: memref<512xf32, #tpu.memory_space<vmem>>, %arg36: memref<256xf32, #tpu.memory_space<vmem>>, %arg37: memref<!tpu.dma_semaphore, #tpu.memory_space<semaphore_mem>>, %arg38: memref<!tpu.dma_semaphore, #tpu.memory_space<semaphore_mem>>) attributes {dimension_semantics = [#tpu.dimension_semantics<core_parallel>, #tpu.dimension_semantics<subcore_parallel>], iteration_bounds = array<i64: 2, 16>, scalar_prefetch = 0 : i64, scratch_operands = 20 : i64, tpu.core_type = #tpu.core_type<sc_vector_subcore>, window_params = [{transform_indices = #map}, {transform_indices = #map}, {transform_indices = #map}, {transform_indices = #map1}, {transform_indices = #map1}, {transform_indices = #map1}, {transform_indices = #map1}, {transform_indices = #map1}, {transform_indices = #map1}, {transform_indices = #map1}, {transform_indices = #map1}, {transform_indices = #map1}, {transform_indices = #map1}, {transform_indices = #map1}, {transform_indices = #map1}, {transform_indices = #map1}, {transform_indices = #map1}]} {
    %mul3A = arith.constant 2 : i32
    %mul3A_0 = arith.muli %arg1, %mul3A : i32
    %add3A = arith.addi %mul3A_0, %arg0 : i32
    %mul3A_1 = arith.constant 512 : i32
    %mul3A_2 = arith.muli %add3A, %mul3A_1 : i32
    "tpu.region"() ({
      %run_scoped3A = tpu.sem_alloc : memref<!tpu.dma_semaphore, #tpu.memory_space<semaphore_mem>>
      %dma_start3A_19 = tpu.memref_slice %arg9[%mul3A_2] : memref<16384xi32, #tpu.memory_space<hbm>> -> memref<512xi32, #tpu.memory_space<hbm>>
      %dma_start3A_20 = tpu.memref_slice %arg9[%mul3A_2] : memref<16384xi32, #tpu.memory_space<hbm>> -> memref<512xi32, #tpu.memory_space<hbm>>
      tpu.enqueue_dma source(%dma_start3A_20 : memref<512xi32, #tpu.memory_space<hbm>>) target(%arg19 : memref<512xi32, #tpu.memory_space<vmem>>) target_semaphore(%run_scoped3A : memref<!tpu.dma_semaphore, #tpu.memory_space<semaphore_mem>>)
      %dma_wait3A_21 = tpu.memref_slice %arg9[%mul3A_2] : memref<16384xi32, #tpu.memory_space<hbm>> -> memref<512xi32, #tpu.memory_space<hbm>>
      %dma_wait3A_22 = tpu.memref_slice %arg9[%mul3A_2] : memref<16384xi32, #tpu.memory_space<hbm>> -> memref<512xi32, #tpu.memory_space<hbm>>
      tpu.wait_dma2 semaphore(%run_scoped3A : memref<!tpu.dma_semaphore, #tpu.memory_space<semaphore_mem>>) src(%dma_wait3A_22 : memref<512xi32, #tpu.memory_space<hbm>>) dst(%arg19 : memref<512xi32, #tpu.memory_space<vmem>>)
      tpu.yield
    }) : () -> ()
    "tpu.region"() ({
      %run_scoped3A = tpu.sem_alloc : memref<!tpu.dma_semaphore, #tpu.memory_space<semaphore_mem>>
      %dma_start3A_19 = tpu.memref_slice %arg10[%mul3A_2] : memref<16384xi32, #tpu.memory_space<hbm>> -> memref<512xi32, #tpu.memory_space<hbm>>
      %dma_start3A_20 = tpu.memref_slice %arg10[%mul3A_2] : memref<16384xi32, #tpu.memory_space<hbm>> -> memref<512xi32, #tpu.memory_space<hbm>>
      tpu.enqueue_dma source(%dma_start3A_20 : memref<512xi32, #tpu.memory_space<hbm>>) target(%arg20 : memref<512xi32, #tpu.memory_space<vmem>>) target_semaphore(%run_scoped3A : memref<!tpu.dma_semaphore, #tpu.memory_space<semaphore_mem>>)
      %dma_wait3A_21 = tpu.memref_slice %arg10[%mul3A_2] : memref<16384xi32, #tpu.memory_space<hbm>> -> memref<512xi32, #tpu.memory_space<hbm>>
      %dma_wait3A_22 = tpu.memref_slice %arg10[%mul3A_2] : memref<16384xi32, #tpu.memory_space<hbm>> -> memref<512xi32, #tpu.memory_space<hbm>>
      tpu.wait_dma2 semaphore(%run_scoped3A : memref<!tpu.dma_semaphore, #tpu.memory_space<semaphore_mem>>) src(%dma_wait3A_22 : memref<512xi32, #tpu.memory_space<hbm>>) dst(%arg20 : memref<512xi32, #tpu.memory_space<vmem>>)
      tpu.yield
    }) : () -> ()
    "tpu.region"() ({
      %run_scoped3A = tpu.sem_alloc : memref<!tpu.dma_semaphore, #tpu.memory_space<semaphore_mem>>
      %dma_start3A_19 = tpu.memref_slice %arg11[%mul3A_2] : memref<16384xi32, #tpu.memory_space<hbm>> -> memref<512xi32, #tpu.memory_space<hbm>>
      %dma_start3A_20 = tpu.memref_slice %arg11[%mul3A_2] : memref<16384xi32, #tpu.memory_space<hbm>> -> memref<512xi32, #tpu.memory_space<hbm>>
      tpu.enqueue_dma source(%dma_start3A_20 : memref<512xi32, #tpu.memory_space<hbm>>) target(%arg21 : memref<512xi32, #tpu.memory_space<vmem>>) target_semaphore(%run_scoped3A : memref<!tpu.dma_semaphore, #tpu.memory_space<semaphore_mem>>)
      %dma_wait3A_21 = tpu.memref_slice %arg11[%mul3A_2] : memref<16384xi32, #tpu.memory_space<hbm>> -> memref<512xi32, #tpu.memory_space<hbm>>
      %dma_wait3A_22 = tpu.memref_slice %arg11[%mul3A_2] : memref<16384xi32, #tpu.memory_space<hbm>> -> memref<512xi32, #tpu.memory_space<hbm>>
      tpu.wait_dma2 semaphore(%run_scoped3A : memref<!tpu.dma_semaphore, #tpu.memory_space<semaphore_mem>>) src(%dma_wait3A_22 : memref<512xi32, #tpu.memory_space<hbm>>) dst(%arg21 : memref<512xi32, #tpu.memory_space<vmem>>)
      tpu.yield
    }) : () -> ()
    "tpu.region"() ({
      %run_scoped3A = tpu.sem_alloc : memref<!tpu.dma_semaphore, #tpu.memory_space<semaphore_mem>>
      %dma_start3A_19 = tpu.memref_slice %arg12[%mul3A_2] : memref<16384xi32, #tpu.memory_space<hbm>> -> memref<512xi32, #tpu.memory_space<hbm>>
      %dma_start3A_20 = tpu.memref_slice %arg12[%mul3A_2] : memref<16384xi32, #tpu.memory_space<hbm>> -> memref<512xi32, #tpu.memory_space<hbm>>
      tpu.enqueue_dma source(%dma_start3A_20 : memref<512xi32, #tpu.memory_space<hbm>>) target(%arg22 : memref<512xi32, #tpu.memory_space<vmem>>) target_semaphore(%run_scoped3A : memref<!tpu.dma_semaphore, #tpu.memory_space<semaphore_mem>>)
      %dma_wait3A_21 = tpu.memref_slice %arg12[%mul3A_2] : memref<16384xi32, #tpu.memory_space<hbm>> -> memref<512xi32, #tpu.memory_space<hbm>>
      %dma_wait3A_22 = tpu.memref_slice %arg12[%mul3A_2] : memref<16384xi32, #tpu.memory_space<hbm>> -> memref<512xi32, #tpu.memory_space<hbm>>
      tpu.wait_dma2 semaphore(%run_scoped3A : memref<!tpu.dma_semaphore, #tpu.memory_space<semaphore_mem>>) src(%dma_wait3A_22 : memref<512xi32, #tpu.memory_space<hbm>>) dst(%arg22 : memref<512xi32, #tpu.memory_space<vmem>>)
      tpu.yield
    }) : () -> ()
    "tpu.region"() ({
      %run_scoped3A = tpu.sem_alloc : memref<!tpu.dma_semaphore, #tpu.memory_space<semaphore_mem>>
      %dma_start3A_19 = tpu.memref_slice %arg13[%mul3A_2] : memref<16384xi32, #tpu.memory_space<hbm>> -> memref<512xi32, #tpu.memory_space<hbm>>
      %dma_start3A_20 = tpu.memref_slice %arg13[%mul3A_2] : memref<16384xi32, #tpu.memory_space<hbm>> -> memref<512xi32, #tpu.memory_space<hbm>>
      tpu.enqueue_dma source(%dma_start3A_20 : memref<512xi32, #tpu.memory_space<hbm>>) target(%arg23 : memref<512xi32, #tpu.memory_space<vmem>>) target_semaphore(%run_scoped3A : memref<!tpu.dma_semaphore, #tpu.memory_space<semaphore_mem>>)
      %dma_wait3A_21 = tpu.memref_slice %arg13[%mul3A_2] : memref<16384xi32, #tpu.memory_space<hbm>> -> memref<512xi32, #tpu.memory_space<hbm>>
      %dma_wait3A_22 = tpu.memref_slice %arg13[%mul3A_2] : memref<16384xi32, #tpu.memory_space<hbm>> -> memref<512xi32, #tpu.memory_space<hbm>>
      tpu.wait_dma2 semaphore(%run_scoped3A : memref<!tpu.dma_semaphore, #tpu.memory_space<semaphore_mem>>) src(%dma_wait3A_22 : memref<512xi32, #tpu.memory_space<hbm>>) dst(%arg23 : memref<512xi32, #tpu.memory_space<vmem>>)
      tpu.yield
    }) : () -> ()
    "tpu.region"() ({
      %run_scoped3A = tpu.sem_alloc : memref<!tpu.dma_semaphore, #tpu.memory_space<semaphore_mem>>
      %dma_start3A_19 = tpu.memref_slice %arg14[%mul3A_2] : memref<16384xi32, #tpu.memory_space<hbm>> -> memref<512xi32, #tpu.memory_space<hbm>>
      %dma_start3A_20 = tpu.memref_slice %arg14[%mul3A_2] : memref<16384xi32, #tpu.memory_space<hbm>> -> memref<512xi32, #tpu.memory_space<hbm>>
      tpu.enqueue_dma source(%dma_start3A_20 : memref<512xi32, #tpu.memory_space<hbm>>) target(%arg24 : memref<512xi32, #tpu.memory_space<vmem>>) target_semaphore(%run_scoped3A : memref<!tpu.dma_semaphore, #tpu.memory_space<semaphore_mem>>)
      %dma_wait3A_21 = tpu.memref_slice %arg14[%mul3A_2] : memref<16384xi32, #tpu.memory_space<hbm>> -> memref<512xi32, #tpu.memory_space<hbm>>
      %dma_wait3A_22 = tpu.memref_slice %arg14[%mul3A_2] : memref<16384xi32, #tpu.memory_space<hbm>> -> memref<512xi32, #tpu.memory_space<hbm>>
      tpu.wait_dma2 semaphore(%run_scoped3A : memref<!tpu.dma_semaphore, #tpu.memory_space<semaphore_mem>>) src(%dma_wait3A_22 : memref<512xi32, #tpu.memory_space<hbm>>) dst(%arg24 : memref<512xi32, #tpu.memory_space<vmem>>)
      tpu.yield
    }) : () -> ()
    "tpu.region"() ({
      %run_scoped3A = tpu.sem_alloc : memref<!tpu.dma_semaphore, #tpu.memory_space<semaphore_mem>>
      %dma_start3A_19 = tpu.memref_slice %arg15[%mul3A_2] : memref<16384xi32, #tpu.memory_space<hbm>> -> memref<512xi32, #tpu.memory_space<hbm>>
      %dma_start3A_20 = tpu.memref_slice %arg15[%mul3A_2] : memref<16384xi32, #tpu.memory_space<hbm>> -> memref<512xi32, #tpu.memory_space<hbm>>
      tpu.enqueue_dma source(%dma_start3A_20 : memref<512xi32, #tpu.memory_space<hbm>>) target(%arg25 : memref<512xi32, #tpu.memory_space<vmem>>) target_semaphore(%run_scoped3A : memref<!tpu.dma_semaphore, #tpu.memory_space<semaphore_mem>>)
      %dma_wait3A_21 = tpu.memref_slice %arg15[%mul3A_2] : memref<16384xi32, #tpu.memory_space<hbm>> -> memref<512xi32, #tpu.memory_space<hbm>>
      %dma_wait3A_22 = tpu.memref_slice %arg15[%mul3A_2] : memref<16384xi32, #tpu.memory_space<hbm>> -> memref<512xi32, #tpu.memory_space<hbm>>
      tpu.wait_dma2 semaphore(%run_scoped3A : memref<!tpu.dma_semaphore, #tpu.memory_space<semaphore_mem>>) src(%dma_wait3A_22 : memref<512xi32, #tpu.memory_space<hbm>>) dst(%arg25 : memref<512xi32, #tpu.memory_space<vmem>>)
      tpu.yield
    }) : () -> ()
    "tpu.region"() ({
      %run_scoped3A = tpu.sem_alloc : memref<!tpu.dma_semaphore, #tpu.memory_space<semaphore_mem>>
      %dma_start3A_19 = tpu.memref_slice %arg16[%mul3A_2] : memref<16384xi32, #tpu.memory_space<hbm>> -> memref<512xi32, #tpu.memory_space<hbm>>
      %dma_start3A_20 = tpu.memref_slice %arg16[%mul3A_2] : memref<16384xi32, #tpu.memory_space<hbm>> -> memref<512xi32, #tpu.memory_space<hbm>>
      tpu.enqueue_dma source(%dma_start3A_20 : memref<512xi32, #tpu.memory_space<hbm>>) target(%arg26 : memref<512xi32, #tpu.memory_space<vmem>>) target_semaphore(%run_scoped3A : memref<!tpu.dma_semaphore, #tpu.memory_space<semaphore_mem>>)
      %dma_wait3A_21 = tpu.memref_slice %arg16[%mul3A_2] : memref<16384xi32, #tpu.memory_space<hbm>> -> memref<512xi32, #tpu.memory_space<hbm>>
      %dma_wait3A_22 = tpu.memref_slice %arg16[%mul3A_2] : memref<16384xi32, #tpu.memory_space<hbm>> -> memref<512xi32, #tpu.memory_space<hbm>>
      tpu.wait_dma2 semaphore(%run_scoped3A : memref<!tpu.dma_semaphore, #tpu.memory_space<semaphore_mem>>) src(%dma_wait3A_22 : memref<512xi32, #tpu.memory_space<hbm>>) dst(%arg26 : memref<512xi32, #tpu.memory_space<vmem>>)
      tpu.yield
    }) : () -> ()
    "tpu.region"() ({
      %run_scoped3A = tpu.sem_alloc : memref<!tpu.dma_semaphore, #tpu.memory_space<semaphore_mem>>
      %dma_start3A_19 = tpu.memref_slice %arg17[%mul3A_2] : memref<16384xi32, #tpu.memory_space<hbm>> -> memref<512xi32, #tpu.memory_space<hbm>>
      %dma_start3A_20 = tpu.memref_slice %arg17[%mul3A_2] : memref<16384xi32, #tpu.memory_space<hbm>> -> memref<512xi32, #tpu.memory_space<hbm>>
      tpu.enqueue_dma source(%dma_start3A_20 : memref<512xi32, #tpu.memory_space<hbm>>) target(%arg27 : memref<512xi32, #tpu.memory_space<vmem>>) target_semaphore(%run_scoped3A : memref<!tpu.dma_semaphore, #tpu.memory_space<semaphore_mem>>)
      %dma_wait3A_21 = tpu.memref_slice %arg17[%mul3A_2] : memref<16384xi32, #tpu.memory_space<hbm>> -> memref<512xi32, #tpu.memory_space<hbm>>
      %dma_wait3A_22 = tpu.memref_slice %arg17[%mul3A_2] : memref<16384xi32, #tpu.memory_space<hbm>> -> memref<512xi32, #tpu.memory_space<hbm>>
      tpu.wait_dma2 semaphore(%run_scoped3A : memref<!tpu.dma_semaphore, #tpu.memory_space<semaphore_mem>>) src(%dma_wait3A_22 : memref<512xi32, #tpu.memory_space<hbm>>) dst(%arg27 : memref<512xi32, #tpu.memory_space<vmem>>)
      tpu.yield
    }) : () -> ()
    "tpu.region"() ({
      %run_scoped3A = tpu.sem_alloc : memref<!tpu.dma_semaphore, #tpu.memory_space<semaphore_mem>>
      tpu.enqueue_dma source(%arg8 : memref<16xf32, #tpu.memory_space<hbm>>) target(%arg34 : memref<16xf32, #tpu.memory_space<vmem>>) target_semaphore(%run_scoped3A : memref<!tpu.dma_semaphore, #tpu.memory_space<semaphore_mem>>)
      tpu.wait_dma2 semaphore(%run_scoped3A : memref<!tpu.dma_semaphore, #tpu.memory_space<semaphore_mem>>) src(%arg8 : memref<16xf32, #tpu.memory_space<hbm>>) dst(%arg34 : memref<16xf32, #tpu.memory_space<vmem>>)
      tpu.yield
    }) : () -> ()
    %dma_start3A = arith.constant 0 : i32
    %dma_start3A_3 = tpu.memref_slice %arg5[%dma_start3A] : memref<1000000xf32, #tpu.memory_space<hbm>> -> memref<1000000xf32, #tpu.memory_space<hbm>>
    tpu.enqueue_indirect_dma source(%dma_start3A_3 : memref<1000000xf32, #tpu.memory_space<hbm>>) target(%arg31 : memref<512xf32, #tpu.memory_space<vmem>>) offsets(%arg25 : memref<512xi32, #tpu.memory_space<vmem>>) semaphore(%arg37 : memref<!tpu.dma_semaphore, #tpu.memory_space<semaphore_mem>>)
    %dma_start3A_4 = arith.constant 0 : i32
    %dma_start3A_5 = tpu.memref_slice %arg6[%dma_start3A_4] : memref<100000xf32, #tpu.memory_space<hbm>> -> memref<100000xf32, #tpu.memory_space<hbm>>
    tpu.enqueue_indirect_dma source(%dma_start3A_5 : memref<100000xf32, #tpu.memory_space<hbm>>) target(%arg32 : memref<512xf32, #tpu.memory_space<vmem>>) offsets(%arg26 : memref<512xi32, #tpu.memory_space<vmem>>) semaphore(%arg37 : memref<!tpu.dma_semaphore, #tpu.memory_space<semaphore_mem>>)
    %dma_start3A_6 = arith.constant 0 : i32
    %dma_start3A_7 = tpu.memref_slice %arg7[%dma_start3A_6] : memref<1000xf32, #tpu.memory_space<hbm>> -> memref<1000xf32, #tpu.memory_space<hbm>>
    tpu.enqueue_indirect_dma source(%dma_start3A_7 : memref<1000xf32, #tpu.memory_space<hbm>>) target(%arg33 : memref<512xf32, #tpu.memory_space<vmem>>) offsets(%arg27 : memref<512xi32, #tpu.memory_space<vmem>>) semaphore(%arg37 : memref<!tpu.dma_semaphore, #tpu.memory_space<semaphore_mem>>)
    %get3A = arith.constant 0 : index
    %get3A_8 = tpu.vector_load %arg34[%get3A] {strides = array<i32>} : memref<16xf32, #tpu.memory_space<vmem>>, vector<16xf32>,
    %dma_wait3A = arith.constant 0 : i32
    %dma_wait3A_9 = tpu.memref_slice %arg5[%dma_wait3A] : memref<1000000xf32, #tpu.memory_space<hbm>> -> memref<1000000xf32, #tpu.memory_space<hbm>>
    tpu.wait_indirect_dma semaphore(%arg37 : memref<!tpu.dma_semaphore, #tpu.memory_space<semaphore_mem>>) src(%dma_wait3A_9 : memref<1000000xf32, #tpu.memory_space<hbm>>) dst(%arg31 : memref<512xf32, #tpu.memory_space<vmem>>)
    %dma_wait3A_10 = arith.constant 0 : i32
    %dma_wait3A_11 = tpu.memref_slice %arg6[%dma_wait3A_10] : memref<100000xf32, #tpu.memory_space<hbm>> -> memref<100000xf32, #tpu.memory_space<hbm>>
    tpu.wait_indirect_dma semaphore(%arg37 : memref<!tpu.dma_semaphore, #tpu.memory_space<semaphore_mem>>) src(%dma_wait3A_11 : memref<100000xf32, #tpu.memory_space<hbm>>) dst(%arg32 : memref<512xf32, #tpu.memory_space<vmem>>)
    %dma_wait3A_12 = arith.constant 0 : i32
    %dma_wait3A_13 = tpu.memref_slice %arg7[%dma_wait3A_12] : memref<1000xf32, #tpu.memory_space<hbm>> -> memref<1000xf32, #tpu.memory_space<hbm>>
    tpu.wait_indirect_dma semaphore(%arg37 : memref<!tpu.dma_semaphore, #tpu.memory_space<semaphore_mem>>) src(%dma_wait3A_13 : memref<1000xf32, #tpu.memory_space<hbm>>) dst(%arg33 : memref<512xf32, #tpu.memory_space<vmem>>)
    %scan3A = arith.constant 0 : i32
    %scan3A_14 = arith.constant 0 : i32
    %scan3A_15 = arith.constant 2 : i32
    %scan3A_16 = arith.addi %scan3A_14, %scan3A_15 : i32
    %scan3A_17 = arith.constant 1 : i32
    scf.for %scan3A_19 = %scan3A_14 to %scan3A_16 step %scan3A_17  : i32 {
      %mul3A_20 = arith.constant 256 : i32
      %mul3A_21 = arith.muli %scan3A_19, %mul3A_20 : i32
      %dma_start3A_22 = tpu.memref_slice %arg19[%mul3A_21] : memref<512xi32, #tpu.memory_space<vmem>> -> memref<256xi32, #tpu.memory_space<vmem>>
      %dma_start3A_23 = arith.constant 0 : i32
      %dma_start3A_24 = arith.constant 0 : i32
      %dma_start3A_25 = tpu.memref_slice %arg2[%dma_start3A_23, %dma_start3A_24] : memref<253952x128xf32, #tpu.memory_space<hbm>> -> memref<253952x128xf32, #tpu.memory_space<hbm>>
      tpu.enqueue_indirect_dma source(%dma_start3A_25 : memref<253952x128xf32, #tpu.memory_space<hbm>>) target(%arg28 : memref<256x128xf32, #tpu.memory_space<vmem>>) offsets(%dma_start3A_22 : memref<256xi32, #tpu.memory_space<vmem>>) semaphore(%arg38 : memref<!tpu.dma_semaphore, #tpu.memory_space<semaphore_mem>>)
      %dma_start3A_26 = tpu.memref_slice %arg20[%mul3A_21] : memref<512xi32, #tpu.memory_space<vmem>> -> memref<256xi32, #tpu.memory_space<vmem>>
      %dma_start3A_27 = arith.constant 0 : i32
      %dma_start3A_28 = arith.constant 0 : i32
      %dma_start3A_29 = tpu.memref_slice %arg3[%dma_start3A_27, %dma_start3A_28] : memref<28672x128xf32, #tpu.memory_space<hbm>> -> memref<28672x128xf32, #tpu.memory_space<hbm>>
      tpu.enqueue_indirect_dma source(%dma_start3A_29 : memref<28672x128xf32, #tpu.memory_space<hbm>>) target(%arg29 : memref<256x128xf32, #tpu.memory_space<vmem>>) offsets(%dma_start3A_26 : memref<256xi32, #tpu.memory_space<vmem>>) semaphore(%arg38 : memref<!tpu.dma_semaphore, #tpu.memory_space<semaphore_mem>>)
      %dma_start3A_30 = tpu.memref_slice %arg21[%mul3A_21] : memref<512xi32, #tpu.memory_space<vmem>> -> memref<256xi32, #tpu.memory_space<vmem>>
      %dma_start3A_31 = arith.constant 0 : i32
      %dma_start3A_32 = arith.constant 0 : i32
      %dma_start3A_33 = tpu.memref_slice %arg4[%dma_start3A_31, %dma_start3A_32] : memref<256x128xf32, #tpu.memory_space<hbm>> -> memref<256x128xf32, #tpu.memory_space<hbm>>
      tpu.enqueue_indirect_dma source(%dma_start3A_33 : memref<256x128xf32, #tpu.memory_space<hbm>>) target(%arg30 : memref<256x128xf32, #tpu.memory_space<vmem>>) offsets(%dma_start3A_30 : memref<256xi32, #tpu.memory_space<vmem>>) semaphore(%arg38 : memref<!tpu.dma_semaphore, #tpu.memory_space<semaphore_mem>>)
      %dma_wait3A_34 = tpu.memref_slice %arg19[%mul3A_21] : memref<512xi32, #tpu.memory_space<vmem>> -> memref<256xi32, #tpu.memory_space<vmem>>
      %dma_wait3A_35 = arith.constant 0 : i32
      %dma_wait3A_36 = arith.constant 0 : i32
      %dma_wait3A_37 = tpu.memref_slice %arg2[%dma_wait3A_35, %dma_wait3A_36] : memref<253952x128xf32, #tpu.memory_space<hbm>> -> memref<253952x128xf32, #tpu.memory_space<hbm>>
      tpu.wait_indirect_dma semaphore(%arg38 : memref<!tpu.dma_semaphore, #tpu.memory_space<semaphore_mem>>) src(%dma_wait3A_37 : memref<253952x128xf32, #tpu.memory_space<hbm>>) dst(%arg28 : memref<256x128xf32, #tpu.memory_space<vmem>>)
      %dma_wait3A_38 = tpu.memref_slice %arg20[%mul3A_21] : memref<512xi32, #tpu.memory_space<vmem>> -> memref<256xi32, #tpu.memory_space<vmem>>
      %dma_wait3A_39 = arith.constant 0 : i32
      %dma_wait3A_40 = arith.constant 0 : i32
      %dma_wait3A_41 = tpu.memref_slice %arg3[%dma_wait3A_39, %dma_wait3A_40] : memref<28672x128xf32, #tpu.memory_space<hbm>> -> memref<28672x128xf32, #tpu.memory_space<hbm>>
      tpu.wait_indirect_dma semaphore(%arg38 : memref<!tpu.dma_semaphore, #tpu.memory_space<semaphore_mem>>) src(%dma_wait3A_41 : memref<28672x128xf32, #tpu.memory_space<hbm>>) dst(%arg29 : memref<256x128xf32, #tpu.memory_space<vmem>>)
      %dma_wait3A_42 = tpu.memref_slice %arg21[%mul3A_21] : memref<512xi32, #tpu.memory_space<vmem>> -> memref<256xi32, #tpu.memory_space<vmem>>
      %dma_wait3A_43 = arith.constant 0 : i32
      %dma_wait3A_44 = arith.constant 0 : i32
      %dma_wait3A_45 = tpu.memref_slice %arg4[%dma_wait3A_43, %dma_wait3A_44] : memref<256x128xf32, #tpu.memory_space<hbm>> -> memref<256x128xf32, #tpu.memory_space<hbm>>
      tpu.wait_indirect_dma semaphore(%arg38 : memref<!tpu.dma_semaphore, #tpu.memory_space<semaphore_mem>>) src(%dma_wait3A_45 : memref<256x128xf32, #tpu.memory_space<hbm>>) dst(%arg30 : memref<256x128xf32, #tpu.memory_space<vmem>>)
      %iota3A = tpu.iota {dimensions = array<i32: 0>} : vector<16xi32>
      %scan3A_46 = arith.constant 0 : i32
      %scan3A_47 = arith.constant 0 : i32
      %scan3A_48 = arith.constant 16 : i32
      %scan3A_49 = arith.addi %scan3A_47, %scan3A_48 : i32
      %scan3A_50 = arith.constant 1 : i32
      scf.for %scan3A_52 = %scan3A_47 to %scan3A_49 step %scan3A_50  : i32 {
        %mul3A_53 = arith.constant 16 : i32
        %mul3A_54 = arith.muli %scan3A_52, %mul3A_53 : i32
        %add3A_55 = arith.addi %mul3A_21, %mul3A_54 : i32
        %get3A_56 = arith.index_cast %add3A_55 : i32 to index
        %get3A_57 = tpu.vector_load %arg22[%get3A_56] {strides = array<i32>} : memref<512xi32, #tpu.memory_space<vmem>>, vector<16xi32>,
        %get3A_58 = arith.index_cast %add3A_55 : i32 to index
        %get3A_59 = tpu.vector_load %arg23[%get3A_58] {strides = array<i32>} : memref<512xi32, #tpu.memory_space<vmem>>, vector<16xi32>,
        %get3A_60 = arith.index_cast %add3A_55 : i32 to index
        %get3A_61 = tpu.vector_load %arg24[%get3A_60] {strides = array<i32>} : memref<512xi32, #tpu.memory_space<vmem>>, vector<16xi32>,
        %add3A_62 = arith.constant 0 : i32
        %add3A_63 = arith.addi %mul3A_54, %add3A_62 : i32
        %broadcast_in_dim3A = arith.constant 0 : i32
        %broadcast_in_dim3A_64 = vector.broadcast %broadcast_in_dim3A : i32 to vector<16xi32>
        %reshape3A = vector.shape_cast %broadcast_in_dim3A_64 : vector<16xi32> to vector<16x1xi32>
        %gather3A = vector.shape_cast %reshape3A : vector<16x1xi32> to vector<16xi32>
        %gather3A_65 = tpu.dynamic_gather %get3A_57[%gather3A] in [0] : vector<16xi32>, vector<16xi32> -> vector<16xi32>
        %reshape3A_66 = vector.shape_cast %broadcast_in_dim3A_64 : vector<16xi32> to vector<16x1xi32>
        %gather3A_67 = vector.shape_cast %reshape3A_66 : vector<16x1xi32> to vector<16xi32>
        %gather3A_68 = tpu.dynamic_gather %get3A_59[%gather3A_67] in [0] : vector<16xi32>, vector<16xi32> -> vector<16xi32>
        %reshape3A_69 = vector.shape_cast %broadcast_in_dim3A_64 : vector<16xi32> to vector<16x1xi32>
        %gather3A_70 = vector.shape_cast %reshape3A_69 : vector<16x1xi32> to vector<16xi32>
        %gather3A_71 = tpu.dynamic_gather %get3A_61[%gather3A_70] in [0] : vector<16xi32>, vector<16xi32> -> vector<16xi32>
        %get3A_72 = arith.index_cast %add3A_63 : i32 to index
        %get3A_73 = arith.constant 0 : index
        %get3A_74 = tpu.vector_load %arg28[%get3A_72, %get3A_73] {strides = array<i32>} : memref<256x128xf32, #tpu.memory_space<vmem>>, vector<16xf32>,
        %eq3A = arith.constant 1 : i32
        %eq3A_75 = vector.broadcast %eq3A : i32 to vector<16xi32>
        %eq3A_76 = arith.cmpi eq, %gather3A_65, %eq3A_75 : vector<16xi32>
        %get3A_77 = arith.index_cast %add3A_63 : i32 to index
        %get3A_78 = arith.constant 32 : index
        %get3A_79 = tpu.vector_load %arg28[%get3A_77, %get3A_78] {strides = array<i32>} : memref<256x128xf32, #tpu.memory_space<vmem>>, vector<16xf32>,
        %select_n3A = arith.select %eq3A_76, %get3A_79, %get3A_74 : vector<16xi1>, vector<16xf32>
        %eq3A_80 = arith.constant 2 : i32
        %eq3A_81 = vector.broadcast %eq3A_80 : i32 to vector<16xi32>
        %eq3A_82 = arith.cmpi eq, %gather3A_65, %eq3A_81 : vector<16xi32>
        %get3A_83 = arith.index_cast %add3A_63 : i32 to index
        %get3A_84 = arith.constant 64 : index
        %get3A_85 = tpu.vector_load %arg28[%get3A_83, %get3A_84] {strides = array<i32>} : memref<256x128xf32, #tpu.memory_space<vmem>>, vector<16xf32>,
        %select_n3A_86 = arith.select %eq3A_82, %get3A_85, %select_n3A : vector<16xi1>, vector<16xf32>
        %eq3A_87 = arith.constant 3 : i32
        %eq3A_88 = vector.broadcast %eq3A_87 : i32 to vector<16xi32>
        %eq3A_89 = arith.cmpi eq, %gather3A_65, %eq3A_88 : vector<16xi32>
        %get3A_90 = arith.index_cast %add3A_63 : i32 to index
        %get3A_91 = arith.constant 96 : index
        %get3A_92 = tpu.vector_load %arg28[%get3A_90, %get3A_91] {strides = array<i32>} : memref<256x128xf32, #tpu.memory_space<vmem>>, vector<16xf32>,
        %select_n3A_93 = arith.select %eq3A_89, %get3A_92, %select_n3A_86 : vector<16xi1>, vector<16xf32>
        %get3A_94 = arith.index_cast %add3A_63 : i32 to index
        %get3A_95 = arith.constant 16 : index
        %get3A_96 = tpu.vector_load %arg28[%get3A_94, %get3A_95] {strides = array<i32>} : memref<256x128xf32, #tpu.memory_space<vmem>>, vector<16xf32>,
        %eq3A_97 = arith.constant 1 : i32
        %eq3A_98 = vector.broadcast %eq3A_97 : i32 to vector<16xi32>
        %eq3A_99 = arith.cmpi eq, %gather3A_65, %eq3A_98 : vector<16xi32>
        %get3A_100 = arith.index_cast %add3A_63 : i32 to index
        %get3A_101 = arith.constant 48 : index
        %get3A_102 = tpu.vector_load %arg28[%get3A_100, %get3A_101] {strides = array<i32>} : memref<256x128xf32, #tpu.memory_space<vmem>>, vector<16xf32>,
        %select_n3A_103 = arith.select %eq3A_99, %get3A_102, %get3A_96 : vector<16xi1>, vector<16xf32>
        %eq3A_104 = arith.constant 2 : i32
        %eq3A_105 = vector.broadcast %eq3A_104 : i32 to vector<16xi32>
        %eq3A_106 = arith.cmpi eq, %gather3A_65, %eq3A_105 : vector<16xi32>
        %get3A_107 = arith.index_cast %add3A_63 : i32 to index
        %get3A_108 = arith.constant 80 : index
        %get3A_109 = tpu.vector_load %arg28[%get3A_107, %get3A_108] {strides = array<i32>} : memref<256x128xf32, #tpu.memory_space<vmem>>, vector<16xf32>,
        %select_n3A_110 = arith.select %eq3A_106, %get3A_109, %select_n3A_103 : vector<16xi1>, vector<16xf32>
        %eq3A_111 = arith.constant 3 : i32
        %eq3A_112 = vector.broadcast %eq3A_111 : i32 to vector<16xi32>
        %eq3A_113 = arith.cmpi eq, %gather3A_65, %eq3A_112 : vector<16xi32>
        %get3A_114 = arith.index_cast %add3A_63 : i32 to index
        %get3A_115 = arith.constant 112 : index
        %get3A_116 = tpu.vector_load %arg28[%get3A_114, %get3A_115] {strides = array<i32>} : memref<256x128xf32, #tpu.memory_space<vmem>>, vector<16xf32>,
        %select_n3A_117 = arith.select %eq3A_113, %get3A_116, %select_n3A_110 : vector<16xi1>, vector<16xf32>
        %get3A_118 = arith.index_cast %add3A_63 : i32 to index
        %get3A_119 = arith.constant 0 : index
        %get3A_120 = tpu.vector_load %arg29[%get3A_118, %get3A_119] {strides = array<i32>} : memref<256x128xf32, #tpu.memory_space<vmem>>, vector<16xf32>,
        %eq3A_121 = arith.constant 1 : i32
        %eq3A_122 = vector.broadcast %eq3A_121 : i32 to vector<16xi32>
        %eq3A_123 = arith.cmpi eq, %gather3A_68, %eq3A_122 : vector<16xi32>
        %get3A_124 = arith.index_cast %add3A_63 : i32 to index
        %get3A_125 = arith.constant 32 : index
        %get3A_126 = tpu.vector_load %arg29[%get3A_124, %get3A_125] {strides = array<i32>} : memref<256x128xf32, #tpu.memory_space<vmem>>, vector<16xf32>,
        %select_n3A_127 = arith.select %eq3A_123, %get3A_126, %get3A_120 : vector<16xi1>, vector<16xf32>
        %eq3A_128 = arith.constant 2 : i32
        %eq3A_129 = vector.broadcast %eq3A_128 : i32 to vector<16xi32>
        %eq3A_130 = arith.cmpi eq, %gather3A_68, %eq3A_129 : vector<16xi32>
        %get3A_131 = arith.index_cast %add3A_63 : i32 to index
        %get3A_132 = arith.constant 64 : index
        %get3A_133 = tpu.vector_load %arg29[%get3A_131, %get3A_132] {strides = array<i32>} : memref<256x128xf32, #tpu.memory_space<vmem>>, vector<16xf32>,
        %select_n3A_134 = arith.select %eq3A_130, %get3A_133, %select_n3A_127 : vector<16xi1>, vector<16xf32>
        %eq3A_135 = arith.constant 3 : i32
        %eq3A_136 = vector.broadcast %eq3A_135 : i32 to vector<16xi32>
        %eq3A_137 = arith.cmpi eq, %gather3A_68, %eq3A_136 : vector<16xi32>
        %get3A_138 = arith.index_cast %add3A_63 : i32 to index
        %get3A_139 = arith.constant 96 : index
        %get3A_140 = tpu.vector_load %arg29[%get3A_138, %get3A_139] {strides = array<i32>} : memref<256x128xf32, #tpu.memory_space<vmem>>, vector<16xf32>,
        %select_n3A_141 = arith.select %eq3A_137, %get3A_140, %select_n3A_134 : vector<16xi1>, vector<16xf32>
        %get3A_142 = arith.index_cast %add3A_63 : i32 to index
        %get3A_143 = arith.constant 16 : index
        %get3A_144 = tpu.vector_load %arg29[%get3A_142, %get3A_143] {strides = array<i32>} : memref<256x128xf32, #tpu.memory_space<vmem>>, vector<16xf32>,
        %eq3A_145 = arith.constant 1 : i32
        %eq3A_146 = vector.broadcast %eq3A_145 : i32 to vector<16xi32>
        %eq3A_147 = arith.cmpi eq, %gather3A_68, %eq3A_146 : vector<16xi32>
        %get3A_148 = arith.index_cast %add3A_63 : i32 to index
        %get3A_149 = arith.constant 48 : index
        %get3A_150 = tpu.vector_load %arg29[%get3A_148, %get3A_149] {strides = array<i32>} : memref<256x128xf32, #tpu.memory_space<vmem>>, vector<16xf32>,
        %select_n3A_151 = arith.select %eq3A_147, %get3A_150, %get3A_144 : vector<16xi1>, vector<16xf32>
        %eq3A_152 = arith.constant 2 : i32
        %eq3A_153 = vector.broadcast %eq3A_152 : i32 to vector<16xi32>
        %eq3A_154 = arith.cmpi eq, %gather3A_68, %eq3A_153 : vector<16xi32>
        %get3A_155 = arith.index_cast %add3A_63 : i32 to index
        %get3A_156 = arith.constant 80 : index
        %get3A_157 = tpu.vector_load %arg29[%get3A_155, %get3A_156] {strides = array<i32>} : memref<256x128xf32, #tpu.memory_space<vmem>>, vector<16xf32>,
        %select_n3A_158 = arith.select %eq3A_154, %get3A_157, %select_n3A_151 : vector<16xi1>, vector<16xf32>
        %eq3A_159 = arith.constant 3 : i32
        %eq3A_160 = vector.broadcast %eq3A_159 : i32 to vector<16xi32>
        %eq3A_161 = arith.cmpi eq, %gather3A_68, %eq3A_160 : vector<16xi32>
        %get3A_162 = arith.index_cast %add3A_63 : i32 to index
        %get3A_163 = arith.constant 112 : index
        %get3A_164 = tpu.vector_load %arg29[%get3A_162, %get3A_163] {strides = array<i32>} : memref<256x128xf32, #tpu.memory_space<vmem>>, vector<16xf32>,
        %select_n3A_165 = arith.select %eq3A_161, %get3A_164, %select_n3A_158 : vector<16xi1>, vector<16xf32>
        %get3A_166 = arith.index_cast %add3A_63 : i32 to index
        %get3A_167 = arith.constant 0 : index
        %get3A_168 = tpu.vector_load %arg30[%get3A_166, %get3A_167] {strides = array<i32>} : memref<256x128xf32, #tpu.memory_space<vmem>>, vector<16xf32>,
        %eq3A_169 = arith.constant 1 : i32
        %eq3A_170 = vector.broadcast %eq3A_169 : i32 to vector<16xi32>
        %eq3A_171 = arith.cmpi eq, %gather3A_71, %eq3A_170 : vector<16xi32>
        %get3A_172 = arith.index_cast %add3A_63 : i32 to index
        %get3A_173 = arith.constant 32 : index
        %get3A_174 = tpu.vector_load %arg30[%get3A_172, %get3A_173] {strides = array<i32>} : memref<256x128xf32, #tpu.memory_space<vmem>>, vector<16xf32>,
        %select_n3A_175 = arith.select %eq3A_171, %get3A_174, %get3A_168 : vector<16xi1>, vector<16xf32>
        %eq3A_176 = arith.constant 2 : i32
        %eq3A_177 = vector.broadcast %eq3A_176 : i32 to vector<16xi32>
        %eq3A_178 = arith.cmpi eq, %gather3A_71, %eq3A_177 : vector<16xi32>
        %get3A_179 = arith.index_cast %add3A_63 : i32 to index
        %get3A_180 = arith.constant 64 : index
        %get3A_181 = tpu.vector_load %arg30[%get3A_179, %get3A_180] {strides = array<i32>} : memref<256x128xf32, #tpu.memory_space<vmem>>, vector<16xf32>,
        %select_n3A_182 = arith.select %eq3A_178, %get3A_181, %select_n3A_175 : vector<16xi1>, vector<16xf32>
        %eq3A_183 = arith.constant 3 : i32
        %eq3A_184 = vector.broadcast %eq3A_183 : i32 to vector<16xi32>
        %eq3A_185 = arith.cmpi eq, %gather3A_71, %eq3A_184 : vector<16xi32>
        %get3A_186 = arith.index_cast %add3A_63 : i32 to index
        %get3A_187 = arith.constant 96 : index
        %get3A_188 = tpu.vector_load %arg30[%get3A_186, %get3A_187] {strides = array<i32>} : memref<256x128xf32, #tpu.memory_space<vmem>>, vector<16xf32>,
        %select_n3A_189 = arith.select %eq3A_185, %get3A_188, %select_n3A_182 : vector<16xi1>, vector<16xf32>
        %get3A_190 = arith.index_cast %add3A_63 : i32 to index
        %get3A_191 = arith.constant 16 : index
        %get3A_192 = tpu.vector_load %arg30[%get3A_190, %get3A_191] {strides = array<i32>} : memref<256x128xf32, #tpu.memory_space<vmem>>, vector<16xf32>,
        %eq3A_193 = arith.constant 1 : i32
        %eq3A_194 = vector.broadcast %eq3A_193 : i32 to vector<16xi32>
        %eq3A_195 = arith.cmpi eq, %gather3A_71, %eq3A_194 : vector<16xi32>
        %get3A_196 = arith.index_cast %add3A_63 : i32 to index
        %get3A_197 = arith.constant 48 : index
        %get3A_198 = tpu.vector_load %arg30[%get3A_196, %get3A_197] {strides = array<i32>} : memref<256x128xf32, #tpu.memory_space<vmem>>, vector<16xf32>,
        %select_n3A_199 = arith.select %eq3A_195, %get3A_198, %get3A_192 : vector<16xi1>, vector<16xf32>
        %eq3A_200 = arith.constant 2 : i32
        %eq3A_201 = vector.broadcast %eq3A_200 : i32 to vector<16xi32>
        %eq3A_202 = arith.cmpi eq, %gather3A_71, %eq3A_201 : vector<16xi32>
        %get3A_203 = arith.index_cast %add3A_63 : i32 to index
        %get3A_204 = arith.constant 80 : index
        %get3A_205 = tpu.vector_load %arg30[%get3A_203, %get3A_204] {strides = array<i32>} : memref<256x128xf32, #tpu.memory_space<vmem>>, vector<16xf32>,
        %select_n3A_206 = arith.select %eq3A_202, %get3A_205, %select_n3A_199 : vector<16xi1>, vector<16xf32>
        %eq3A_207 = arith.constant 3 : i32
        %eq3A_208 = vector.broadcast %eq3A_207 : i32 to vector<16xi32>
        %eq3A_209 = arith.cmpi eq, %gather3A_71, %eq3A_208 : vector<16xi32>
        %get3A_210 = arith.index_cast %add3A_63 : i32 to index
        %get3A_211 = arith.constant 112 : index
        %get3A_212 = tpu.vector_load %arg30[%get3A_210, %get3A_211] {strides = array<i32>} : memref<256x128xf32, #tpu.memory_space<vmem>>, vector<16xf32>,
        %select_n3A_213 = arith.select %eq3A_209, %get3A_212, %select_n3A_206 : vector<16xi1>, vector<16xf32>
        %mul3A_214 = arith.mulf %select_n3A_93, %select_n3A_141 : vector<16xf32>
        %mul3A_215 = arith.mulf %mul3A_214, %select_n3A_189 : vector<16xf32>
        %mul3A_216 = arith.mulf %select_n3A_117, %select_n3A_165 : vector<16xf32>
        %mul3A_217 = arith.mulf %mul3A_216, %select_n3A_213 : vector<16xf32>
        %add3A_218 = arith.addf %mul3A_215, %mul3A_217 : vector<16xf32>
        %swap3A = arith.constant 0 : index
        %swap3A_219 = tpu.vector_load %arg36[%swap3A] {strides = array<i32>} : memref<256xf32, #tpu.memory_space<vmem>>, vector<16xf32>,
        tpu.vector_store %arg36[%swap3A], %add3A_218 {strides = array<i32>} : memref<256xf32, #tpu.memory_space<vmem>>, vector<16xf32>,
        %add3A_220 = arith.constant 1 : i32
        %add3A_221 = arith.addi %mul3A_54, %add3A_220 : i32
        %broadcast_in_dim3A_222 = arith.constant 1 : i32
        %broadcast_in_dim3A_223 = vector.broadcast %broadcast_in_dim3A_222 : i32 to vector<16xi32>
        %reshape3A_224 = vector.shape_cast %broadcast_in_dim3A_223 : vector<16xi32> to vector<16x1xi32>
        %gather3A_225 = vector.shape_cast %reshape3A_224 : vector<16x1xi32> to vector<16xi32>
        %gather3A_226 = tpu.dynamic_gather %get3A_57[%gather3A_225] in [0] : vector<16xi32>, vector<16xi32> -> vector<16xi32>
        %reshape3A_227 = vector.shape_cast %broadcast_in_dim3A_223 : vector<16xi32> to vector<16x1xi32>
        %gather3A_228 = vector.shape_cast %reshape3A_227 : vector<16x1xi32> to vector<16xi32>
        %gather3A_229 = tpu.dynamic_gather %get3A_59[%gather3A_228] in [0] : vector<16xi32>, vector<16xi32> -> vector<16xi32>
        %reshape3A_230 = vector.shape_cast %broadcast_in_dim3A_223 : vector<16xi32> to vector<16x1xi32>
        %gather3A_231 = vector.shape_cast %reshape3A_230 : vector<16x1xi32> to vector<16xi32>
        %gather3A_232 = tpu.dynamic_gather %get3A_61[%gather3A_231] in [0] : vector<16xi32>, vector<16xi32> -> vector<16xi32>
        %get3A_233 = arith.index_cast %add3A_221 : i32 to index
        %get3A_234 = arith.constant 0 : index
        %get3A_235 = tpu.vector_load %arg28[%get3A_233, %get3A_234] {strides = array<i32>} : memref<256x128xf32, #tpu.memory_space<vmem>>, vector<16xf32>,
        %eq3A_236 = arith.constant 1 : i32
        %eq3A_237 = vector.broadcast %eq3A_236 : i32 to vector<16xi32>
        %eq3A_238 = arith.cmpi eq, %gather3A_226, %eq3A_237 : vector<16xi32>
        %get3A_239 = arith.index_cast %add3A_221 : i32 to index
        %get3A_240 = arith.constant 32 : index
        %get3A_241 = tpu.vector_load %arg28[%get3A_239, %get3A_240] {strides = array<i32>} : memref<256x128xf32, #tpu.memory_space<vmem>>, vector<16xf32>,
        %select_n3A_242 = arith.select %eq3A_238, %get3A_241, %get3A_235 : vector<16xi1>, vector<16xf32>
        %eq3A_243 = arith.constant 2 : i32
        %eq3A_244 = vector.broadcast %eq3A_243 : i32 to vector<16xi32>
        %eq3A_245 = arith.cmpi eq, %gather3A_226, %eq3A_244 : vector<16xi32>
        %get3A_246 = arith.index_cast %add3A_221 : i32 to index
        %get3A_247 = arith.constant 64 : index
        %get3A_248 = tpu.vector_load %arg28[%get3A_246, %get3A_247] {strides = array<i32>} : memref<256x128xf32, #tpu.memory_space<vmem>>, vector<16xf32>,
        %select_n3A_249 = arith.select %eq3A_245, %get3A_248, %select_n3A_242 : vector<16xi1>, vector<16xf32>
        %eq3A_250 = arith.constant 3 : i32
        %eq3A_251 = vector.broadcast %eq3A_250 : i32 to vector<16xi32>
        %eq3A_252 = arith.cmpi eq, %gather3A_226, %eq3A_251 : vector<16xi32>
        %get3A_253 = arith.index_cast %add3A_221 : i32 to index
        %get3A_254 = arith.constant 96 : index
        %get3A_255 = tpu.vector_load %arg28[%get3A_253, %get3A_254] {strides = array<i32>} : memref<256x128xf32, #tpu.memory_space<vmem>>, vector<16xf32>,
        %select_n3A_256 = arith.select %eq3A_252, %get3A_255, %select_n3A_249 : vector<16xi1>, vector<16xf32>
        %get3A_257 = arith.index_cast %add3A_221 : i32 to index
        %get3A_258 = arith.constant 16 : index
        %get3A_259 = tpu.vector_load %arg28[%get3A_257, %get3A_258] {strides = array<i32>} : memref<256x128xf32, #tpu.memory_space<vmem>>, vector<16xf32>,
        %eq3A_260 = arith.constant 1 : i32
        %eq3A_261 = vector.broadcast %eq3A_260 : i32 to vector<16xi32>
        %eq3A_262 = arith.cmpi eq, %gather3A_226, %eq3A_261 : vector<16xi32>
        %get3A_263 = arith.index_cast %add3A_221 : i32 to index
        %get3A_264 = arith.constant 48 : index
        %get3A_265 = tpu.vector_load %arg28[%get3A_263, %get3A_264] {strides = array<i32>} : memref<256x128xf32, #tpu.memory_space<vmem>>, vector<16xf32>,
        %select_n3A_266 = arith.select %eq3A_262, %get3A_265, %get3A_259 : vector<16xi1>, vector<16xf32>
        %eq3A_267 = arith.constant 2 : i32
        %eq3A_268 = vector.broadcast %eq3A_267 : i32 to vector<16xi32>
        %eq3A_269 = arith.cmpi eq, %gather3A_226, %eq3A_268 : vector<16xi32>
        %get3A_270 = arith.index_cast %add3A_221 : i32 to index
        %get3A_271 = arith.constant 80 : index
        %get3A_272 = tpu.vector_load %arg28[%get3A_270, %get3A_271] {strides = array<i32>} : memref<256x128xf32, #tpu.memory_space<vmem>>, vector<16xf32>,
        %select_n3A_273 = arith.select %eq3A_269, %get3A_272, %select_n3A_266 : vector<16xi1>, vector<16xf32>
        %eq3A_274 = arith.constant 3 : i32
        %eq3A_275 = vector.broadcast %eq3A_274 : i32 to vector<16xi32>
        %eq3A_276 = arith.cmpi eq, %gather3A_226, %eq3A_275 : vector<16xi32>
        %get3A_277 = arith.index_cast %add3A_221 : i32 to index
        %get3A_278 = arith.constant 112 : index
        %get3A_279 = tpu.vector_load %arg28[%get3A_277, %get3A_278] {strides = array<i32>} : memref<256x128xf32, #tpu.memory_space<vmem>>, vector<16xf32>,
        %select_n3A_280 = arith.select %eq3A_276, %get3A_279, %select_n3A_273 : vector<16xi1>, vector<16xf32>
        %get3A_281 = arith.index_cast %add3A_221 : i32 to index
        %get3A_282 = arith.constant 0 : index
        %get3A_283 = tpu.vector_load %arg29[%get3A_281, %get3A_282] {strides = array<i32>} : memref<256x128xf32, #tpu.memory_space<vmem>>, vector<16xf32>,
        %eq3A_284 = arith.constant 1 : i32
        %eq3A_285 = vector.broadcast %eq3A_284 : i32 to vector<16xi32>
        %eq3A_286 = arith.cmpi eq, %gather3A_229, %eq3A_285 : vector<16xi32>
        %get3A_287 = arith.index_cast %add3A_221 : i32 to index
        %get3A_288 = arith.constant 32 : index
        %get3A_289 = tpu.vector_load %arg29[%get3A_287, %get3A_288] {strides = array<i32>} : memref<256x128xf32, #tpu.memory_space<vmem>>, vector<16xf32>,
        %select_n3A_290 = arith.select %eq3A_286, %get3A_289, %get3A_283 : vector<16xi1>, vector<16xf32>
        %eq3A_291 = arith.constant 2 : i32
        %eq3A_292 = vector.broadcast %eq3A_291 : i32 to vector<16xi32>
        %eq3A_293 = arith.cmpi eq, %gather3A_229, %eq3A_292 : vector<16xi32>
        %get3A_294 = arith.index_cast %add3A_221 : i32 to index
        %get3A_295 = arith.constant 64 : index
        %get3A_296 = tpu.vector_load %arg29[%get3A_294, %get3A_295] {strides = array<i32>} : memref<256x128xf32, #tpu.memory_space<vmem>>, vector<16xf32>,
        %select_n3A_297 = arith.select %eq3A_293, %get3A_296, %select_n3A_290 : vector<16xi1>, vector<16xf32>
        %eq3A_298 = arith.constant 3 : i32
        %eq3A_299 = vector.broadcast %eq3A_298 : i32 to vector<16xi32>
        %eq3A_300 = arith.cmpi eq, %gather3A_229, %eq3A_299 : vector<16xi32>
        %get3A_301 = arith.index_cast %add3A_221 : i32 to index
        %get3A_302 = arith.constant 96 : index
        %get3A_303 = tpu.vector_load %arg29[%get3A_301, %get3A_302] {strides = array<i32>} : memref<256x128xf32, #tpu.memory_space<vmem>>, vector<16xf32>,
        %select_n3A_304 = arith.select %eq3A_300, %get3A_303, %select_n3A_297 : vector<16xi1>, vector<16xf32>
        %get3A_305 = arith.index_cast %add3A_221 : i32 to index
        %get3A_306 = arith.constant 16 : index
        %get3A_307 = tpu.vector_load %arg29[%get3A_305, %get3A_306] {strides = array<i32>} : memref<256x128xf32, #tpu.memory_space<vmem>>, vector<16xf32>,
        %eq3A_308 = arith.constant 1 : i32
        %eq3A_309 = vector.broadcast %eq3A_308 : i32 to vector<16xi32>
        %eq3A_310 = arith.cmpi eq, %gather3A_229, %eq3A_309 : vector<16xi32>
        %get3A_311 = arith.index_cast %add3A_221 : i32 to index
        %get3A_312 = arith.constant 48 : index
        %get3A_313 = tpu.vector_load %arg29[%get3A_311, %get3A_312] {strides = array<i32>} : memref<256x128xf32, #tpu.memory_space<vmem>>, vector<16xf32>,
        %select_n3A_314 = arith.select %eq3A_310, %get3A_313, %get3A_307 : vector<16xi1>, vector<16xf32>
        %eq3A_315 = arith.constant 2 : i32
        %eq3A_316 = vector.broadcast %eq3A_315 : i32 to vector<16xi32>
        %eq3A_317 = arith.cmpi eq, %gather3A_229, %eq3A_316 : vector<16xi32>
        %get3A_318 = arith.index_cast %add3A_221 : i32 to index
        %get3A_319 = arith.constant 80 : index
        %get3A_320 = tpu.vector_load %arg29[%get3A_318, %get3A_319] {strides = array<i32>} : memref<256x128xf32, #tpu.memory_space<vmem>>, vector<16xf32>,
        %select_n3A_321 = arith.select %eq3A_317, %get3A_320, %select_n3A_314 : vector<16xi1>, vector<16xf32>
        %eq3A_322 = arith.constant 3 : i32
        %eq3A_323 = vector.broadcast %eq3A_322 : i32 to vector<16xi32>
        %eq3A_324 = arith.cmpi eq, %gather3A_229, %eq3A_323 : vector<16xi32>
        %get3A_325 = arith.index_cast %add3A_221 : i32 to index
        %get3A_326 = arith.constant 112 : index
        %get3A_327 = tpu.vector_load %arg29[%get3A_325, %get3A_326] {strides = array<i32>} : memref<256x128xf32, #tpu.memory_space<vmem>>, vector<16xf32>,
        %select_n3A_328 = arith.select %eq3A_324, %get3A_327, %select_n3A_321 : vector<16xi1>, vector<16xf32>
        %get3A_329 = arith.index_cast %add3A_221 : i32 to index
        %get3A_330 = arith.constant 0 : index
        %get3A_331 = tpu.vector_load %arg30[%get3A_329, %get3A_330] {strides = array<i32>} : memref<256x128xf32, #tpu.memory_space<vmem>>, vector<16xf32>,
        %eq3A_332 = arith.constant 1 : i32
        %eq3A_333 = vector.broadcast %eq3A_332 : i32 to vector<16xi32>
        %eq3A_334 = arith.cmpi eq, %gather3A_232, %eq3A_333 : vector<16xi32>
        %get3A_335 = arith.index_cast %add3A_221 : i32 to index
        %get3A_336 = arith.constant 32 : index
        %get3A_337 = tpu.vector_load %arg30[%get3A_335, %get3A_336] {strides = array<i32>} : memref<256x128xf32, #tpu.memory_space<vmem>>, vector<16xf32>,
        %select_n3A_338 = arith.select %eq3A_334, %get3A_337, %get3A_331 : vector<16xi1>, vector<16xf32>
        %eq3A_339 = arith.constant 2 : i32
        %eq3A_340 = vector.broadcast %eq3A_339 : i32 to vector<16xi32>
        %eq3A_341 = arith.cmpi eq, %gather3A_232, %eq3A_340 : vector<16xi32>
        %get3A_342 = arith.index_cast %add3A_221 : i32 to index
        %get3A_343 = arith.constant 64 : index
        %get3A_344 = tpu.vector_load %arg30[%get3A_342, %get3A_343] {strides = array<i32>} : memref<256x128xf32, #tpu.memory_space<vmem>>, vector<16xf32>,
        %select_n3A_345 = arith.select %eq3A_341, %get3A_344, %select_n3A_338 : vector<16xi1>, vector<16xf32>
        %eq3A_346 = arith.constant 3 : i32
        %eq3A_347 = vector.broadcast %eq3A_346 : i32 to vector<16xi32>
        %eq3A_348 = arith.cmpi eq, %gather3A_232, %eq3A_347 : vector<16xi32>
        %get3A_349 = arith.index_cast %add3A_221 : i32 to index
        %get3A_350 = arith.constant 96 : index
        %get3A_351 = tpu.vector_load %arg30[%get3A_349, %get3A_350] {strides = array<i32>} : memref<256x128xf32, #tpu.memory_space<vmem>>, vector<16xf32>,
        %select_n3A_352 = arith.select %eq3A_348, %get3A_351, %select_n3A_345 : vector<16xi1>, vector<16xf32>
        %get3A_353 = arith.index_cast %add3A_221 : i32 to index
        %get3A_354 = arith.constant 16 : index
        %get3A_355 = tpu.vector_load %arg30[%get3A_353, %get3A_354] {strides = array<i32>} : memref<256x128xf32, #tpu.memory_space<vmem>>, vector<16xf32>,
        %eq3A_356 = arith.constant 1 : i32
        %eq3A_357 = vector.broadcast %eq3A_356 : i32 to vector<16xi32>
        %eq3A_358 = arith.cmpi eq, %gather3A_232, %eq3A_357 : vector<16xi32>
        %get3A_359 = arith.index_cast %add3A_221 : i32 to index
        %get3A_360 = arith.constant 48 : index
        %get3A_361 = tpu.vector_load %arg30[%get3A_359, %get3A_360] {strides = array<i32>} : memref<256x128xf32, #tpu.memory_space<vmem>>, vector<16xf32>,
        %select_n3A_362 = arith.select %eq3A_358, %get3A_361, %get3A_355 : vector<16xi1>, vector<16xf32>
        %eq3A_363 = arith.constant 2 : i32
        %eq3A_364 = vector.broadcast %eq3A_363 : i32 to vector<16xi32>
        %eq3A_365 = arith.cmpi eq, %gather3A_232, %eq3A_364 : vector<16xi32>
        %get3A_366 = arith.index_cast %add3A_221 : i32 to index
        %get3A_367 = arith.constant 80 : index
        %get3A_368 = tpu.vector_load %arg30[%get3A_366, %get3A_367] {strides = array<i32>} : memref<256x128xf32, #tpu.memory_space<vmem>>, vector<16xf32>,
        %select_n3A_369 = arith.select %eq3A_365, %get3A_368, %select_n3A_362 : vector<16xi1>, vector<16xf32>
        %eq3A_370 = arith.constant 3 : i32
        %eq3A_371 = vector.broadcast %eq3A_370 : i32 to vector<16xi32>
        %eq3A_372 = arith.cmpi eq, %gather3A_232, %eq3A_371 : vector<16xi32>
        %get3A_373 = arith.index_cast %add3A_221 : i32 to index
        %get3A_374 = arith.constant 112 : index
        %get3A_375 = tpu.vector_load %arg30[%get3A_373, %get3A_374] {strides = array<i32>} : memref<256x128xf32, #tpu.memory_space<vmem>>, vector<16xf32>,
        %select_n3A_376 = arith.select %eq3A_372, %get3A_375, %select_n3A_369 : vector<16xi1>, vector<16xf32>
        %mul3A_377 = arith.mulf %select_n3A_256, %select_n3A_304 : vector<16xf32>
        %mul3A_378 = arith.mulf %mul3A_377, %select_n3A_352 : vector<16xf32>
        %mul3A_379 = arith.mulf %select_n3A_280, %select_n3A_328 : vector<16xf32>
        %mul3A_380 = arith.mulf %mul3A_379, %select_n3A_376 : vector<16xf32>
        %add3A_381 = arith.addf %mul3A_378, %mul3A_380 : vector<16xf32>
        %swap3A_382 = arith.constant 16 : index
        %swap3A_383 = tpu.vector_load %arg36[%swap3A_382] {strides = array<i32>} : memref<256xf32, #tpu.memory_space<vmem>>, vector<16xf32>,
        tpu.vector_store %arg36[%swap3A_382], %add3A_381 {strides = array<i32>} : memref<256xf32, #tpu.memory_space<vmem>>, vector<16xf32>,
        %add3A_384 = arith.constant 2 : i32
        %add3A_385 = arith.addi %mul3A_54, %add3A_384 : i32
        %broadcast_in_dim3A_386 = arith.constant 2 : i32
        %broadcast_in_dim3A_387 = vector.broadcast %broadcast_in_dim3A_386 : i32 to vector<16xi32>
        %reshape3A_388 = vector.shape_cast %broadcast_in_dim3A_387 : vector<16xi32> to vector<16x1xi32>
        %gather3A_389 = vector.shape_cast %reshape3A_388 : vector<16x1xi32> to vector<16xi32>
        %gather3A_390 = tpu.dynamic_gather %get3A_57[%gather3A_389] in [0] : vector<16xi32>, vector<16xi32> -> vector<16xi32>
        %reshape3A_391 = vector.shape_cast %broadcast_in_dim3A_387 : vector<16xi32> to vector<16x1xi32>
        %gather3A_392 = vector.shape_cast %reshape3A_391 : vector<16x1xi32> to vector<16xi32>
        %gather3A_393 = tpu.dynamic_gather %get3A_59[%gather3A_392] in [0] : vector<16xi32>, vector<16xi32> -> vector<16xi32>
        %reshape3A_394 = vector.shape_cast %broadcast_in_dim3A_387 : vector<16xi32> to vector<16x1xi32>
        %gather3A_395 = vector.shape_cast %reshape3A_394 : vector<16x1xi32> to vector<16xi32>
        %gather3A_396 = tpu.dynamic_gather %get3A_61[%gather3A_395] in [0] : vector<16xi32>, vector<16xi32> -> vector<16xi32>
        %get3A_397 = arith.index_cast %add3A_385 : i32 to index
        %get3A_398 = arith.constant 0 : index
        %get3A_399 = tpu.vector_load %arg28[%get3A_397, %get3A_398] {strides = array<i32>} : memref<256x128xf32, #tpu.memory_space<vmem>>, vector<16xf32>,
        %eq3A_400 = arith.constant 1 : i32
        %eq3A_401 = vector.broadcast %eq3A_400 : i32 to vector<16xi32>
        %eq3A_402 = arith.cmpi eq, %gather3A_390, %eq3A_401 : vector<16xi32>
        %get3A_403 = arith.index_cast %add3A_385 : i32 to index
        %get3A_404 = arith.constant 32 : index
        %get3A_405 = tpu.vector_load %arg28[%get3A_403, %get3A_404] {strides = array<i32>} : memref<256x128xf32, #tpu.memory_space<vmem>>, vector<16xf32>,
        %select_n3A_406 = arith.select %eq3A_402, %get3A_405, %get3A_399 : vector<16xi1>, vector<16xf32>
        %eq3A_407 = arith.constant 2 : i32
        %eq3A_408 = vector.broadcast %eq3A_407 : i32 to vector<16xi32>
        %eq3A_409 = arith.cmpi eq, %gather3A_390, %eq3A_408 : vector<16xi32>
        %get3A_410 = arith.index_cast %add3A_385 : i32 to index
        %get3A_411 = arith.constant 64 : index
        %get3A_412 = tpu.vector_load %arg28[%get3A_410, %get3A_411] {strides = array<i32>} : memref<256x128xf32, #tpu.memory_space<vmem>>, vector<16xf32>,
        %select_n3A_413 = arith.select %eq3A_409, %get3A_412, %select_n3A_406 : vector<16xi1>, vector<16xf32>
        %eq3A_414 = arith.constant 3 : i32
        %eq3A_415 = vector.broadcast %eq3A_414 : i32 to vector<16xi32>
        %eq3A_416 = arith.cmpi eq, %gather3A_390, %eq3A_415 : vector<16xi32>
        %get3A_417 = arith.index_cast %add3A_385 : i32 to index
        %get3A_418 = arith.constant 96 : index
        %get3A_419 = tpu.vector_load %arg28[%get3A_417, %get3A_418] {strides = array<i32>} : memref<256x128xf32, #tpu.memory_space<vmem>>, vector<16xf32>,
        %select_n3A_420 = arith.select %eq3A_416, %get3A_419, %select_n3A_413 : vector<16xi1>, vector<16xf32>
        %get3A_421 = arith.index_cast %add3A_385 : i32 to index
        %get3A_422 = arith.constant 16 : index
        %get3A_423 = tpu.vector_load %arg28[%get3A_421, %get3A_422] {strides = array<i32>} : memref<256x128xf32, #tpu.memory_space<vmem>>, vector<16xf32>,
        %eq3A_424 = arith.constant 1 : i32
        %eq3A_425 = vector.broadcast %eq3A_424 : i32 to vector<16xi32>
        %eq3A_426 = arith.cmpi eq, %gather3A_390, %eq3A_425 : vector<16xi32>
        %get3A_427 = arith.index_cast %add3A_385 : i32 to index
        %get3A_428 = arith.constant 48 : index
        %get3A_429 = tpu.vector_load %arg28[%get3A_427, %get3A_428] {strides = array<i32>} : memref<256x128xf32, #tpu.memory_space<vmem>>, vector<16xf32>,
        %select_n3A_430 = arith.select %eq3A_426, %get3A_429, %get3A_423 : vector<16xi1>, vector<16xf32>
        %eq3A_431 = arith.constant 2 : i32
        %eq3A_432 = vector.broadcast %eq3A_431 : i32 to vector<16xi32>
        %eq3A_433 = arith.cmpi eq, %gather3A_390, %eq3A_432 : vector<16xi32>
        %get3A_434 = arith.index_cast %add3A_385 : i32 to index
        %get3A_435 = arith.constant 80 : index
        %get3A_436 = tpu.vector_load %arg28[%get3A_434, %get3A_435] {strides = array<i32>} : memref<256x128xf32, #tpu.memory_space<vmem>>, vector<16xf32>,
        %select_n3A_437 = arith.select %eq3A_433, %get3A_436, %select_n3A_430 : vector<16xi1>, vector<16xf32>
        %eq3A_438 = arith.constant 3 : i32
        %eq3A_439 = vector.broadcast %eq3A_438 : i32 to vector<16xi32>
        %eq3A_440 = arith.cmpi eq, %gather3A_390, %eq3A_439 : vector<16xi32>
        %get3A_441 = arith.index_cast %add3A_385 : i32 to index
        %get3A_442 = arith.constant 112 : index
        %get3A_443 = tpu.vector_load %arg28[%get3A_441, %get3A_442] {strides = array<i32>} : memref<256x128xf32, #tpu.memory_space<vmem>>, vector<16xf32>,
        %select_n3A_444 = arith.select %eq3A_440, %get3A_443, %select_n3A_437 : vector<16xi1>, vector<16xf32>
        %get3A_445 = arith.index_cast %add3A_385 : i32 to index
        %get3A_446 = arith.constant 0 : index
        %get3A_447 = tpu.vector_load %arg29[%get3A_445, %get3A_446] {strides = array<i32>} : memref<256x128xf32, #tpu.memory_space<vmem>>, vector<16xf32>,
        %eq3A_448 = arith.constant 1 : i32
        %eq3A_449 = vector.broadcast %eq3A_448 : i32 to vector<16xi32>
        %eq3A_450 = arith.cmpi eq, %gather3A_393, %eq3A_449 : vector<16xi32>
        %get3A_451 = arith.index_cast %add3A_385 : i32 to index
        %get3A_452 = arith.constant 32 : index
        %get3A_453 = tpu.vector_load %arg29[%get3A_451, %get3A_452] {strides = array<i32>} : memref<256x128xf32, #tpu.memory_space<vmem>>, vector<16xf32>,
        %select_n3A_454 = arith.select %eq3A_450, %get3A_453, %get3A_447 : vector<16xi1>, vector<16xf32>
        %eq3A_455 = arith.constant 2 : i32
        %eq3A_456 = vector.broadcast %eq3A_455 : i32 to vector<16xi32>
        %eq3A_457 = arith.cmpi eq, %gather3A_393, %eq3A_456 : vector<16xi32>
        %get3A_458 = arith.index_cast %add3A_385 : i32 to index
        %get3A_459 = arith.constant 64 : index
        %get3A_460 = tpu.vector_load %arg29[%get3A_458, %get3A_459] {strides = array<i32>} : memref<256x128xf32, #tpu.memory_space<vmem>>, vector<16xf32>,
        %select_n3A_461 = arith.select %eq3A_457, %get3A_460, %select_n3A_454 : vector<16xi1>, vector<16xf32>
        %eq3A_462 = arith.constant 3 : i32
        %eq3A_463 = vector.broadcast %eq3A_462 : i32 to vector<16xi32>
        %eq3A_464 = arith.cmpi eq, %gather3A_393, %eq3A_463 : vector<16xi32>
        %get3A_465 = arith.index_cast %add3A_385 : i32 to index
        %get3A_466 = arith.constant 96 : index
        %get3A_467 = tpu.vector_load %arg29[%get3A_465, %get3A_466] {strides = array<i32>} : memref<256x128xf32, #tpu.memory_space<vmem>>, vector<16xf32>,
        %select_n3A_468 = arith.select %eq3A_464, %get3A_467, %select_n3A_461 : vector<16xi1>, vector<16xf32>
        %get3A_469 = arith.index_cast %add3A_385 : i32 to index
        %get3A_470 = arith.constant 16 : index
        %get3A_471 = tpu.vector_load %arg29[%get3A_469, %get3A_470] {strides = array<i32>} : memref<256x128xf32, #tpu.memory_space<vmem>>, vector<16xf32>,
        %eq3A_472 = arith.constant 1 : i32
        %eq3A_473 = vector.broadcast %eq3A_472 : i32 to vector<16xi32>
        %eq3A_474 = arith.cmpi eq, %gather3A_393, %eq3A_473 : vector<16xi32>
        %get3A_475 = arith.index_cast %add3A_385 : i32 to index
        %get3A_476 = arith.constant 48 : index
        %get3A_477 = tpu.vector_load %arg29[%get3A_475, %get3A_476] {strides = array<i32>} : memref<256x128xf32, #tpu.memory_space<vmem>>, vector<16xf32>,
        %select_n3A_478 = arith.select %eq3A_474, %get3A_477, %get3A_471 : vector<16xi1>, vector<16xf32>
        %eq3A_479 = arith.constant 2 : i32
        %eq3A_480 = vector.broadcast %eq3A_479 : i32 to vector<16xi32>
        %eq3A_481 = arith.cmpi eq, %gather3A_393, %eq3A_480 : vector<16xi32>
        %get3A_482 = arith.index_cast %add3A_385 : i32 to index
        %get3A_483 = arith.constant 80 : index
        %get3A_484 = tpu.vector_load %arg29[%get3A_482, %get3A_483] {strides = array<i32>} : memref<256x128xf32, #tpu.memory_space<vmem>>, vector<16xf32>,
        %select_n3A_485 = arith.select %eq3A_481, %get3A_484, %select_n3A_478 : vector<16xi1>, vector<16xf32>
        %eq3A_486 = arith.constant 3 : i32
        %eq3A_487 = vector.broadcast %eq3A_486 : i32 to vector<16xi32>
        %eq3A_488 = arith.cmpi eq, %gather3A_393, %eq3A_487 : vector<16xi32>
        %get3A_489 = arith.index_cast %add3A_385 : i32 to index
        %get3A_490 = arith.constant 112 : index
        %get3A_491 = tpu.vector_load %arg29[%get3A_489, %get3A_490] {strides = array<i32>} : memref<256x128xf32, #tpu.memory_space<vmem>>, vector<16xf32>,
        %select_n3A_492 = arith.select %eq3A_488, %get3A_491, %select_n3A_485 : vector<16xi1>, vector<16xf32>
        %get3A_493 = arith.index_cast %add3A_385 : i32 to index
        %get3A_494 = arith.constant 0 : index
        %get3A_495 = tpu.vector_load %arg30[%get3A_493, %get3A_494] {strides = array<i32>} : memref<256x128xf32, #tpu.memory_space<vmem>>, vector<16xf32>,
        %eq3A_496 = arith.constant 1 : i32
        %eq3A_497 = vector.broadcast %eq3A_496 : i32 to vector<16xi32>
        %eq3A_498 = arith.cmpi eq, %gather3A_396, %eq3A_497 : vector<16xi32>
        %get3A_499 = arith.index_cast %add3A_385 : i32 to index
        %get3A_500 = arith.constant 32 : index
        %get3A_501 = tpu.vector_load %arg30[%get3A_499, %get3A_500] {strides = array<i32>} : memref<256x128xf32, #tpu.memory_space<vmem>>, vector<16xf32>,
        %select_n3A_502 = arith.select %eq3A_498, %get3A_501, %get3A_495 : vector<16xi1>, vector<16xf32>
        %eq3A_503 = arith.constant 2 : i32
        %eq3A_504 = vector.broadcast %eq3A_503 : i32 to vector<16xi32>
        %eq3A_505 = arith.cmpi eq, %gather3A_396, %eq3A_504 : vector<16xi32>
        %get3A_506 = arith.index_cast %add3A_385 : i32 to index
        %get3A_507 = arith.constant 64 : index
        %get3A_508 = tpu.vector_load %arg30[%get3A_506, %get3A_507] {strides = array<i32>} : memref<256x128xf32, #tpu.memory_space<vmem>>, vector<16xf32>,
        %select_n3A_509 = arith.select %eq3A_505, %get3A_508, %select_n3A_502 : vector<16xi1>, vector<16xf32>
        %eq3A_510 = arith.constant 3 : i32
        %eq3A_511 = vector.broadcast %eq3A_510 : i32 to vector<16xi32>
        %eq3A_512 = arith.cmpi eq, %gather3A_396, %eq3A_511 : vector<16xi32>
        %get3A_513 = arith.index_cast %add3A_385 : i32 to index
        %get3A_514 = arith.constant 96 : index
        %get3A_515 = tpu.vector_load %arg30[%get3A_513, %get3A_514] {strides = array<i32>} : memref<256x128xf32, #tpu.memory_space<vmem>>, vector<16xf32>,
        %select_n3A_516 = arith.select %eq3A_512, %get3A_515, %select_n3A_509 : vector<16xi1>, vector<16xf32>
        %get3A_517 = arith.index_cast %add3A_385 : i32 to index
        %get3A_518 = arith.constant 16 : index
        %get3A_519 = tpu.vector_load %arg30[%get3A_517, %get3A_518] {strides = array<i32>} : memref<256x128xf32, #tpu.memory_space<vmem>>, vector<16xf32>,
        %eq3A_520 = arith.constant 1 : i32
        %eq3A_521 = vector.broadcast %eq3A_520 : i32 to vector<16xi32>
        %eq3A_522 = arith.cmpi eq, %gather3A_396, %eq3A_521 : vector<16xi32>
        %get3A_523 = arith.index_cast %add3A_385 : i32 to index
        %get3A_524 = arith.constant 48 : index
        %get3A_525 = tpu.vector_load %arg30[%get3A_523, %get3A_524] {strides = array<i32>} : memref<256x128xf32, #tpu.memory_space<vmem>>, vector<16xf32>,
        %select_n3A_526 = arith.select %eq3A_522, %get3A_525, %get3A_519 : vector<16xi1>, vector<16xf32>
        %eq3A_527 = arith.constant 2 : i32
        %eq3A_528 = vector.broadcast %eq3A_527 : i32 to vector<16xi32>
        %eq3A_529 = arith.cmpi eq, %gather3A_396, %eq3A_528 : vector<16xi32>
        %get3A_530 = arith.index_cast %add3A_385 : i32 to index
        %get3A_531 = arith.constant 80 : index
        %get3A_532 = tpu.vector_load %arg30[%get3A_530, %get3A_531] {strides = array<i32>} : memref<256x128xf32, #tpu.memory_space<vmem>>, vector<16xf32>,
        %select_n3A_533 = arith.select %eq3A_529, %get3A_532, %select_n3A_526 : vector<16xi1>, vector<16xf32>
        %eq3A_534 = arith.constant 3 : i32
        %eq3A_535 = vector.broadcast %eq3A_534 : i32 to vector<16xi32>
        %eq3A_536 = arith.cmpi eq, %gather3A_396, %eq3A_535 : vector<16xi32>
        %get3A_537 = arith.index_cast %add3A_385 : i32 to index
        %get3A_538 = arith.constant 112 : index
        %get3A_539 = tpu.vector_load %arg30[%get3A_537, %get3A_538] {strides = array<i32>} : memref<256x128xf32, #tpu.memory_space<vmem>>, vector<16xf32>,
        %select_n3A_540 = arith.select %eq3A_536, %get3A_539, %select_n3A_533 : vector<16xi1>, vector<16xf32>
        %mul3A_541 = arith.mulf %select_n3A_420, %select_n3A_468 : vector<16xf32>
        %mul3A_542 = arith.mulf %mul3A_541, %select_n3A_516 : vector<16xf32>
        %mul3A_543 = arith.mulf %select_n3A_444, %select_n3A_492 : vector<16xf32>
        %mul3A_544 = arith.mulf %mul3A_543, %select_n3A_540 : vector<16xf32>
        %add3A_545 = arith.addf %mul3A_542, %mul3A_544 : vector<16xf32>
        %swap3A_546 = arith.constant 32 : index
        %swap3A_547 = tpu.vector_load %arg36[%swap3A_546] {strides = array<i32>} : memref<256xf32, #tpu.memory_space<vmem>>, vector<16xf32>,
        tpu.vector_store %arg36[%swap3A_546], %add3A_545 {strides = array<i32>} : memref<256xf32, #tpu.memory_space<vmem>>, vector<16xf32>,
        %add3A_548 = arith.constant 3 : i32
        %add3A_549 = arith.addi %mul3A_54, %add3A_548 : i32
        %broadcast_in_dim3A_550 = arith.constant 3 : i32
        %broadcast_in_dim3A_551 = vector.broadcast %broadcast_in_dim3A_550 : i32 to vector<16xi32>
        %reshape3A_552 = vector.shape_cast %broadcast_in_dim3A_551 : vector<16xi32> to vector<16x1xi32>
        %gather3A_553 = vector.shape_cast %reshape3A_552 : vector<16x1xi32> to vector<16xi32>
        %gather3A_554 = tpu.dynamic_gather %get3A_57[%gather3A_553] in [0] : vector<16xi32>, vector<16xi32> -> vector<16xi32>
        %reshape3A_555 = vector.shape_cast %broadcast_in_dim3A_551 : vector<16xi32> to vector<16x1xi32>
        %gather3A_556 = vector.shape_cast %reshape3A_555 : vector<16x1xi32> to vector<16xi32>
        %gather3A_557 = tpu.dynamic_gather %get3A_59[%gather3A_556] in [0] : vector<16xi32>, vector<16xi32> -> vector<16xi32>
        %reshape3A_558 = vector.shape_cast %broadcast_in_dim3A_551 : vector<16xi32> to vector<16x1xi32>
        %gather3A_559 = vector.shape_cast %reshape3A_558 : vector<16x1xi32> to vector<16xi32>
        %gather3A_560 = tpu.dynamic_gather %get3A_61[%gather3A_559] in [0] : vector<16xi32>, vector<16xi32> -> vector<16xi32>
        %get3A_561 = arith.index_cast %add3A_549 : i32 to index
        %get3A_562 = arith.constant 0 : index
        %get3A_563 = tpu.vector_load %arg28[%get3A_561, %get3A_562] {strides = array<i32>} : memref<256x128xf32, #tpu.memory_space<vmem>>, vector<16xf32>,
        %eq3A_564 = arith.constant 1 : i32
        %eq3A_565 = vector.broadcast %eq3A_564 : i32 to vector<16xi32>
        %eq3A_566 = arith.cmpi eq, %gather3A_554, %eq3A_565 : vector<16xi32>
        %get3A_567 = arith.index_cast %add3A_549 : i32 to index
        %get3A_568 = arith.constant 32 : index
        %get3A_569 = tpu.vector_load %arg28[%get3A_567, %get3A_568] {strides = array<i32>} : memref<256x128xf32, #tpu.memory_space<vmem>>, vector<16xf32>,
        %select_n3A_570 = arith.select %eq3A_566, %get3A_569, %get3A_563 : vector<16xi1>, vector<16xf32>
        %eq3A_571 = arith.constant 2 : i32
        %eq3A_572 = vector.broadcast %eq3A_571 : i32 to vector<16xi32>
        %eq3A_573 = arith.cmpi eq, %gather3A_554, %eq3A_572 : vector<16xi32>
        %get3A_574 = arith.index_cast %add3A_549 : i32 to index
        %get3A_575 = arith.constant 64 : index
        %get3A_576 = tpu.vector_load %arg28[%get3A_574, %get3A_575] {strides = array<i32>} : memref<256x128xf32, #tpu.memory_space<vmem>>, vector<16xf32>,
        %select_n3A_577 = arith.select %eq3A_573, %get3A_576, %select_n3A_570 : vector<16xi1>, vector<16xf32>
        %eq3A_578 = arith.constant 3 : i32
        %eq3A_579 = vector.broadcast %eq3A_578 : i32 to vector<16xi32>
        %eq3A_580 = arith.cmpi eq, %gather3A_554, %eq3A_579 : vector<16xi32>
        %get3A_581 = arith.index_cast %add3A_549 : i32 to index
        %get3A_582 = arith.constant 96 : index
        %get3A_583 = tpu.vector_load %arg28[%get3A_581, %get3A_582] {strides = array<i32>} : memref<256x128xf32, #tpu.memory_space<vmem>>, vector<16xf32>,
        %select_n3A_584 = arith.select %eq3A_580, %get3A_583, %select_n3A_577 : vector<16xi1>, vector<16xf32>
        %get3A_585 = arith.index_cast %add3A_549 : i32 to index
        %get3A_586 = arith.constant 16 : index
        %get3A_587 = tpu.vector_load %arg28[%get3A_585, %get3A_586] {strides = array<i32>} : memref<256x128xf32, #tpu.memory_space<vmem>>, vector<16xf32>,
        %eq3A_588 = arith.constant 1 : i32
        %eq3A_589 = vector.broadcast %eq3A_588 : i32 to vector<16xi32>
        %eq3A_590 = arith.cmpi eq, %gather3A_554, %eq3A_589 : vector<16xi32>
        %get3A_591 = arith.index_cast %add3A_549 : i32 to index
        %get3A_592 = arith.constant 48 : index
        %get3A_593 = tpu.vector_load %arg28[%get3A_591, %get3A_592] {strides = array<i32>} : memref<256x128xf32, #tpu.memory_space<vmem>>, vector<16xf32>,
        %select_n3A_594 = arith.select %eq3A_590, %get3A_593, %get3A_587 : vector<16xi1>, vector<16xf32>
        %eq3A_595 = arith.constant 2 : i32
        %eq3A_596 = vector.broadcast %eq3A_595 : i32 to vector<16xi32>
        %eq3A_597 = arith.cmpi eq, %gather3A_554, %eq3A_596 : vector<16xi32>
        %get3A_598 = arith.index_cast %add3A_549 : i32 to index
        %get3A_599 = arith.constant 80 : index
        %get3A_600 = tpu.vector_load %arg28[%get3A_598, %get3A_599] {strides = array<i32>} : memref<256x128xf32, #tpu.memory_space<vmem>>, vector<16xf32>,
        %select_n3A_601 = arith.select %eq3A_597, %get3A_600, %select_n3A_594 : vector<16xi1>, vector<16xf32>
        %eq3A_602 = arith.constant 3 : i32
        %eq3A_603 = vector.broadcast %eq3A_602 : i32 to vector<16xi32>
        %eq3A_604 = arith.cmpi eq, %gather3A_554, %eq3A_603 : vector<16xi32>
        %get3A_605 = arith.index_cast %add3A_549 : i32 to index
        %get3A_606 = arith.constant 112 : index
        %get3A_607 = tpu.vector_load %arg28[%get3A_605, %get3A_606] {strides = array<i32>} : memref<256x128xf32, #tpu.memory_space<vmem>>, vector<16xf32>,
        %select_n3A_608 = arith.select %eq3A_604, %get3A_607, %select_n3A_601 : vector<16xi1>, vector<16xf32>
        %get3A_609 = arith.index_cast %add3A_549 : i32 to index
        %get3A_610 = arith.constant 0 : index
        %get3A_611 = tpu.vector_load %arg29[%get3A_609, %get3A_610] {strides = array<i32>} : memref<256x128xf32, #tpu.memory_space<vmem>>, vector<16xf32>,
        %eq3A_612 = arith.constant 1 : i32
        %eq3A_613 = vector.broadcast %eq3A_612 : i32 to vector<16xi32>
        %eq3A_614 = arith.cmpi eq, %gather3A_557, %eq3A_613 : vector<16xi32>
        %get3A_615 = arith.index_cast %add3A_549 : i32 to index
        %get3A_616 = arith.constant 32 : index
        %get3A_617 = tpu.vector_load %arg29[%get3A_615, %get3A_616] {strides = array<i32>} : memref<256x128xf32, #tpu.memory_space<vmem>>, vector<16xf32>,
        %select_n3A_618 = arith.select %eq3A_614, %get3A_617, %get3A_611 : vector<16xi1>, vector<16xf32>
        %eq3A_619 = arith.constant 2 : i32
        %eq3A_620 = vector.broadcast %eq3A_619 : i32 to vector<16xi32>
        %eq3A_621 = arith.cmpi eq, %gather3A_557, %eq3A_620 : vector<16xi32>
        %get3A_622 = arith.index_cast %add3A_549 : i32 to index
        %get3A_623 = arith.constant 64 : index
        %get3A_624 = tpu.vector_load %arg29[%get3A_622, %get3A_623] {strides = array<i32>} : memref<256x128xf32, #tpu.memory_space<vmem>>, vector<16xf32>,
        %select_n3A_625 = arith.select %eq3A_621, %get3A_624, %select_n3A_618 : vector<16xi1>, vector<16xf32>
        %eq3A_626 = arith.constant 3 : i32
        %eq3A_627 = vector.broadcast %eq3A_626 : i32 to vector<16xi32>
        %eq3A_628 = arith.cmpi eq, %gather3A_557, %eq3A_627 : vector<16xi32>
        %get3A_629 = arith.index_cast %add3A_549 : i32 to index
        %get3A_630 = arith.constant 96 : index
        %get3A_631 = tpu.vector_load %arg29[%get3A_629, %get3A_630] {strides = array<i32>} : memref<256x128xf32, #tpu.memory_space<vmem>>, vector<16xf32>,
        %select_n3A_632 = arith.select %eq3A_628, %get3A_631, %select_n3A_625 : vector<16xi1>, vector<16xf32>
        %get3A_633 = arith.index_cast %add3A_549 : i32 to index
        %get3A_634 = arith.constant 16 : index
        %get3A_635 = tpu.vector_load %arg29[%get3A_633, %get3A_634] {strides = array<i32>} : memref<256x128xf32, #tpu.memory_space<vmem>>, vector<16xf32>,
        %eq3A_636 = arith.constant 1 : i32
        %eq3A_637 = vector.broadcast %eq3A_636 : i32 to vector<16xi32>
        %eq3A_638 = arith.cmpi eq, %gather3A_557, %eq3A_637 : vector<16xi32>
        %get3A_639 = arith.index_cast %add3A_549 : i32 to index
        %get3A_640 = arith.constant 48 : index
        %get3A_641 = tpu.vector_load %arg29[%get3A_639, %get3A_640] {strides = array<i32>} : memref<256x128xf32, #tpu.memory_space<vmem>>, vector<16xf32>,
        %select_n3A_642 = arith.select %eq3A_638, %get3A_641, %get3A_635 : vector<16xi1>, vector<16xf32>
        %eq3A_643 = arith.constant 2 : i32
        %eq3A_644 = vector.broadcast %eq3A_643 : i32 to vector<16xi32>
        %eq3A_645 = arith.cmpi eq, %gather3A_557, %eq3A_644 : vector<16xi32>
        %get3A_646 = arith.index_cast %add3A_549 : i32 to index
        %get3A_647 = arith.constant 80 : index
        %get3A_648 = tpu.vector_load %arg29[%get3A_646, %get3A_647] {strides = array<i32>} : memref<256x128xf32, #tpu.memory_space<vmem>>, vector<16xf32>,
        %select_n3A_649 = arith.select %eq3A_645, %get3A_648, %select_n3A_642 : vector<16xi1>, vector<16xf32>
        %eq3A_650 = arith.constant 3 : i32
        %eq3A_651 = vector.broadcast %eq3A_650 : i32 to vector<16xi32>
        %eq3A_652 = arith.cmpi eq, %gather3A_557, %eq3A_651 : vector<16xi32>
        %get3A_653 = arith.index_cast %add3A_549 : i32 to index
        %get3A_654 = arith.constant 112 : index
        %get3A_655 = tpu.vector_load %arg29[%get3A_653, %get3A_654] {strides = array<i32>} : memref<256x128xf32, #tpu.memory_space<vmem>>, vector<16xf32>,
        %select_n3A_656 = arith.select %eq3A_652, %get3A_655, %select_n3A_649 : vector<16xi1>, vector<16xf32>
        %get3A_657 = arith.index_cast %add3A_549 : i32 to index
        %get3A_658 = arith.constant 0 : index
        %get3A_659 = tpu.vector_load %arg30[%get3A_657, %get3A_658] {strides = array<i32>} : memref<256x128xf32, #tpu.memory_space<vmem>>, vector<16xf32>,
        %eq3A_660 = arith.constant 1 : i32
        %eq3A_661 = vector.broadcast %eq3A_660 : i32 to vector<16xi32>
        %eq3A_662 = arith.cmpi eq, %gather3A_560, %eq3A_661 : vector<16xi32>
        %get3A_663 = arith.index_cast %add3A_549 : i32 to index
        %get3A_664 = arith.constant 32 : index
        %get3A_665 = tpu.vector_load %arg30[%get3A_663, %get3A_664] {strides = array<i32>} : memref<256x128xf32, #tpu.memory_space<vmem>>, vector<16xf32>,
        %select_n3A_666 = arith.select %eq3A_662, %get3A_665, %get3A_659 : vector<16xi1>, vector<16xf32>
        %eq3A_667 = arith.constant 2 : i32
        %eq3A_668 = vector.broadcast %eq3A_667 : i32 to vector<16xi32>
        %eq3A_669 = arith.cmpi eq, %gather3A_560, %eq3A_668 : vector<16xi32>
        %get3A_670 = arith.index_cast %add3A_549 : i32 to index
        %get3A_671 = arith.constant 64 : index
        %get3A_672 = tpu.vector_load %arg30[%get3A_670, %get3A_671] {strides = array<i32>} : memref<256x128xf32, #tpu.memory_space<vmem>>, vector<16xf32>,
        %select_n3A_673 = arith.select %eq3A_669, %get3A_672, %select_n3A_666 : vector<16xi1>, vector<16xf32>
        %eq3A_674 = arith.constant 3 : i32
        %eq3A_675 = vector.broadcast %eq3A_674 : i32 to vector<16xi32>
        %eq3A_676 = arith.cmpi eq, %gather3A_560, %eq3A_675 : vector<16xi32>
        %get3A_677 = arith.index_cast %add3A_549 : i32 to index
        %get3A_678 = arith.constant 96 : index
        %get3A_679 = tpu.vector_load %arg30[%get3A_677, %get3A_678] {strides = array<i32>} : memref<256x128xf32, #tpu.memory_space<vmem>>, vector<16xf32>,
        %select_n3A_680 = arith.select %eq3A_676, %get3A_679, %select_n3A_673 : vector<16xi1>, vector<16xf32>
        %get3A_681 = arith.index_cast %add3A_549 : i32 to index
        %get3A_682 = arith.constant 16 : index
        %get3A_683 = tpu.vector_load %arg30[%get3A_681, %get3A_682] {strides = array<i32>} : memref<256x128xf32, #tpu.memory_space<vmem>>, vector<16xf32>,
        %eq3A_684 = arith.constant 1 : i32
        %eq3A_685 = vector.broadcast %eq3A_684 : i32 to vector<16xi32>
        %eq3A_686 = arith.cmpi eq, %gather3A_560, %eq3A_685 : vector<16xi32>
        %get3A_687 = arith.index_cast %add3A_549 : i32 to index
        %get3A_688 = arith.constant 48 : index
        %get3A_689 = tpu.vector_load %arg30[%get3A_687, %get3A_688] {strides = array<i32>} : memref<256x128xf32, #tpu.memory_space<vmem>>, vector<16xf32>,
        %select_n3A_690 = arith.select %eq3A_686, %get3A_689, %get3A_683 : vector<16xi1>, vector<16xf32>
        %eq3A_691 = arith.constant 2 : i32
        %eq3A_692 = vector.broadcast %eq3A_691 : i32 to vector<16xi32>
        %eq3A_693 = arith.cmpi eq, %gather3A_560, %eq3A_692 : vector<16xi32>
        %get3A_694 = arith.index_cast %add3A_549 : i32 to index
        %get3A_695 = arith.constant 80 : index
        %get3A_696 = tpu.vector_load %arg30[%get3A_694, %get3A_695] {strides = array<i32>} : memref<256x128xf32, #tpu.memory_space<vmem>>, vector<16xf32>,
        %select_n3A_697 = arith.select %eq3A_693, %get3A_696, %select_n3A_690 : vector<16xi1>, vector<16xf32>
        %eq3A_698 = arith.constant 3 : i32
        %eq3A_699 = vector.broadcast %eq3A_698 : i32 to vector<16xi32>
        %eq3A_700 = arith.cmpi eq, %gather3A_560, %eq3A_699 : vector<16xi32>
        %get3A_701 = arith.index_cast %add3A_549 : i32 to index
        %get3A_702 = arith.constant 112 : index
        %get3A_703 = tpu.vector_load %arg30[%get3A_701, %get3A_702] {strides = array<i32>} : memref<256x128xf32, #tpu.memory_space<vmem>>, vector<16xf32>,
        %select_n3A_704 = arith.select %eq3A_700, %get3A_703, %select_n3A_697 : vector<16xi1>, vector<16xf32>
        %mul3A_705 = arith.mulf %select_n3A_584, %select_n3A_632 : vector<16xf32>
        %mul3A_706 = arith.mulf %mul3A_705, %select_n3A_680 : vector<16xf32>
        %mul3A_707 = arith.mulf %select_n3A_608, %select_n3A_656 : vector<16xf32>
        %mul3A_708 = arith.mulf %mul3A_707, %select_n3A_704 : vector<16xf32>
        %add3A_709 = arith.addf %mul3A_706, %mul3A_708 : vector<16xf32>
        %swap3A_710 = arith.constant 48 : index
        %swap3A_711 = tpu.vector_load %arg36[%swap3A_710] {strides = array<i32>} : memref<256xf32, #tpu.memory_space<vmem>>, vector<16xf32>,
        tpu.vector_store %arg36[%swap3A_710], %add3A_709 {strides = array<i32>} : memref<256xf32, #tpu.memory_space<vmem>>, vector<16xf32>,
        %add3A_712 = arith.constant 4 : i32
        %add3A_713 = arith.addi %mul3A_54, %add3A_712 : i32
        %broadcast_in_dim3A_714 = arith.constant 4 : i32
        %broadcast_in_dim3A_715 = vector.broadcast %broadcast_in_dim3A_714 : i32 to vector<16xi32>
        %reshape3A_716 = vector.shape_cast %broadcast_in_dim3A_715 : vector<16xi32> to vector<16x1xi32>
        %gather3A_717 = vector.shape_cast %reshape3A_716 : vector<16x1xi32> to vector<16xi32>
        %gather3A_718 = tpu.dynamic_gather %get3A_57[%gather3A_717] in [0] : vector<16xi32>, vector<16xi32> -> vector<16xi32>
        %reshape3A_719 = vector.shape_cast %broadcast_in_dim3A_715 : vector<16xi32> to vector<16x1xi32>
        %gather3A_720 = vector.shape_cast %reshape3A_719 : vector<16x1xi32> to vector<16xi32>
        %gather3A_721 = tpu.dynamic_gather %get3A_59[%gather3A_720] in [0] : vector<16xi32>, vector<16xi32> -> vector<16xi32>
        %reshape3A_722 = vector.shape_cast %broadcast_in_dim3A_715 : vector<16xi32> to vector<16x1xi32>
        %gather3A_723 = vector.shape_cast %reshape3A_722 : vector<16x1xi32> to vector<16xi32>
        %gather3A_724 = tpu.dynamic_gather %get3A_61[%gather3A_723] in [0] : vector<16xi32>, vector<16xi32> -> vector<16xi32>
        %get3A_725 = arith.index_cast %add3A_713 : i32 to index
        %get3A_726 = arith.constant 0 : index
        %get3A_727 = tpu.vector_load %arg28[%get3A_725, %get3A_726] {strides = array<i32>} : memref<256x128xf32, #tpu.memory_space<vmem>>, vector<16xf32>,
        %eq3A_728 = arith.constant 1 : i32
        %eq3A_729 = vector.broadcast %eq3A_728 : i32 to vector<16xi32>
        %eq3A_730 = arith.cmpi eq, %gather3A_718, %eq3A_729 : vector<16xi32>
        %get3A_731 = arith.index_cast %add3A_713 : i32 to index
        %get3A_732 = arith.constant 32 : index
        %get3A_733 = tpu.vector_load %arg28[%get3A_731, %get3A_732] {strides = array<i32>} : memref<256x128xf32, #tpu.memory_space<vmem>>, vector<16xf32>,
        %select_n3A_734 = arith.select %eq3A_730, %get3A_733, %get3A_727 : vector<16xi1>, vector<16xf32>
        %eq3A_735 = arith.constant 2 : i32
        %eq3A_736 = vector.broadcast %eq3A_735 : i32 to vector<16xi32>
        %eq3A_737 = arith.cmpi eq, %gather3A_718, %eq3A_736 : vector<16xi32>
        %get3A_738 = arith.index_cast %add3A_713 : i32 to index
        %get3A_739 = arith.constant 64 : index
        %get3A_740 = tpu.vector_load %arg28[%get3A_738, %get3A_739] {strides = array<i32>} : memref<256x128xf32, #tpu.memory_space<vmem>>, vector<16xf32>,
        %select_n3A_741 = arith.select %eq3A_737, %get3A_740, %select_n3A_734 : vector<16xi1>, vector<16xf32>
        %eq3A_742 = arith.constant 3 : i32
        %eq3A_743 = vector.broadcast %eq3A_742 : i32 to vector<16xi32>
        %eq3A_744 = arith.cmpi eq, %gather3A_718, %eq3A_743 : vector<16xi32>
        %get3A_745 = arith.index_cast %add3A_713 : i32 to index
        %get3A_746 = arith.constant 96 : index
        %get3A_747 = tpu.vector_load %arg28[%get3A_745, %get3A_746] {strides = array<i32>} : memref<256x128xf32, #tpu.memory_space<vmem>>, vector<16xf32>,
        %select_n3A_748 = arith.select %eq3A_744, %get3A_747, %select_n3A_741 : vector<16xi1>, vector<16xf32>
        %get3A_749 = arith.index_cast %add3A_713 : i32 to index
        %get3A_750 = arith.constant 16 : index
        %get3A_751 = tpu.vector_load %arg28[%get3A_749, %get3A_750] {strides = array<i32>} : memref<256x128xf32, #tpu.memory_space<vmem>>, vector<16xf32>,
        %eq3A_752 = arith.constant 1 : i32
        %eq3A_753 = vector.broadcast %eq3A_752 : i32 to vector<16xi32>
        %eq3A_754 = arith.cmpi eq, %gather3A_718, %eq3A_753 : vector<16xi32>
        %get3A_755 = arith.index_cast %add3A_713 : i32 to index
        %get3A_756 = arith.constant 48 : index
        %get3A_757 = tpu.vector_load %arg28[%get3A_755, %get3A_756] {strides = array<i32>} : memref<256x128xf32, #tpu.memory_space<vmem>>, vector<16xf32>,
        %select_n3A_758 = arith.select %eq3A_754, %get3A_757, %get3A_751 : vector<16xi1>, vector<16xf32>
        %eq3A_759 = arith.constant 2 : i32
        %eq3A_760 = vector.broadcast %eq3A_759 : i32 to vector<16xi32>
        %eq3A_761 = arith.cmpi eq, %gather3A_718, %eq3A_760 : vector<16xi32>
        %get3A_762 = arith.index_cast %add3A_713 : i32 to index
        %get3A_763 = arith.constant 80 : index
        %get3A_764 = tpu.vector_load %arg28[%get3A_762, %get3A_763] {strides = array<i32>} : memref<256x128xf32, #tpu.memory_space<vmem>>, vector<16xf32>,
        %select_n3A_765 = arith.select %eq3A_761, %get3A_764, %select_n3A_758 : vector<16xi1>, vector<16xf32>
        %eq3A_766 = arith.constant 3 : i32
        %eq3A_767 = vector.broadcast %eq3A_766 : i32 to vector<16xi32>
        %eq3A_768 = arith.cmpi eq, %gather3A_718, %eq3A_767 : vector<16xi32>
        %get3A_769 = arith.index_cast %add3A_713 : i32 to index
        %get3A_770 = arith.constant 112 : index
        %get3A_771 = tpu.vector_load %arg28[%get3A_769, %get3A_770] {strides = array<i32>} : memref<256x128xf32, #tpu.memory_space<vmem>>, vector<16xf32>,
        %select_n3A_772 = arith.select %eq3A_768, %get3A_771, %select_n3A_765 : vector<16xi1>, vector<16xf32>
        %get3A_773 = arith.index_cast %add3A_713 : i32 to index
        %get3A_774 = arith.constant 0 : index
        %get3A_775 = tpu.vector_load %arg29[%get3A_773, %get3A_774] {strides = array<i32>} : memref<256x128xf32, #tpu.memory_space<vmem>>, vector<16xf32>,
        %eq3A_776 = arith.constant 1 : i32
        %eq3A_777 = vector.broadcast %eq3A_776 : i32 to vector<16xi32>
        %eq3A_778 = arith.cmpi eq, %gather3A_721, %eq3A_777 : vector<16xi32>
        %get3A_779 = arith.index_cast %add3A_713 : i32 to index
        %get3A_780 = arith.constant 32 : index
        %get3A_781 = tpu.vector_load %arg29[%get3A_779, %get3A_780] {strides = array<i32>} : memref<256x128xf32, #tpu.memory_space<vmem>>, vector<16xf32>,
        %select_n3A_782 = arith.select %eq3A_778, %get3A_781, %get3A_775 : vector<16xi1>, vector<16xf32>
        %eq3A_783 = arith.constant 2 : i32
        %eq3A_784 = vector.broadcast %eq3A_783 : i32 to vector<16xi32>
        %eq3A_785 = arith.cmpi eq, %gather3A_721, %eq3A_784 : vector<16xi32>
        %get3A_786 = arith.index_cast %add3A_713 : i32 to index
        %get3A_787 = arith.constant 64 : index
        %get3A_788 = tpu.vector_load %arg29[%get3A_786, %get3A_787] {strides = array<i32>} : memref<256x128xf32, #tpu.memory_space<vmem>>, vector<16xf32>,
        %select_n3A_789 = arith.select %eq3A_785, %get3A_788, %select_n3A_782 : vector<16xi1>, vector<16xf32>
        %eq3A_790 = arith.constant 3 : i32
        %eq3A_791 = vector.broadcast %eq3A_790 : i32 to vector<16xi32>
        %eq3A_792 = arith.cmpi eq, %gather3A_721, %eq3A_791 : vector<16xi32>
        %get3A_793 = arith.index_cast %add3A_713 : i32 to index
        %get3A_794 = arith.constant 96 : index
        %get3A_795 = tpu.vector_load %arg29[%get3A_793, %get3A_794] {strides = array<i32>} : memref<256x128xf32, #tpu.memory_space<vmem>>, vector<16xf32>,
        %select_n3A_796 = arith.select %eq3A_792, %get3A_795, %select_n3A_789 : vector<16xi1>, vector<16xf32>
        %get3A_797 = arith.index_cast %add3A_713 : i32 to index
        %get3A_798 = arith.constant 16 : index
        %get3A_799 = tpu.vector_load %arg29[%get3A_797, %get3A_798] {strides = array<i32>} : memref<256x128xf32, #tpu.memory_space<vmem>>, vector<16xf32>,
        %eq3A_800 = arith.constant 1 : i32
        %eq3A_801 = vector.broadcast %eq3A_800 : i32 to vector<16xi32>
        %eq3A_802 = arith.cmpi eq, %gather3A_721, %eq3A_801 : vector<16xi32>
        %get3A_803 = arith.index_cast %add3A_713 : i32 to index
        %get3A_804 = arith.constant 48 : index
        %get3A_805 = tpu.vector_load %arg29[%get3A_803, %get3A_804] {strides = array<i32>} : memref<256x128xf32, #tpu.memory_space<vmem>>, vector<16xf32>,
        %select_n3A_806 = arith.select %eq3A_802, %get3A_805, %get3A_799 : vector<16xi1>, vector<16xf32>
        %eq3A_807 = arith.constant 2 : i32
        %eq3A_808 = vector.broadcast %eq3A_807 : i32 to vector<16xi32>
        %eq3A_809 = arith.cmpi eq, %gather3A_721, %eq3A_808 : vector<16xi32>
        %get3A_810 = arith.index_cast %add3A_713 : i32 to index
        %get3A_811 = arith.constant 80 : index
        %get3A_812 = tpu.vector_load %arg29[%get3A_810, %get3A_811] {strides = array<i32>} : memref<256x128xf32, #tpu.memory_space<vmem>>, vector<16xf32>,
        %select_n3A_813 = arith.select %eq3A_809, %get3A_812, %select_n3A_806 : vector<16xi1>, vector<16xf32>
        %eq3A_814 = arith.constant 3 : i32
        %eq3A_815 = vector.broadcast %eq3A_814 : i32 to vector<16xi32>
        %eq3A_816 = arith.cmpi eq, %gather3A_721, %eq3A_815 : vector<16xi32>
        %get3A_817 = arith.index_cast %add3A_713 : i32 to index
        %get3A_818 = arith.constant 112 : index
        %get3A_819 = tpu.vector_load %arg29[%get3A_817, %get3A_818] {strides = array<i32>} : memref<256x128xf32, #tpu.memory_space<vmem>>, vector<16xf32>,
        %select_n3A_820 = arith.select %eq3A_816, %get3A_819, %select_n3A_813 : vector<16xi1>, vector<16xf32>
        %get3A_821 = arith.index_cast %add3A_713 : i32 to index
        %get3A_822 = arith.constant 0 : index
        %get3A_823 = tpu.vector_load %arg30[%get3A_821, %get3A_822] {strides = array<i32>} : memref<256x128xf32, #tpu.memory_space<vmem>>, vector<16xf32>,
        %eq3A_824 = arith.constant 1 : i32
        %eq3A_825 = vector.broadcast %eq3A_824 : i32 to vector<16xi32>
        %eq3A_826 = arith.cmpi eq, %gather3A_724, %eq3A_825 : vector<16xi32>
        %get3A_827 = arith.index_cast %add3A_713 : i32 to index
        %get3A_828 = arith.constant 32 : index
        %get3A_829 = tpu.vector_load %arg30[%get3A_827, %get3A_828] {strides = array<i32>} : memref<256x128xf32, #tpu.memory_space<vmem>>, vector<16xf32>,
        %select_n3A_830 = arith.select %eq3A_826, %get3A_829, %get3A_823 : vector<16xi1>, vector<16xf32>
        %eq3A_831 = arith.constant 2 : i32
        %eq3A_832 = vector.broadcast %eq3A_831 : i32 to vector<16xi32>
        %eq3A_833 = arith.cmpi eq, %gather3A_724, %eq3A_832 : vector<16xi32>
        %get3A_834 = arith.index_cast %add3A_713 : i32 to index
        %get3A_835 = arith.constant 64 : index
        %get3A_836 = tpu.vector_load %arg30[%get3A_834, %get3A_835] {strides = array<i32>} : memref<256x128xf32, #tpu.memory_space<vmem>>, vector<16xf32>,
        %select_n3A_837 = arith.select %eq3A_833, %get3A_836, %select_n3A_830 : vector<16xi1>, vector<16xf32>
        %eq3A_838 = arith.constant 3 : i32
        %eq3A_839 = vector.broadcast %eq3A_838 : i32 to vector<16xi32>
        %eq3A_840 = arith.cmpi eq, %gather3A_724, %eq3A_839 : vector<16xi32>
        %get3A_841 = arith.index_cast %add3A_713 : i32 to index
        %get3A_842 = arith.constant 96 : index
        %get3A_843 = tpu.vector_load %arg30[%get3A_841, %get3A_842] {strides = array<i32>} : memref<256x128xf32, #tpu.memory_space<vmem>>, vector<16xf32>,
        %select_n3A_844 = arith.select %eq3A_840, %get3A_843, %select_n3A_837 : vector<16xi1>, vector<16xf32>
        %get3A_845 = arith.index_cast %add3A_713 : i32 to index
        %get3A_846 = arith.constant 16 : index
        %get3A_847 = tpu.vector_load %arg30[%get3A_845, %get3A_846] {strides = array<i32>} : memref<256x128xf32, #tpu.memory_space<vmem>>, vector<16xf32>,
        %eq3A_848 = arith.constant 1 : i32
        %eq3A_849 = vector.broadcast %eq3A_848 : i32 to vector<16xi32>
        %eq3A_850 = arith.cmpi eq, %gather3A_724, %eq3A_849 : vector<16xi32>
        %get3A_851 = arith.index_cast %add3A_713 : i32 to index
        %get3A_852 = arith.constant 48 : index
        %get3A_853 = tpu.vector_load %arg30[%get3A_851, %get3A_852] {strides = array<i32>} : memref<256x128xf32, #tpu.memory_space<vmem>>, vector<16xf32>,
        %select_n3A_854 = arith.select %eq3A_850, %get3A_853, %get3A_847 : vector<16xi1>, vector<16xf32>
        %eq3A_855 = arith.constant 2 : i32
        %eq3A_856 = vector.broadcast %eq3A_855 : i32 to vector<16xi32>
        %eq3A_857 = arith.cmpi eq, %gather3A_724, %eq3A_856 : vector<16xi32>
        %get3A_858 = arith.index_cast %add3A_713 : i32 to index
        %get3A_859 = arith.constant 80 : index
        %get3A_860 = tpu.vector_load %arg30[%get3A_858, %get3A_859] {strides = array<i32>} : memref<256x128xf32, #tpu.memory_space<vmem>>, vector<16xf32>,
        %select_n3A_861 = arith.select %eq3A_857, %get3A_860, %select_n3A_854 : vector<16xi1>, vector<16xf32>
        %eq3A_862 = arith.constant 3 : i32
        %eq3A_863 = vector.broadcast %eq3A_862 : i32 to vector<16xi32>
        %eq3A_864 = arith.cmpi eq, %gather3A_724, %eq3A_863 : vector<16xi32>
        %get3A_865 = arith.index_cast %add3A_713 : i32 to index
        %get3A_866 = arith.constant 112 : index
        %get3A_867 = tpu.vector_load %arg30[%get3A_865, %get3A_866] {strides = array<i32>} : memref<256x128xf32, #tpu.memory_space<vmem>>, vector<16xf32>,
        %select_n3A_868 = arith.select %eq3A_864, %get3A_867, %select_n3A_861 : vector<16xi1>, vector<16xf32>
        %mul3A_869 = arith.mulf %select_n3A_748, %select_n3A_796 : vector<16xf32>
        %mul3A_870 = arith.mulf %mul3A_869, %select_n3A_844 : vector<16xf32>
        %mul3A_871 = arith.mulf %select_n3A_772, %select_n3A_820 : vector<16xf32>
        %mul3A_872 = arith.mulf %mul3A_871, %select_n3A_868 : vector<16xf32>
        %add3A_873 = arith.addf %mul3A_870, %mul3A_872 : vector<16xf32>
        %swap3A_874 = arith.constant 64 : index
        %swap3A_875 = tpu.vector_load %arg36[%swap3A_874] {strides = array<i32>} : memref<256xf32, #tpu.memory_space<vmem>>, vector<16xf32>,
        tpu.vector_store %arg36[%swap3A_874], %add3A_873 {strides = array<i32>} : memref<256xf32, #tpu.memory_space<vmem>>, vector<16xf32>,
        %add3A_876 = arith.constant 5 : i32
        %add3A_877 = arith.addi %mul3A_54, %add3A_876 : i32
        %broadcast_in_dim3A_878 = arith.constant 5 : i32
        %broadcast_in_dim3A_879 = vector.broadcast %broadcast_in_dim3A_878 : i32 to vector<16xi32>
        %reshape3A_880 = vector.shape_cast %broadcast_in_dim3A_879 : vector<16xi32> to vector<16x1xi32>
        %gather3A_881 = vector.shape_cast %reshape3A_880 : vector<16x1xi32> to vector<16xi32>
        %gather3A_882 = tpu.dynamic_gather %get3A_57[%gather3A_881] in [0] : vector<16xi32>, vector<16xi32> -> vector<16xi32>
        %reshape3A_883 = vector.shape_cast %broadcast_in_dim3A_879 : vector<16xi32> to vector<16x1xi32>
        %gather3A_884 = vector.shape_cast %reshape3A_883 : vector<16x1xi32> to vector<16xi32>
        %gather3A_885 = tpu.dynamic_gather %get3A_59[%gather3A_884] in [0] : vector<16xi32>, vector<16xi32> -> vector<16xi32>
        %reshape3A_886 = vector.shape_cast %broadcast_in_dim3A_879 : vector<16xi32> to vector<16x1xi32>
        %gather3A_887 = vector.shape_cast %reshape3A_886 : vector<16x1xi32> to vector<16xi32>
        %gather3A_888 = tpu.dynamic_gather %get3A_61[%gather3A_887] in [0] : vector<16xi32>, vector<16xi32> -> vector<16xi32>
        %get3A_889 = arith.index_cast %add3A_877 : i32 to index
        %get3A_890 = arith.constant 0 : index
        %get3A_891 = tpu.vector_load %arg28[%get3A_889, %get3A_890] {strides = array<i32>} : memref<256x128xf32, #tpu.memory_space<vmem>>, vector<16xf32>,
        %eq3A_892 = arith.constant 1 : i32
        %eq3A_893 = vector.broadcast %eq3A_892 : i32 to vector<16xi32>
        %eq3A_894 = arith.cmpi eq, %gather3A_882, %eq3A_893 : vector<16xi32>
        %get3A_895 = arith.index_cast %add3A_877 : i32 to index
        %get3A_896 = arith.constant 32 : index
        %get3A_897 = tpu.vector_load %arg28[%get3A_895, %get3A_896] {strides = array<i32>} : memref<256x128xf32, #tpu.memory_space<vmem>>, vector<16xf32>,
        %select_n3A_898 = arith.select %eq3A_894, %get3A_897, %get3A_891 : vector<16xi1>, vector<16xf32>
        %eq3A_899 = arith.constant 2 : i32
        %eq3A_900 = vector.broadcast %eq3A_899 : i32 to vector<16xi32>
        %eq3A_901 = arith.cmpi eq, %gather3A_882, %eq3A_900 : vector<16xi32>
        %get3A_902 = arith.index_cast %add3A_877 : i32 to index
        %get3A_903 = arith.constant 64 : index
        %get3A_904 = tpu.vector_load %arg28[%get3A_902, %get3A_903] {strides = array<i32>} : memref<256x128xf32, #tpu.memory_space<vmem>>, vector<16xf32>,
        %select_n3A_905 = arith.select %eq3A_901, %get3A_904, %select_n3A_898 : vector<16xi1>, vector<16xf32>
        %eq3A_906 = arith.constant 3 : i32
        %eq3A_907 = vector.broadcast %eq3A_906 : i32 to vector<16xi32>
        %eq3A_908 = arith.cmpi eq, %gather3A_882, %eq3A_907 : vector<16xi32>
        %get3A_909 = arith.index_cast %add3A_877 : i32 to index
        %get3A_910 = arith.constant 96 : index
        %get3A_911 = tpu.vector_load %arg28[%get3A_909, %get3A_910] {strides = array<i32>} : memref<256x128xf32, #tpu.memory_space<vmem>>, vector<16xf32>,
        %select_n3A_912 = arith.select %eq3A_908, %get3A_911, %select_n3A_905 : vector<16xi1>, vector<16xf32>
        %get3A_913 = arith.index_cast %add3A_877 : i32 to index
        %get3A_914 = arith.constant 16 : index
        %get3A_915 = tpu.vector_load %arg28[%get3A_913, %get3A_914] {strides = array<i32>} : memref<256x128xf32, #tpu.memory_space<vmem>>, vector<16xf32>,
        %eq3A_916 = arith.constant 1 : i32
        %eq3A_917 = vector.broadcast %eq3A_916 : i32 to vector<16xi32>
        %eq3A_918 = arith.cmpi eq, %gather3A_882, %eq3A_917 : vector<16xi32>
        %get3A_919 = arith.index_cast %add3A_877 : i32 to index
        %get3A_920 = arith.constant 48 : index
        %get3A_921 = tpu.vector_load %arg28[%get3A_919, %get3A_920] {strides = array<i32>} : memref<256x128xf32, #tpu.memory_space<vmem>>, vector<16xf32>,
        %select_n3A_922 = arith.select %eq3A_918, %get3A_921, %get3A_915 : vector<16xi1>, vector<16xf32>
        %eq3A_923 = arith.constant 2 : i32
        %eq3A_924 = vector.broadcast %eq3A_923 : i32 to vector<16xi32>
        %eq3A_925 = arith.cmpi eq, %gather3A_882, %eq3A_924 : vector<16xi32>
        %get3A_926 = arith.index_cast %add3A_877 : i32 to index
        %get3A_927 = arith.constant 80 : index
        %get3A_928 = tpu.vector_load %arg28[%get3A_926, %get3A_927] {strides = array<i32>} : memref<256x128xf32, #tpu.memory_space<vmem>>, vector<16xf32>,
        %select_n3A_929 = arith.select %eq3A_925, %get3A_928, %select_n3A_922 : vector<16xi1>, vector<16xf32>
        %eq3A_930 = arith.constant 3 : i32
        %eq3A_931 = vector.broadcast %eq3A_930 : i32 to vector<16xi32>
        %eq3A_932 = arith.cmpi eq, %gather3A_882, %eq3A_931 : vector<16xi32>
        %get3A_933 = arith.index_cast %add3A_877 : i32 to index
        %get3A_934 = arith.constant 112 : index
        %get3A_935 = tpu.vector_load %arg28[%get3A_933, %get3A_934] {strides = array<i32>} : memref<256x128xf32, #tpu.memory_space<vmem>>, vector<16xf32>,
        %select_n3A_936 = arith.select %eq3A_932, %get3A_935, %select_n3A_929 : vector<16xi1>, vector<16xf32>
        %get3A_937 = arith.index_cast %add3A_877 : i32 to index
        %get3A_938 = arith.constant 0 : index
        %get3A_939 = tpu.vector_load %arg29[%get3A_937, %get3A_938] {strides = array<i32>} : memref<256x128xf32, #tpu.memory_space<vmem>>, vector<16xf32>,
        %eq3A_940 = arith.constant 1 : i32
        %eq3A_941 = vector.broadcast %eq3A_940 : i32 to vector<16xi32>
        %eq3A_942 = arith.cmpi eq, %gather3A_885, %eq3A_941 : vector<16xi32>
        %get3A_943 = arith.index_cast %add3A_877 : i32 to index
        %get3A_944 = arith.constant 32 : index
        %get3A_945 = tpu.vector_load %arg29[%get3A_943, %get3A_944] {strides = array<i32>} : memref<256x128xf32, #tpu.memory_space<vmem>>, vector<16xf32>,
        %select_n3A_946 = arith.select %eq3A_942, %get3A_945, %get3A_939 : vector<16xi1>, vector<16xf32>
        %eq3A_947 = arith.constant 2 : i32
        %eq3A_948 = vector.broadcast %eq3A_947 : i32 to vector<16xi32>
        %eq3A_949 = arith.cmpi eq, %gather3A_885, %eq3A_948 : vector<16xi32>
        %get3A_950 = arith.index_cast %add3A_877 : i32 to index
        %get3A_951 = arith.constant 64 : index
        %get3A_952 = tpu.vector_load %arg29[%get3A_950, %get3A_951] {strides = array<i32>} : memref<256x128xf32, #tpu.memory_space<vmem>>, vector<16xf32>,
        %select_n3A_953 = arith.select %eq3A_949, %get3A_952, %select_n3A_946 : vector<16xi1>, vector<16xf32>
        %eq3A_954 = arith.constant 3 : i32
        %eq3A_955 = vector.broadcast %eq3A_954 : i32 to vector<16xi32>
        %eq3A_956 = arith.cmpi eq, %gather3A_885, %eq3A_955 : vector<16xi32>
        %get3A_957 = arith.index_cast %add3A_877 : i32 to index
        %get3A_958 = arith.constant 96 : index
        %get3A_959 = tpu.vector_load %arg29[%get3A_957, %get3A_958] {strides = array<i32>} : memref<256x128xf32, #tpu.memory_space<vmem>>, vector<16xf32>,
        %select_n3A_960 = arith.select %eq3A_956, %get3A_959, %select_n3A_953 : vector<16xi1>, vector<16xf32>
        %get3A_961 = arith.index_cast %add3A_877 : i32 to index
        %get3A_962 = arith.constant 16 : index
        %get3A_963 = tpu.vector_load %arg29[%get3A_961, %get3A_962] {strides = array<i32>} : memref<256x128xf32, #tpu.memory_space<vmem>>, vector<16xf32>,
        %eq3A_964 = arith.constant 1 : i32
        %eq3A_965 = vector.broadcast %eq3A_964 : i32 to vector<16xi32>
        %eq3A_966 = arith.cmpi eq, %gather3A_885, %eq3A_965 : vector<16xi32>
        %get3A_967 = arith.index_cast %add3A_877 : i32 to index
        %get3A_968 = arith.constant 48 : index
        %get3A_969 = tpu.vector_load %arg29[%get3A_967, %get3A_968] {strides = array<i32>} : memref<256x128xf32, #tpu.memory_space<vmem>>, vector<16xf32>,
        %select_n3A_970 = arith.select %eq3A_966, %get3A_969, %get3A_963 : vector<16xi1>, vector<16xf32>
        %eq3A_971 = arith.constant 2 : i32
        %eq3A_972 = vector.broadcast %eq3A_971 : i32 to vector<16xi32>
        %eq3A_973 = arith.cmpi eq, %gather3A_885, %eq3A_972 : vector<16xi32>
        %get3A_974 = arith.index_cast %add3A_877 : i32 to index
        %get3A_975 = arith.constant 80 : index
        %get3A_976 = tpu.vector_load %arg29[%get3A_974, %get3A_975] {strides = array<i32>} : memref<256x128xf32, #tpu.memory_space<vmem>>, vector<16xf32>,
        %select_n3A_977 = arith.select %eq3A_973, %get3A_976, %select_n3A_970 : vector<16xi1>, vector<16xf32>
        %eq3A_978 = arith.constant 3 : i32
        %eq3A_979 = vector.broadcast %eq3A_978 : i32 to vector<16xi32>
        %eq3A_980 = arith.cmpi eq, %gather3A_885, %eq3A_979 : vector<16xi32>
        %get3A_981 = arith.index_cast %add3A_877 : i32 to index
        %get3A_982 = arith.constant 112 : index
        %get3A_983 = tpu.vector_load %arg29[%get3A_981, %get3A_982] {strides = array<i32>} : memref<256x128xf32, #tpu.memory_space<vmem>>, vector<16xf32>,
        %select_n3A_984 = arith.select %eq3A_980, %get3A_983, %select_n3A_977 : vector<16xi1>, vector<16xf32>
        %get3A_985 = arith.index_cast %add3A_877 : i32 to index
        %get3A_986 = arith.constant 0 : index
        %get3A_987 = tpu.vector_load %arg30[%get3A_985, %get3A_986] {strides = array<i32>} : memref<256x128xf32, #tpu.memory_space<vmem>>, vector<16xf32>,
        %eq3A_988 = arith.constant 1 : i32
        %eq3A_989 = vector.broadcast %eq3A_988 : i32 to vector<16xi32>
        %eq3A_990 = arith.cmpi eq, %gather3A_888, %eq3A_989 : vector<16xi32>
        %get3A_991 = arith.index_cast %add3A_877 : i32 to index
        %get3A_992 = arith.constant 32 : index
        %get3A_993 = tpu.vector_load %arg30[%get3A_991, %get3A_992] {strides = array<i32>} : memref<256x128xf32, #tpu.memory_space<vmem>>, vector<16xf32>,
        %select_n3A_994 = arith.select %eq3A_990, %get3A_993, %get3A_987 : vector<16xi1>, vector<16xf32>
        %eq3A_995 = arith.constant 2 : i32
        %eq3A_996 = vector.broadcast %eq3A_995 : i32 to vector<16xi32>
        %eq3A_997 = arith.cmpi eq, %gather3A_888, %eq3A_996 : vector<16xi32>
        %get3A_998 = arith.index_cast %add3A_877 : i32 to index
        %get3A_999 = arith.constant 64 : index
        %get3A_1000 = tpu.vector_load %arg30[%get3A_998, %get3A_999] {strides = array<i32>} : memref<256x128xf32, #tpu.memory_space<vmem>>, vector<16xf32>,
        %select_n3A_1001 = arith.select %eq3A_997, %get3A_1000, %select_n3A_994 : vector<16xi1>, vector<16xf32>
        %eq3A_1002 = arith.constant 3 : i32
        %eq3A_1003 = vector.broadcast %eq3A_1002 : i32 to vector<16xi32>
        %eq3A_1004 = arith.cmpi eq, %gather3A_888, %eq3A_1003 : vector<16xi32>
        %get3A_1005 = arith.index_cast %add3A_877 : i32 to index
        %get3A_1006 = arith.constant 96 : index
        %get3A_1007 = tpu.vector_load %arg30[%get3A_1005, %get3A_1006] {strides = array<i32>} : memref<256x128xf32, #tpu.memory_space<vmem>>, vector<16xf32>,
        %select_n3A_1008 = arith.select %eq3A_1004, %get3A_1007, %select_n3A_1001 : vector<16xi1>, vector<16xf32>
        %get3A_1009 = arith.index_cast %add3A_877 : i32 to index
        %get3A_1010 = arith.constant 16 : index
        %get3A_1011 = tpu.vector_load %arg30[%get3A_1009, %get3A_1010] {strides = array<i32>} : memref<256x128xf32, #tpu.memory_space<vmem>>, vector<16xf32>,
        %eq3A_1012 = arith.constant 1 : i32
        %eq3A_1013 = vector.broadcast %eq3A_1012 : i32 to vector<16xi32>
        %eq3A_1014 = arith.cmpi eq, %gather3A_888, %eq3A_1013 : vector<16xi32>
        %get3A_1015 = arith.index_cast %add3A_877 : i32 to index
        %get3A_1016 = arith.constant 48 : index
        %get3A_1017 = tpu.vector_load %arg30[%get3A_1015, %get3A_1016] {strides = array<i32>} : memref<256x128xf32, #tpu.memory_space<vmem>>, vector<16xf32>,
        %select_n3A_1018 = arith.select %eq3A_1014, %get3A_1017, %get3A_1011 : vector<16xi1>, vector<16xf32>
        %eq3A_1019 = arith.constant 2 : i32
        %eq3A_1020 = vector.broadcast %eq3A_1019 : i32 to vector<16xi32>
        %eq3A_1021 = arith.cmpi eq, %gather3A_888, %eq3A_1020 : vector<16xi32>
        %get3A_1022 = arith.index_cast %add3A_877 : i32 to index
        %get3A_1023 = arith.constant 80 : index
        %get3A_1024 = tpu.vector_load %arg30[%get3A_1022, %get3A_1023] {strides = array<i32>} : memref<256x128xf32, #tpu.memory_space<vmem>>, vector<16xf32>,
        %select_n3A_1025 = arith.select %eq3A_1021, %get3A_1024, %select_n3A_1018 : vector<16xi1>, vector<16xf32>
        %eq3A_1026 = arith.constant 3 : i32
        %eq3A_1027 = vector.broadcast %eq3A_1026 : i32 to vector<16xi32>
        %eq3A_1028 = arith.cmpi eq, %gather3A_888, %eq3A_1027 : vector<16xi32>
        %get3A_1029 = arith.index_cast %add3A_877 : i32 to index
        %get3A_1030 = arith.constant 112 : index
        %get3A_1031 = tpu.vector_load %arg30[%get3A_1029, %get3A_1030] {strides = array<i32>} : memref<256x128xf32, #tpu.memory_space<vmem>>, vector<16xf32>,
        %select_n3A_1032 = arith.select %eq3A_1028, %get3A_1031, %select_n3A_1025 : vector<16xi1>, vector<16xf32>
        %mul3A_1033 = arith.mulf %select_n3A_912, %select_n3A_960 : vector<16xf32>
        %mul3A_1034 = arith.mulf %mul3A_1033, %select_n3A_1008 : vector<16xf32>
        %mul3A_1035 = arith.mulf %select_n3A_936, %select_n3A_984 : vector<16xf32>
        %mul3A_1036 = arith.mulf %mul3A_1035, %select_n3A_1032 : vector<16xf32>
        %add3A_1037 = arith.addf %mul3A_1034, %mul3A_1036 : vector<16xf32>
        %swap3A_1038 = arith.constant 80 : index
        %swap3A_1039 = tpu.vector_load %arg36[%swap3A_1038] {strides = array<i32>} : memref<256xf32, #tpu.memory_space<vmem>>, vector<16xf32>,
        tpu.vector_store %arg36[%swap3A_1038], %add3A_1037 {strides = array<i32>} : memref<256xf32, #tpu.memory_space<vmem>>, vector<16xf32>,
        %add3A_1040 = arith.constant 6 : i32
        %add3A_1041 = arith.addi %mul3A_54, %add3A_1040 : i32
        %broadcast_in_dim3A_1042 = arith.constant 6 : i32
        %broadcast_in_dim3A_1043 = vector.broadcast %broadcast_in_dim3A_1042 : i32 to vector<16xi32>
        %reshape3A_1044 = vector.shape_cast %broadcast_in_dim3A_1043 : vector<16xi32> to vector<16x1xi32>
        %gather3A_1045 = vector.shape_cast %reshape3A_1044 : vector<16x1xi32> to vector<16xi32>
        %gather3A_1046 = tpu.dynamic_gather %get3A_57[%gather3A_1045] in [0] : vector<16xi32>, vector<16xi32> -> vector<16xi32>
        %reshape3A_1047 = vector.shape_cast %broadcast_in_dim3A_1043 : vector<16xi32> to vector<16x1xi32>
        %gather3A_1048 = vector.shape_cast %reshape3A_1047 : vector<16x1xi32> to vector<16xi32>
        %gather3A_1049 = tpu.dynamic_gather %get3A_59[%gather3A_1048] in [0] : vector<16xi32>, vector<16xi32> -> vector<16xi32>
        %reshape3A_1050 = vector.shape_cast %broadcast_in_dim3A_1043 : vector<16xi32> to vector<16x1xi32>
        %gather3A_1051 = vector.shape_cast %reshape3A_1050 : vector<16x1xi32> to vector<16xi32>
        %gather3A_1052 = tpu.dynamic_gather %get3A_61[%gather3A_1051] in [0] : vector<16xi32>, vector<16xi32> -> vector<16xi32>
        %get3A_1053 = arith.index_cast %add3A_1041 : i32 to index
        %get3A_1054 = arith.constant 0 : index
        %get3A_1055 = tpu.vector_load %arg28[%get3A_1053, %get3A_1054] {strides = array<i32>} : memref<256x128xf32, #tpu.memory_space<vmem>>, vector<16xf32>,
        %eq3A_1056 = arith.constant 1 : i32
        %eq3A_1057 = vector.broadcast %eq3A_1056 : i32 to vector<16xi32>
        %eq3A_1058 = arith.cmpi eq, %gather3A_1046, %eq3A_1057 : vector<16xi32>
        %get3A_1059 = arith.index_cast %add3A_1041 : i32 to index
        %get3A_1060 = arith.constant 32 : index
        %get3A_1061 = tpu.vector_load %arg28[%get3A_1059, %get3A_1060] {strides = array<i32>} : memref<256x128xf32, #tpu.memory_space<vmem>>, vector<16xf32>,
        %select_n3A_1062 = arith.select %eq3A_1058, %get3A_1061, %get3A_1055 : vector<16xi1>, vector<16xf32>
        %eq3A_1063 = arith.constant 2 : i32
        %eq3A_1064 = vector.broadcast %eq3A_1063 : i32 to vector<16xi32>
        %eq3A_1065 = arith.cmpi eq, %gather3A_1046, %eq3A_1064 : vector<16xi32>
        %get3A_1066 = arith.index_cast %add3A_1041 : i32 to index
        %get3A_1067 = arith.constant 64 : index
        %get3A_1068 = tpu.vector_load %arg28[%get3A_1066, %get3A_1067] {strides = array<i32>} : memref<256x128xf32, #tpu.memory_space<vmem>>, vector<16xf32>,
        %select_n3A_1069 = arith.select %eq3A_1065, %get3A_1068, %select_n3A_1062 : vector<16xi1>, vector<16xf32>
        %eq3A_1070 = arith.constant 3 : i32
        %eq3A_1071 = vector.broadcast %eq3A_1070 : i32 to vector<16xi32>
        %eq3A_1072 = arith.cmpi eq, %gather3A_1046, %eq3A_1071 : vector<16xi32>
        %get3A_1073 = arith.index_cast %add3A_1041 : i32 to index
        %get3A_1074 = arith.constant 96 : index
        %get3A_1075 = tpu.vector_load %arg28[%get3A_1073, %get3A_1074] {strides = array<i32>} : memref<256x128xf32, #tpu.memory_space<vmem>>, vector<16xf32>,
        %select_n3A_1076 = arith.select %eq3A_1072, %get3A_1075, %select_n3A_1069 : vector<16xi1>, vector<16xf32>
        %get3A_1077 = arith.index_cast %add3A_1041 : i32 to index
        %get3A_1078 = arith.constant 16 : index
        %get3A_1079 = tpu.vector_load %arg28[%get3A_1077, %get3A_1078] {strides = array<i32>} : memref<256x128xf32, #tpu.memory_space<vmem>>, vector<16xf32>,
        %eq3A_1080 = arith.constant 1 : i32
        %eq3A_1081 = vector.broadcast %eq3A_1080 : i32 to vector<16xi32>
        %eq3A_1082 = arith.cmpi eq, %gather3A_1046, %eq3A_1081 : vector<16xi32>
        %get3A_1083 = arith.index_cast %add3A_1041 : i32 to index
        %get3A_1084 = arith.constant 48 : index
        %get3A_1085 = tpu.vector_load %arg28[%get3A_1083, %get3A_1084] {strides = array<i32>} : memref<256x128xf32, #tpu.memory_space<vmem>>, vector<16xf32>,
        %select_n3A_1086 = arith.select %eq3A_1082, %get3A_1085, %get3A_1079 : vector<16xi1>, vector<16xf32>
        %eq3A_1087 = arith.constant 2 : i32
        %eq3A_1088 = vector.broadcast %eq3A_1087 : i32 to vector<16xi32>
        %eq3A_1089 = arith.cmpi eq, %gather3A_1046, %eq3A_1088 : vector<16xi32>
        %get3A_1090 = arith.index_cast %add3A_1041 : i32 to index
        %get3A_1091 = arith.constant 80 : index
        %get3A_1092 = tpu.vector_load %arg28[%get3A_1090, %get3A_1091] {strides = array<i32>} : memref<256x128xf32, #tpu.memory_space<vmem>>, vector<16xf32>,
        %select_n3A_1093 = arith.select %eq3A_1089, %get3A_1092, %select_n3A_1086 : vector<16xi1>, vector<16xf32>
        %eq3A_1094 = arith.constant 3 : i32
        %eq3A_1095 = vector.broadcast %eq3A_1094 : i32 to vector<16xi32>
        %eq3A_1096 = arith.cmpi eq, %gather3A_1046, %eq3A_1095 : vector<16xi32>
        %get3A_1097 = arith.index_cast %add3A_1041 : i32 to index
        %get3A_1098 = arith.constant 112 : index
        %get3A_1099 = tpu.vector_load %arg28[%get3A_1097, %get3A_1098] {strides = array<i32>} : memref<256x128xf32, #tpu.memory_space<vmem>>, vector<16xf32>,
        %select_n3A_1100 = arith.select %eq3A_1096, %get3A_1099, %select_n3A_1093 : vector<16xi1>, vector<16xf32>
        %get3A_1101 = arith.index_cast %add3A_1041 : i32 to index
        %get3A_1102 = arith.constant 0 : index
        %get3A_1103 = tpu.vector_load %arg29[%get3A_1101, %get3A_1102] {strides = array<i32>} : memref<256x128xf32, #tpu.memory_space<vmem>>, vector<16xf32>,
        %eq3A_1104 = arith.constant 1 : i32
        %eq3A_1105 = vector.broadcast %eq3A_1104 : i32 to vector<16xi32>
        %eq3A_1106 = arith.cmpi eq, %gather3A_1049, %eq3A_1105 : vector<16xi32>
        %get3A_1107 = arith.index_cast %add3A_1041 : i32 to index
        %get3A_1108 = arith.constant 32 : index
        %get3A_1109 = tpu.vector_load %arg29[%get3A_1107, %get3A_1108] {strides = array<i32>} : memref<256x128xf32, #tpu.memory_space<vmem>>, vector<16xf32>,
        %select_n3A_1110 = arith.select %eq3A_1106, %get3A_1109, %get3A_1103 : vector<16xi1>, vector<16xf32>
        %eq3A_1111 = arith.constant 2 : i32
        %eq3A_1112 = vector.broadcast %eq3A_1111 : i32 to vector<16xi32>
        %eq3A_1113 = arith.cmpi eq, %gather3A_1049, %eq3A_1112 : vector<16xi32>
        %get3A_1114 = arith.index_cast %add3A_1041 : i32 to index
        %get3A_1115 = arith.constant 64 : index
        %get3A_1116 = tpu.vector_load %arg29[%get3A_1114, %get3A_1115] {strides = array<i32>} : memref<256x128xf32, #tpu.memory_space<vmem>>, vector<16xf32>,
        %select_n3A_1117 = arith.select %eq3A_1113, %get3A_1116, %select_n3A_1110 : vector<16xi1>, vector<16xf32>
        %eq3A_1118 = arith.constant 3 : i32
        %eq3A_1119 = vector.broadcast %eq3A_1118 : i32 to vector<16xi32>
        %eq3A_1120 = arith.cmpi eq, %gather3A_1049, %eq3A_1119 : vector<16xi32>
        %get3A_1121 = arith.index_cast %add3A_1041 : i32 to index
        %get3A_1122 = arith.constant 96 : index
        %get3A_1123 = tpu.vector_load %arg29[%get3A_1121, %get3A_1122] {strides = array<i32>} : memref<256x128xf32, #tpu.memory_space<vmem>>, vector<16xf32>,
        %select_n3A_1124 = arith.select %eq3A_1120, %get3A_1123, %select_n3A_1117 : vector<16xi1>, vector<16xf32>
        %get3A_1125 = arith.index_cast %add3A_1041 : i32 to index
        %get3A_1126 = arith.constant 16 : index
        %get3A_1127 = tpu.vector_load %arg29[%get3A_1125, %get3A_1126] {strides = array<i32>} : memref<256x128xf32, #tpu.memory_space<vmem>>, vector<16xf32>,
        %eq3A_1128 = arith.constant 1 : i32
        %eq3A_1129 = vector.broadcast %eq3A_1128 : i32 to vector<16xi32>
        %eq3A_1130 = arith.cmpi eq, %gather3A_1049, %eq3A_1129 : vector<16xi32>
        %get3A_1131 = arith.index_cast %add3A_1041 : i32 to index
        %get3A_1132 = arith.constant 48 : index
        %get3A_1133 = tpu.vector_load %arg29[%get3A_1131, %get3A_1132] {strides = array<i32>} : memref<256x128xf32, #tpu.memory_space<vmem>>, vector<16xf32>,
        %select_n3A_1134 = arith.select %eq3A_1130, %get3A_1133, %get3A_1127 : vector<16xi1>, vector<16xf32>
        %eq3A_1135 = arith.constant 2 : i32
        %eq3A_1136 = vector.broadcast %eq3A_1135 : i32 to vector<16xi32>
        %eq3A_1137 = arith.cmpi eq, %gather3A_1049, %eq3A_1136 : vector<16xi32>
        %get3A_1138 = arith.index_cast %add3A_1041 : i32 to index
        %get3A_1139 = arith.constant 80 : index
        %get3A_1140 = tpu.vector_load %arg29[%get3A_1138, %get3A_1139] {strides = array<i32>} : memref<256x128xf32, #tpu.memory_space<vmem>>, vector<16xf32>,
        %select_n3A_1141 = arith.select %eq3A_1137, %get3A_1140, %select_n3A_1134 : vector<16xi1>, vector<16xf32>
        %eq3A_1142 = arith.constant 3 : i32
        %eq3A_1143 = vector.broadcast %eq3A_1142 : i32 to vector<16xi32>
        %eq3A_1144 = arith.cmpi eq, %gather3A_1049, %eq3A_1143 : vector<16xi32>
        %get3A_1145 = arith.index_cast %add3A_1041 : i32 to index
        %get3A_1146 = arith.constant 112 : index
        %get3A_1147 = tpu.vector_load %arg29[%get3A_1145, %get3A_1146] {strides = array<i32>} : memref<256x128xf32, #tpu.memory_space<vmem>>, vector<16xf32>,
        %select_n3A_1148 = arith.select %eq3A_1144, %get3A_1147, %select_n3A_1141 : vector<16xi1>, vector<16xf32>
        %get3A_1149 = arith.index_cast %add3A_1041 : i32 to index
        %get3A_1150 = arith.constant 0 : index
        %get3A_1151 = tpu.vector_load %arg30[%get3A_1149, %get3A_1150] {strides = array<i32>} : memref<256x128xf32, #tpu.memory_space<vmem>>, vector<16xf32>,
        %eq3A_1152 = arith.constant 1 : i32
        %eq3A_1153 = vector.broadcast %eq3A_1152 : i32 to vector<16xi32>
        %eq3A_1154 = arith.cmpi eq, %gather3A_1052, %eq3A_1153 : vector<16xi32>
        %get3A_1155 = arith.index_cast %add3A_1041 : i32 to index
        %get3A_1156 = arith.constant 32 : index
        %get3A_1157 = tpu.vector_load %arg30[%get3A_1155, %get3A_1156] {strides = array<i32>} : memref<256x128xf32, #tpu.memory_space<vmem>>, vector<16xf32>,
        %select_n3A_1158 = arith.select %eq3A_1154, %get3A_1157, %get3A_1151 : vector<16xi1>, vector<16xf32>
        %eq3A_1159 = arith.constant 2 : i32
        %eq3A_1160 = vector.broadcast %eq3A_1159 : i32 to vector<16xi32>
        %eq3A_1161 = arith.cmpi eq, %gather3A_1052, %eq3A_1160 : vector<16xi32>
        %get3A_1162 = arith.index_cast %add3A_1041 : i32 to index
        %get3A_1163 = arith.constant 64 : index
        %get3A_1164 = tpu.vector_load %arg30[%get3A_1162, %get3A_1163] {strides = array<i32>} : memref<256x128xf32, #tpu.memory_space<vmem>>, vector<16xf32>,
        %select_n3A_1165 = arith.select %eq3A_1161, %get3A_1164, %select_n3A_1158 : vector<16xi1>, vector<16xf32>
        %eq3A_1166 = arith.constant 3 : i32
        %eq3A_1167 = vector.broadcast %eq3A_1166 : i32 to vector<16xi32>
        %eq3A_1168 = arith.cmpi eq, %gather3A_1052, %eq3A_1167 : vector<16xi32>
        %get3A_1169 = arith.index_cast %add3A_1041 : i32 to index
        %get3A_1170 = arith.constant 96 : index
        %get3A_1171 = tpu.vector_load %arg30[%get3A_1169, %get3A_1170] {strides = array<i32>} : memref<256x128xf32, #tpu.memory_space<vmem>>, vector<16xf32>,
        %select_n3A_1172 = arith.select %eq3A_1168, %get3A_1171, %select_n3A_1165 : vector<16xi1>, vector<16xf32>
        %get3A_1173 = arith.index_cast %add3A_1041 : i32 to index
        %get3A_1174 = arith.constant 16 : index
        %get3A_1175 = tpu.vector_load %arg30[%get3A_1173, %get3A_1174] {strides = array<i32>} : memref<256x128xf32, #tpu.memory_space<vmem>>, vector<16xf32>,
        %eq3A_1176 = arith.constant 1 : i32
        %eq3A_1177 = vector.broadcast %eq3A_1176 : i32 to vector<16xi32>
        %eq3A_1178 = arith.cmpi eq, %gather3A_1052, %eq3A_1177 : vector<16xi32>
        %get3A_1179 = arith.index_cast %add3A_1041 : i32 to index
        %get3A_1180 = arith.constant 48 : index
        %get3A_1181 = tpu.vector_load %arg30[%get3A_1179, %get3A_1180] {strides = array<i32>} : memref<256x128xf32, #tpu.memory_space<vmem>>, vector<16xf32>,
        %select_n3A_1182 = arith.select %eq3A_1178, %get3A_1181, %get3A_1175 : vector<16xi1>, vector<16xf32>
        %eq3A_1183 = arith.constant 2 : i32
        %eq3A_1184 = vector.broadcast %eq3A_1183 : i32 to vector<16xi32>
        %eq3A_1185 = arith.cmpi eq, %gather3A_1052, %eq3A_1184 : vector<16xi32>
        %get3A_1186 = arith.index_cast %add3A_1041 : i32 to index
        %get3A_1187 = arith.constant 80 : index
        %get3A_1188 = tpu.vector_load %arg30[%get3A_1186, %get3A_1187] {strides = array<i32>} : memref<256x128xf32, #tpu.memory_space<vmem>>, vector<16xf32>,
        %select_n3A_1189 = arith.select %eq3A_1185, %get3A_1188, %select_n3A_1182 : vector<16xi1>, vector<16xf32>
        %eq3A_1190 = arith.constant 3 : i32
        %eq3A_1191 = vector.broadcast %eq3A_1190 : i32 to vector<16xi32>
        %eq3A_1192 = arith.cmpi eq, %gather3A_1052, %eq3A_1191 : vector<16xi32>
        %get3A_1193 = arith.index_cast %add3A_1041 : i32 to index
        %get3A_1194 = arith.constant 112 : index
        %get3A_1195 = tpu.vector_load %arg30[%get3A_1193, %get3A_1194] {strides = array<i32>} : memref<256x128xf32, #tpu.memory_space<vmem>>, vector<16xf32>,
        %select_n3A_1196 = arith.select %eq3A_1192, %get3A_1195, %select_n3A_1189 : vector<16xi1>, vector<16xf32>
        %mul3A_1197 = arith.mulf %select_n3A_1076, %select_n3A_1124 : vector<16xf32>
        %mul3A_1198 = arith.mulf %mul3A_1197, %select_n3A_1172 : vector<16xf32>
        %mul3A_1199 = arith.mulf %select_n3A_1100, %select_n3A_1148 : vector<16xf32>
        %mul3A_1200 = arith.mulf %mul3A_1199, %select_n3A_1196 : vector<16xf32>
        %add3A_1201 = arith.addf %mul3A_1198, %mul3A_1200 : vector<16xf32>
        %swap3A_1202 = arith.constant 96 : index
        %swap3A_1203 = tpu.vector_load %arg36[%swap3A_1202] {strides = array<i32>} : memref<256xf32, #tpu.memory_space<vmem>>, vector<16xf32>,
        tpu.vector_store %arg36[%swap3A_1202], %add3A_1201 {strides = array<i32>} : memref<256xf32, #tpu.memory_space<vmem>>, vector<16xf32>,
        %add3A_1204 = arith.constant 7 : i32
        %add3A_1205 = arith.addi %mul3A_54, %add3A_1204 : i32
        %broadcast_in_dim3A_1206 = arith.constant 7 : i32
        %broadcast_in_dim3A_1207 = vector.broadcast %broadcast_in_dim3A_1206 : i32 to vector<16xi32>
        %reshape3A_1208 = vector.shape_cast %broadcast_in_dim3A_1207 : vector<16xi32> to vector<16x1xi32>
        %gather3A_1209 = vector.shape_cast %reshape3A_1208 : vector<16x1xi32> to vector<16xi32>
        %gather3A_1210 = tpu.dynamic_gather %get3A_57[%gather3A_1209] in [0] : vector<16xi32>, vector<16xi32> -> vector<16xi32>
        %reshape3A_1211 = vector.shape_cast %broadcast_in_dim3A_1207 : vector<16xi32> to vector<16x1xi32>
        %gather3A_1212 = vector.shape_cast %reshape3A_1211 : vector<16x1xi32> to vector<16xi32>
        %gather3A_1213 = tpu.dynamic_gather %get3A_59[%gather3A_1212] in [0] : vector<16xi32>, vector<16xi32> -> vector<16xi32>
        %reshape3A_1214 = vector.shape_cast %broadcast_in_dim3A_1207 : vector<16xi32> to vector<16x1xi32>
        %gather3A_1215 = vector.shape_cast %reshape3A_1214 : vector<16x1xi32> to vector<16xi32>
        %gather3A_1216 = tpu.dynamic_gather %get3A_61[%gather3A_1215] in [0] : vector<16xi32>, vector<16xi32> -> vector<16xi32>
        %get3A_1217 = arith.index_cast %add3A_1205 : i32 to index
        %get3A_1218 = arith.constant 0 : index
        %get3A_1219 = tpu.vector_load %arg28[%get3A_1217, %get3A_1218] {strides = array<i32>} : memref<256x128xf32, #tpu.memory_space<vmem>>, vector<16xf32>,
        %eq3A_1220 = arith.constant 1 : i32
        %eq3A_1221 = vector.broadcast %eq3A_1220 : i32 to vector<16xi32>
        %eq3A_1222 = arith.cmpi eq, %gather3A_1210, %eq3A_1221 : vector<16xi32>
        %get3A_1223 = arith.index_cast %add3A_1205 : i32 to index
        %get3A_1224 = arith.constant 32 : index
        %get3A_1225 = tpu.vector_load %arg28[%get3A_1223, %get3A_1224] {strides = array<i32>} : memref<256x128xf32, #tpu.memory_space<vmem>>, vector<16xf32>,
        %select_n3A_1226 = arith.select %eq3A_1222, %get3A_1225, %get3A_1219 : vector<16xi1>, vector<16xf32>
        %eq3A_1227 = arith.constant 2 : i32
        %eq3A_1228 = vector.broadcast %eq3A_1227 : i32 to vector<16xi32>
        %eq3A_1229 = arith.cmpi eq, %gather3A_1210, %eq3A_1228 : vector<16xi32>
        %get3A_1230 = arith.index_cast %add3A_1205 : i32 to index
        %get3A_1231 = arith.constant 64 : index
        %get3A_1232 = tpu.vector_load %arg28[%get3A_1230, %get3A_1231] {strides = array<i32>} : memref<256x128xf32, #tpu.memory_space<vmem>>, vector<16xf32>,
        %select_n3A_1233 = arith.select %eq3A_1229, %get3A_1232, %select_n3A_1226 : vector<16xi1>, vector<16xf32>
        %eq3A_1234 = arith.constant 3 : i32
        %eq3A_1235 = vector.broadcast %eq3A_1234 : i32 to vector<16xi32>
        %eq3A_1236 = arith.cmpi eq, %gather3A_1210, %eq3A_1235 : vector<16xi32>
        %get3A_1237 = arith.index_cast %add3A_1205 : i32 to index
        %get3A_1238 = arith.constant 96 : index
        %get3A_1239 = tpu.vector_load %arg28[%get3A_1237, %get3A_1238] {strides = array<i32>} : memref<256x128xf32, #tpu.memory_space<vmem>>, vector<16xf32>,
        %select_n3A_1240 = arith.select %eq3A_1236, %get3A_1239, %select_n3A_1233 : vector<16xi1>, vector<16xf32>
        %get3A_1241 = arith.index_cast %add3A_1205 : i32 to index
        %get3A_1242 = arith.constant 16 : index
        %get3A_1243 = tpu.vector_load %arg28[%get3A_1241, %get3A_1242] {strides = array<i32>} : memref<256x128xf32, #tpu.memory_space<vmem>>, vector<16xf32>,
        %eq3A_1244 = arith.constant 1 : i32
        %eq3A_1245 = vector.broadcast %eq3A_1244 : i32 to vector<16xi32>
        %eq3A_1246 = arith.cmpi eq, %gather3A_1210, %eq3A_1245 : vector<16xi32>
        %get3A_1247 = arith.index_cast %add3A_1205 : i32 to index
        %get3A_1248 = arith.constant 48 : index
        %get3A_1249 = tpu.vector_load %arg28[%get3A_1247, %get3A_1248] {strides = array<i32>} : memref<256x128xf32, #tpu.memory_space<vmem>>, vector<16xf32>,
        %select_n3A_1250 = arith.select %eq3A_1246, %get3A_1249, %get3A_1243 : vector<16xi1>, vector<16xf32>
        %eq3A_1251 = arith.constant 2 : i32
        %eq3A_1252 = vector.broadcast %eq3A_1251 : i32 to vector<16xi32>
        %eq3A_1253 = arith.cmpi eq, %gather3A_1210, %eq3A_1252 : vector<16xi32>
        %get3A_1254 = arith.index_cast %add3A_1205 : i32 to index
        %get3A_1255 = arith.constant 80 : index
        %get3A_1256 = tpu.vector_load %arg28[%get3A_1254, %get3A_1255] {strides = array<i32>} : memref<256x128xf32, #tpu.memory_space<vmem>>, vector<16xf32>,
        %select_n3A_1257 = arith.select %eq3A_1253, %get3A_1256, %select_n3A_1250 : vector<16xi1>, vector<16xf32>
        %eq3A_1258 = arith.constant 3 : i32
        %eq3A_1259 = vector.broadcast %eq3A_1258 : i32 to vector<16xi32>
        %eq3A_1260 = arith.cmpi eq, %gather3A_1210, %eq3A_1259 : vector<16xi32>
        %get3A_1261 = arith.index_cast %add3A_1205 : i32 to index
        %get3A_1262 = arith.constant 112 : index
        %get3A_1263 = tpu.vector_load %arg28[%get3A_1261, %get3A_1262] {strides = array<i32>} : memref<256x128xf32, #tpu.memory_space<vmem>>, vector<16xf32>,
        %select_n3A_1264 = arith.select %eq3A_1260, %get3A_1263, %select_n3A_1257 : vector<16xi1>, vector<16xf32>
        %get3A_1265 = arith.index_cast %add3A_1205 : i32 to index
        %get3A_1266 = arith.constant 0 : index
        %get3A_1267 = tpu.vector_load %arg29[%get3A_1265, %get3A_1266] {strides = array<i32>} : memref<256x128xf32, #tpu.memory_space<vmem>>, vector<16xf32>,
        %eq3A_1268 = arith.constant 1 : i32
        %eq3A_1269 = vector.broadcast %eq3A_1268 : i32 to vector<16xi32>
        %eq3A_1270 = arith.cmpi eq, %gather3A_1213, %eq3A_1269 : vector<16xi32>
        %get3A_1271 = arith.index_cast %add3A_1205 : i32 to index
        %get3A_1272 = arith.constant 32 : index
        %get3A_1273 = tpu.vector_load %arg29[%get3A_1271, %get3A_1272] {strides = array<i32>} : memref<256x128xf32, #tpu.memory_space<vmem>>, vector<16xf32>,
        %select_n3A_1274 = arith.select %eq3A_1270, %get3A_1273, %get3A_1267 : vector<16xi1>, vector<16xf32>
        %eq3A_1275 = arith.constant 2 : i32
        %eq3A_1276 = vector.broadcast %eq3A_1275 : i32 to vector<16xi32>
        %eq3A_1277 = arith.cmpi eq, %gather3A_1213, %eq3A_1276 : vector<16xi32>
        %get3A_1278 = arith.index_cast %add3A_1205 : i32 to index
        %get3A_1279 = arith.constant 64 : index
        %get3A_1280 = tpu.vector_load %arg29[%get3A_1278, %get3A_1279] {strides = array<i32>} : memref<256x128xf32, #tpu.memory_space<vmem>>, vector<16xf32>,
        %select_n3A_1281 = arith.select %eq3A_1277, %get3A_1280, %select_n3A_1274 : vector<16xi1>, vector<16xf32>
        %eq3A_1282 = arith.constant 3 : i32
        %eq3A_1283 = vector.broadcast %eq3A_1282 : i32 to vector<16xi32>
        %eq3A_1284 = arith.cmpi eq, %gather3A_1213, %eq3A_1283 : vector<16xi32>
        %get3A_1285 = arith.index_cast %add3A_1205 : i32 to index
        %get3A_1286 = arith.constant 96 : index
        %get3A_1287 = tpu.vector_load %arg29[%get3A_1285, %get3A_1286] {strides = array<i32>} : memref<256x128xf32, #tpu.memory_space<vmem>>, vector<16xf32>,
        %select_n3A_1288 = arith.select %eq3A_1284, %get3A_1287, %select_n3A_1281 : vector<16xi1>, vector<16xf32>
        %get3A_1289 = arith.index_cast %add3A_1205 : i32 to index
        %get3A_1290 = arith.constant 16 : index
        %get3A_1291 = tpu.vector_load %arg29[%get3A_1289, %get3A_1290] {strides = array<i32>} : memref<256x128xf32, #tpu.memory_space<vmem>>, vector<16xf32>,
        %eq3A_1292 = arith.constant 1 : i32
        %eq3A_1293 = vector.broadcast %eq3A_1292 : i32 to vector<16xi32>
        %eq3A_1294 = arith.cmpi eq, %gather3A_1213, %eq3A_1293 : vector<16xi32>
        %get3A_1295 = arith.index_cast %add3A_1205 : i32 to index
        %get3A_1296 = arith.constant 48 : index
        %get3A_1297 = tpu.vector_load %arg29[%get3A_1295, %get3A_1296] {strides = array<i32>} : memref<256x128xf32, #tpu.memory_space<vmem>>, vector<16xf32>,
        %select_n3A_1298 = arith.select %eq3A_1294, %get3A_1297, %get3A_1291 : vector<16xi1>, vector<16xf32>
        %eq3A_1299 = arith.constant 2 : i32
        %eq3A_1300 = vector.broadcast %eq3A_1299 : i32 to vector<16xi32>
        %eq3A_1301 = arith.cmpi eq, %gather3A_1213, %eq3A_1300 : vector<16xi32>
        %get3A_1302 = arith.index_cast %add3A_1205 : i32 to index
        %get3A_1303 = arith.constant 80 : index
        %get3A_1304 = tpu.vector_load %arg29[%get3A_1302, %get3A_1303] {strides = array<i32>} : memref<256x128xf32, #tpu.memory_space<vmem>>, vector<16xf32>,
        %select_n3A_1305 = arith.select %eq3A_1301, %get3A_1304, %select_n3A_1298 : vector<16xi1>, vector<16xf32>
        %eq3A_1306 = arith.constant 3 : i32
        %eq3A_1307 = vector.broadcast %eq3A_1306 : i32 to vector<16xi32>
        %eq3A_1308 = arith.cmpi eq, %gather3A_1213, %eq3A_1307 : vector<16xi32>
        %get3A_1309 = arith.index_cast %add3A_1205 : i32 to index
        %get3A_1310 = arith.constant 112 : index
        %get3A_1311 = tpu.vector_load %arg29[%get3A_1309, %get3A_1310] {strides = array<i32>} : memref<256x128xf32, #tpu.memory_space<vmem>>, vector<16xf32>,
        %select_n3A_1312 = arith.select %eq3A_1308, %get3A_1311, %select_n3A_1305 : vector<16xi1>, vector<16xf32>
        %get3A_1313 = arith.index_cast %add3A_1205 : i32 to index
        %get3A_1314 = arith.constant 0 : index
        %get3A_1315 = tpu.vector_load %arg30[%get3A_1313, %get3A_1314] {strides = array<i32>} : memref<256x128xf32, #tpu.memory_space<vmem>>, vector<16xf32>,
        %eq3A_1316 = arith.constant 1 : i32
        %eq3A_1317 = vector.broadcast %eq3A_1316 : i32 to vector<16xi32>
        %eq3A_1318 = arith.cmpi eq, %gather3A_1216, %eq3A_1317 : vector<16xi32>
        %get3A_1319 = arith.index_cast %add3A_1205 : i32 to index
        %get3A_1320 = arith.constant 32 : index
        %get3A_1321 = tpu.vector_load %arg30[%get3A_1319, %get3A_1320] {strides = array<i32>} : memref<256x128xf32, #tpu.memory_space<vmem>>, vector<16xf32>,
        %select_n3A_1322 = arith.select %eq3A_1318, %get3A_1321, %get3A_1315 : vector<16xi1>, vector<16xf32>
        %eq3A_1323 = arith.constant 2 : i32
        %eq3A_1324 = vector.broadcast %eq3A_1323 : i32 to vector<16xi32>
        %eq3A_1325 = arith.cmpi eq, %gather3A_1216, %eq3A_1324 : vector<16xi32>
        %get3A_1326 = arith.index_cast %add3A_1205 : i32 to index
        %get3A_1327 = arith.constant 64 : index
        %get3A_1328 = tpu.vector_load %arg30[%get3A_1326, %get3A_1327] {strides = array<i32>} : memref<256x128xf32, #tpu.memory_space<vmem>>, vector<16xf32>,
        %select_n3A_1329 = arith.select %eq3A_1325, %get3A_1328, %select_n3A_1322 : vector<16xi1>, vector<16xf32>
        %eq3A_1330 = arith.constant 3 : i32
        %eq3A_1331 = vector.broadcast %eq3A_1330 : i32 to vector<16xi32>
        %eq3A_1332 = arith.cmpi eq, %gather3A_1216, %eq3A_1331 : vector<16xi32>
        %get3A_1333 = arith.index_cast %add3A_1205 : i32 to index
        %get3A_1334 = arith.constant 96 : index
        %get3A_1335 = tpu.vector_load %arg30[%get3A_1333, %get3A_1334] {strides = array<i32>} : memref<256x128xf32, #tpu.memory_space<vmem>>, vector<16xf32>,
        %select_n3A_1336 = arith.select %eq3A_1332, %get3A_1335, %select_n3A_1329 : vector<16xi1>, vector<16xf32>
        %get3A_1337 = arith.index_cast %add3A_1205 : i32 to index
        %get3A_1338 = arith.constant 16 : index
        %get3A_1339 = tpu.vector_load %arg30[%get3A_1337, %get3A_1338] {strides = array<i32>} : memref<256x128xf32, #tpu.memory_space<vmem>>, vector<16xf32>,
        %eq3A_1340 = arith.constant 1 : i32
        %eq3A_1341 = vector.broadcast %eq3A_1340 : i32 to vector<16xi32>
        %eq3A_1342 = arith.cmpi eq, %gather3A_1216, %eq3A_1341 : vector<16xi32>
        %get3A_1343 = arith.index_cast %add3A_1205 : i32 to index
        %get3A_1344 = arith.constant 48 : index
        %get3A_1345 = tpu.vector_load %arg30[%get3A_1343, %get3A_1344] {strides = array<i32>} : memref<256x128xf32, #tpu.memory_space<vmem>>, vector<16xf32>,
        %select_n3A_1346 = arith.select %eq3A_1342, %get3A_1345, %get3A_1339 : vector<16xi1>, vector<16xf32>
        %eq3A_1347 = arith.constant 2 : i32
        %eq3A_1348 = vector.broadcast %eq3A_1347 : i32 to vector<16xi32>
        %eq3A_1349 = arith.cmpi eq, %gather3A_1216, %eq3A_1348 : vector<16xi32>
        %get3A_1350 = arith.index_cast %add3A_1205 : i32 to index
        %get3A_1351 = arith.constant 80 : index
        %get3A_1352 = tpu.vector_load %arg30[%get3A_1350, %get3A_1351] {strides = array<i32>} : memref<256x128xf32, #tpu.memory_space<vmem>>, vector<16xf32>,
        %select_n3A_1353 = arith.select %eq3A_1349, %get3A_1352, %select_n3A_1346 : vector<16xi1>, vector<16xf32>
        %eq3A_1354 = arith.constant 3 : i32
        %eq3A_1355 = vector.broadcast %eq3A_1354 : i32 to vector<16xi32>
        %eq3A_1356 = arith.cmpi eq, %gather3A_1216, %eq3A_1355 : vector<16xi32>
        %get3A_1357 = arith.index_cast %add3A_1205 : i32 to index
        %get3A_1358 = arith.constant 112 : index
        %get3A_1359 = tpu.vector_load %arg30[%get3A_1357, %get3A_1358] {strides = array<i32>} : memref<256x128xf32, #tpu.memory_space<vmem>>, vector<16xf32>,
        %select_n3A_1360 = arith.select %eq3A_1356, %get3A_1359, %select_n3A_1353 : vector<16xi1>, vector<16xf32>
        %mul3A_1361 = arith.mulf %select_n3A_1240, %select_n3A_1288 : vector<16xf32>
        %mul3A_1362 = arith.mulf %mul3A_1361, %select_n3A_1336 : vector<16xf32>
        %mul3A_1363 = arith.mulf %select_n3A_1264, %select_n3A_1312 : vector<16xf32>
        %mul3A_1364 = arith.mulf %mul3A_1363, %select_n3A_1360 : vector<16xf32>
        %add3A_1365 = arith.addf %mul3A_1362, %mul3A_1364 : vector<16xf32>
        %swap3A_1366 = arith.constant 112 : index
        %swap3A_1367 = tpu.vector_load %arg36[%swap3A_1366] {strides = array<i32>} : memref<256xf32, #tpu.memory_space<vmem>>, vector<16xf32>,
        tpu.vector_store %arg36[%swap3A_1366], %add3A_1365 {strides = array<i32>} : memref<256xf32, #tpu.memory_space<vmem>>, vector<16xf32>,
        %add3A_1368 = arith.constant 8 : i32
        %add3A_1369 = arith.addi %mul3A_54, %add3A_1368 : i32
        %broadcast_in_dim3A_1370 = arith.constant 8 : i32
        %broadcast_in_dim3A_1371 = vector.broadcast %broadcast_in_dim3A_1370 : i32 to vector<16xi32>
        %reshape3A_1372 = vector.shape_cast %broadcast_in_dim3A_1371 : vector<16xi32> to vector<16x1xi32>
        %gather3A_1373 = vector.shape_cast %reshape3A_1372 : vector<16x1xi32> to vector<16xi32>
        %gather3A_1374 = tpu.dynamic_gather %get3A_57[%gather3A_1373] in [0] : vector<16xi32>, vector<16xi32> -> vector<16xi32>
        %reshape3A_1375 = vector.shape_cast %broadcast_in_dim3A_1371 : vector<16xi32> to vector<16x1xi32>
        %gather3A_1376 = vector.shape_cast %reshape3A_1375 : vector<16x1xi32> to vector<16xi32>
        %gather3A_1377 = tpu.dynamic_gather %get3A_59[%gather3A_1376] in [0] : vector<16xi32>, vector<16xi32> -> vector<16xi32>
        %reshape3A_1378 = vector.shape_cast %broadcast_in_dim3A_1371 : vector<16xi32> to vector<16x1xi32>
        %gather3A_1379 = vector.shape_cast %reshape3A_1378 : vector<16x1xi32> to vector<16xi32>
        %gather3A_1380 = tpu.dynamic_gather %get3A_61[%gather3A_1379] in [0] : vector<16xi32>, vector<16xi32> -> vector<16xi32>
        %get3A_1381 = arith.index_cast %add3A_1369 : i32 to index
        %get3A_1382 = arith.constant 0 : index
        %get3A_1383 = tpu.vector_load %arg28[%get3A_1381, %get3A_1382] {strides = array<i32>} : memref<256x128xf32, #tpu.memory_space<vmem>>, vector<16xf32>,
        %eq3A_1384 = arith.constant 1 : i32
        %eq3A_1385 = vector.broadcast %eq3A_1384 : i32 to vector<16xi32>
        %eq3A_1386 = arith.cmpi eq, %gather3A_1374, %eq3A_1385 : vector<16xi32>
        %get3A_1387 = arith.index_cast %add3A_1369 : i32 to index
        %get3A_1388 = arith.constant 32 : index
        %get3A_1389 = tpu.vector_load %arg28[%get3A_1387, %get3A_1388] {strides = array<i32>} : memref<256x128xf32, #tpu.memory_space<vmem>>, vector<16xf32>,
        %select_n3A_1390 = arith.select %eq3A_1386, %get3A_1389, %get3A_1383 : vector<16xi1>, vector<16xf32>
        %eq3A_1391 = arith.constant 2 : i32
        %eq3A_1392 = vector.broadcast %eq3A_1391 : i32 to vector<16xi32>
        %eq3A_1393 = arith.cmpi eq, %gather3A_1374, %eq3A_1392 : vector<16xi32>
        %get3A_1394 = arith.index_cast %add3A_1369 : i32 to index
        %get3A_1395 = arith.constant 64 : index
        %get3A_1396 = tpu.vector_load %arg28[%get3A_1394, %get3A_1395] {strides = array<i32>} : memref<256x128xf32, #tpu.memory_space<vmem>>, vector<16xf32>,
        %select_n3A_1397 = arith.select %eq3A_1393, %get3A_1396, %select_n3A_1390 : vector<16xi1>, vector<16xf32>
        %eq3A_1398 = arith.constant 3 : i32
        %eq3A_1399 = vector.broadcast %eq3A_1398 : i32 to vector<16xi32>
        %eq3A_1400 = arith.cmpi eq, %gather3A_1374, %eq3A_1399 : vector<16xi32>
        %get3A_1401 = arith.index_cast %add3A_1369 : i32 to index
        %get3A_1402 = arith.constant 96 : index
        %get3A_1403 = tpu.vector_load %arg28[%get3A_1401, %get3A_1402] {strides = array<i32>} : memref<256x128xf32, #tpu.memory_space<vmem>>, vector<16xf32>,
        %select_n3A_1404 = arith.select %eq3A_1400, %get3A_1403, %select_n3A_1397 : vector<16xi1>, vector<16xf32>
        %get3A_1405 = arith.index_cast %add3A_1369 : i32 to index
        %get3A_1406 = arith.constant 16 : index
        %get3A_1407 = tpu.vector_load %arg28[%get3A_1405, %get3A_1406] {strides = array<i32>} : memref<256x128xf32, #tpu.memory_space<vmem>>, vector<16xf32>,
        %eq3A_1408 = arith.constant 1 : i32
        %eq3A_1409 = vector.broadcast %eq3A_1408 : i32 to vector<16xi32>
        %eq3A_1410 = arith.cmpi eq, %gather3A_1374, %eq3A_1409 : vector<16xi32>
        %get3A_1411 = arith.index_cast %add3A_1369 : i32 to index
        %get3A_1412 = arith.constant 48 : index
        %get3A_1413 = tpu.vector_load %arg28[%get3A_1411, %get3A_1412] {strides = array<i32>} : memref<256x128xf32, #tpu.memory_space<vmem>>, vector<16xf32>,
        %select_n3A_1414 = arith.select %eq3A_1410, %get3A_1413, %get3A_1407 : vector<16xi1>, vector<16xf32>
        %eq3A_1415 = arith.constant 2 : i32
        %eq3A_1416 = vector.broadcast %eq3A_1415 : i32 to vector<16xi32>
        %eq3A_1417 = arith.cmpi eq, %gather3A_1374, %eq3A_1416 : vector<16xi32>
        %get3A_1418 = arith.index_cast %add3A_1369 : i32 to index
        %get3A_1419 = arith.constant 80 : index
        %get3A_1420 = tpu.vector_load %arg28[%get3A_1418, %get3A_1419] {strides = array<i32>} : memref<256x128xf32, #tpu.memory_space<vmem>>, vector<16xf32>,
        %select_n3A_1421 = arith.select %eq3A_1417, %get3A_1420, %select_n3A_1414 : vector<16xi1>, vector<16xf32>
        %eq3A_1422 = arith.constant 3 : i32
        %eq3A_1423 = vector.broadcast %eq3A_1422 : i32 to vector<16xi32>
        %eq3A_1424 = arith.cmpi eq, %gather3A_1374, %eq3A_1423 : vector<16xi32>
        %get3A_1425 = arith.index_cast %add3A_1369 : i32 to index
        %get3A_1426 = arith.constant 112 : index
        %get3A_1427 = tpu.vector_load %arg28[%get3A_1425, %get3A_1426] {strides = array<i32>} : memref<256x128xf32, #tpu.memory_space<vmem>>, vector<16xf32>,
        %select_n3A_1428 = arith.select %eq3A_1424, %get3A_1427, %select_n3A_1421 : vector<16xi1>, vector<16xf32>
        %get3A_1429 = arith.index_cast %add3A_1369 : i32 to index
        %get3A_1430 = arith.constant 0 : index
        %get3A_1431 = tpu.vector_load %arg29[%get3A_1429, %get3A_1430] {strides = array<i32>} : memref<256x128xf32, #tpu.memory_space<vmem>>, vector<16xf32>,
        %eq3A_1432 = arith.constant 1 : i32
        %eq3A_1433 = vector.broadcast %eq3A_1432 : i32 to vector<16xi32>
        %eq3A_1434 = arith.cmpi eq, %gather3A_1377, %eq3A_1433 : vector<16xi32>
        %get3A_1435 = arith.index_cast %add3A_1369 : i32 to index
        %get3A_1436 = arith.constant 32 : index
        %get3A_1437 = tpu.vector_load %arg29[%get3A_1435, %get3A_1436] {strides = array<i32>} : memref<256x128xf32, #tpu.memory_space<vmem>>, vector<16xf32>,
        %select_n3A_1438 = arith.select %eq3A_1434, %get3A_1437, %get3A_1431 : vector<16xi1>, vector<16xf32>
        %eq3A_1439 = arith.constant 2 : i32
        %eq3A_1440 = vector.broadcast %eq3A_1439 : i32 to vector<16xi32>
        %eq3A_1441 = arith.cmpi eq, %gather3A_1377, %eq3A_1440 : vector<16xi32>
        %get3A_1442 = arith.index_cast %add3A_1369 : i32 to index
        %get3A_1443 = arith.constant 64 : index
        %get3A_1444 = tpu.vector_load %arg29[%get3A_1442, %get3A_1443] {strides = array<i32>} : memref<256x128xf32, #tpu.memory_space<vmem>>, vector<16xf32>,
        %select_n3A_1445 = arith.select %eq3A_1441, %get3A_1444, %select_n3A_1438 : vector<16xi1>, vector<16xf32>
        %eq3A_1446 = arith.constant 3 : i32
        %eq3A_1447 = vector.broadcast %eq3A_1446 : i32 to vector<16xi32>
        %eq3A_1448 = arith.cmpi eq, %gather3A_1377, %eq3A_1447 : vector<16xi32>
        %get3A_1449 = arith.index_cast %add3A_1369 : i32 to index
        %get3A_1450 = arith.constant 96 : index
        %get3A_1451 = tpu.vector_load %arg29[%get3A_1449, %get3A_1450] {strides = array<i32>} : memref<256x128xf32, #tpu.memory_space<vmem>>, vector<16xf32>,
        %select_n3A_1452 = arith.select %eq3A_1448, %get3A_1451, %select_n3A_1445 : vector<16xi1>, vector<16xf32>
        %get3A_1453 = arith.index_cast %add3A_1369 : i32 to index
        %get3A_1454 = arith.constant 16 : index
        %get3A_1455 = tpu.vector_load %arg29[%get3A_1453, %get3A_1454] {strides = array<i32>} : memref<256x128xf32, #tpu.memory_space<vmem>>, vector<16xf32>,
        %eq3A_1456 = arith.constant 1 : i32
        %eq3A_1457 = vector.broadcast %eq3A_1456 : i32 to vector<16xi32>
        %eq3A_1458 = arith.cmpi eq, %gather3A_1377, %eq3A_1457 : vector<16xi32>
        %get3A_1459 = arith.index_cast %add3A_1369 : i32 to index
        %get3A_1460 = arith.constant 48 : index
        %get3A_1461 = tpu.vector_load %arg29[%get3A_1459, %get3A_1460] {strides = array<i32>} : memref<256x128xf32, #tpu.memory_space<vmem>>, vector<16xf32>,
        %select_n3A_1462 = arith.select %eq3A_1458, %get3A_1461, %get3A_1455 : vector<16xi1>, vector<16xf32>
        %eq3A_1463 = arith.constant 2 : i32
        %eq3A_1464 = vector.broadcast %eq3A_1463 : i32 to vector<16xi32>
        %eq3A_1465 = arith.cmpi eq, %gather3A_1377, %eq3A_1464 : vector<16xi32>
        %get3A_1466 = arith.index_cast %add3A_1369 : i32 to index
        %get3A_1467 = arith.constant 80 : index
        %get3A_1468 = tpu.vector_load %arg29[%get3A_1466, %get3A_1467] {strides = array<i32>} : memref<256x128xf32, #tpu.memory_space<vmem>>, vector<16xf32>,
        %select_n3A_1469 = arith.select %eq3A_1465, %get3A_1468, %select_n3A_1462 : vector<16xi1>, vector<16xf32>
        %eq3A_1470 = arith.constant 3 : i32
        %eq3A_1471 = vector.broadcast %eq3A_1470 : i32 to vector<16xi32>
        %eq3A_1472 = arith.cmpi eq, %gather3A_1377, %eq3A_1471 : vector<16xi32>
        %get3A_1473 = arith.index_cast %add3A_1369 : i32 to index
        %get3A_1474 = arith.constant 112 : index
        %get3A_1475 = tpu.vector_load %arg29[%get3A_1473, %get3A_1474] {strides = array<i32>} : memref<256x128xf32, #tpu.memory_space<vmem>>, vector<16xf32>,
        %select_n3A_1476 = arith.select %eq3A_1472, %get3A_1475, %select_n3A_1469 : vector<16xi1>, vector<16xf32>
        %get3A_1477 = arith.index_cast %add3A_1369 : i32 to index
        %get3A_1478 = arith.constant 0 : index
        %get3A_1479 = tpu.vector_load %arg30[%get3A_1477, %get3A_1478] {strides = array<i32>} : memref<256x128xf32, #tpu.memory_space<vmem>>, vector<16xf32>,
        %eq3A_1480 = arith.constant 1 : i32
        %eq3A_1481 = vector.broadcast %eq3A_1480 : i32 to vector<16xi32>
        %eq3A_1482 = arith.cmpi eq, %gather3A_1380, %eq3A_1481 : vector<16xi32>
        %get3A_1483 = arith.index_cast %add3A_1369 : i32 to index
        %get3A_1484 = arith.constant 32 : index
        %get3A_1485 = tpu.vector_load %arg30[%get3A_1483, %get3A_1484] {strides = array<i32>} : memref<256x128xf32, #tpu.memory_space<vmem>>, vector<16xf32>,
        %select_n3A_1486 = arith.select %eq3A_1482, %get3A_1485, %get3A_1479 : vector<16xi1>, vector<16xf32>
        %eq3A_1487 = arith.constant 2 : i32
        %eq3A_1488 = vector.broadcast %eq3A_1487 : i32 to vector<16xi32>
        %eq3A_1489 = arith.cmpi eq, %gather3A_1380, %eq3A_1488 : vector<16xi32>
        %get3A_1490 = arith.index_cast %add3A_1369 : i32 to index
        %get3A_1491 = arith.constant 64 : index
        %get3A_1492 = tpu.vector_load %arg30[%get3A_1490, %get3A_1491] {strides = array<i32>} : memref<256x128xf32, #tpu.memory_space<vmem>>, vector<16xf32>,
        %select_n3A_1493 = arith.select %eq3A_1489, %get3A_1492, %select_n3A_1486 : vector<16xi1>, vector<16xf32>
        %eq3A_1494 = arith.constant 3 : i32
        %eq3A_1495 = vector.broadcast %eq3A_1494 : i32 to vector<16xi32>
        %eq3A_1496 = arith.cmpi eq, %gather3A_1380, %eq3A_1495 : vector<16xi32>
        %get3A_1497 = arith.index_cast %add3A_1369 : i32 to index
        %get3A_1498 = arith.constant 96 : index
        %get3A_1499 = tpu.vector_load %arg30[%get3A_1497, %get3A_1498] {strides = array<i32>} : memref<256x128xf32, #tpu.memory_space<vmem>>, vector<16xf32>,
        %select_n3A_1500 = arith.select %eq3A_1496, %get3A_1499, %select_n3A_1493 : vector<16xi1>, vector<16xf32>
        %get3A_1501 = arith.index_cast %add3A_1369 : i32 to index
        %get3A_1502 = arith.constant 16 : index
        %get3A_1503 = tpu.vector_load %arg30[%get3A_1501, %get3A_1502] {strides = array<i32>} : memref<256x128xf32, #tpu.memory_space<vmem>>, vector<16xf32>,
        %eq3A_1504 = arith.constant 1 : i32
        %eq3A_1505 = vector.broadcast %eq3A_1504 : i32 to vector<16xi32>
        %eq3A_1506 = arith.cmpi eq, %gather3A_1380, %eq3A_1505 : vector<16xi32>
        %get3A_1507 = arith.index_cast %add3A_1369 : i32 to index
        %get3A_1508 = arith.constant 48 : index
        %get3A_1509 = tpu.vector_load %arg30[%get3A_1507, %get3A_1508] {strides = array<i32>} : memref<256x128xf32, #tpu.memory_space<vmem>>, vector<16xf32>,
        %select_n3A_1510 = arith.select %eq3A_1506, %get3A_1509, %get3A_1503 : vector<16xi1>, vector<16xf32>
        %eq3A_1511 = arith.constant 2 : i32
        %eq3A_1512 = vector.broadcast %eq3A_1511 : i32 to vector<16xi32>
        %eq3A_1513 = arith.cmpi eq, %gather3A_1380, %eq3A_1512 : vector<16xi32>
        %get3A_1514 = arith.index_cast %add3A_1369 : i32 to index
        %get3A_1515 = arith.constant 80 : index
        %get3A_1516 = tpu.vector_load %arg30[%get3A_1514, %get3A_1515] {strides = array<i32>} : memref<256x128xf32, #tpu.memory_space<vmem>>, vector<16xf32>,
        %select_n3A_1517 = arith.select %eq3A_1513, %get3A_1516, %select_n3A_1510 : vector<16xi1>, vector<16xf32>
        %eq3A_1518 = arith.constant 3 : i32
        %eq3A_1519 = vector.broadcast %eq3A_1518 : i32 to vector<16xi32>
        %eq3A_1520 = arith.cmpi eq, %gather3A_1380, %eq3A_1519 : vector<16xi32>
        %get3A_1521 = arith.index_cast %add3A_1369 : i32 to index
        %get3A_1522 = arith.constant 112 : index
        %get3A_1523 = tpu.vector_load %arg30[%get3A_1521, %get3A_1522] {strides = array<i32>} : memref<256x128xf32, #tpu.memory_space<vmem>>, vector<16xf32>,
        %select_n3A_1524 = arith.select %eq3A_1520, %get3A_1523, %select_n3A_1517 : vector<16xi1>, vector<16xf32>
        %mul3A_1525 = arith.mulf %select_n3A_1404, %select_n3A_1452 : vector<16xf32>
        %mul3A_1526 = arith.mulf %mul3A_1525, %select_n3A_1500 : vector<16xf32>
        %mul3A_1527 = arith.mulf %select_n3A_1428, %select_n3A_1476 : vector<16xf32>
        %mul3A_1528 = arith.mulf %mul3A_1527, %select_n3A_1524 : vector<16xf32>
        %add3A_1529 = arith.addf %mul3A_1526, %mul3A_1528 : vector<16xf32>
        %swap3A_1530 = arith.constant 128 : index
        %swap3A_1531 = tpu.vector_load %arg36[%swap3A_1530] {strides = array<i32>} : memref<256xf32, #tpu.memory_space<vmem>>, vector<16xf32>,
        tpu.vector_store %arg36[%swap3A_1530], %add3A_1529 {strides = array<i32>} : memref<256xf32, #tpu.memory_space<vmem>>, vector<16xf32>,
        %add3A_1532 = arith.constant 9 : i32
        %add3A_1533 = arith.addi %mul3A_54, %add3A_1532 : i32
        %broadcast_in_dim3A_1534 = arith.constant 9 : i32
        %broadcast_in_dim3A_1535 = vector.broadcast %broadcast_in_dim3A_1534 : i32 to vector<16xi32>
        %reshape3A_1536 = vector.shape_cast %broadcast_in_dim3A_1535 : vector<16xi32> to vector<16x1xi32>
        %gather3A_1537 = vector.shape_cast %reshape3A_1536 : vector<16x1xi32> to vector<16xi32>
        %gather3A_1538 = tpu.dynamic_gather %get3A_57[%gather3A_1537] in [0] : vector<16xi32>, vector<16xi32> -> vector<16xi32>
        %reshape3A_1539 = vector.shape_cast %broadcast_in_dim3A_1535 : vector<16xi32> to vector<16x1xi32>
        %gather3A_1540 = vector.shape_cast %reshape3A_1539 : vector<16x1xi32> to vector<16xi32>
        %gather3A_1541 = tpu.dynamic_gather %get3A_59[%gather3A_1540] in [0] : vector<16xi32>, vector<16xi32> -> vector<16xi32>
        %reshape3A_1542 = vector.shape_cast %broadcast_in_dim3A_1535 : vector<16xi32> to vector<16x1xi32>
        %gather3A_1543 = vector.shape_cast %reshape3A_1542 : vector<16x1xi32> to vector<16xi32>
        %gather3A_1544 = tpu.dynamic_gather %get3A_61[%gather3A_1543] in [0] : vector<16xi32>, vector<16xi32> -> vector<16xi32>
        %get3A_1545 = arith.index_cast %add3A_1533 : i32 to index
        %get3A_1546 = arith.constant 0 : index
        %get3A_1547 = tpu.vector_load %arg28[%get3A_1545, %get3A_1546] {strides = array<i32>} : memref<256x128xf32, #tpu.memory_space<vmem>>, vector<16xf32>,
        %eq3A_1548 = arith.constant 1 : i32
        %eq3A_1549 = vector.broadcast %eq3A_1548 : i32 to vector<16xi32>
        %eq3A_1550 = arith.cmpi eq, %gather3A_1538, %eq3A_1549 : vector<16xi32>
        %get3A_1551 = arith.index_cast %add3A_1533 : i32 to index
        %get3A_1552 = arith.constant 32 : index
        %get3A_1553 = tpu.vector_load %arg28[%get3A_1551, %get3A_1552] {strides = array<i32>} : memref<256x128xf32, #tpu.memory_space<vmem>>, vector<16xf32>,
        %select_n3A_1554 = arith.select %eq3A_1550, %get3A_1553, %get3A_1547 : vector<16xi1>, vector<16xf32>
        %eq3A_1555 = arith.constant 2 : i32
        %eq3A_1556 = vector.broadcast %eq3A_1555 : i32 to vector<16xi32>
        %eq3A_1557 = arith.cmpi eq, %gather3A_1538, %eq3A_1556 : vector<16xi32>
        %get3A_1558 = arith.index_cast %add3A_1533 : i32 to index
        %get3A_1559 = arith.constant 64 : index
        %get3A_1560 = tpu.vector_load %arg28[%get3A_1558, %get3A_1559] {strides = array<i32>} : memref<256x128xf32, #tpu.memory_space<vmem>>, vector<16xf32>,
        %select_n3A_1561 = arith.select %eq3A_1557, %get3A_1560, %select_n3A_1554 : vector<16xi1>, vector<16xf32>
        %eq3A_1562 = arith.constant 3 : i32
        %eq3A_1563 = vector.broadcast %eq3A_1562 : i32 to vector<16xi32>
        %eq3A_1564 = arith.cmpi eq, %gather3A_1538, %eq3A_1563 : vector<16xi32>
        %get3A_1565 = arith.index_cast %add3A_1533 : i32 to index
        %get3A_1566 = arith.constant 96 : index
        %get3A_1567 = tpu.vector_load %arg28[%get3A_1565, %get3A_1566] {strides = array<i32>} : memref<256x128xf32, #tpu.memory_space<vmem>>, vector<16xf32>,
        %select_n3A_1568 = arith.select %eq3A_1564, %get3A_1567, %select_n3A_1561 : vector<16xi1>, vector<16xf32>
        %get3A_1569 = arith.index_cast %add3A_1533 : i32 to index
        %get3A_1570 = arith.constant 16 : index
        %get3A_1571 = tpu.vector_load %arg28[%get3A_1569, %get3A_1570] {strides = array<i32>} : memref<256x128xf32, #tpu.memory_space<vmem>>, vector<16xf32>,
        %eq3A_1572 = arith.constant 1 : i32
        %eq3A_1573 = vector.broadcast %eq3A_1572 : i32 to vector<16xi32>
        %eq3A_1574 = arith.cmpi eq, %gather3A_1538, %eq3A_1573 : vector<16xi32>
        %get3A_1575 = arith.index_cast %add3A_1533 : i32 to index
        %get3A_1576 = arith.constant 48 : index
        %get3A_1577 = tpu.vector_load %arg28[%get3A_1575, %get3A_1576] {strides = array<i32>} : memref<256x128xf32, #tpu.memory_space<vmem>>, vector<16xf32>,
        %select_n3A_1578 = arith.select %eq3A_1574, %get3A_1577, %get3A_1571 : vector<16xi1>, vector<16xf32>
        %eq3A_1579 = arith.constant 2 : i32
        %eq3A_1580 = vector.broadcast %eq3A_1579 : i32 to vector<16xi32>
        %eq3A_1581 = arith.cmpi eq, %gather3A_1538, %eq3A_1580 : vector<16xi32>
        %get3A_1582 = arith.index_cast %add3A_1533 : i32 to index
        %get3A_1583 = arith.constant 80 : index
        %get3A_1584 = tpu.vector_load %arg28[%get3A_1582, %get3A_1583] {strides = array<i32>} : memref<256x128xf32, #tpu.memory_space<vmem>>, vector<16xf32>,
        %select_n3A_1585 = arith.select %eq3A_1581, %get3A_1584, %select_n3A_1578 : vector<16xi1>, vector<16xf32>
        %eq3A_1586 = arith.constant 3 : i32
        %eq3A_1587 = vector.broadcast %eq3A_1586 : i32 to vector<16xi32>
        %eq3A_1588 = arith.cmpi eq, %gather3A_1538, %eq3A_1587 : vector<16xi32>
        %get3A_1589 = arith.index_cast %add3A_1533 : i32 to index
        %get3A_1590 = arith.constant 112 : index
        %get3A_1591 = tpu.vector_load %arg28[%get3A_1589, %get3A_1590] {strides = array<i32>} : memref<256x128xf32, #tpu.memory_space<vmem>>, vector<16xf32>,
        %select_n3A_1592 = arith.select %eq3A_1588, %get3A_1591, %select_n3A_1585 : vector<16xi1>, vector<16xf32>
        %get3A_1593 = arith.index_cast %add3A_1533 : i32 to index
        %get3A_1594 = arith.constant 0 : index
        %get3A_1595 = tpu.vector_load %arg29[%get3A_1593, %get3A_1594] {strides = array<i32>} : memref<256x128xf32, #tpu.memory_space<vmem>>, vector<16xf32>,
        %eq3A_1596 = arith.constant 1 : i32
        %eq3A_1597 = vector.broadcast %eq3A_1596 : i32 to vector<16xi32>
        %eq3A_1598 = arith.cmpi eq, %gather3A_1541, %eq3A_1597 : vector<16xi32>
        %get3A_1599 = arith.index_cast %add3A_1533 : i32 to index
        %get3A_1600 = arith.constant 32 : index
        %get3A_1601 = tpu.vector_load %arg29[%get3A_1599, %get3A_1600] {strides = array<i32>} : memref<256x128xf32, #tpu.memory_space<vmem>>, vector<16xf32>,
        %select_n3A_1602 = arith.select %eq3A_1598, %get3A_1601, %get3A_1595 : vector<16xi1>, vector<16xf32>
        %eq3A_1603 = arith.constant 2 : i32
        %eq3A_1604 = vector.broadcast %eq3A_1603 : i32 to vector<16xi32>
        %eq3A_1605 = arith.cmpi eq, %gather3A_1541, %eq3A_1604 : vector<16xi32>
        %get3A_1606 = arith.index_cast %add3A_1533 : i32 to index
        %get3A_1607 = arith.constant 64 : index
        %get3A_1608 = tpu.vector_load %arg29[%get3A_1606, %get3A_1607] {strides = array<i32>} : memref<256x128xf32, #tpu.memory_space<vmem>>, vector<16xf32>,
        %select_n3A_1609 = arith.select %eq3A_1605, %get3A_1608, %select_n3A_1602 : vector<16xi1>, vector<16xf32>
        %eq3A_1610 = arith.constant 3 : i32
        %eq3A_1611 = vector.broadcast %eq3A_1610 : i32 to vector<16xi32>
        %eq3A_1612 = arith.cmpi eq, %gather3A_1541, %eq3A_1611 : vector<16xi32>
        %get3A_1613 = arith.index_cast %add3A_1533 : i32 to index
        %get3A_1614 = arith.constant 96 : index
        %get3A_1615 = tpu.vector_load %arg29[%get3A_1613, %get3A_1614] {strides = array<i32>} : memref<256x128xf32, #tpu.memory_space<vmem>>, vector<16xf32>,
        %select_n3A_1616 = arith.select %eq3A_1612, %get3A_1615, %select_n3A_1609 : vector<16xi1>, vector<16xf32>
        %get3A_1617 = arith.index_cast %add3A_1533 : i32 to index
        %get3A_1618 = arith.constant 16 : index
        %get3A_1619 = tpu.vector_load %arg29[%get3A_1617, %get3A_1618] {strides = array<i32>} : memref<256x128xf32, #tpu.memory_space<vmem>>, vector<16xf32>,
        %eq3A_1620 = arith.constant 1 : i32
        %eq3A_1621 = vector.broadcast %eq3A_1620 : i32 to vector<16xi32>
        %eq3A_1622 = arith.cmpi eq, %gather3A_1541, %eq3A_1621 : vector<16xi32>
        %get3A_1623 = arith.index_cast %add3A_1533 : i32 to index
        %get3A_1624 = arith.constant 48 : index
        %get3A_1625 = tpu.vector_load %arg29[%get3A_1623, %get3A_1624] {strides = array<i32>} : memref<256x128xf32, #tpu.memory_space<vmem>>, vector<16xf32>,
        %select_n3A_1626 = arith.select %eq3A_1622, %get3A_1625, %get3A_1619 : vector<16xi1>, vector<16xf32>
        %eq3A_1627 = arith.constant 2 : i32
        %eq3A_1628 = vector.broadcast %eq3A_1627 : i32 to vector<16xi32>
        %eq3A_1629 = arith.cmpi eq, %gather3A_1541, %eq3A_1628 : vector<16xi32>
        %get3A_1630 = arith.index_cast %add3A_1533 : i32 to index
        %get3A_1631 = arith.constant 80 : index
        %get3A_1632 = tpu.vector_load %arg29[%get3A_1630, %get3A_1631] {strides = array<i32>} : memref<256x128xf32, #tpu.memory_space<vmem>>, vector<16xf32>,
        %select_n3A_1633 = arith.select %eq3A_1629, %get3A_1632, %select_n3A_1626 : vector<16xi1>, vector<16xf32>
        %eq3A_1634 = arith.constant 3 : i32
        %eq3A_1635 = vector.broadcast %eq3A_1634 : i32 to vector<16xi32>
        %eq3A_1636 = arith.cmpi eq, %gather3A_1541, %eq3A_1635 : vector<16xi32>
        %get3A_1637 = arith.index_cast %add3A_1533 : i32 to index
        %get3A_1638 = arith.constant 112 : index
        %get3A_1639 = tpu.vector_load %arg29[%get3A_1637, %get3A_1638] {strides = array<i32>} : memref<256x128xf32, #tpu.memory_space<vmem>>, vector<16xf32>,
        %select_n3A_1640 = arith.select %eq3A_1636, %get3A_1639, %select_n3A_1633 : vector<16xi1>, vector<16xf32>
        %get3A_1641 = arith.index_cast %add3A_1533 : i32 to index
        %get3A_1642 = arith.constant 0 : index
        %get3A_1643 = tpu.vector_load %arg30[%get3A_1641, %get3A_1642] {strides = array<i32>} : memref<256x128xf32, #tpu.memory_space<vmem>>, vector<16xf32>,
        %eq3A_1644 = arith.constant 1 : i32
        %eq3A_1645 = vector.broadcast %eq3A_1644 : i32 to vector<16xi32>
        %eq3A_1646 = arith.cmpi eq, %gather3A_1544, %eq3A_1645 : vector<16xi32>
        %get3A_1647 = arith.index_cast %add3A_1533 : i32 to index
        %get3A_1648 = arith.constant 32 : index
        %get3A_1649 = tpu.vector_load %arg30[%get3A_1647, %get3A_1648] {strides = array<i32>} : memref<256x128xf32, #tpu.memory_space<vmem>>, vector<16xf32>,
        %select_n3A_1650 = arith.select %eq3A_1646, %get3A_1649, %get3A_1643 : vector<16xi1>, vector<16xf32>
        %eq3A_1651 = arith.constant 2 : i32
        %eq3A_1652 = vector.broadcast %eq3A_1651 : i32 to vector<16xi32>
        %eq3A_1653 = arith.cmpi eq, %gather3A_1544, %eq3A_1652 : vector<16xi32>
        %get3A_1654 = arith.index_cast %add3A_1533 : i32 to index
        %get3A_1655 = arith.constant 64 : index
        %get3A_1656 = tpu.vector_load %arg30[%get3A_1654, %get3A_1655] {strides = array<i32>} : memref<256x128xf32, #tpu.memory_space<vmem>>, vector<16xf32>,
        %select_n3A_1657 = arith.select %eq3A_1653, %get3A_1656, %select_n3A_1650 : vector<16xi1>, vector<16xf32>
        %eq3A_1658 = arith.constant 3 : i32
        %eq3A_1659 = vector.broadcast %eq3A_1658 : i32 to vector<16xi32>
        %eq3A_1660 = arith.cmpi eq, %gather3A_1544, %eq3A_1659 : vector<16xi32>
        %get3A_1661 = arith.index_cast %add3A_1533 : i32 to index
        %get3A_1662 = arith.constant 96 : index
        %get3A_1663 = tpu.vector_load %arg30[%get3A_1661, %get3A_1662] {strides = array<i32>} : memref<256x128xf32, #tpu.memory_space<vmem>>, vector<16xf32>,
        %select_n3A_1664 = arith.select %eq3A_1660, %get3A_1663, %select_n3A_1657 : vector<16xi1>, vector<16xf32>
        %get3A_1665 = arith.index_cast %add3A_1533 : i32 to index
        %get3A_1666 = arith.constant 16 : index
        %get3A_1667 = tpu.vector_load %arg30[%get3A_1665, %get3A_1666] {strides = array<i32>} : memref<256x128xf32, #tpu.memory_space<vmem>>, vector<16xf32>,
        %eq3A_1668 = arith.constant 1 : i32
        %eq3A_1669 = vector.broadcast %eq3A_1668 : i32 to vector<16xi32>
        %eq3A_1670 = arith.cmpi eq, %gather3A_1544, %eq3A_1669 : vector<16xi32>
        %get3A_1671 = arith.index_cast %add3A_1533 : i32 to index
        %get3A_1672 = arith.constant 48 : index
        %get3A_1673 = tpu.vector_load %arg30[%get3A_1671, %get3A_1672] {strides = array<i32>} : memref<256x128xf32, #tpu.memory_space<vmem>>, vector<16xf32>,
        %select_n3A_1674 = arith.select %eq3A_1670, %get3A_1673, %get3A_1667 : vector<16xi1>, vector<16xf32>
        %eq3A_1675 = arith.constant 2 : i32
        %eq3A_1676 = vector.broadcast %eq3A_1675 : i32 to vector<16xi32>
        %eq3A_1677 = arith.cmpi eq, %gather3A_1544, %eq3A_1676 : vector<16xi32>
        %get3A_1678 = arith.index_cast %add3A_1533 : i32 to index
        %get3A_1679 = arith.constant 80 : index
        %get3A_1680 = tpu.vector_load %arg30[%get3A_1678, %get3A_1679] {strides = array<i32>} : memref<256x128xf32, #tpu.memory_space<vmem>>, vector<16xf32>,
        %select_n3A_1681 = arith.select %eq3A_1677, %get3A_1680, %select_n3A_1674 : vector<16xi1>, vector<16xf32>
        %eq3A_1682 = arith.constant 3 : i32
        %eq3A_1683 = vector.broadcast %eq3A_1682 : i32 to vector<16xi32>
        %eq3A_1684 = arith.cmpi eq, %gather3A_1544, %eq3A_1683 : vector<16xi32>
        %get3A_1685 = arith.index_cast %add3A_1533 : i32 to index
        %get3A_1686 = arith.constant 112 : index
        %get3A_1687 = tpu.vector_load %arg30[%get3A_1685, %get3A_1686] {strides = array<i32>} : memref<256x128xf32, #tpu.memory_space<vmem>>, vector<16xf32>,
        %select_n3A_1688 = arith.select %eq3A_1684, %get3A_1687, %select_n3A_1681 : vector<16xi1>, vector<16xf32>
        %mul3A_1689 = arith.mulf %select_n3A_1568, %select_n3A_1616 : vector<16xf32>
        %mul3A_1690 = arith.mulf %mul3A_1689, %select_n3A_1664 : vector<16xf32>
        %mul3A_1691 = arith.mulf %select_n3A_1592, %select_n3A_1640 : vector<16xf32>
        %mul3A_1692 = arith.mulf %mul3A_1691, %select_n3A_1688 : vector<16xf32>
        %add3A_1693 = arith.addf %mul3A_1690, %mul3A_1692 : vector<16xf32>
        %swap3A_1694 = arith.constant 144 : index
        %swap3A_1695 = tpu.vector_load %arg36[%swap3A_1694] {strides = array<i32>} : memref<256xf32, #tpu.memory_space<vmem>>, vector<16xf32>,
        tpu.vector_store %arg36[%swap3A_1694], %add3A_1693 {strides = array<i32>} : memref<256xf32, #tpu.memory_space<vmem>>, vector<16xf32>,
        %add3A_1696 = arith.constant 10 : i32
        %add3A_1697 = arith.addi %mul3A_54, %add3A_1696 : i32
        %broadcast_in_dim3A_1698 = arith.constant 10 : i32
        %broadcast_in_dim3A_1699 = vector.broadcast %broadcast_in_dim3A_1698 : i32 to vector<16xi32>
        %reshape3A_1700 = vector.shape_cast %broadcast_in_dim3A_1699 : vector<16xi32> to vector<16x1xi32>
        %gather3A_1701 = vector.shape_cast %reshape3A_1700 : vector<16x1xi32> to vector<16xi32>
        %gather3A_1702 = tpu.dynamic_gather %get3A_57[%gather3A_1701] in [0] : vector<16xi32>, vector<16xi32> -> vector<16xi32>
        %reshape3A_1703 = vector.shape_cast %broadcast_in_dim3A_1699 : vector<16xi32> to vector<16x1xi32>
        %gather3A_1704 = vector.shape_cast %reshape3A_1703 : vector<16x1xi32> to vector<16xi32>
        %gather3A_1705 = tpu.dynamic_gather %get3A_59[%gather3A_1704] in [0] : vector<16xi32>, vector<16xi32> -> vector<16xi32>
        %reshape3A_1706 = vector.shape_cast %broadcast_in_dim3A_1699 : vector<16xi32> to vector<16x1xi32>
        %gather3A_1707 = vector.shape_cast %reshape3A_1706 : vector<16x1xi32> to vector<16xi32>
        %gather3A_1708 = tpu.dynamic_gather %get3A_61[%gather3A_1707] in [0] : vector<16xi32>, vector<16xi32> -> vector<16xi32>
        %get3A_1709 = arith.index_cast %add3A_1697 : i32 to index
        %get3A_1710 = arith.constant 0 : index
        %get3A_1711 = tpu.vector_load %arg28[%get3A_1709, %get3A_1710] {strides = array<i32>} : memref<256x128xf32, #tpu.memory_space<vmem>>, vector<16xf32>,
        %eq3A_1712 = arith.constant 1 : i32
        %eq3A_1713 = vector.broadcast %eq3A_1712 : i32 to vector<16xi32>
        %eq3A_1714 = arith.cmpi eq, %gather3A_1702, %eq3A_1713 : vector<16xi32>
        %get3A_1715 = arith.index_cast %add3A_1697 : i32 to index
        %get3A_1716 = arith.constant 32 : index
        %get3A_1717 = tpu.vector_load %arg28[%get3A_1715, %get3A_1716] {strides = array<i32>} : memref<256x128xf32, #tpu.memory_space<vmem>>, vector<16xf32>,
        %select_n3A_1718 = arith.select %eq3A_1714, %get3A_1717, %get3A_1711 : vector<16xi1>, vector<16xf32>
        %eq3A_1719 = arith.constant 2 : i32
        %eq3A_1720 = vector.broadcast %eq3A_1719 : i32 to vector<16xi32>
        %eq3A_1721 = arith.cmpi eq, %gather3A_1702, %eq3A_1720 : vector<16xi32>
        %get3A_1722 = arith.index_cast %add3A_1697 : i32 to index
        %get3A_1723 = arith.constant 64 : index
        %get3A_1724 = tpu.vector_load %arg28[%get3A_1722, %get3A_1723] {strides = array<i32>} : memref<256x128xf32, #tpu.memory_space<vmem>>, vector<16xf32>,
        %select_n3A_1725 = arith.select %eq3A_1721, %get3A_1724, %select_n3A_1718 : vector<16xi1>, vector<16xf32>
        %eq3A_1726 = arith.constant 3 : i32
        %eq3A_1727 = vector.broadcast %eq3A_1726 : i32 to vector<16xi32>
        %eq3A_1728 = arith.cmpi eq, %gather3A_1702, %eq3A_1727 : vector<16xi32>
        %get3A_1729 = arith.index_cast %add3A_1697 : i32 to index
        %get3A_1730 = arith.constant 96 : index
        %get3A_1731 = tpu.vector_load %arg28[%get3A_1729, %get3A_1730] {strides = array<i32>} : memref<256x128xf32, #tpu.memory_space<vmem>>, vector<16xf32>,
        %select_n3A_1732 = arith.select %eq3A_1728, %get3A_1731, %select_n3A_1725 : vector<16xi1>, vector<16xf32>
        %get3A_1733 = arith.index_cast %add3A_1697 : i32 to index
        %get3A_1734 = arith.constant 16 : index
        %get3A_1735 = tpu.vector_load %arg28[%get3A_1733, %get3A_1734] {strides = array<i32>} : memref<256x128xf32, #tpu.memory_space<vmem>>, vector<16xf32>,
        %eq3A_1736 = arith.constant 1 : i32
        %eq3A_1737 = vector.broadcast %eq3A_1736 : i32 to vector<16xi32>
        %eq3A_1738 = arith.cmpi eq, %gather3A_1702, %eq3A_1737 : vector<16xi32>
        %get3A_1739 = arith.index_cast %add3A_1697 : i32 to index
        %get3A_1740 = arith.constant 48 : index
        %get3A_1741 = tpu.vector_load %arg28[%get3A_1739, %get3A_1740] {strides = array<i32>} : memref<256x128xf32, #tpu.memory_space<vmem>>, vector<16xf32>,
        %select_n3A_1742 = arith.select %eq3A_1738, %get3A_1741, %get3A_1735 : vector<16xi1>, vector<16xf32>
        %eq3A_1743 = arith.constant 2 : i32
        %eq3A_1744 = vector.broadcast %eq3A_1743 : i32 to vector<16xi32>
        %eq3A_1745 = arith.cmpi eq, %gather3A_1702, %eq3A_1744 : vector<16xi32>
        %get3A_1746 = arith.index_cast %add3A_1697 : i32 to index
        %get3A_1747 = arith.constant 80 : index
        %get3A_1748 = tpu.vector_load %arg28[%get3A_1746, %get3A_1747] {strides = array<i32>} : memref<256x128xf32, #tpu.memory_space<vmem>>, vector<16xf32>,
        %select_n3A_1749 = arith.select %eq3A_1745, %get3A_1748, %select_n3A_1742 : vector<16xi1>, vector<16xf32>
        %eq3A_1750 = arith.constant 3 : i32
        %eq3A_1751 = vector.broadcast %eq3A_1750 : i32 to vector<16xi32>
        %eq3A_1752 = arith.cmpi eq, %gather3A_1702, %eq3A_1751 : vector<16xi32>
        %get3A_1753 = arith.index_cast %add3A_1697 : i32 to index
        %get3A_1754 = arith.constant 112 : index
        %get3A_1755 = tpu.vector_load %arg28[%get3A_1753, %get3A_1754] {strides = array<i32>} : memref<256x128xf32, #tpu.memory_space<vmem>>, vector<16xf32>,
        %select_n3A_1756 = arith.select %eq3A_1752, %get3A_1755, %select_n3A_1749 : vector<16xi1>, vector<16xf32>
        %get3A_1757 = arith.index_cast %add3A_1697 : i32 to index
        %get3A_1758 = arith.constant 0 : index
        %get3A_1759 = tpu.vector_load %arg29[%get3A_1757, %get3A_1758] {strides = array<i32>} : memref<256x128xf32, #tpu.memory_space<vmem>>, vector<16xf32>,
        %eq3A_1760 = arith.constant 1 : i32
        %eq3A_1761 = vector.broadcast %eq3A_1760 : i32 to vector<16xi32>
        %eq3A_1762 = arith.cmpi eq, %gather3A_1705, %eq3A_1761 : vector<16xi32>
        %get3A_1763 = arith.index_cast %add3A_1697 : i32 to index
        %get3A_1764 = arith.constant 32 : index
        %get3A_1765 = tpu.vector_load %arg29[%get3A_1763, %get3A_1764] {strides = array<i32>} : memref<256x128xf32, #tpu.memory_space<vmem>>, vector<16xf32>,
        %select_n3A_1766 = arith.select %eq3A_1762, %get3A_1765, %get3A_1759 : vector<16xi1>, vector<16xf32>
        %eq3A_1767 = arith.constant 2 : i32
        %eq3A_1768 = vector.broadcast %eq3A_1767 : i32 to vector<16xi32>
        %eq3A_1769 = arith.cmpi eq, %gather3A_1705, %eq3A_1768 : vector<16xi32>
        %get3A_1770 = arith.index_cast %add3A_1697 : i32 to index
        %get3A_1771 = arith.constant 64 : index
        %get3A_1772 = tpu.vector_load %arg29[%get3A_1770, %get3A_1771] {strides = array<i32>} : memref<256x128xf32, #tpu.memory_space<vmem>>, vector<16xf32>,
        %select_n3A_1773 = arith.select %eq3A_1769, %get3A_1772, %select_n3A_1766 : vector<16xi1>, vector<16xf32>
        %eq3A_1774 = arith.constant 3 : i32
        %eq3A_1775 = vector.broadcast %eq3A_1774 : i32 to vector<16xi32>
        %eq3A_1776 = arith.cmpi eq, %gather3A_1705, %eq3A_1775 : vector<16xi32>
        %get3A_1777 = arith.index_cast %add3A_1697 : i32 to index
        %get3A_1778 = arith.constant 96 : index
        %get3A_1779 = tpu.vector_load %arg29[%get3A_1777, %get3A_1778] {strides = array<i32>} : memref<256x128xf32, #tpu.memory_space<vmem>>, vector<16xf32>,
        %select_n3A_1780 = arith.select %eq3A_1776, %get3A_1779, %select_n3A_1773 : vector<16xi1>, vector<16xf32>
        %get3A_1781 = arith.index_cast %add3A_1697 : i32 to index
        %get3A_1782 = arith.constant 16 : index
        %get3A_1783 = tpu.vector_load %arg29[%get3A_1781, %get3A_1782] {strides = array<i32>} : memref<256x128xf32, #tpu.memory_space<vmem>>, vector<16xf32>,
        %eq3A_1784 = arith.constant 1 : i32
        %eq3A_1785 = vector.broadcast %eq3A_1784 : i32 to vector<16xi32>
        %eq3A_1786 = arith.cmpi eq, %gather3A_1705, %eq3A_1785 : vector<16xi32>
        %get3A_1787 = arith.index_cast %add3A_1697 : i32 to index
        %get3A_1788 = arith.constant 48 : index
        %get3A_1789 = tpu.vector_load %arg29[%get3A_1787, %get3A_1788] {strides = array<i32>} : memref<256x128xf32, #tpu.memory_space<vmem>>, vector<16xf32>,
        %select_n3A_1790 = arith.select %eq3A_1786, %get3A_1789, %get3A_1783 : vector<16xi1>, vector<16xf32>
        %eq3A_1791 = arith.constant 2 : i32
        %eq3A_1792 = vector.broadcast %eq3A_1791 : i32 to vector<16xi32>
        %eq3A_1793 = arith.cmpi eq, %gather3A_1705, %eq3A_1792 : vector<16xi32>
        %get3A_1794 = arith.index_cast %add3A_1697 : i32 to index
        %get3A_1795 = arith.constant 80 : index
        %get3A_1796 = tpu.vector_load %arg29[%get3A_1794, %get3A_1795] {strides = array<i32>} : memref<256x128xf32, #tpu.memory_space<vmem>>, vector<16xf32>,
        %select_n3A_1797 = arith.select %eq3A_1793, %get3A_1796, %select_n3A_1790 : vector<16xi1>, vector<16xf32>
        %eq3A_1798 = arith.constant 3 : i32
        %eq3A_1799 = vector.broadcast %eq3A_1798 : i32 to vector<16xi32>
        %eq3A_1800 = arith.cmpi eq, %gather3A_1705, %eq3A_1799 : vector<16xi32>
        %get3A_1801 = arith.index_cast %add3A_1697 : i32 to index
        %get3A_1802 = arith.constant 112 : index
        %get3A_1803 = tpu.vector_load %arg29[%get3A_1801, %get3A_1802] {strides = array<i32>} : memref<256x128xf32, #tpu.memory_space<vmem>>, vector<16xf32>,
        %select_n3A_1804 = arith.select %eq3A_1800, %get3A_1803, %select_n3A_1797 : vector<16xi1>, vector<16xf32>
        %get3A_1805 = arith.index_cast %add3A_1697 : i32 to index
        %get3A_1806 = arith.constant 0 : index
        %get3A_1807 = tpu.vector_load %arg30[%get3A_1805, %get3A_1806] {strides = array<i32>} : memref<256x128xf32, #tpu.memory_space<vmem>>, vector<16xf32>,
        %eq3A_1808 = arith.constant 1 : i32
        %eq3A_1809 = vector.broadcast %eq3A_1808 : i32 to vector<16xi32>
        %eq3A_1810 = arith.cmpi eq, %gather3A_1708, %eq3A_1809 : vector<16xi32>
        %get3A_1811 = arith.index_cast %add3A_1697 : i32 to index
        %get3A_1812 = arith.constant 32 : index
        %get3A_1813 = tpu.vector_load %arg30[%get3A_1811, %get3A_1812] {strides = array<i32>} : memref<256x128xf32, #tpu.memory_space<vmem>>, vector<16xf32>,
        %select_n3A_1814 = arith.select %eq3A_1810, %get3A_1813, %get3A_1807 : vector<16xi1>, vector<16xf32>
        %eq3A_1815 = arith.constant 2 : i32
        %eq3A_1816 = vector.broadcast %eq3A_1815 : i32 to vector<16xi32>
        %eq3A_1817 = arith.cmpi eq, %gather3A_1708, %eq3A_1816 : vector<16xi32>
        %get3A_1818 = arith.index_cast %add3A_1697 : i32 to index
        %get3A_1819 = arith.constant 64 : index
        %get3A_1820 = tpu.vector_load %arg30[%get3A_1818, %get3A_1819] {strides = array<i32>} : memref<256x128xf32, #tpu.memory_space<vmem>>, vector<16xf32>,
        %select_n3A_1821 = arith.select %eq3A_1817, %get3A_1820, %select_n3A_1814 : vector<16xi1>, vector<16xf32>
        %eq3A_1822 = arith.constant 3 : i32
        %eq3A_1823 = vector.broadcast %eq3A_1822 : i32 to vector<16xi32>
        %eq3A_1824 = arith.cmpi eq, %gather3A_1708, %eq3A_1823 : vector<16xi32>
        %get3A_1825 = arith.index_cast %add3A_1697 : i32 to index
        %get3A_1826 = arith.constant 96 : index
        %get3A_1827 = tpu.vector_load %arg30[%get3A_1825, %get3A_1826] {strides = array<i32>} : memref<256x128xf32, #tpu.memory_space<vmem>>, vector<16xf32>,
        %select_n3A_1828 = arith.select %eq3A_1824, %get3A_1827, %select_n3A_1821 : vector<16xi1>, vector<16xf32>
        %get3A_1829 = arith.index_cast %add3A_1697 : i32 to index
        %get3A_1830 = arith.constant 16 : index
        %get3A_1831 = tpu.vector_load %arg30[%get3A_1829, %get3A_1830] {strides = array<i32>} : memref<256x128xf32, #tpu.memory_space<vmem>>, vector<16xf32>,
        %eq3A_1832 = arith.constant 1 : i32
        %eq3A_1833 = vector.broadcast %eq3A_1832 : i32 to vector<16xi32>
        %eq3A_1834 = arith.cmpi eq, %gather3A_1708, %eq3A_1833 : vector<16xi32>
        %get3A_1835 = arith.index_cast %add3A_1697 : i32 to index
        %get3A_1836 = arith.constant 48 : index
        %get3A_1837 = tpu.vector_load %arg30[%get3A_1835, %get3A_1836] {strides = array<i32>} : memref<256x128xf32, #tpu.memory_space<vmem>>, vector<16xf32>,
        %select_n3A_1838 = arith.select %eq3A_1834, %get3A_1837, %get3A_1831 : vector<16xi1>, vector<16xf32>
        %eq3A_1839 = arith.constant 2 : i32
        %eq3A_1840 = vector.broadcast %eq3A_1839 : i32 to vector<16xi32>
        %eq3A_1841 = arith.cmpi eq, %gather3A_1708, %eq3A_1840 : vector<16xi32>
        %get3A_1842 = arith.index_cast %add3A_1697 : i32 to index
        %get3A_1843 = arith.constant 80 : index
        %get3A_1844 = tpu.vector_load %arg30[%get3A_1842, %get3A_1843] {strides = array<i32>} : memref<256x128xf32, #tpu.memory_space<vmem>>, vector<16xf32>,
        %select_n3A_1845 = arith.select %eq3A_1841, %get3A_1844, %select_n3A_1838 : vector<16xi1>, vector<16xf32>
        %eq3A_1846 = arith.constant 3 : i32
        %eq3A_1847 = vector.broadcast %eq3A_1846 : i32 to vector<16xi32>
        %eq3A_1848 = arith.cmpi eq, %gather3A_1708, %eq3A_1847 : vector<16xi32>
        %get3A_1849 = arith.index_cast %add3A_1697 : i32 to index
        %get3A_1850 = arith.constant 112 : index
        %get3A_1851 = tpu.vector_load %arg30[%get3A_1849, %get3A_1850] {strides = array<i32>} : memref<256x128xf32, #tpu.memory_space<vmem>>, vector<16xf32>,
        %select_n3A_1852 = arith.select %eq3A_1848, %get3A_1851, %select_n3A_1845 : vector<16xi1>, vector<16xf32>
        %mul3A_1853 = arith.mulf %select_n3A_1732, %select_n3A_1780 : vector<16xf32>
        %mul3A_1854 = arith.mulf %mul3A_1853, %select_n3A_1828 : vector<16xf32>
        %mul3A_1855 = arith.mulf %select_n3A_1756, %select_n3A_1804 : vector<16xf32>
        %mul3A_1856 = arith.mulf %mul3A_1855, %select_n3A_1852 : vector<16xf32>
        %add3A_1857 = arith.addf %mul3A_1854, %mul3A_1856 : vector<16xf32>
        %swap3A_1858 = arith.constant 160 : index
        %swap3A_1859 = tpu.vector_load %arg36[%swap3A_1858] {strides = array<i32>} : memref<256xf32, #tpu.memory_space<vmem>>, vector<16xf32>,
        tpu.vector_store %arg36[%swap3A_1858], %add3A_1857 {strides = array<i32>} : memref<256xf32, #tpu.memory_space<vmem>>, vector<16xf32>,
        %add3A_1860 = arith.constant 11 : i32
        %add3A_1861 = arith.addi %mul3A_54, %add3A_1860 : i32
        %broadcast_in_dim3A_1862 = arith.constant 11 : i32
        %broadcast_in_dim3A_1863 = vector.broadcast %broadcast_in_dim3A_1862 : i32 to vector<16xi32>
        %reshape3A_1864 = vector.shape_cast %broadcast_in_dim3A_1863 : vector<16xi32> to vector<16x1xi32>
        %gather3A_1865 = vector.shape_cast %reshape3A_1864 : vector<16x1xi32> to vector<16xi32>
        %gather3A_1866 = tpu.dynamic_gather %get3A_57[%gather3A_1865] in [0] : vector<16xi32>, vector<16xi32> -> vector<16xi32>
        %reshape3A_1867 = vector.shape_cast %broadcast_in_dim3A_1863 : vector<16xi32> to vector<16x1xi32>
        %gather3A_1868 = vector.shape_cast %reshape3A_1867 : vector<16x1xi32> to vector<16xi32>
        %gather3A_1869 = tpu.dynamic_gather %get3A_59[%gather3A_1868] in [0] : vector<16xi32>, vector<16xi32> -> vector<16xi32>
        %reshape3A_1870 = vector.shape_cast %broadcast_in_dim3A_1863 : vector<16xi32> to vector<16x1xi32>
        %gather3A_1871 = vector.shape_cast %reshape3A_1870 : vector<16x1xi32> to vector<16xi32>
        %gather3A_1872 = tpu.dynamic_gather %get3A_61[%gather3A_1871] in [0] : vector<16xi32>, vector<16xi32> -> vector<16xi32>
        %get3A_1873 = arith.index_cast %add3A_1861 : i32 to index
        %get3A_1874 = arith.constant 0 : index
        %get3A_1875 = tpu.vector_load %arg28[%get3A_1873, %get3A_1874] {strides = array<i32>} : memref<256x128xf32, #tpu.memory_space<vmem>>, vector<16xf32>,
        %eq3A_1876 = arith.constant 1 : i32
        %eq3A_1877 = vector.broadcast %eq3A_1876 : i32 to vector<16xi32>
        %eq3A_1878 = arith.cmpi eq, %gather3A_1866, %eq3A_1877 : vector<16xi32>
        %get3A_1879 = arith.index_cast %add3A_1861 : i32 to index
        %get3A_1880 = arith.constant 32 : index
        %get3A_1881 = tpu.vector_load %arg28[%get3A_1879, %get3A_1880] {strides = array<i32>} : memref<256x128xf32, #tpu.memory_space<vmem>>, vector<16xf32>,
        %select_n3A_1882 = arith.select %eq3A_1878, %get3A_1881, %get3A_1875 : vector<16xi1>, vector<16xf32>
        %eq3A_1883 = arith.constant 2 : i32
        %eq3A_1884 = vector.broadcast %eq3A_1883 : i32 to vector<16xi32>
        %eq3A_1885 = arith.cmpi eq, %gather3A_1866, %eq3A_1884 : vector<16xi32>
        %get3A_1886 = arith.index_cast %add3A_1861 : i32 to index
        %get3A_1887 = arith.constant 64 : index
        %get3A_1888 = tpu.vector_load %arg28[%get3A_1886, %get3A_1887] {strides = array<i32>} : memref<256x128xf32, #tpu.memory_space<vmem>>, vector<16xf32>,
        %select_n3A_1889 = arith.select %eq3A_1885, %get3A_1888, %select_n3A_1882 : vector<16xi1>, vector<16xf32>
        %eq3A_1890 = arith.constant 3 : i32
        %eq3A_1891 = vector.broadcast %eq3A_1890 : i32 to vector<16xi32>
        %eq3A_1892 = arith.cmpi eq, %gather3A_1866, %eq3A_1891 : vector<16xi32>
        %get3A_1893 = arith.index_cast %add3A_1861 : i32 to index
        %get3A_1894 = arith.constant 96 : index
        %get3A_1895 = tpu.vector_load %arg28[%get3A_1893, %get3A_1894] {strides = array<i32>} : memref<256x128xf32, #tpu.memory_space<vmem>>, vector<16xf32>,
        %select_n3A_1896 = arith.select %eq3A_1892, %get3A_1895, %select_n3A_1889 : vector<16xi1>, vector<16xf32>
        %get3A_1897 = arith.index_cast %add3A_1861 : i32 to index
        %get3A_1898 = arith.constant 16 : index
        %get3A_1899 = tpu.vector_load %arg28[%get3A_1897, %get3A_1898] {strides = array<i32>} : memref<256x128xf32, #tpu.memory_space<vmem>>, vector<16xf32>,
        %eq3A_1900 = arith.constant 1 : i32
        %eq3A_1901 = vector.broadcast %eq3A_1900 : i32 to vector<16xi32>
        %eq3A_1902 = arith.cmpi eq, %gather3A_1866, %eq3A_1901 : vector<16xi32>
        %get3A_1903 = arith.index_cast %add3A_1861 : i32 to index
        %get3A_1904 = arith.constant 48 : index
        %get3A_1905 = tpu.vector_load %arg28[%get3A_1903, %get3A_1904] {strides = array<i32>} : memref<256x128xf32, #tpu.memory_space<vmem>>, vector<16xf32>,
        %select_n3A_1906 = arith.select %eq3A_1902, %get3A_1905, %get3A_1899 : vector<16xi1>, vector<16xf32>
        %eq3A_1907 = arith.constant 2 : i32
        %eq3A_1908 = vector.broadcast %eq3A_1907 : i32 to vector<16xi32>
        %eq3A_1909 = arith.cmpi eq, %gather3A_1866, %eq3A_1908 : vector<16xi32>
        %get3A_1910 = arith.index_cast %add3A_1861 : i32 to index
        %get3A_1911 = arith.constant 80 : index
        %get3A_1912 = tpu.vector_load %arg28[%get3A_1910, %get3A_1911] {strides = array<i32>} : memref<256x128xf32, #tpu.memory_space<vmem>>, vector<16xf32>,
        %select_n3A_1913 = arith.select %eq3A_1909, %get3A_1912, %select_n3A_1906 : vector<16xi1>, vector<16xf32>
        %eq3A_1914 = arith.constant 3 : i32
        %eq3A_1915 = vector.broadcast %eq3A_1914 : i32 to vector<16xi32>
        %eq3A_1916 = arith.cmpi eq, %gather3A_1866, %eq3A_1915 : vector<16xi32>
        %get3A_1917 = arith.index_cast %add3A_1861 : i32 to index
        %get3A_1918 = arith.constant 112 : index
        %get3A_1919 = tpu.vector_load %arg28[%get3A_1917, %get3A_1918] {strides = array<i32>} : memref<256x128xf32, #tpu.memory_space<vmem>>, vector<16xf32>,
        %select_n3A_1920 = arith.select %eq3A_1916, %get3A_1919, %select_n3A_1913 : vector<16xi1>, vector<16xf32>
        %get3A_1921 = arith.index_cast %add3A_1861 : i32 to index
        %get3A_1922 = arith.constant 0 : index
        %get3A_1923 = tpu.vector_load %arg29[%get3A_1921, %get3A_1922] {strides = array<i32>} : memref<256x128xf32, #tpu.memory_space<vmem>>, vector<16xf32>,
        %eq3A_1924 = arith.constant 1 : i32
        %eq3A_1925 = vector.broadcast %eq3A_1924 : i32 to vector<16xi32>
        %eq3A_1926 = arith.cmpi eq, %gather3A_1869, %eq3A_1925 : vector<16xi32>
        %get3A_1927 = arith.index_cast %add3A_1861 : i32 to index
        %get3A_1928 = arith.constant 32 : index
        %get3A_1929 = tpu.vector_load %arg29[%get3A_1927, %get3A_1928] {strides = array<i32>} : memref<256x128xf32, #tpu.memory_space<vmem>>, vector<16xf32>,
        %select_n3A_1930 = arith.select %eq3A_1926, %get3A_1929, %get3A_1923 : vector<16xi1>, vector<16xf32>
        %eq3A_1931 = arith.constant 2 : i32
        %eq3A_1932 = vector.broadcast %eq3A_1931 : i32 to vector<16xi32>
        %eq3A_1933 = arith.cmpi eq, %gather3A_1869, %eq3A_1932 : vector<16xi32>
        %get3A_1934 = arith.index_cast %add3A_1861 : i32 to index
        %get3A_1935 = arith.constant 64 : index
        %get3A_1936 = tpu.vector_load %arg29[%get3A_1934, %get3A_1935] {strides = array<i32>} : memref<256x128xf32, #tpu.memory_space<vmem>>, vector<16xf32>,
        %select_n3A_1937 = arith.select %eq3A_1933, %get3A_1936, %select_n3A_1930 : vector<16xi1>, vector<16xf32>
        %eq3A_1938 = arith.constant 3 : i32
        %eq3A_1939 = vector.broadcast %eq3A_1938 : i32 to vector<16xi32>
        %eq3A_1940 = arith.cmpi eq, %gather3A_1869, %eq3A_1939 : vector<16xi32>
        %get3A_1941 = arith.index_cast %add3A_1861 : i32 to index
        %get3A_1942 = arith.constant 96 : index
        %get3A_1943 = tpu.vector_load %arg29[%get3A_1941, %get3A_1942] {strides = array<i32>} : memref<256x128xf32, #tpu.memory_space<vmem>>, vector<16xf32>,
        %select_n3A_1944 = arith.select %eq3A_1940, %get3A_1943, %select_n3A_1937 : vector<16xi1>, vector<16xf32>
        %get3A_1945 = arith.index_cast %add3A_1861 : i32 to index
        %get3A_1946 = arith.constant 16 : index
        %get3A_1947 = tpu.vector_load %arg29[%get3A_1945, %get3A_1946] {strides = array<i32>} : memref<256x128xf32, #tpu.memory_space<vmem>>, vector<16xf32>,
        %eq3A_1948 = arith.constant 1 : i32
        %eq3A_1949 = vector.broadcast %eq3A_1948 : i32 to vector<16xi32>
        %eq3A_1950 = arith.cmpi eq, %gather3A_1869, %eq3A_1949 : vector<16xi32>
        %get3A_1951 = arith.index_cast %add3A_1861 : i32 to index
        %get3A_1952 = arith.constant 48 : index
        %get3A_1953 = tpu.vector_load %arg29[%get3A_1951, %get3A_1952] {strides = array<i32>} : memref<256x128xf32, #tpu.memory_space<vmem>>, vector<16xf32>,
        %select_n3A_1954 = arith.select %eq3A_1950, %get3A_1953, %get3A_1947 : vector<16xi1>, vector<16xf32>
        %eq3A_1955 = arith.constant 2 : i32
        %eq3A_1956 = vector.broadcast %eq3A_1955 : i32 to vector<16xi32>
        %eq3A_1957 = arith.cmpi eq, %gather3A_1869, %eq3A_1956 : vector<16xi32>
        %get3A_1958 = arith.index_cast %add3A_1861 : i32 to index
        %get3A_1959 = arith.constant 80 : index
        %get3A_1960 = tpu.vector_load %arg29[%get3A_1958, %get3A_1959] {strides = array<i32>} : memref<256x128xf32, #tpu.memory_space<vmem>>, vector<16xf32>,
        %select_n3A_1961 = arith.select %eq3A_1957, %get3A_1960, %select_n3A_1954 : vector<16xi1>, vector<16xf32>
        %eq3A_1962 = arith.constant 3 : i32
        %eq3A_1963 = vector.broadcast %eq3A_1962 : i32 to vector<16xi32>
        %eq3A_1964 = arith.cmpi eq, %gather3A_1869, %eq3A_1963 : vector<16xi32>
        %get3A_1965 = arith.index_cast %add3A_1861 : i32 to index
        %get3A_1966 = arith.constant 112 : index
        %get3A_1967 = tpu.vector_load %arg29[%get3A_1965, %get3A_1966] {strides = array<i32>} : memref<256x128xf32, #tpu.memory_space<vmem>>, vector<16xf32>,
        %select_n3A_1968 = arith.select %eq3A_1964, %get3A_1967, %select_n3A_1961 : vector<16xi1>, vector<16xf32>
        %get3A_1969 = arith.index_cast %add3A_1861 : i32 to index
        %get3A_1970 = arith.constant 0 : index
        %get3A_1971 = tpu.vector_load %arg30[%get3A_1969, %get3A_1970] {strides = array<i32>} : memref<256x128xf32, #tpu.memory_space<vmem>>, vector<16xf32>,
        %eq3A_1972 = arith.constant 1 : i32
        %eq3A_1973 = vector.broadcast %eq3A_1972 : i32 to vector<16xi32>
        %eq3A_1974 = arith.cmpi eq, %gather3A_1872, %eq3A_1973 : vector<16xi32>
        %get3A_1975 = arith.index_cast %add3A_1861 : i32 to index
        %get3A_1976 = arith.constant 32 : index
        %get3A_1977 = tpu.vector_load %arg30[%get3A_1975, %get3A_1976] {strides = array<i32>} : memref<256x128xf32, #tpu.memory_space<vmem>>, vector<16xf32>,
        %select_n3A_1978 = arith.select %eq3A_1974, %get3A_1977, %get3A_1971 : vector<16xi1>, vector<16xf32>
        %eq3A_1979 = arith.constant 2 : i32
        %eq3A_1980 = vector.broadcast %eq3A_1979 : i32 to vector<16xi32>
        %eq3A_1981 = arith.cmpi eq, %gather3A_1872, %eq3A_1980 : vector<16xi32>
        %get3A_1982 = arith.index_cast %add3A_1861 : i32 to index
        %get3A_1983 = arith.constant 64 : index
        %get3A_1984 = tpu.vector_load %arg30[%get3A_1982, %get3A_1983] {strides = array<i32>} : memref<256x128xf32, #tpu.memory_space<vmem>>, vector<16xf32>,
        %select_n3A_1985 = arith.select %eq3A_1981, %get3A_1984, %select_n3A_1978 : vector<16xi1>, vector<16xf32>
        %eq3A_1986 = arith.constant 3 : i32
        %eq3A_1987 = vector.broadcast %eq3A_1986 : i32 to vector<16xi32>
        %eq3A_1988 = arith.cmpi eq, %gather3A_1872, %eq3A_1987 : vector<16xi32>
        %get3A_1989 = arith.index_cast %add3A_1861 : i32 to index
        %get3A_1990 = arith.constant 96 : index
        %get3A_1991 = tpu.vector_load %arg30[%get3A_1989, %get3A_1990] {strides = array<i32>} : memref<256x128xf32, #tpu.memory_space<vmem>>, vector<16xf32>,
        %select_n3A_1992 = arith.select %eq3A_1988, %get3A_1991, %select_n3A_1985 : vector<16xi1>, vector<16xf32>
        %get3A_1993 = arith.index_cast %add3A_1861 : i32 to index
        %get3A_1994 = arith.constant 16 : index
        %get3A_1995 = tpu.vector_load %arg30[%get3A_1993, %get3A_1994] {strides = array<i32>} : memref<256x128xf32, #tpu.memory_space<vmem>>, vector<16xf32>,
        %eq3A_1996 = arith.constant 1 : i32
        %eq3A_1997 = vector.broadcast %eq3A_1996 : i32 to vector<16xi32>
        %eq3A_1998 = arith.cmpi eq, %gather3A_1872, %eq3A_1997 : vector<16xi32>
        %get3A_1999 = arith.index_cast %add3A_1861 : i32 to index
        %get3A_2000 = arith.constant 48 : index
        %get3A_2001 = tpu.vector_load %arg30[%get3A_1999, %get3A_2000] {strides = array<i32>} : memref<256x128xf32, #tpu.memory_space<vmem>>, vector<16xf32>,
        %select_n3A_2002 = arith.select %eq3A_1998, %get3A_2001, %get3A_1995 : vector<16xi1>, vector<16xf32>
        %eq3A_2003 = arith.constant 2 : i32
        %eq3A_2004 = vector.broadcast %eq3A_2003 : i32 to vector<16xi32>
        %eq3A_2005 = arith.cmpi eq, %gather3A_1872, %eq3A_2004 : vector<16xi32>
        %get3A_2006 = arith.index_cast %add3A_1861 : i32 to index
        %get3A_2007 = arith.constant 80 : index
        %get3A_2008 = tpu.vector_load %arg30[%get3A_2006, %get3A_2007] {strides = array<i32>} : memref<256x128xf32, #tpu.memory_space<vmem>>, vector<16xf32>,
        %select_n3A_2009 = arith.select %eq3A_2005, %get3A_2008, %select_n3A_2002 : vector<16xi1>, vector<16xf32>
        %eq3A_2010 = arith.constant 3 : i32
        %eq3A_2011 = vector.broadcast %eq3A_2010 : i32 to vector<16xi32>
        %eq3A_2012 = arith.cmpi eq, %gather3A_1872, %eq3A_2011 : vector<16xi32>
        %get3A_2013 = arith.index_cast %add3A_1861 : i32 to index
        %get3A_2014 = arith.constant 112 : index
        %get3A_2015 = tpu.vector_load %arg30[%get3A_2013, %get3A_2014] {strides = array<i32>} : memref<256x128xf32, #tpu.memory_space<vmem>>, vector<16xf32>,
        %select_n3A_2016 = arith.select %eq3A_2012, %get3A_2015, %select_n3A_2009 : vector<16xi1>, vector<16xf32>
        %mul3A_2017 = arith.mulf %select_n3A_1896, %select_n3A_1944 : vector<16xf32>
        %mul3A_2018 = arith.mulf %mul3A_2017, %select_n3A_1992 : vector<16xf32>
        %mul3A_2019 = arith.mulf %select_n3A_1920, %select_n3A_1968 : vector<16xf32>
        %mul3A_2020 = arith.mulf %mul3A_2019, %select_n3A_2016 : vector<16xf32>
        %add3A_2021 = arith.addf %mul3A_2018, %mul3A_2020 : vector<16xf32>
        %swap3A_2022 = arith.constant 176 : index
        %swap3A_2023 = tpu.vector_load %arg36[%swap3A_2022] {strides = array<i32>} : memref<256xf32, #tpu.memory_space<vmem>>, vector<16xf32>,
        tpu.vector_store %arg36[%swap3A_2022], %add3A_2021 {strides = array<i32>} : memref<256xf32, #tpu.memory_space<vmem>>, vector<16xf32>,
        %add3A_2024 = arith.constant 12 : i32
        %add3A_2025 = arith.addi %mul3A_54, %add3A_2024 : i32
        %broadcast_in_dim3A_2026 = arith.constant 12 : i32
        %broadcast_in_dim3A_2027 = vector.broadcast %broadcast_in_dim3A_2026 : i32 to vector<16xi32>
        %reshape3A_2028 = vector.shape_cast %broadcast_in_dim3A_2027 : vector<16xi32> to vector<16x1xi32>
        %gather3A_2029 = vector.shape_cast %reshape3A_2028 : vector<16x1xi32> to vector<16xi32>
        %gather3A_2030 = tpu.dynamic_gather %get3A_57[%gather3A_2029] in [0] : vector<16xi32>, vector<16xi32> -> vector<16xi32>
        %reshape3A_2031 = vector.shape_cast %broadcast_in_dim3A_2027 : vector<16xi32> to vector<16x1xi32>
        %gather3A_2032 = vector.shape_cast %reshape3A_2031 : vector<16x1xi32> to vector<16xi32>
        %gather3A_2033 = tpu.dynamic_gather %get3A_59[%gather3A_2032] in [0] : vector<16xi32>, vector<16xi32> -> vector<16xi32>
        %reshape3A_2034 = vector.shape_cast %broadcast_in_dim3A_2027 : vector<16xi32> to vector<16x1xi32>
        %gather3A_2035 = vector.shape_cast %reshape3A_2034 : vector<16x1xi32> to vector<16xi32>
        %gather3A_2036 = tpu.dynamic_gather %get3A_61[%gather3A_2035] in [0] : vector<16xi32>, vector<16xi32> -> vector<16xi32>
        %get3A_2037 = arith.index_cast %add3A_2025 : i32 to index
        %get3A_2038 = arith.constant 0 : index
        %get3A_2039 = tpu.vector_load %arg28[%get3A_2037, %get3A_2038] {strides = array<i32>} : memref<256x128xf32, #tpu.memory_space<vmem>>, vector<16xf32>,
        %eq3A_2040 = arith.constant 1 : i32
        %eq3A_2041 = vector.broadcast %eq3A_2040 : i32 to vector<16xi32>
        %eq3A_2042 = arith.cmpi eq, %gather3A_2030, %eq3A_2041 : vector<16xi32>
        %get3A_2043 = arith.index_cast %add3A_2025 : i32 to index
        %get3A_2044 = arith.constant 32 : index
        %get3A_2045 = tpu.vector_load %arg28[%get3A_2043, %get3A_2044] {strides = array<i32>} : memref<256x128xf32, #tpu.memory_space<vmem>>, vector<16xf32>,
        %select_n3A_2046 = arith.select %eq3A_2042, %get3A_2045, %get3A_2039 : vector<16xi1>, vector<16xf32>
        %eq3A_2047 = arith.constant 2 : i32
        %eq3A_2048 = vector.broadcast %eq3A_2047 : i32 to vector<16xi32>
        %eq3A_2049 = arith.cmpi eq, %gather3A_2030, %eq3A_2048 : vector<16xi32>
        %get3A_2050 = arith.index_cast %add3A_2025 : i32 to index
        %get3A_2051 = arith.constant 64 : index
        %get3A_2052 = tpu.vector_load %arg28[%get3A_2050, %get3A_2051] {strides = array<i32>} : memref<256x128xf32, #tpu.memory_space<vmem>>, vector<16xf32>,
        %select_n3A_2053 = arith.select %eq3A_2049, %get3A_2052, %select_n3A_2046 : vector<16xi1>, vector<16xf32>
        %eq3A_2054 = arith.constant 3 : i32
        %eq3A_2055 = vector.broadcast %eq3A_2054 : i32 to vector<16xi32>
        %eq3A_2056 = arith.cmpi eq, %gather3A_2030, %eq3A_2055 : vector<16xi32>
        %get3A_2057 = arith.index_cast %add3A_2025 : i32 to index
        %get3A_2058 = arith.constant 96 : index
        %get3A_2059 = tpu.vector_load %arg28[%get3A_2057, %get3A_2058] {strides = array<i32>} : memref<256x128xf32, #tpu.memory_space<vmem>>, vector<16xf32>,
        %select_n3A_2060 = arith.select %eq3A_2056, %get3A_2059, %select_n3A_2053 : vector<16xi1>, vector<16xf32>
        %get3A_2061 = arith.index_cast %add3A_2025 : i32 to index
        %get3A_2062 = arith.constant 16 : index
        %get3A_2063 = tpu.vector_load %arg28[%get3A_2061, %get3A_2062] {strides = array<i32>} : memref<256x128xf32, #tpu.memory_space<vmem>>, vector<16xf32>,
        %eq3A_2064 = arith.constant 1 : i32
        %eq3A_2065 = vector.broadcast %eq3A_2064 : i32 to vector<16xi32>
        %eq3A_2066 = arith.cmpi eq, %gather3A_2030, %eq3A_2065 : vector<16xi32>
        %get3A_2067 = arith.index_cast %add3A_2025 : i32 to index
        %get3A_2068 = arith.constant 48 : index
        %get3A_2069 = tpu.vector_load %arg28[%get3A_2067, %get3A_2068] {strides = array<i32>} : memref<256x128xf32, #tpu.memory_space<vmem>>, vector<16xf32>,
        %select_n3A_2070 = arith.select %eq3A_2066, %get3A_2069, %get3A_2063 : vector<16xi1>, vector<16xf32>
        %eq3A_2071 = arith.constant 2 : i32
        %eq3A_2072 = vector.broadcast %eq3A_2071 : i32 to vector<16xi32>
        %eq3A_2073 = arith.cmpi eq, %gather3A_2030, %eq3A_2072 : vector<16xi32>
        %get3A_2074 = arith.index_cast %add3A_2025 : i32 to index
        %get3A_2075 = arith.constant 80 : index
        %get3A_2076 = tpu.vector_load %arg28[%get3A_2074, %get3A_2075] {strides = array<i32>} : memref<256x128xf32, #tpu.memory_space<vmem>>, vector<16xf32>,
        %select_n3A_2077 = arith.select %eq3A_2073, %get3A_2076, %select_n3A_2070 : vector<16xi1>, vector<16xf32>
        %eq3A_2078 = arith.constant 3 : i32
        %eq3A_2079 = vector.broadcast %eq3A_2078 : i32 to vector<16xi32>
        %eq3A_2080 = arith.cmpi eq, %gather3A_2030, %eq3A_2079 : vector<16xi32>
        %get3A_2081 = arith.index_cast %add3A_2025 : i32 to index
        %get3A_2082 = arith.constant 112 : index
        %get3A_2083 = tpu.vector_load %arg28[%get3A_2081, %get3A_2082] {strides = array<i32>} : memref<256x128xf32, #tpu.memory_space<vmem>>, vector<16xf32>,
        %select_n3A_2084 = arith.select %eq3A_2080, %get3A_2083, %select_n3A_2077 : vector<16xi1>, vector<16xf32>
        %get3A_2085 = arith.index_cast %add3A_2025 : i32 to index
        %get3A_2086 = arith.constant 0 : index
        %get3A_2087 = tpu.vector_load %arg29[%get3A_2085, %get3A_2086] {strides = array<i32>} : memref<256x128xf32, #tpu.memory_space<vmem>>, vector<16xf32>,
        %eq3A_2088 = arith.constant 1 : i32
        %eq3A_2089 = vector.broadcast %eq3A_2088 : i32 to vector<16xi32>
        %eq3A_2090 = arith.cmpi eq, %gather3A_2033, %eq3A_2089 : vector<16xi32>
        %get3A_2091 = arith.index_cast %add3A_2025 : i32 to index
        %get3A_2092 = arith.constant 32 : index
        %get3A_2093 = tpu.vector_load %arg29[%get3A_2091, %get3A_2092] {strides = array<i32>} : memref<256x128xf32, #tpu.memory_space<vmem>>, vector<16xf32>,
        %select_n3A_2094 = arith.select %eq3A_2090, %get3A_2093, %get3A_2087 : vector<16xi1>, vector<16xf32>
        %eq3A_2095 = arith.constant 2 : i32
        %eq3A_2096 = vector.broadcast %eq3A_2095 : i32 to vector<16xi32>
        %eq3A_2097 = arith.cmpi eq, %gather3A_2033, %eq3A_2096 : vector<16xi32>
        %get3A_2098 = arith.index_cast %add3A_2025 : i32 to index
        %get3A_2099 = arith.constant 64 : index
        %get3A_2100 = tpu.vector_load %arg29[%get3A_2098, %get3A_2099] {strides = array<i32>} : memref<256x128xf32, #tpu.memory_space<vmem>>, vector<16xf32>,
        %select_n3A_2101 = arith.select %eq3A_2097, %get3A_2100, %select_n3A_2094 : vector<16xi1>, vector<16xf32>
        %eq3A_2102 = arith.constant 3 : i32
        %eq3A_2103 = vector.broadcast %eq3A_2102 : i32 to vector<16xi32>
        %eq3A_2104 = arith.cmpi eq, %gather3A_2033, %eq3A_2103 : vector<16xi32>
        %get3A_2105 = arith.index_cast %add3A_2025 : i32 to index
        %get3A_2106 = arith.constant 96 : index
        %get3A_2107 = tpu.vector_load %arg29[%get3A_2105, %get3A_2106] {strides = array<i32>} : memref<256x128xf32, #tpu.memory_space<vmem>>, vector<16xf32>,
        %select_n3A_2108 = arith.select %eq3A_2104, %get3A_2107, %select_n3A_2101 : vector<16xi1>, vector<16xf32>
        %get3A_2109 = arith.index_cast %add3A_2025 : i32 to index
        %get3A_2110 = arith.constant 16 : index
        %get3A_2111 = tpu.vector_load %arg29[%get3A_2109, %get3A_2110] {strides = array<i32>} : memref<256x128xf32, #tpu.memory_space<vmem>>, vector<16xf32>,
        %eq3A_2112 = arith.constant 1 : i32
        %eq3A_2113 = vector.broadcast %eq3A_2112 : i32 to vector<16xi32>
        %eq3A_2114 = arith.cmpi eq, %gather3A_2033, %eq3A_2113 : vector<16xi32>
        %get3A_2115 = arith.index_cast %add3A_2025 : i32 to index
        %get3A_2116 = arith.constant 48 : index
        %get3A_2117 = tpu.vector_load %arg29[%get3A_2115, %get3A_2116] {strides = array<i32>} : memref<256x128xf32, #tpu.memory_space<vmem>>, vector<16xf32>,
        %select_n3A_2118 = arith.select %eq3A_2114, %get3A_2117, %get3A_2111 : vector<16xi1>, vector<16xf32>
        %eq3A_2119 = arith.constant 2 : i32
        %eq3A_2120 = vector.broadcast %eq3A_2119 : i32 to vector<16xi32>
        %eq3A_2121 = arith.cmpi eq, %gather3A_2033, %eq3A_2120 : vector<16xi32>
        %get3A_2122 = arith.index_cast %add3A_2025 : i32 to index
        %get3A_2123 = arith.constant 80 : index
        %get3A_2124 = tpu.vector_load %arg29[%get3A_2122, %get3A_2123] {strides = array<i32>} : memref<256x128xf32, #tpu.memory_space<vmem>>, vector<16xf32>,
        %select_n3A_2125 = arith.select %eq3A_2121, %get3A_2124, %select_n3A_2118 : vector<16xi1>, vector<16xf32>
        %eq3A_2126 = arith.constant 3 : i32
        %eq3A_2127 = vector.broadcast %eq3A_2126 : i32 to vector<16xi32>
        %eq3A_2128 = arith.cmpi eq, %gather3A_2033, %eq3A_2127 : vector<16xi32>
        %get3A_2129 = arith.index_cast %add3A_2025 : i32 to index
        %get3A_2130 = arith.constant 112 : index
        %get3A_2131 = tpu.vector_load %arg29[%get3A_2129, %get3A_2130] {strides = array<i32>} : memref<256x128xf32, #tpu.memory_space<vmem>>, vector<16xf32>,
        %select_n3A_2132 = arith.select %eq3A_2128, %get3A_2131, %select_n3A_2125 : vector<16xi1>, vector<16xf32>
        %get3A_2133 = arith.index_cast %add3A_2025 : i32 to index
        %get3A_2134 = arith.constant 0 : index
        %get3A_2135 = tpu.vector_load %arg30[%get3A_2133, %get3A_2134] {strides = array<i32>} : memref<256x128xf32, #tpu.memory_space<vmem>>, vector<16xf32>,
        %eq3A_2136 = arith.constant 1 : i32
        %eq3A_2137 = vector.broadcast %eq3A_2136 : i32 to vector<16xi32>
        %eq3A_2138 = arith.cmpi eq, %gather3A_2036, %eq3A_2137 : vector<16xi32>
        %get3A_2139 = arith.index_cast %add3A_2025 : i32 to index
        %get3A_2140 = arith.constant 32 : index
        %get3A_2141 = tpu.vector_load %arg30[%get3A_2139, %get3A_2140] {strides = array<i32>} : memref<256x128xf32, #tpu.memory_space<vmem>>, vector<16xf32>,
        %select_n3A_2142 = arith.select %eq3A_2138, %get3A_2141, %get3A_2135 : vector<16xi1>, vector<16xf32>
        %eq3A_2143 = arith.constant 2 : i32
        %eq3A_2144 = vector.broadcast %eq3A_2143 : i32 to vector<16xi32>
        %eq3A_2145 = arith.cmpi eq, %gather3A_2036, %eq3A_2144 : vector<16xi32>
        %get3A_2146 = arith.index_cast %add3A_2025 : i32 to index
        %get3A_2147 = arith.constant 64 : index
        %get3A_2148 = tpu.vector_load %arg30[%get3A_2146, %get3A_2147] {strides = array<i32>} : memref<256x128xf32, #tpu.memory_space<vmem>>, vector<16xf32>,
        %select_n3A_2149 = arith.select %eq3A_2145, %get3A_2148, %select_n3A_2142 : vector<16xi1>, vector<16xf32>
        %eq3A_2150 = arith.constant 3 : i32
        %eq3A_2151 = vector.broadcast %eq3A_2150 : i32 to vector<16xi32>
        %eq3A_2152 = arith.cmpi eq, %gather3A_2036, %eq3A_2151 : vector<16xi32>
        %get3A_2153 = arith.index_cast %add3A_2025 : i32 to index
        %get3A_2154 = arith.constant 96 : index
        %get3A_2155 = tpu.vector_load %arg30[%get3A_2153, %get3A_2154] {strides = array<i32>} : memref<256x128xf32, #tpu.memory_space<vmem>>, vector<16xf32>,
        %select_n3A_2156 = arith.select %eq3A_2152, %get3A_2155, %select_n3A_2149 : vector<16xi1>, vector<16xf32>
        %get3A_2157 = arith.index_cast %add3A_2025 : i32 to index
        %get3A_2158 = arith.constant 16 : index
        %get3A_2159 = tpu.vector_load %arg30[%get3A_2157, %get3A_2158] {strides = array<i32>} : memref<256x128xf32, #tpu.memory_space<vmem>>, vector<16xf32>,
        %eq3A_2160 = arith.constant 1 : i32
        %eq3A_2161 = vector.broadcast %eq3A_2160 : i32 to vector<16xi32>
        %eq3A_2162 = arith.cmpi eq, %gather3A_2036, %eq3A_2161 : vector<16xi32>
        %get3A_2163 = arith.index_cast %add3A_2025 : i32 to index
        %get3A_2164 = arith.constant 48 : index
        %get3A_2165 = tpu.vector_load %arg30[%get3A_2163, %get3A_2164] {strides = array<i32>} : memref<256x128xf32, #tpu.memory_space<vmem>>, vector<16xf32>,
        %select_n3A_2166 = arith.select %eq3A_2162, %get3A_2165, %get3A_2159 : vector<16xi1>, vector<16xf32>
        %eq3A_2167 = arith.constant 2 : i32
        %eq3A_2168 = vector.broadcast %eq3A_2167 : i32 to vector<16xi32>
        %eq3A_2169 = arith.cmpi eq, %gather3A_2036, %eq3A_2168 : vector<16xi32>
        %get3A_2170 = arith.index_cast %add3A_2025 : i32 to index
        %get3A_2171 = arith.constant 80 : index
        %get3A_2172 = tpu.vector_load %arg30[%get3A_2170, %get3A_2171] {strides = array<i32>} : memref<256x128xf32, #tpu.memory_space<vmem>>, vector<16xf32>,
        %select_n3A_2173 = arith.select %eq3A_2169, %get3A_2172, %select_n3A_2166 : vector<16xi1>, vector<16xf32>
        %eq3A_2174 = arith.constant 3 : i32
        %eq3A_2175 = vector.broadcast %eq3A_2174 : i32 to vector<16xi32>
        %eq3A_2176 = arith.cmpi eq, %gather3A_2036, %eq3A_2175 : vector<16xi32>
        %get3A_2177 = arith.index_cast %add3A_2025 : i32 to index
        %get3A_2178 = arith.constant 112 : index
        %get3A_2179 = tpu.vector_load %arg30[%get3A_2177, %get3A_2178] {strides = array<i32>} : memref<256x128xf32, #tpu.memory_space<vmem>>, vector<16xf32>,
        %select_n3A_2180 = arith.select %eq3A_2176, %get3A_2179, %select_n3A_2173 : vector<16xi1>, vector<16xf32>
        %mul3A_2181 = arith.mulf %select_n3A_2060, %select_n3A_2108 : vector<16xf32>
        %mul3A_2182 = arith.mulf %mul3A_2181, %select_n3A_2156 : vector<16xf32>
        %mul3A_2183 = arith.mulf %select_n3A_2084, %select_n3A_2132 : vector<16xf32>
        %mul3A_2184 = arith.mulf %mul3A_2183, %select_n3A_2180 : vector<16xf32>
        %add3A_2185 = arith.addf %mul3A_2182, %mul3A_2184 : vector<16xf32>
        %swap3A_2186 = arith.constant 192 : index
        %swap3A_2187 = tpu.vector_load %arg36[%swap3A_2186] {strides = array<i32>} : memref<256xf32, #tpu.memory_space<vmem>>, vector<16xf32>,
        tpu.vector_store %arg36[%swap3A_2186], %add3A_2185 {strides = array<i32>} : memref<256xf32, #tpu.memory_space<vmem>>, vector<16xf32>,
        %add3A_2188 = arith.constant 13 : i32
        %add3A_2189 = arith.addi %mul3A_54, %add3A_2188 : i32
        %broadcast_in_dim3A_2190 = arith.constant 13 : i32
        %broadcast_in_dim3A_2191 = vector.broadcast %broadcast_in_dim3A_2190 : i32 to vector<16xi32>
        %reshape3A_2192 = vector.shape_cast %broadcast_in_dim3A_2191 : vector<16xi32> to vector<16x1xi32>
        %gather3A_2193 = vector.shape_cast %reshape3A_2192 : vector<16x1xi32> to vector<16xi32>
        %gather3A_2194 = tpu.dynamic_gather %get3A_57[%gather3A_2193] in [0] : vector<16xi32>, vector<16xi32> -> vector<16xi32>
        %reshape3A_2195 = vector.shape_cast %broadcast_in_dim3A_2191 : vector<16xi32> to vector<16x1xi32>
        %gather3A_2196 = vector.shape_cast %reshape3A_2195 : vector<16x1xi32> to vector<16xi32>
        %gather3A_2197 = tpu.dynamic_gather %get3A_59[%gather3A_2196] in [0] : vector<16xi32>, vector<16xi32> -> vector<16xi32>
        %reshape3A_2198 = vector.shape_cast %broadcast_in_dim3A_2191 : vector<16xi32> to vector<16x1xi32>
        %gather3A_2199 = vector.shape_cast %reshape3A_2198 : vector<16x1xi32> to vector<16xi32>
        %gather3A_2200 = tpu.dynamic_gather %get3A_61[%gather3A_2199] in [0] : vector<16xi32>, vector<16xi32> -> vector<16xi32>
        %get3A_2201 = arith.index_cast %add3A_2189 : i32 to index
        %get3A_2202 = arith.constant 0 : index
        %get3A_2203 = tpu.vector_load %arg28[%get3A_2201, %get3A_2202] {strides = array<i32>} : memref<256x128xf32, #tpu.memory_space<vmem>>, vector<16xf32>,
        %eq3A_2204 = arith.constant 1 : i32
        %eq3A_2205 = vector.broadcast %eq3A_2204 : i32 to vector<16xi32>
        %eq3A_2206 = arith.cmpi eq, %gather3A_2194, %eq3A_2205 : vector<16xi32>
        %get3A_2207 = arith.index_cast %add3A_2189 : i32 to index
        %get3A_2208 = arith.constant 32 : index
        %get3A_2209 = tpu.vector_load %arg28[%get3A_2207, %get3A_2208] {strides = array<i32>} : memref<256x128xf32, #tpu.memory_space<vmem>>, vector<16xf32>,
        %select_n3A_2210 = arith.select %eq3A_2206, %get3A_2209, %get3A_2203 : vector<16xi1>, vector<16xf32>
        %eq3A_2211 = arith.constant 2 : i32
        %eq3A_2212 = vector.broadcast %eq3A_2211 : i32 to vector<16xi32>
        %eq3A_2213 = arith.cmpi eq, %gather3A_2194, %eq3A_2212 : vector<16xi32>
        %get3A_2214 = arith.index_cast %add3A_2189 : i32 to index
        %get3A_2215 = arith.constant 64 : index
        %get3A_2216 = tpu.vector_load %arg28[%get3A_2214, %get3A_2215] {strides = array<i32>} : memref<256x128xf32, #tpu.memory_space<vmem>>, vector<16xf32>,
        %select_n3A_2217 = arith.select %eq3A_2213, %get3A_2216, %select_n3A_2210 : vector<16xi1>, vector<16xf32>
        %eq3A_2218 = arith.constant 3 : i32
        %eq3A_2219 = vector.broadcast %eq3A_2218 : i32 to vector<16xi32>
        %eq3A_2220 = arith.cmpi eq, %gather3A_2194, %eq3A_2219 : vector<16xi32>
        %get3A_2221 = arith.index_cast %add3A_2189 : i32 to index
        %get3A_2222 = arith.constant 96 : index
        %get3A_2223 = tpu.vector_load %arg28[%get3A_2221, %get3A_2222] {strides = array<i32>} : memref<256x128xf32, #tpu.memory_space<vmem>>, vector<16xf32>,
        %select_n3A_2224 = arith.select %eq3A_2220, %get3A_2223, %select_n3A_2217 : vector<16xi1>, vector<16xf32>
        %get3A_2225 = arith.index_cast %add3A_2189 : i32 to index
        %get3A_2226 = arith.constant 16 : index
        %get3A_2227 = tpu.vector_load %arg28[%get3A_2225, %get3A_2226] {strides = array<i32>} : memref<256x128xf32, #tpu.memory_space<vmem>>, vector<16xf32>,
        %eq3A_2228 = arith.constant 1 : i32
        %eq3A_2229 = vector.broadcast %eq3A_2228 : i32 to vector<16xi32>
        %eq3A_2230 = arith.cmpi eq, %gather3A_2194, %eq3A_2229 : vector<16xi32>
        %get3A_2231 = arith.index_cast %add3A_2189 : i32 to index
        %get3A_2232 = arith.constant 48 : index
        %get3A_2233 = tpu.vector_load %arg28[%get3A_2231, %get3A_2232] {strides = array<i32>} : memref<256x128xf32, #tpu.memory_space<vmem>>, vector<16xf32>,
        %select_n3A_2234 = arith.select %eq3A_2230, %get3A_2233, %get3A_2227 : vector<16xi1>, vector<16xf32>
        %eq3A_2235 = arith.constant 2 : i32
        %eq3A_2236 = vector.broadcast %eq3A_2235 : i32 to vector<16xi32>
        %eq3A_2237 = arith.cmpi eq, %gather3A_2194, %eq3A_2236 : vector<16xi32>
        %get3A_2238 = arith.index_cast %add3A_2189 : i32 to index
        %get3A_2239 = arith.constant 80 : index
        %get3A_2240 = tpu.vector_load %arg28[%get3A_2238, %get3A_2239] {strides = array<i32>} : memref<256x128xf32, #tpu.memory_space<vmem>>, vector<16xf32>,
        %select_n3A_2241 = arith.select %eq3A_2237, %get3A_2240, %select_n3A_2234 : vector<16xi1>, vector<16xf32>
        %eq3A_2242 = arith.constant 3 : i32
        %eq3A_2243 = vector.broadcast %eq3A_2242 : i32 to vector<16xi32>
        %eq3A_2244 = arith.cmpi eq, %gather3A_2194, %eq3A_2243 : vector<16xi32>
        %get3A_2245 = arith.index_cast %add3A_2189 : i32 to index
        %get3A_2246 = arith.constant 112 : index
        %get3A_2247 = tpu.vector_load %arg28[%get3A_2245, %get3A_2246] {strides = array<i32>} : memref<256x128xf32, #tpu.memory_space<vmem>>, vector<16xf32>,
        %select_n3A_2248 = arith.select %eq3A_2244, %get3A_2247, %select_n3A_2241 : vector<16xi1>, vector<16xf32>
        %get3A_2249 = arith.index_cast %add3A_2189 : i32 to index
        %get3A_2250 = arith.constant 0 : index
        %get3A_2251 = tpu.vector_load %arg29[%get3A_2249, %get3A_2250] {strides = array<i32>} : memref<256x128xf32, #tpu.memory_space<vmem>>, vector<16xf32>,
        %eq3A_2252 = arith.constant 1 : i32
        %eq3A_2253 = vector.broadcast %eq3A_2252 : i32 to vector<16xi32>
        %eq3A_2254 = arith.cmpi eq, %gather3A_2197, %eq3A_2253 : vector<16xi32>
        %get3A_2255 = arith.index_cast %add3A_2189 : i32 to index
        %get3A_2256 = arith.constant 32 : index
        %get3A_2257 = tpu.vector_load %arg29[%get3A_2255, %get3A_2256] {strides = array<i32>} : memref<256x128xf32, #tpu.memory_space<vmem>>, vector<16xf32>,
        %select_n3A_2258 = arith.select %eq3A_2254, %get3A_2257, %get3A_2251 : vector<16xi1>, vector<16xf32>
        %eq3A_2259 = arith.constant 2 : i32
        %eq3A_2260 = vector.broadcast %eq3A_2259 : i32 to vector<16xi32>
        %eq3A_2261 = arith.cmpi eq, %gather3A_2197, %eq3A_2260 : vector<16xi32>
        %get3A_2262 = arith.index_cast %add3A_2189 : i32 to index
        %get3A_2263 = arith.constant 64 : index
        %get3A_2264 = tpu.vector_load %arg29[%get3A_2262, %get3A_2263] {strides = array<i32>} : memref<256x128xf32, #tpu.memory_space<vmem>>, vector<16xf32>,
        %select_n3A_2265 = arith.select %eq3A_2261, %get3A_2264, %select_n3A_2258 : vector<16xi1>, vector<16xf32>
        %eq3A_2266 = arith.constant 3 : i32
        %eq3A_2267 = vector.broadcast %eq3A_2266 : i32 to vector<16xi32>
        %eq3A_2268 = arith.cmpi eq, %gather3A_2197, %eq3A_2267 : vector<16xi32>
        %get3A_2269 = arith.index_cast %add3A_2189 : i32 to index
        %get3A_2270 = arith.constant 96 : index
        %get3A_2271 = tpu.vector_load %arg29[%get3A_2269, %get3A_2270] {strides = array<i32>} : memref<256x128xf32, #tpu.memory_space<vmem>>, vector<16xf32>,
        %select_n3A_2272 = arith.select %eq3A_2268, %get3A_2271, %select_n3A_2265 : vector<16xi1>, vector<16xf32>
        %get3A_2273 = arith.index_cast %add3A_2189 : i32 to index
        %get3A_2274 = arith.constant 16 : index
        %get3A_2275 = tpu.vector_load %arg29[%get3A_2273, %get3A_2274] {strides = array<i32>} : memref<256x128xf32, #tpu.memory_space<vmem>>, vector<16xf32>,
        %eq3A_2276 = arith.constant 1 : i32
        %eq3A_2277 = vector.broadcast %eq3A_2276 : i32 to vector<16xi32>
        %eq3A_2278 = arith.cmpi eq, %gather3A_2197, %eq3A_2277 : vector<16xi32>
        %get3A_2279 = arith.index_cast %add3A_2189 : i32 to index
        %get3A_2280 = arith.constant 48 : index
        %get3A_2281 = tpu.vector_load %arg29[%get3A_2279, %get3A_2280] {strides = array<i32>} : memref<256x128xf32, #tpu.memory_space<vmem>>, vector<16xf32>,
        %select_n3A_2282 = arith.select %eq3A_2278, %get3A_2281, %get3A_2275 : vector<16xi1>, vector<16xf32>
        %eq3A_2283 = arith.constant 2 : i32
        %eq3A_2284 = vector.broadcast %eq3A_2283 : i32 to vector<16xi32>
        %eq3A_2285 = arith.cmpi eq, %gather3A_2197, %eq3A_2284 : vector<16xi32>
        %get3A_2286 = arith.index_cast %add3A_2189 : i32 to index
        %get3A_2287 = arith.constant 80 : index
        %get3A_2288 = tpu.vector_load %arg29[%get3A_2286, %get3A_2287] {strides = array<i32>} : memref<256x128xf32, #tpu.memory_space<vmem>>, vector<16xf32>,
        %select_n3A_2289 = arith.select %eq3A_2285, %get3A_2288, %select_n3A_2282 : vector<16xi1>, vector<16xf32>
        %eq3A_2290 = arith.constant 3 : i32
        %eq3A_2291 = vector.broadcast %eq3A_2290 : i32 to vector<16xi32>
        %eq3A_2292 = arith.cmpi eq, %gather3A_2197, %eq3A_2291 : vector<16xi32>
        %get3A_2293 = arith.index_cast %add3A_2189 : i32 to index
        %get3A_2294 = arith.constant 112 : index
        %get3A_2295 = tpu.vector_load %arg29[%get3A_2293, %get3A_2294] {strides = array<i32>} : memref<256x128xf32, #tpu.memory_space<vmem>>, vector<16xf32>,
        %select_n3A_2296 = arith.select %eq3A_2292, %get3A_2295, %select_n3A_2289 : vector<16xi1>, vector<16xf32>
        %get3A_2297 = arith.index_cast %add3A_2189 : i32 to index
        %get3A_2298 = arith.constant 0 : index
        %get3A_2299 = tpu.vector_load %arg30[%get3A_2297, %get3A_2298] {strides = array<i32>} : memref<256x128xf32, #tpu.memory_space<vmem>>, vector<16xf32>,
        %eq3A_2300 = arith.constant 1 : i32
        %eq3A_2301 = vector.broadcast %eq3A_2300 : i32 to vector<16xi32>
        %eq3A_2302 = arith.cmpi eq, %gather3A_2200, %eq3A_2301 : vector<16xi32>
        %get3A_2303 = arith.index_cast %add3A_2189 : i32 to index
        %get3A_2304 = arith.constant 32 : index
        %get3A_2305 = tpu.vector_load %arg30[%get3A_2303, %get3A_2304] {strides = array<i32>} : memref<256x128xf32, #tpu.memory_space<vmem>>, vector<16xf32>,
        %select_n3A_2306 = arith.select %eq3A_2302, %get3A_2305, %get3A_2299 : vector<16xi1>, vector<16xf32>
        %eq3A_2307 = arith.constant 2 : i32
        %eq3A_2308 = vector.broadcast %eq3A_2307 : i32 to vector<16xi32>
        %eq3A_2309 = arith.cmpi eq, %gather3A_2200, %eq3A_2308 : vector<16xi32>
        %get3A_2310 = arith.index_cast %add3A_2189 : i32 to index
        %get3A_2311 = arith.constant 64 : index
        %get3A_2312 = tpu.vector_load %arg30[%get3A_2310, %get3A_2311] {strides = array<i32>} : memref<256x128xf32, #tpu.memory_space<vmem>>, vector<16xf32>,
        %select_n3A_2313 = arith.select %eq3A_2309, %get3A_2312, %select_n3A_2306 : vector<16xi1>, vector<16xf32>
        %eq3A_2314 = arith.constant 3 : i32
        %eq3A_2315 = vector.broadcast %eq3A_2314 : i32 to vector<16xi32>
        %eq3A_2316 = arith.cmpi eq, %gather3A_2200, %eq3A_2315 : vector<16xi32>
        %get3A_2317 = arith.index_cast %add3A_2189 : i32 to index
        %get3A_2318 = arith.constant 96 : index
        %get3A_2319 = tpu.vector_load %arg30[%get3A_2317, %get3A_2318] {strides = array<i32>} : memref<256x128xf32, #tpu.memory_space<vmem>>, vector<16xf32>,
        %select_n3A_2320 = arith.select %eq3A_2316, %get3A_2319, %select_n3A_2313 : vector<16xi1>, vector<16xf32>
        %get3A_2321 = arith.index_cast %add3A_2189 : i32 to index
        %get3A_2322 = arith.constant 16 : index
        %get3A_2323 = tpu.vector_load %arg30[%get3A_2321, %get3A_2322] {strides = array<i32>} : memref<256x128xf32, #tpu.memory_space<vmem>>, vector<16xf32>,
        %eq3A_2324 = arith.constant 1 : i32
        %eq3A_2325 = vector.broadcast %eq3A_2324 : i32 to vector<16xi32>
        %eq3A_2326 = arith.cmpi eq, %gather3A_2200, %eq3A_2325 : vector<16xi32>
        %get3A_2327 = arith.index_cast %add3A_2189 : i32 to index
        %get3A_2328 = arith.constant 48 : index
        %get3A_2329 = tpu.vector_load %arg30[%get3A_2327, %get3A_2328] {strides = array<i32>} : memref<256x128xf32, #tpu.memory_space<vmem>>, vector<16xf32>,
        %select_n3A_2330 = arith.select %eq3A_2326, %get3A_2329, %get3A_2323 : vector<16xi1>, vector<16xf32>
        %eq3A_2331 = arith.constant 2 : i32
        %eq3A_2332 = vector.broadcast %eq3A_2331 : i32 to vector<16xi32>
        %eq3A_2333 = arith.cmpi eq, %gather3A_2200, %eq3A_2332 : vector<16xi32>
        %get3A_2334 = arith.index_cast %add3A_2189 : i32 to index
        %get3A_2335 = arith.constant 80 : index
        %get3A_2336 = tpu.vector_load %arg30[%get3A_2334, %get3A_2335] {strides = array<i32>} : memref<256x128xf32, #tpu.memory_space<vmem>>, vector<16xf32>,
        %select_n3A_2337 = arith.select %eq3A_2333, %get3A_2336, %select_n3A_2330 : vector<16xi1>, vector<16xf32>
        %eq3A_2338 = arith.constant 3 : i32
        %eq3A_2339 = vector.broadcast %eq3A_2338 : i32 to vector<16xi32>
        %eq3A_2340 = arith.cmpi eq, %gather3A_2200, %eq3A_2339 : vector<16xi32>
        %get3A_2341 = arith.index_cast %add3A_2189 : i32 to index
        %get3A_2342 = arith.constant 112 : index
        %get3A_2343 = tpu.vector_load %arg30[%get3A_2341, %get3A_2342] {strides = array<i32>} : memref<256x128xf32, #tpu.memory_space<vmem>>, vector<16xf32>,
        %select_n3A_2344 = arith.select %eq3A_2340, %get3A_2343, %select_n3A_2337 : vector<16xi1>, vector<16xf32>
        %mul3A_2345 = arith.mulf %select_n3A_2224, %select_n3A_2272 : vector<16xf32>
        %mul3A_2346 = arith.mulf %mul3A_2345, %select_n3A_2320 : vector<16xf32>
        %mul3A_2347 = arith.mulf %select_n3A_2248, %select_n3A_2296 : vector<16xf32>
        %mul3A_2348 = arith.mulf %mul3A_2347, %select_n3A_2344 : vector<16xf32>
        %add3A_2349 = arith.addf %mul3A_2346, %mul3A_2348 : vector<16xf32>
        %swap3A_2350 = arith.constant 208 : index
        %swap3A_2351 = tpu.vector_load %arg36[%swap3A_2350] {strides = array<i32>} : memref<256xf32, #tpu.memory_space<vmem>>, vector<16xf32>,
        tpu.vector_store %arg36[%swap3A_2350], %add3A_2349 {strides = array<i32>} : memref<256xf32, #tpu.memory_space<vmem>>, vector<16xf32>,
        %add3A_2352 = arith.constant 14 : i32
        %add3A_2353 = arith.addi %mul3A_54, %add3A_2352 : i32
        %broadcast_in_dim3A_2354 = arith.constant 14 : i32
        %broadcast_in_dim3A_2355 = vector.broadcast %broadcast_in_dim3A_2354 : i32 to vector<16xi32>
        %reshape3A_2356 = vector.shape_cast %broadcast_in_dim3A_2355 : vector<16xi32> to vector<16x1xi32>
        %gather3A_2357 = vector.shape_cast %reshape3A_2356 : vector<16x1xi32> to vector<16xi32>
        %gather3A_2358 = tpu.dynamic_gather %get3A_57[%gather3A_2357] in [0] : vector<16xi32>, vector<16xi32> -> vector<16xi32>
        %reshape3A_2359 = vector.shape_cast %broadcast_in_dim3A_2355 : vector<16xi32> to vector<16x1xi32>
        %gather3A_2360 = vector.shape_cast %reshape3A_2359 : vector<16x1xi32> to vector<16xi32>
        %gather3A_2361 = tpu.dynamic_gather %get3A_59[%gather3A_2360] in [0] : vector<16xi32>, vector<16xi32> -> vector<16xi32>
        %reshape3A_2362 = vector.shape_cast %broadcast_in_dim3A_2355 : vector<16xi32> to vector<16x1xi32>
        %gather3A_2363 = vector.shape_cast %reshape3A_2362 : vector<16x1xi32> to vector<16xi32>
        %gather3A_2364 = tpu.dynamic_gather %get3A_61[%gather3A_2363] in [0] : vector<16xi32>, vector<16xi32> -> vector<16xi32>
        %get3A_2365 = arith.index_cast %add3A_2353 : i32 to index
        %get3A_2366 = arith.constant 0 : index
        %get3A_2367 = tpu.vector_load %arg28[%get3A_2365, %get3A_2366] {strides = array<i32>} : memref<256x128xf32, #tpu.memory_space<vmem>>, vector<16xf32>,
        %eq3A_2368 = arith.constant 1 : i32
        %eq3A_2369 = vector.broadcast %eq3A_2368 : i32 to vector<16xi32>
        %eq3A_2370 = arith.cmpi eq, %gather3A_2358, %eq3A_2369 : vector<16xi32>
        %get3A_2371 = arith.index_cast %add3A_2353 : i32 to index
        %get3A_2372 = arith.constant 32 : index
        %get3A_2373 = tpu.vector_load %arg28[%get3A_2371, %get3A_2372] {strides = array<i32>} : memref<256x128xf32, #tpu.memory_space<vmem>>, vector<16xf32>,
        %select_n3A_2374 = arith.select %eq3A_2370, %get3A_2373, %get3A_2367 : vector<16xi1>, vector<16xf32>
        %eq3A_2375 = arith.constant 2 : i32
        %eq3A_2376 = vector.broadcast %eq3A_2375 : i32 to vector<16xi32>
        %eq3A_2377 = arith.cmpi eq, %gather3A_2358, %eq3A_2376 : vector<16xi32>
        %get3A_2378 = arith.index_cast %add3A_2353 : i32 to index
        %get3A_2379 = arith.constant 64 : index
        %get3A_2380 = tpu.vector_load %arg28[%get3A_2378, %get3A_2379] {strides = array<i32>} : memref<256x128xf32, #tpu.memory_space<vmem>>, vector<16xf32>,
        %select_n3A_2381 = arith.select %eq3A_2377, %get3A_2380, %select_n3A_2374 : vector<16xi1>, vector<16xf32>
        %eq3A_2382 = arith.constant 3 : i32
        %eq3A_2383 = vector.broadcast %eq3A_2382 : i32 to vector<16xi32>
        %eq3A_2384 = arith.cmpi eq, %gather3A_2358, %eq3A_2383 : vector<16xi32>
        %get3A_2385 = arith.index_cast %add3A_2353 : i32 to index
        %get3A_2386 = arith.constant 96 : index
        %get3A_2387 = tpu.vector_load %arg28[%get3A_2385, %get3A_2386] {strides = array<i32>} : memref<256x128xf32, #tpu.memory_space<vmem>>, vector<16xf32>,
        %select_n3A_2388 = arith.select %eq3A_2384, %get3A_2387, %select_n3A_2381 : vector<16xi1>, vector<16xf32>
        %get3A_2389 = arith.index_cast %add3A_2353 : i32 to index
        %get3A_2390 = arith.constant 16 : index
        %get3A_2391 = tpu.vector_load %arg28[%get3A_2389, %get3A_2390] {strides = array<i32>} : memref<256x128xf32, #tpu.memory_space<vmem>>, vector<16xf32>,
        %eq3A_2392 = arith.constant 1 : i32
        %eq3A_2393 = vector.broadcast %eq3A_2392 : i32 to vector<16xi32>
        %eq3A_2394 = arith.cmpi eq, %gather3A_2358, %eq3A_2393 : vector<16xi32>
        %get3A_2395 = arith.index_cast %add3A_2353 : i32 to index
        %get3A_2396 = arith.constant 48 : index
        %get3A_2397 = tpu.vector_load %arg28[%get3A_2395, %get3A_2396] {strides = array<i32>} : memref<256x128xf32, #tpu.memory_space<vmem>>, vector<16xf32>,
        %select_n3A_2398 = arith.select %eq3A_2394, %get3A_2397, %get3A_2391 : vector<16xi1>, vector<16xf32>
        %eq3A_2399 = arith.constant 2 : i32
        %eq3A_2400 = vector.broadcast %eq3A_2399 : i32 to vector<16xi32>
        %eq3A_2401 = arith.cmpi eq, %gather3A_2358, %eq3A_2400 : vector<16xi32>
        %get3A_2402 = arith.index_cast %add3A_2353 : i32 to index
        %get3A_2403 = arith.constant 80 : index
        %get3A_2404 = tpu.vector_load %arg28[%get3A_2402, %get3A_2403] {strides = array<i32>} : memref<256x128xf32, #tpu.memory_space<vmem>>, vector<16xf32>,
        %select_n3A_2405 = arith.select %eq3A_2401, %get3A_2404, %select_n3A_2398 : vector<16xi1>, vector<16xf32>
        %eq3A_2406 = arith.constant 3 : i32
        %eq3A_2407 = vector.broadcast %eq3A_2406 : i32 to vector<16xi32>
        %eq3A_2408 = arith.cmpi eq, %gather3A_2358, %eq3A_2407 : vector<16xi32>
        %get3A_2409 = arith.index_cast %add3A_2353 : i32 to index
        %get3A_2410 = arith.constant 112 : index
        %get3A_2411 = tpu.vector_load %arg28[%get3A_2409, %get3A_2410] {strides = array<i32>} : memref<256x128xf32, #tpu.memory_space<vmem>>, vector<16xf32>,
        %select_n3A_2412 = arith.select %eq3A_2408, %get3A_2411, %select_n3A_2405 : vector<16xi1>, vector<16xf32>
        %get3A_2413 = arith.index_cast %add3A_2353 : i32 to index
        %get3A_2414 = arith.constant 0 : index
        %get3A_2415 = tpu.vector_load %arg29[%get3A_2413, %get3A_2414] {strides = array<i32>} : memref<256x128xf32, #tpu.memory_space<vmem>>, vector<16xf32>,
        %eq3A_2416 = arith.constant 1 : i32
        %eq3A_2417 = vector.broadcast %eq3A_2416 : i32 to vector<16xi32>
        %eq3A_2418 = arith.cmpi eq, %gather3A_2361, %eq3A_2417 : vector<16xi32>
        %get3A_2419 = arith.index_cast %add3A_2353 : i32 to index
        %get3A_2420 = arith.constant 32 : index
        %get3A_2421 = tpu.vector_load %arg29[%get3A_2419, %get3A_2420] {strides = array<i32>} : memref<256x128xf32, #tpu.memory_space<vmem>>, vector<16xf32>,
        %select_n3A_2422 = arith.select %eq3A_2418, %get3A_2421, %get3A_2415 : vector<16xi1>, vector<16xf32>
        %eq3A_2423 = arith.constant 2 : i32
        %eq3A_2424 = vector.broadcast %eq3A_2423 : i32 to vector<16xi32>
        %eq3A_2425 = arith.cmpi eq, %gather3A_2361, %eq3A_2424 : vector<16xi32>
        %get3A_2426 = arith.index_cast %add3A_2353 : i32 to index
        %get3A_2427 = arith.constant 64 : index
        %get3A_2428 = tpu.vector_load %arg29[%get3A_2426, %get3A_2427] {strides = array<i32>} : memref<256x128xf32, #tpu.memory_space<vmem>>, vector<16xf32>,
        %select_n3A_2429 = arith.select %eq3A_2425, %get3A_2428, %select_n3A_2422 : vector<16xi1>, vector<16xf32>
        %eq3A_2430 = arith.constant 3 : i32
        %eq3A_2431 = vector.broadcast %eq3A_2430 : i32 to vector<16xi32>
        %eq3A_2432 = arith.cmpi eq, %gather3A_2361, %eq3A_2431 : vector<16xi32>
        %get3A_2433 = arith.index_cast %add3A_2353 : i32 to index
        %get3A_2434 = arith.constant 96 : index
        %get3A_2435 = tpu.vector_load %arg29[%get3A_2433, %get3A_2434] {strides = array<i32>} : memref<256x128xf32, #tpu.memory_space<vmem>>, vector<16xf32>,
        %select_n3A_2436 = arith.select %eq3A_2432, %get3A_2435, %select_n3A_2429 : vector<16xi1>, vector<16xf32>
        %get3A_2437 = arith.index_cast %add3A_2353 : i32 to index
        %get3A_2438 = arith.constant 16 : index
        %get3A_2439 = tpu.vector_load %arg29[%get3A_2437, %get3A_2438] {strides = array<i32>} : memref<256x128xf32, #tpu.memory_space<vmem>>, vector<16xf32>,
        %eq3A_2440 = arith.constant 1 : i32
        %eq3A_2441 = vector.broadcast %eq3A_2440 : i32 to vector<16xi32>
        %eq3A_2442 = arith.cmpi eq, %gather3A_2361, %eq3A_2441 : vector<16xi32>
        %get3A_2443 = arith.index_cast %add3A_2353 : i32 to index
        %get3A_2444 = arith.constant 48 : index
        %get3A_2445 = tpu.vector_load %arg29[%get3A_2443, %get3A_2444] {strides = array<i32>} : memref<256x128xf32, #tpu.memory_space<vmem>>, vector<16xf32>,
        %select_n3A_2446 = arith.select %eq3A_2442, %get3A_2445, %get3A_2439 : vector<16xi1>, vector<16xf32>
        %eq3A_2447 = arith.constant 2 : i32
        %eq3A_2448 = vector.broadcast %eq3A_2447 : i32 to vector<16xi32>
        %eq3A_2449 = arith.cmpi eq, %gather3A_2361, %eq3A_2448 : vector<16xi32>
        %get3A_2450 = arith.index_cast %add3A_2353 : i32 to index
        %get3A_2451 = arith.constant 80 : index
        %get3A_2452 = tpu.vector_load %arg29[%get3A_2450, %get3A_2451] {strides = array<i32>} : memref<256x128xf32, #tpu.memory_space<vmem>>, vector<16xf32>,
        %select_n3A_2453 = arith.select %eq3A_2449, %get3A_2452, %select_n3A_2446 : vector<16xi1>, vector<16xf32>
        %eq3A_2454 = arith.constant 3 : i32
        %eq3A_2455 = vector.broadcast %eq3A_2454 : i32 to vector<16xi32>
        %eq3A_2456 = arith.cmpi eq, %gather3A_2361, %eq3A_2455 : vector<16xi32>
        %get3A_2457 = arith.index_cast %add3A_2353 : i32 to index
        %get3A_2458 = arith.constant 112 : index
        %get3A_2459 = tpu.vector_load %arg29[%get3A_2457, %get3A_2458] {strides = array<i32>} : memref<256x128xf32, #tpu.memory_space<vmem>>, vector<16xf32>,
        %select_n3A_2460 = arith.select %eq3A_2456, %get3A_2459, %select_n3A_2453 : vector<16xi1>, vector<16xf32>
        %get3A_2461 = arith.index_cast %add3A_2353 : i32 to index
        %get3A_2462 = arith.constant 0 : index
        %get3A_2463 = tpu.vector_load %arg30[%get3A_2461, %get3A_2462] {strides = array<i32>} : memref<256x128xf32, #tpu.memory_space<vmem>>, vector<16xf32>,
        %eq3A_2464 = arith.constant 1 : i32
        %eq3A_2465 = vector.broadcast %eq3A_2464 : i32 to vector<16xi32>
        %eq3A_2466 = arith.cmpi eq, %gather3A_2364, %eq3A_2465 : vector<16xi32>
        %get3A_2467 = arith.index_cast %add3A_2353 : i32 to index
        %get3A_2468 = arith.constant 32 : index
        %get3A_2469 = tpu.vector_load %arg30[%get3A_2467, %get3A_2468] {strides = array<i32>} : memref<256x128xf32, #tpu.memory_space<vmem>>, vector<16xf32>,
        %select_n3A_2470 = arith.select %eq3A_2466, %get3A_2469, %get3A_2463 : vector<16xi1>, vector<16xf32>
        %eq3A_2471 = arith.constant 2 : i32
        %eq3A_2472 = vector.broadcast %eq3A_2471 : i32 to vector<16xi32>
        %eq3A_2473 = arith.cmpi eq, %gather3A_2364, %eq3A_2472 : vector<16xi32>
        %get3A_2474 = arith.index_cast %add3A_2353 : i32 to index
        %get3A_2475 = arith.constant 64 : index
        %get3A_2476 = tpu.vector_load %arg30[%get3A_2474, %get3A_2475] {strides = array<i32>} : memref<256x128xf32, #tpu.memory_space<vmem>>, vector<16xf32>,
        %select_n3A_2477 = arith.select %eq3A_2473, %get3A_2476, %select_n3A_2470 : vector<16xi1>, vector<16xf32>
        %eq3A_2478 = arith.constant 3 : i32
        %eq3A_2479 = vector.broadcast %eq3A_2478 : i32 to vector<16xi32>
        %eq3A_2480 = arith.cmpi eq, %gather3A_2364, %eq3A_2479 : vector<16xi32>
        %get3A_2481 = arith.index_cast %add3A_2353 : i32 to index
        %get3A_2482 = arith.constant 96 : index
        %get3A_2483 = tpu.vector_load %arg30[%get3A_2481, %get3A_2482] {strides = array<i32>} : memref<256x128xf32, #tpu.memory_space<vmem>>, vector<16xf32>,
        %select_n3A_2484 = arith.select %eq3A_2480, %get3A_2483, %select_n3A_2477 : vector<16xi1>, vector<16xf32>
        %get3A_2485 = arith.index_cast %add3A_2353 : i32 to index
        %get3A_2486 = arith.constant 16 : index
        %get3A_2487 = tpu.vector_load %arg30[%get3A_2485, %get3A_2486] {strides = array<i32>} : memref<256x128xf32, #tpu.memory_space<vmem>>, vector<16xf32>,
        %eq3A_2488 = arith.constant 1 : i32
        %eq3A_2489 = vector.broadcast %eq3A_2488 : i32 to vector<16xi32>
        %eq3A_2490 = arith.cmpi eq, %gather3A_2364, %eq3A_2489 : vector<16xi32>
        %get3A_2491 = arith.index_cast %add3A_2353 : i32 to index
        %get3A_2492 = arith.constant 48 : index
        %get3A_2493 = tpu.vector_load %arg30[%get3A_2491, %get3A_2492] {strides = array<i32>} : memref<256x128xf32, #tpu.memory_space<vmem>>, vector<16xf32>,
        %select_n3A_2494 = arith.select %eq3A_2490, %get3A_2493, %get3A_2487 : vector<16xi1>, vector<16xf32>
        %eq3A_2495 = arith.constant 2 : i32
        %eq3A_2496 = vector.broadcast %eq3A_2495 : i32 to vector<16xi32>
        %eq3A_2497 = arith.cmpi eq, %gather3A_2364, %eq3A_2496 : vector<16xi32>
        %get3A_2498 = arith.index_cast %add3A_2353 : i32 to index
        %get3A_2499 = arith.constant 80 : index
        %get3A_2500 = tpu.vector_load %arg30[%get3A_2498, %get3A_2499] {strides = array<i32>} : memref<256x128xf32, #tpu.memory_space<vmem>>, vector<16xf32>,
        %select_n3A_2501 = arith.select %eq3A_2497, %get3A_2500, %select_n3A_2494 : vector<16xi1>, vector<16xf32>
        %eq3A_2502 = arith.constant 3 : i32
        %eq3A_2503 = vector.broadcast %eq3A_2502 : i32 to vector<16xi32>
        %eq3A_2504 = arith.cmpi eq, %gather3A_2364, %eq3A_2503 : vector<16xi32>
        %get3A_2505 = arith.index_cast %add3A_2353 : i32 to index
        %get3A_2506 = arith.constant 112 : index
        %get3A_2507 = tpu.vector_load %arg30[%get3A_2505, %get3A_2506] {strides = array<i32>} : memref<256x128xf32, #tpu.memory_space<vmem>>, vector<16xf32>,
        %select_n3A_2508 = arith.select %eq3A_2504, %get3A_2507, %select_n3A_2501 : vector<16xi1>, vector<16xf32>
        %mul3A_2509 = arith.mulf %select_n3A_2388, %select_n3A_2436 : vector<16xf32>
        %mul3A_2510 = arith.mulf %mul3A_2509, %select_n3A_2484 : vector<16xf32>
        %mul3A_2511 = arith.mulf %select_n3A_2412, %select_n3A_2460 : vector<16xf32>
        %mul3A_2512 = arith.mulf %mul3A_2511, %select_n3A_2508 : vector<16xf32>
        %add3A_2513 = arith.addf %mul3A_2510, %mul3A_2512 : vector<16xf32>
        %swap3A_2514 = arith.constant 224 : index
        %swap3A_2515 = tpu.vector_load %arg36[%swap3A_2514] {strides = array<i32>} : memref<256xf32, #tpu.memory_space<vmem>>, vector<16xf32>,
        tpu.vector_store %arg36[%swap3A_2514], %add3A_2513 {strides = array<i32>} : memref<256xf32, #tpu.memory_space<vmem>>, vector<16xf32>,
        %add3A_2516 = arith.constant 15 : i32
        %add3A_2517 = arith.addi %mul3A_54, %add3A_2516 : i32
        %broadcast_in_dim3A_2518 = arith.constant 15 : i32
        %broadcast_in_dim3A_2519 = vector.broadcast %broadcast_in_dim3A_2518 : i32 to vector<16xi32>
        %reshape3A_2520 = vector.shape_cast %broadcast_in_dim3A_2519 : vector<16xi32> to vector<16x1xi32>
        %gather3A_2521 = vector.shape_cast %reshape3A_2520 : vector<16x1xi32> to vector<16xi32>
        %gather3A_2522 = tpu.dynamic_gather %get3A_57[%gather3A_2521] in [0] : vector<16xi32>, vector<16xi32> -> vector<16xi32>
        %reshape3A_2523 = vector.shape_cast %broadcast_in_dim3A_2519 : vector<16xi32> to vector<16x1xi32>
        %gather3A_2524 = vector.shape_cast %reshape3A_2523 : vector<16x1xi32> to vector<16xi32>
        %gather3A_2525 = tpu.dynamic_gather %get3A_59[%gather3A_2524] in [0] : vector<16xi32>, vector<16xi32> -> vector<16xi32>
        %reshape3A_2526 = vector.shape_cast %broadcast_in_dim3A_2519 : vector<16xi32> to vector<16x1xi32>
        %gather3A_2527 = vector.shape_cast %reshape3A_2526 : vector<16x1xi32> to vector<16xi32>
        %gather3A_2528 = tpu.dynamic_gather %get3A_61[%gather3A_2527] in [0] : vector<16xi32>, vector<16xi32> -> vector<16xi32>
        %get3A_2529 = arith.index_cast %add3A_2517 : i32 to index
        %get3A_2530 = arith.constant 0 : index
        %get3A_2531 = tpu.vector_load %arg28[%get3A_2529, %get3A_2530] {strides = array<i32>} : memref<256x128xf32, #tpu.memory_space<vmem>>, vector<16xf32>,
        %eq3A_2532 = arith.constant 1 : i32
        %eq3A_2533 = vector.broadcast %eq3A_2532 : i32 to vector<16xi32>
        %eq3A_2534 = arith.cmpi eq, %gather3A_2522, %eq3A_2533 : vector<16xi32>
        %get3A_2535 = arith.index_cast %add3A_2517 : i32 to index
        %get3A_2536 = arith.constant 32 : index
        %get3A_2537 = tpu.vector_load %arg28[%get3A_2535, %get3A_2536] {strides = array<i32>} : memref<256x128xf32, #tpu.memory_space<vmem>>, vector<16xf32>,
        %select_n3A_2538 = arith.select %eq3A_2534, %get3A_2537, %get3A_2531 : vector<16xi1>, vector<16xf32>
        %eq3A_2539 = arith.constant 2 : i32
        %eq3A_2540 = vector.broadcast %eq3A_2539 : i32 to vector<16xi32>
        %eq3A_2541 = arith.cmpi eq, %gather3A_2522, %eq3A_2540 : vector<16xi32>
        %get3A_2542 = arith.index_cast %add3A_2517 : i32 to index
        %get3A_2543 = arith.constant 64 : index
        %get3A_2544 = tpu.vector_load %arg28[%get3A_2542, %get3A_2543] {strides = array<i32>} : memref<256x128xf32, #tpu.memory_space<vmem>>, vector<16xf32>,
        %select_n3A_2545 = arith.select %eq3A_2541, %get3A_2544, %select_n3A_2538 : vector<16xi1>, vector<16xf32>
        %eq3A_2546 = arith.constant 3 : i32
        %eq3A_2547 = vector.broadcast %eq3A_2546 : i32 to vector<16xi32>
        %eq3A_2548 = arith.cmpi eq, %gather3A_2522, %eq3A_2547 : vector<16xi32>
        %get3A_2549 = arith.index_cast %add3A_2517 : i32 to index
        %get3A_2550 = arith.constant 96 : index
        %get3A_2551 = tpu.vector_load %arg28[%get3A_2549, %get3A_2550] {strides = array<i32>} : memref<256x128xf32, #tpu.memory_space<vmem>>, vector<16xf32>,
        %select_n3A_2552 = arith.select %eq3A_2548, %get3A_2551, %select_n3A_2545 : vector<16xi1>, vector<16xf32>
        %get3A_2553 = arith.index_cast %add3A_2517 : i32 to index
        %get3A_2554 = arith.constant 16 : index
        %get3A_2555 = tpu.vector_load %arg28[%get3A_2553, %get3A_2554] {strides = array<i32>} : memref<256x128xf32, #tpu.memory_space<vmem>>, vector<16xf32>,
        %eq3A_2556 = arith.constant 1 : i32
        %eq3A_2557 = vector.broadcast %eq3A_2556 : i32 to vector<16xi32>
        %eq3A_2558 = arith.cmpi eq, %gather3A_2522, %eq3A_2557 : vector<16xi32>
        %get3A_2559 = arith.index_cast %add3A_2517 : i32 to index
        %get3A_2560 = arith.constant 48 : index
        %get3A_2561 = tpu.vector_load %arg28[%get3A_2559, %get3A_2560] {strides = array<i32>} : memref<256x128xf32, #tpu.memory_space<vmem>>, vector<16xf32>,
        %select_n3A_2562 = arith.select %eq3A_2558, %get3A_2561, %get3A_2555 : vector<16xi1>, vector<16xf32>
        %eq3A_2563 = arith.constant 2 : i32
        %eq3A_2564 = vector.broadcast %eq3A_2563 : i32 to vector<16xi32>
        %eq3A_2565 = arith.cmpi eq, %gather3A_2522, %eq3A_2564 : vector<16xi32>
        %get3A_2566 = arith.index_cast %add3A_2517 : i32 to index
        %get3A_2567 = arith.constant 80 : index
        %get3A_2568 = tpu.vector_load %arg28[%get3A_2566, %get3A_2567] {strides = array<i32>} : memref<256x128xf32, #tpu.memory_space<vmem>>, vector<16xf32>,
        %select_n3A_2569 = arith.select %eq3A_2565, %get3A_2568, %select_n3A_2562 : vector<16xi1>, vector<16xf32>
        %eq3A_2570 = arith.constant 3 : i32
        %eq3A_2571 = vector.broadcast %eq3A_2570 : i32 to vector<16xi32>
        %eq3A_2572 = arith.cmpi eq, %gather3A_2522, %eq3A_2571 : vector<16xi32>
        %get3A_2573 = arith.index_cast %add3A_2517 : i32 to index
        %get3A_2574 = arith.constant 112 : index
        %get3A_2575 = tpu.vector_load %arg28[%get3A_2573, %get3A_2574] {strides = array<i32>} : memref<256x128xf32, #tpu.memory_space<vmem>>, vector<16xf32>,
        %select_n3A_2576 = arith.select %eq3A_2572, %get3A_2575, %select_n3A_2569 : vector<16xi1>, vector<16xf32>
        %get3A_2577 = arith.index_cast %add3A_2517 : i32 to index
        %get3A_2578 = arith.constant 0 : index
        %get3A_2579 = tpu.vector_load %arg29[%get3A_2577, %get3A_2578] {strides = array<i32>} : memref<256x128xf32, #tpu.memory_space<vmem>>, vector<16xf32>,
        %eq3A_2580 = arith.constant 1 : i32
        %eq3A_2581 = vector.broadcast %eq3A_2580 : i32 to vector<16xi32>
        %eq3A_2582 = arith.cmpi eq, %gather3A_2525, %eq3A_2581 : vector<16xi32>
        %get3A_2583 = arith.index_cast %add3A_2517 : i32 to index
        %get3A_2584 = arith.constant 32 : index
        %get3A_2585 = tpu.vector_load %arg29[%get3A_2583, %get3A_2584] {strides = array<i32>} : memref<256x128xf32, #tpu.memory_space<vmem>>, vector<16xf32>,
        %select_n3A_2586 = arith.select %eq3A_2582, %get3A_2585, %get3A_2579 : vector<16xi1>, vector<16xf32>
        %eq3A_2587 = arith.constant 2 : i32
        %eq3A_2588 = vector.broadcast %eq3A_2587 : i32 to vector<16xi32>
        %eq3A_2589 = arith.cmpi eq, %gather3A_2525, %eq3A_2588 : vector<16xi32>
        %get3A_2590 = arith.index_cast %add3A_2517 : i32 to index
        %get3A_2591 = arith.constant 64 : index
        %get3A_2592 = tpu.vector_load %arg29[%get3A_2590, %get3A_2591] {strides = array<i32>} : memref<256x128xf32, #tpu.memory_space<vmem>>, vector<16xf32>,
        %select_n3A_2593 = arith.select %eq3A_2589, %get3A_2592, %select_n3A_2586 : vector<16xi1>, vector<16xf32>
        %eq3A_2594 = arith.constant 3 : i32
        %eq3A_2595 = vector.broadcast %eq3A_2594 : i32 to vector<16xi32>
        %eq3A_2596 = arith.cmpi eq, %gather3A_2525, %eq3A_2595 : vector<16xi32>
        %get3A_2597 = arith.index_cast %add3A_2517 : i32 to index
        %get3A_2598 = arith.constant 96 : index
        %get3A_2599 = tpu.vector_load %arg29[%get3A_2597, %get3A_2598] {strides = array<i32>} : memref<256x128xf32, #tpu.memory_space<vmem>>, vector<16xf32>,
        %select_n3A_2600 = arith.select %eq3A_2596, %get3A_2599, %select_n3A_2593 : vector<16xi1>, vector<16xf32>
        %get3A_2601 = arith.index_cast %add3A_2517 : i32 to index
        %get3A_2602 = arith.constant 16 : index
        %get3A_2603 = tpu.vector_load %arg29[%get3A_2601, %get3A_2602] {strides = array<i32>} : memref<256x128xf32, #tpu.memory_space<vmem>>, vector<16xf32>,
        %eq3A_2604 = arith.constant 1 : i32
        %eq3A_2605 = vector.broadcast %eq3A_2604 : i32 to vector<16xi32>
        %eq3A_2606 = arith.cmpi eq, %gather3A_2525, %eq3A_2605 : vector<16xi32>
        %get3A_2607 = arith.index_cast %add3A_2517 : i32 to index
        %get3A_2608 = arith.constant 48 : index
        %get3A_2609 = tpu.vector_load %arg29[%get3A_2607, %get3A_2608] {strides = array<i32>} : memref<256x128xf32, #tpu.memory_space<vmem>>, vector<16xf32>,
        %select_n3A_2610 = arith.select %eq3A_2606, %get3A_2609, %get3A_2603 : vector<16xi1>, vector<16xf32>
        %eq3A_2611 = arith.constant 2 : i32
        %eq3A_2612 = vector.broadcast %eq3A_2611 : i32 to vector<16xi32>
        %eq3A_2613 = arith.cmpi eq, %gather3A_2525, %eq3A_2612 : vector<16xi32>
        %get3A_2614 = arith.index_cast %add3A_2517 : i32 to index
        %get3A_2615 = arith.constant 80 : index
        %get3A_2616 = tpu.vector_load %arg29[%get3A_2614, %get3A_2615] {strides = array<i32>} : memref<256x128xf32, #tpu.memory_space<vmem>>, vector<16xf32>,
        %select_n3A_2617 = arith.select %eq3A_2613, %get3A_2616, %select_n3A_2610 : vector<16xi1>, vector<16xf32>
        %eq3A_2618 = arith.constant 3 : i32
        %eq3A_2619 = vector.broadcast %eq3A_2618 : i32 to vector<16xi32>
        %eq3A_2620 = arith.cmpi eq, %gather3A_2525, %eq3A_2619 : vector<16xi32>
        %get3A_2621 = arith.index_cast %add3A_2517 : i32 to index
        %get3A_2622 = arith.constant 112 : index
        %get3A_2623 = tpu.vector_load %arg29[%get3A_2621, %get3A_2622] {strides = array<i32>} : memref<256x128xf32, #tpu.memory_space<vmem>>, vector<16xf32>,
        %select_n3A_2624 = arith.select %eq3A_2620, %get3A_2623, %select_n3A_2617 : vector<16xi1>, vector<16xf32>
        %get3A_2625 = arith.index_cast %add3A_2517 : i32 to index
        %get3A_2626 = arith.constant 0 : index
        %get3A_2627 = tpu.vector_load %arg30[%get3A_2625, %get3A_2626] {strides = array<i32>} : memref<256x128xf32, #tpu.memory_space<vmem>>, vector<16xf32>,
        %eq3A_2628 = arith.constant 1 : i32
        %eq3A_2629 = vector.broadcast %eq3A_2628 : i32 to vector<16xi32>
        %eq3A_2630 = arith.cmpi eq, %gather3A_2528, %eq3A_2629 : vector<16xi32>
        %get3A_2631 = arith.index_cast %add3A_2517 : i32 to index
        %get3A_2632 = arith.constant 32 : index
        %get3A_2633 = tpu.vector_load %arg30[%get3A_2631, %get3A_2632] {strides = array<i32>} : memref<256x128xf32, #tpu.memory_space<vmem>>, vector<16xf32>,
        %select_n3A_2634 = arith.select %eq3A_2630, %get3A_2633, %get3A_2627 : vector<16xi1>, vector<16xf32>
        %eq3A_2635 = arith.constant 2 : i32
        %eq3A_2636 = vector.broadcast %eq3A_2635 : i32 to vector<16xi32>
        %eq3A_2637 = arith.cmpi eq, %gather3A_2528, %eq3A_2636 : vector<16xi32>
        %get3A_2638 = arith.index_cast %add3A_2517 : i32 to index
        %get3A_2639 = arith.constant 64 : index
        %get3A_2640 = tpu.vector_load %arg30[%get3A_2638, %get3A_2639] {strides = array<i32>} : memref<256x128xf32, #tpu.memory_space<vmem>>, vector<16xf32>,
        %select_n3A_2641 = arith.select %eq3A_2637, %get3A_2640, %select_n3A_2634 : vector<16xi1>, vector<16xf32>
        %eq3A_2642 = arith.constant 3 : i32
        %eq3A_2643 = vector.broadcast %eq3A_2642 : i32 to vector<16xi32>
        %eq3A_2644 = arith.cmpi eq, %gather3A_2528, %eq3A_2643 : vector<16xi32>
        %get3A_2645 = arith.index_cast %add3A_2517 : i32 to index
        %get3A_2646 = arith.constant 96 : index
        %get3A_2647 = tpu.vector_load %arg30[%get3A_2645, %get3A_2646] {strides = array<i32>} : memref<256x128xf32, #tpu.memory_space<vmem>>, vector<16xf32>,
        %select_n3A_2648 = arith.select %eq3A_2644, %get3A_2647, %select_n3A_2641 : vector<16xi1>, vector<16xf32>
        %get3A_2649 = arith.index_cast %add3A_2517 : i32 to index
        %get3A_2650 = arith.constant 16 : index
        %get3A_2651 = tpu.vector_load %arg30[%get3A_2649, %get3A_2650] {strides = array<i32>} : memref<256x128xf32, #tpu.memory_space<vmem>>, vector<16xf32>,
        %eq3A_2652 = arith.constant 1 : i32
        %eq3A_2653 = vector.broadcast %eq3A_2652 : i32 to vector<16xi32>
        %eq3A_2654 = arith.cmpi eq, %gather3A_2528, %eq3A_2653 : vector<16xi32>
        %get3A_2655 = arith.index_cast %add3A_2517 : i32 to index
        %get3A_2656 = arith.constant 48 : index
        %get3A_2657 = tpu.vector_load %arg30[%get3A_2655, %get3A_2656] {strides = array<i32>} : memref<256x128xf32, #tpu.memory_space<vmem>>, vector<16xf32>,
        %select_n3A_2658 = arith.select %eq3A_2654, %get3A_2657, %get3A_2651 : vector<16xi1>, vector<16xf32>
        %eq3A_2659 = arith.constant 2 : i32
        %eq3A_2660 = vector.broadcast %eq3A_2659 : i32 to vector<16xi32>
        %eq3A_2661 = arith.cmpi eq, %gather3A_2528, %eq3A_2660 : vector<16xi32>
        %get3A_2662 = arith.index_cast %add3A_2517 : i32 to index
        %get3A_2663 = arith.constant 80 : index
        %get3A_2664 = tpu.vector_load %arg30[%get3A_2662, %get3A_2663] {strides = array<i32>} : memref<256x128xf32, #tpu.memory_space<vmem>>, vector<16xf32>,
        %select_n3A_2665 = arith.select %eq3A_2661, %get3A_2664, %select_n3A_2658 : vector<16xi1>, vector<16xf32>
        %eq3A_2666 = arith.constant 3 : i32
        %eq3A_2667 = vector.broadcast %eq3A_2666 : i32 to vector<16xi32>
        %eq3A_2668 = arith.cmpi eq, %gather3A_2528, %eq3A_2667 : vector<16xi32>
        %get3A_2669 = arith.index_cast %add3A_2517 : i32 to index
        %get3A_2670 = arith.constant 112 : index
        %get3A_2671 = tpu.vector_load %arg30[%get3A_2669, %get3A_2670] {strides = array<i32>} : memref<256x128xf32, #tpu.memory_space<vmem>>, vector<16xf32>,
        %select_n3A_2672 = arith.select %eq3A_2668, %get3A_2671, %select_n3A_2665 : vector<16xi1>, vector<16xf32>
        %mul3A_2673 = arith.mulf %select_n3A_2552, %select_n3A_2600 : vector<16xf32>
        %mul3A_2674 = arith.mulf %mul3A_2673, %select_n3A_2648 : vector<16xf32>
        %mul3A_2675 = arith.mulf %select_n3A_2576, %select_n3A_2624 : vector<16xf32>
        %mul3A_2676 = arith.mulf %mul3A_2675, %select_n3A_2672 : vector<16xf32>
        %add3A_2677 = arith.addf %mul3A_2674, %mul3A_2676 : vector<16xf32>
        %swap3A_2678 = arith.constant 240 : index
        %swap3A_2679 = tpu.vector_load %arg36[%swap3A_2678] {strides = array<i32>} : memref<256xf32, #tpu.memory_space<vmem>>, vector<16xf32>,
        tpu.vector_store %arg36[%swap3A_2678], %add3A_2677 {strides = array<i32>} : memref<256xf32, #tpu.memory_space<vmem>>, vector<16xf32>,
        %get3A_2680 = arith.index_cast %add3A_55 : i32 to index
        %get3A_2681 = tpu.vector_load %arg31[%get3A_2680] {strides = array<i32>} : memref<512xf32, #tpu.memory_space<vmem>>, vector<16xf32>,
        %get3A_2682 = arith.index_cast %add3A_55 : i32 to index
        %get3A_2683 = tpu.vector_load %arg32[%get3A_2682] {strides = array<i32>} : memref<512xf32, #tpu.memory_space<vmem>>, vector<16xf32>,
        %add3A_2684 = arith.addf %get3A_2681, %get3A_2683 : vector<16xf32>
        %get3A_2685 = arith.index_cast %add3A_55 : i32 to index
        %get3A_2686 = tpu.vector_load %arg33[%get3A_2685] {strides = array<i32>} : memref<512xf32, #tpu.memory_space<vmem>>, vector<16xf32>,
        %add3A_2687 = arith.addf %add3A_2684, %get3A_2686 : vector<16xf32>
        %add3A_2688 = arith.addf %add3A_2687, %get3A_8 : vector<16xf32>
        %mul3A_2689 = arith.constant 16 : i32
        %mul3A_2690 = vector.broadcast %mul3A_2689 : i32 to vector<16xi32>
        %mul3A_2691 = arith.muli %iota3A, %mul3A_2690 : vector<16xi32>
        %add3A_2692 = arith.constant 0 : i32
        %add3A_2693 = vector.broadcast %add3A_2692 : i32 to vector<16xi32>
        %add3A_2694 = arith.addi %mul3A_2691, %add3A_2693 : vector<16xi32>
        %gather3A_2695 = tpu.vector_load_idx %arg36[%add3A_2694] : memref<256xf32, #tpu.memory_space<vmem>>[vector<16xi32>], vector<16xf32>,
        %add3A_2696 = arith.addf %add3A_2688, %gather3A_2695 : vector<16xf32>
        %add3A_2697 = arith.constant 1 : i32
        %add3A_2698 = vector.broadcast %add3A_2697 : i32 to vector<16xi32>
        %add3A_2699 = arith.addi %mul3A_2691, %add3A_2698 : vector<16xi32>
        %gather3A_2700 = tpu.vector_load_idx %arg36[%add3A_2699] : memref<256xf32, #tpu.memory_space<vmem>>[vector<16xi32>], vector<16xf32>,
        %add3A_2701 = arith.addf %add3A_2696, %gather3A_2700 : vector<16xf32>
        %add3A_2702 = arith.constant 2 : i32
        %add3A_2703 = vector.broadcast %add3A_2702 : i32 to vector<16xi32>
        %add3A_2704 = arith.addi %mul3A_2691, %add3A_2703 : vector<16xi32>
        %gather3A_2705 = tpu.vector_load_idx %arg36[%add3A_2704] : memref<256xf32, #tpu.memory_space<vmem>>[vector<16xi32>], vector<16xf32>,
        %add3A_2706 = arith.addf %add3A_2701, %gather3A_2705 : vector<16xf32>
        %add3A_2707 = arith.constant 3 : i32
        %add3A_2708 = vector.broadcast %add3A_2707 : i32 to vector<16xi32>
        %add3A_2709 = arith.addi %mul3A_2691, %add3A_2708 : vector<16xi32>
        %gather3A_2710 = tpu.vector_load_idx %arg36[%add3A_2709] : memref<256xf32, #tpu.memory_space<vmem>>[vector<16xi32>], vector<16xf32>,
        %add3A_2711 = arith.addf %add3A_2706, %gather3A_2710 : vector<16xf32>
        %add3A_2712 = arith.constant 4 : i32
        %add3A_2713 = vector.broadcast %add3A_2712 : i32 to vector<16xi32>
        %add3A_2714 = arith.addi %mul3A_2691, %add3A_2713 : vector<16xi32>
        %gather3A_2715 = tpu.vector_load_idx %arg36[%add3A_2714] : memref<256xf32, #tpu.memory_space<vmem>>[vector<16xi32>], vector<16xf32>,
        %add3A_2716 = arith.addf %add3A_2711, %gather3A_2715 : vector<16xf32>
        %add3A_2717 = arith.constant 5 : i32
        %add3A_2718 = vector.broadcast %add3A_2717 : i32 to vector<16xi32>
        %add3A_2719 = arith.addi %mul3A_2691, %add3A_2718 : vector<16xi32>
        %gather3A_2720 = tpu.vector_load_idx %arg36[%add3A_2719] : memref<256xf32, #tpu.memory_space<vmem>>[vector<16xi32>], vector<16xf32>,
        %add3A_2721 = arith.addf %add3A_2716, %gather3A_2720 : vector<16xf32>
        %add3A_2722 = arith.constant 6 : i32
        %add3A_2723 = vector.broadcast %add3A_2722 : i32 to vector<16xi32>
        %add3A_2724 = arith.addi %mul3A_2691, %add3A_2723 : vector<16xi32>
        %gather3A_2725 = tpu.vector_load_idx %arg36[%add3A_2724] : memref<256xf32, #tpu.memory_space<vmem>>[vector<16xi32>], vector<16xf32>,
        %add3A_2726 = arith.addf %add3A_2721, %gather3A_2725 : vector<16xf32>
        %add3A_2727 = arith.constant 7 : i32
        %add3A_2728 = vector.broadcast %add3A_2727 : i32 to vector<16xi32>
        %add3A_2729 = arith.addi %mul3A_2691, %add3A_2728 : vector<16xi32>
        %gather3A_2730 = tpu.vector_load_idx %arg36[%add3A_2729] : memref<256xf32, #tpu.memory_space<vmem>>[vector<16xi32>], vector<16xf32>,
        %add3A_2731 = arith.addf %add3A_2726, %gather3A_2730 : vector<16xf32>
        %add3A_2732 = arith.constant 8 : i32
        %add3A_2733 = vector.broadcast %add3A_2732 : i32 to vector<16xi32>
        %add3A_2734 = arith.addi %mul3A_2691, %add3A_2733 : vector<16xi32>
        %gather3A_2735 = tpu.vector_load_idx %arg36[%add3A_2734] : memref<256xf32, #tpu.memory_space<vmem>>[vector<16xi32>], vector<16xf32>,
        %add3A_2736 = arith.addf %add3A_2731, %gather3A_2735 : vector<16xf32>
        %add3A_2737 = arith.constant 9 : i32
        %add3A_2738 = vector.broadcast %add3A_2737 : i32 to vector<16xi32>
        %add3A_2739 = arith.addi %mul3A_2691, %add3A_2738 : vector<16xi32>
        %gather3A_2740 = tpu.vector_load_idx %arg36[%add3A_2739] : memref<256xf32, #tpu.memory_space<vmem>>[vector<16xi32>], vector<16xf32>,
        %add3A_2741 = arith.addf %add3A_2736, %gather3A_2740 : vector<16xf32>
        %add3A_2742 = arith.constant 10 : i32
        %add3A_2743 = vector.broadcast %add3A_2742 : i32 to vector<16xi32>
        %add3A_2744 = arith.addi %mul3A_2691, %add3A_2743 : vector<16xi32>
        %gather3A_2745 = tpu.vector_load_idx %arg36[%add3A_2744] : memref<256xf32, #tpu.memory_space<vmem>>[vector<16xi32>], vector<16xf32>,
        %add3A_2746 = arith.addf %add3A_2741, %gather3A_2745 : vector<16xf32>
        %add3A_2747 = arith.constant 11 : i32
        %add3A_2748 = vector.broadcast %add3A_2747 : i32 to vector<16xi32>
        %add3A_2749 = arith.addi %mul3A_2691, %add3A_2748 : vector<16xi32>
        %gather3A_2750 = tpu.vector_load_idx %arg36[%add3A_2749] : memref<256xf32, #tpu.memory_space<vmem>>[vector<16xi32>], vector<16xf32>,
        %add3A_2751 = arith.addf %add3A_2746, %gather3A_2750 : vector<16xf32>
        %add3A_2752 = arith.constant 12 : i32
        %add3A_2753 = vector.broadcast %add3A_2752 : i32 to vector<16xi32>
        %add3A_2754 = arith.addi %mul3A_2691, %add3A_2753 : vector<16xi32>
        %gather3A_2755 = tpu.vector_load_idx %arg36[%add3A_2754] : memref<256xf32, #tpu.memory_space<vmem>>[vector<16xi32>], vector<16xf32>,
        %add3A_2756 = arith.addf %add3A_2751, %gather3A_2755 : vector<16xf32>
        %add3A_2757 = arith.constant 13 : i32
        %add3A_2758 = vector.broadcast %add3A_2757 : i32 to vector<16xi32>
        %add3A_2759 = arith.addi %mul3A_2691, %add3A_2758 : vector<16xi32>
        %gather3A_2760 = tpu.vector_load_idx %arg36[%add3A_2759] : memref<256xf32, #tpu.memory_space<vmem>>[vector<16xi32>], vector<16xf32>,
        %add3A_2761 = arith.addf %add3A_2756, %gather3A_2760 : vector<16xf32>
        %add3A_2762 = arith.constant 14 : i32
        %add3A_2763 = vector.broadcast %add3A_2762 : i32 to vector<16xi32>
        %add3A_2764 = arith.addi %mul3A_2691, %add3A_2763 : vector<16xi32>
        %gather3A_2765 = tpu.vector_load_idx %arg36[%add3A_2764] : memref<256xf32, #tpu.memory_space<vmem>>[vector<16xi32>], vector<16xf32>,
        %add3A_2766 = arith.addf %add3A_2761, %gather3A_2765 : vector<16xf32>
        %add3A_2767 = arith.constant 15 : i32
        %add3A_2768 = vector.broadcast %add3A_2767 : i32 to vector<16xi32>
        %add3A_2769 = arith.addi %mul3A_2691, %add3A_2768 : vector<16xi32>
        %gather3A_2770 = tpu.vector_load_idx %arg36[%add3A_2769] : memref<256xf32, #tpu.memory_space<vmem>>[vector<16xi32>], vector<16xf32>,
        %add3A_2771 = arith.addf %add3A_2766, %gather3A_2770 : vector<16xf32>
        %swap3A_2772 = arith.index_cast %add3A_55 : i32 to index
        %swap3A_2773 = tpu.vector_load %arg35[%swap3A_2772] {strides = array<i32>} : memref<512xf32, #tpu.memory_space<vmem>>, vector<16xf32>,
        tpu.vector_store %arg35[%swap3A_2772], %add3A_2771 {strides = array<i32>} : memref<512xf32, #tpu.memory_space<vmem>>, vector<16xf32>,
      }
      %scan3A_51 = arith.constant 16 : i32
    }
    %scan3A_18 = arith.constant 2 : i32
    "tpu.region"() ({
      %run_scoped3A = tpu.sem_alloc : memref<!tpu.dma_semaphore, #tpu.memory_space<semaphore_mem>>
      %dma_start3A_19 = tpu.memref_slice %arg18[%mul3A_2] : memref<16384xf32, #tpu.memory_space<hbm>> -> memref<512xf32, #tpu.memory_space<hbm>>
      %dma_start3A_20 = tpu.memref_slice %arg18[%mul3A_2] : memref<16384xf32, #tpu.memory_space<hbm>> -> memref<512xf32, #tpu.memory_space<hbm>>
      tpu.enqueue_dma source(%arg35 : memref<512xf32, #tpu.memory_space<vmem>>) target(%dma_start3A_20 : memref<512xf32, #tpu.memory_space<hbm>>) target_semaphore(%run_scoped3A : memref<!tpu.dma_semaphore, #tpu.memory_space<semaphore_mem>>)
      %dma_wait3A_21 = tpu.memref_slice %arg18[%mul3A_2] : memref<16384xf32, #tpu.memory_space<hbm>> -> memref<512xf32, #tpu.memory_space<hbm>>
      %dma_wait3A_22 = tpu.memref_slice %arg18[%mul3A_2] : memref<16384xf32, #tpu.memory_space<hbm>> -> memref<512xf32, #tpu.memory_space<hbm>>
      tpu.wait_dma2 semaphore(%run_scoped3A : memref<!tpu.dma_semaphore, #tpu.memory_space<semaphore_mem>>) src(%arg35 : memref<512xf32, #tpu.memory_space<vmem>>) dst(%dma_wait3A_22 : memref<512xf32, #tpu.memory_space<hbm>>)
      tpu.yield
    }) : () -> ()
    return
  }
}

module attributes {stable_mosaic.version = 14 : i64} {
  func.func @body(%arg0: i32, %arg1: memref<32x1024xf32, #tpu.memory_space<vmem>>, %arg2: memref<256x128xf32, #tpu.memory_space<vmem>>) attributes {dimension_semantics = [#tpu.dimension_semantics<arbitrary>], iteration_bounds = array<i64: 1>, scalar_prefetch = 0 : i64, scratch_operands = 0 : i64, tpu.core_type = #tpu.core_type<tc>, window_params = [{transform_indices = @transform_0, window_bounds = array<i64: 32, 1024>}, {transform_indices = @transform_1, window_bounds = array<i64: 256, 128>}]} {
    %get3A = arith.constant 0 : index
    %get3A_0 = arith.constant 0 : index
    %get3A_1 = vector.load %arg1[%get3A, %get3A_0] : memref<32x1024xf32, #tpu.memory_space<vmem>>, vector<32x1024xf32>
    %transpose3A = tpu.transpose %get3A_1, [1, 0] : vector<32x1024xf32> -> vector<1024x32xf32>
    %slice3A = vector.extract_strided_slice %transpose3A {offsets = [0, 0], sizes = [256, 32], strides = [1, 1]} : vector<1024x32xf32> to vector<256x32xf32>
    %slice3A_2 = vector.extract_strided_slice %transpose3A {offsets = [256, 0], sizes = [256, 32], strides = [1, 1]} : vector<1024x32xf32> to vector<256x32xf32>
    %slice3A_3 = vector.extract_strided_slice %transpose3A {offsets = [512, 0], sizes = [256, 32], strides = [1, 1]} : vector<1024x32xf32> to vector<256x32xf32>
    %slice3A_4 = vector.extract_strided_slice %transpose3A {offsets = [768, 0], sizes = [256, 32], strides = [1, 1]} : vector<1024x32xf32> to vector<256x32xf32>
    %concatenate3A = tpu.concatenate %slice3A, %slice3A_2, %slice3A_3, %slice3A_4 in 1 : vector<256x32xf32>, vector<256x32xf32>, vector<256x32xf32>, vector<256x32xf32> -> vector<256x128xf32>
    %swap3A = arith.constant 0 : index
    %swap3A_5 = arith.constant 0 : index
    %swap3A_6 = vector.load %arg2[%swap3A, %swap3A_5] : memref<256x128xf32, #tpu.memory_space<vmem>>, vector<256x128xf32>
    tpu.vector_store %arg2[%swap3A, %swap3A_5], %concatenate3A {strides = array<i32>} : memref<256x128xf32, #tpu.memory_space<vmem>>, vector<256x128xf32>,
    return
  }
  func.func @transform_0(%arg0: i32) -> (i32, i32) {
    %c0_i32 = arith.constant 0 : i32
    %c0_i32_0 = arith.constant 0 : i32
    return %c0_i32, %arg0 : i32, i32
  }
  func.func @transform_1(%arg0: i32) -> (i32, i32) {
    %c0_i32 = arith.constant 0 : i32
    %c0_i32_0 = arith.constant 0 : i32
    return %arg0, %c0_i32 : i32, i32
  }
}

module attributes {stable_mosaic.version = 14 : i64} {
  func.func @body(%arg0: i32, %arg1: memref<32x16384xf32, #tpu.memory_space<vmem>>, %arg2: memref<4096x128xf32, #tpu.memory_space<vmem>>) attributes {dimension_semantics = [#tpu.dimension_semantics<arbitrary>], iteration_bounds = array<i64: 7>, scalar_prefetch = 0 : i64, scratch_operands = 0 : i64, tpu.core_type = #tpu.core_type<tc>, window_params = [{transform_indices = @transform_0, window_bounds = array<i64: 32, 16384>}, {transform_indices = @transform_1, window_bounds = array<i64: 4096, 128>}]} {
    %get3A = arith.constant 0 : index
    %get3A_0 = arith.constant 0 : index
    %get3A_1 = vector.load %arg1[%get3A, %get3A_0] : memref<32x16384xf32, #tpu.memory_space<vmem>>, vector<32x16384xf32>
    %transpose3A = tpu.transpose %get3A_1, [1, 0] : vector<32x16384xf32> -> vector<16384x32xf32>
    %slice3A = vector.extract_strided_slice %transpose3A {offsets = [0, 0], sizes = [4096, 32], strides = [1, 1]} : vector<16384x32xf32> to vector<4096x32xf32>
    %slice3A_2 = vector.extract_strided_slice %transpose3A {offsets = [4096, 0], sizes = [4096, 32], strides = [1, 1]} : vector<16384x32xf32> to vector<4096x32xf32>
    %slice3A_3 = vector.extract_strided_slice %transpose3A {offsets = [8192, 0], sizes = [4096, 32], strides = [1, 1]} : vector<16384x32xf32> to vector<4096x32xf32>
    %slice3A_4 = vector.extract_strided_slice %transpose3A {offsets = [12288, 0], sizes = [4096, 32], strides = [1, 1]} : vector<16384x32xf32> to vector<4096x32xf32>
    %concatenate3A = tpu.concatenate %slice3A, %slice3A_2, %slice3A_3, %slice3A_4 in 1 : vector<4096x32xf32>, vector<4096x32xf32>, vector<4096x32xf32>, vector<4096x32xf32> -> vector<4096x128xf32>
    %swap3A = arith.constant 0 : index
    %swap3A_5 = arith.constant 0 : index
    %swap3A_6 = vector.load %arg2[%swap3A, %swap3A_5] : memref<4096x128xf32, #tpu.memory_space<vmem>>, vector<4096x128xf32>
    tpu.vector_store %arg2[%swap3A, %swap3A_5], %concatenate3A {strides = array<i32>} : memref<4096x128xf32, #tpu.memory_space<vmem>>, vector<4096x128xf32>,
    return
  }
  func.func @transform_0(%arg0: i32) -> (i32, i32) {
    %c0_i32 = arith.constant 0 : i32
    %c0_i32_0 = arith.constant 0 : i32
    return %c0_i32, %arg0 : i32, i32
  }
  func.func @transform_1(%arg0: i32) -> (i32, i32) {
    %c0_i32 = arith.constant 0 : i32
    %c0_i32_0 = arith.constant 0 : i32
    return %arg0, %c0_i32 : i32, i32
  }
}

module attributes {stable_mosaic.version = 14 : i64} {
  func.func @body(%arg0: i32, %arg1: memref<32x16384xf32, #tpu.memory_space<vmem>>, %arg2: memref<4096x128xf32, #tpu.memory_space<vmem>>) attributes {dimension_semantics = [#tpu.dimension_semantics<arbitrary>], iteration_bounds = array<i64: 62>, scalar_prefetch = 0 : i64, scratch_operands = 0 : i64, tpu.core_type = #tpu.core_type<tc>, window_params = [{transform_indices = @transform_0, window_bounds = array<i64: 32, 16384>}, {transform_indices = @transform_1, window_bounds = array<i64: 4096, 128>}]} {
    %get3A = arith.constant 0 : index
    %get3A_0 = arith.constant 0 : index
    %get3A_1 = vector.load %arg1[%get3A, %get3A_0] : memref<32x16384xf32, #tpu.memory_space<vmem>>, vector<32x16384xf32>
    %transpose3A = tpu.transpose %get3A_1, [1, 0] : vector<32x16384xf32> -> vector<16384x32xf32>
    %slice3A = vector.extract_strided_slice %transpose3A {offsets = [0, 0], sizes = [4096, 32], strides = [1, 1]} : vector<16384x32xf32> to vector<4096x32xf32>
    %slice3A_2 = vector.extract_strided_slice %transpose3A {offsets = [4096, 0], sizes = [4096, 32], strides = [1, 1]} : vector<16384x32xf32> to vector<4096x32xf32>
    %slice3A_3 = vector.extract_strided_slice %transpose3A {offsets = [8192, 0], sizes = [4096, 32], strides = [1, 1]} : vector<16384x32xf32> to vector<4096x32xf32>
    %slice3A_4 = vector.extract_strided_slice %transpose3A {offsets = [12288, 0], sizes = [4096, 32], strides = [1, 1]} : vector<16384x32xf32> to vector<4096x32xf32>
    %concatenate3A = tpu.concatenate %slice3A, %slice3A_2, %slice3A_3, %slice3A_4 in 1 : vector<4096x32xf32>, vector<4096x32xf32>, vector<4096x32xf32>, vector<4096x32xf32> -> vector<4096x128xf32>
    %swap3A = arith.constant 0 : index
    %swap3A_5 = arith.constant 0 : index
    %swap3A_6 = vector.load %arg2[%swap3A, %swap3A_5] : memref<4096x128xf32, #tpu.memory_space<vmem>>, vector<4096x128xf32>
    tpu.vector_store %arg2[%swap3A, %swap3A_5], %concatenate3A {strides = array<i32>} : memref<4096x128xf32, #tpu.memory_space<vmem>>, vector<4096x128xf32>,
    return
  }
  func.func @transform_0(%arg0: i32) -> (i32, i32) {
    %c0_i32 = arith.constant 0 : i32
    %c0_i32_0 = arith.constant 0 : i32
    return %c0_i32, %arg0 : i32, i32
  }
  func.func @transform_1(%arg0: i32) -> (i32, i32) {
    %c0_i32 = arith.constant 0 : i32
    %c0_i32_0 = arith.constant 0 : i32
    return %arg0, %c0_i32 : i32, i32
  }
}

</mosaic_0001>

<sc_bundles>
// kernel: kernel.6.cloned.1.call-start
scs
__scs_entry_jumppad:
0x0: {  	(pc) =	sbr.rel $0x88, $3  }
0x1: {  	(tag) =	ssettag $0x0;
	lr =	simm.s32 $0x1  }
0x2: {  	[smem:$0x3F97] =	sst lr;
	_ =	strace $0xD0000000  }
0x3: {  	_ = 	snop  }
0x4: {  	_ = 	snop  }
0x5: {  	_ = 	snop  }
0x6: {  	_ = 	snop  }
0x7: {  	_ = 	snop  }
__scs_overlays_trampoline_lowered:
0x8: {  	[smem:$0x3FA6] =	sst s0  }
0x9: {  	[smem:$0x3FA7] =	sst s1  }
0xa: {  	[smem:$0x3FA8] =	sst s2  }
0xb: {  	[smem:$0x3FA9] =	sst s3  }
0xc: {  	[smem:$0x3FAA] =	sst s4  }
0xd: {  	[smem:$0x3FAB] =	sst s5  }
0xe: {  	[smem:$0x3FAC] =	sst s6  }
0xf: {  	[smem:$0x3FAD] =	sst s7  }
0x10: {  	[smem:$0x3FAE] =	sst s8  }
0x11: {  	[smem:$0x3FAF] =	sst s9;
	s0 =	simm.s32 @!p0 $0x0  }
0x12: {  	s1 =	sld [smem:$0x3F95];
	s0 =	simm.s32 @p0 $0x1  }
0x13: {  	[smem:$0x3FB0] =	sst s0;
	s0 =	simm.s32 @!p1 $0x0  }
0x14: {  	s2 =	sld [smem:$0x3F94];
	s0 =	simm.s32 @p1 $0x1  }
0x15: {  	[smem:$0x3FB1] =	sst s0;
	s0 =	simm.s32 @!p2 $0x0  }
0x16: {  	s3 =	sld [smem:$0x3FDB];
	s0 =	simm.s32 @p2 $0x1  }
0x17: {  	s4 =	simm.s32 $0x1BF5;
	[smem:$0x3FB3] =	sst s0  }
0x18: {  	s0 =	sld [smem:$0x3F96];
	_ =	swait.ge [sflag:s4], $0x0  }
0x19: {  	s7 =	sld [smem:$0x3F97]  }
0x1a: {  	s8 =	sadd.s32 $0xFFFFE003, lr  }
0x1b: {  	s9 =	sadd.s32 $0xFFFFFEF7, lr;
	s5 =	simm.s32 $0xFFFFFFFF;
	p2 =	slt.u32 s8, $0xFFFFF086  }
0x1c: {  	p1 =	slt.u32 s9, $0xF7A;
	s5 =	simm.s32 @!p2 $0x0  }
0x1d: {  	s5 =	simm.s32 @p1 $0x1;
	p0 =	seq.s32 s7, s2  }
0x1e: {  	s7 =	smul.u32 @!p0 $0xF7A, s2;
	p2 =	seq.s32 @!p0 s5, $0x0  }
0x1f: {  	s9 =	smul.u32 $0xF7A, s1;
	s8 =	simm.s32 @!p0 $0x1BF5;
	p2 =	por !p2, p0  }
0x20: {  	[sflag:s8] =	ssyncset.s32 @!p0 $0xFFFFF086;
	s6 =	sadd.s32 @!p0 s3, s7;
	s7 =	simm.s32 @!p0 $0x108  }
0x21: {  	s3 =	sadd.s32 s3, s9;
	s6 =	sadd.s32 @!p0 $0x88, s6;
	s7 =	simm.s32 @p2 $0x1082  }
0x22: {  	[simem:s7], [sflag:s8] =	dma.local @!p0 [hbm:s6], $0xF7A  }
0x23: {  	s9 =	sor.u32 $0xD0000000, s2;
	s6 =	simm.s32 $0x108;
	_ =	swait.ge @!p0 [sflag:s8], $0x0  }
0x24: {  	s3 =	sadd.s32 $0x88, s3;
	s6 =	simm.s32 @!p1 $0x1082;
	[sflag:s4] =	ssyncset.s32 $0xFFFFF086  }
0x25: {  	[simem:s6], [sflag:s4] =	dma.local [hbm:s3], $0xF7A  }
0x26: {  	[smem:$0x3F97] =	sst s1;
	(tag) =	ssettag s2;
	_ =	strace s9  }
0x27: {  	s1 =	sld [smem:$0x3FA7]  }
0x28: {  	s2 =	sld [smem:$0x3FA8]  }
0x29: {  	s4 =	sld [smem:$0x3FAA]  }
0x2a: {  	p0 =	seq.s32 s5, $0x0;
	s5 =	sld [smem:$0x3FAB]  }
0x2b: {  	s6 =	sld [smem:$0x3FAC]  }
0x2c: {  	s7 =	sld [smem:$0x3FAD]  }
0x2d: {  	s3 =	simm.s32 $0x108;
	s8 =	sld [smem:$0x3FAE]  }
0x2e: {  	s3 =	simm.s32 @!p0 $0x1082;
	s9 =	sld [smem:$0x3FAF]  }
0x2f: {  	lr =	sadd.s32 s0, s3;
	s0 =	sld [smem:$0x3FA6]  }
0x30: {  	s3 =	sld [smem:$0x3FA9]  }
0x31: {  	[smem:$0x3FB2] =	sst s10  }
0x32: {  	s10 =	sld [smem:$0x3FB0];
	_ =	sdelay $0x3  }
0x33: {  	p0 =	seq.s32 s10, $0x1;
	s10 =	sld [smem:$0x3FB2];
	_ =	sdelay $0x3  }
0x34: {  	[smem:$0x3FB2] =	sst s10  }
0x35: {  	s10 =	sld [smem:$0x3FB1];
	_ =	sdelay $0x3  }
0x36: {  	p1 =	seq.s32 s10, $0x1;
	s10 =	sld [smem:$0x3FB2];
	_ =	sdelay $0x3  }
0x37: {  	[smem:$0x3FB2] =	sst s10  }
0x38: {  	s10 =	sld [smem:$0x3FB3]  }
0x39: {  	_ = 	snop;
	(pc) =	sbr.ind lr, $3  }
0x3a: {  	_ = 	snop  }
0x3b: {  	_ = 	snop  }
0x3c: {  	p2 =	seq.s32 s10, $0x1;
	s10 =	sld [smem:$0x3FB2]  }
0x3d: {  	_ =	shalt  }
0x3e: {  	_ =	shalt  }
0x3f: {  	_ =	shalt  }
0x40: {  	_ =	shalt  }
0x41: {  	_ =	shalt  }
0x42: {  	_ =	shalt  }
0x43: {  	_ =	shalt  }
0x44: {  	_ =	shalt  }
0x45: {  	_ =	shalt  }
0x46: {  	_ =	shalt  }
0x47: {  	_ =	shalt  }
0x48: {  	_ =	shalt  }
0x49: {  	_ =	shalt  }
0x4a: {  	_ =	shalt  }
0x4b: {  	_ =	shalt  }
0x4c: {  	_ =	shalt  }
0x4d: {  	_ =	shalt  }
0x4e: {  	_ =	shalt  }
0x4f: {  	_ =	shalt  }
0x50: {  	_ =	shalt  }
0x51: {  	_ =	shalt  }
0x52: {  	_ =	shalt  }
0x53: {  	_ =	shalt  }
0x54: {  	_ =	shalt  }
0x55: {  	_ =	shalt  }
0x56: {  	_ =	shalt  }
0x57: {  	_ =	shalt  }
0x58: {  	_ =	shalt  }
0x59: {  	_ =	shalt  }
0x5a: {  	_ =	shalt  }
0x5b: {  	_ =	shalt  }
0x5c: {  	_ =	shalt  }
0x5d: {  	_ =	shalt  }
0x5e: {  	_ =	shalt  }
0x5f: {  	_ =	shalt  }
0x60: {  	_ =	shalt  }
0x61: {  	_ =	shalt  }
0x62: {  	_ =	shalt  }
0x63: {  	_ =	shalt  }
0x64: {  	_ =	shalt  }
0x65: {  	_ =	shalt  }
0x66: {  	_ =	shalt  }
0x67: {  	_ =	shalt  }
0x68: {  	_ =	shalt  }
0x69: {  	_ =	shalt  }
0x6a: {  	_ =	shalt  }
0x6b: {  	_ =	shalt  }
0x6c: {  	_ =	shalt  }
0x6d: {  	_ =	shalt  }
0x6e: {  	_ =	shalt  }
0x6f: {  	_ =	shalt  }
0x70: {  	_ =	shalt  }
0x71: {  	_ =	shalt  }
0x72: {  	_ =	shalt  }
0x73: {  	_ =	shalt  }
0x74: {  	_ =	shalt  }
0x75: {  	_ =	shalt  }
0x76: {  	_ =	shalt  }
0x77: {  	_ =	shalt  }
0x78: {  	_ =	shalt  }
0x79: {  	_ =	shalt  }
0x7a: {  	_ =	shalt  }
0x7b: {  	_ =	shalt  }
0x7c: {  	_ =	shalt  }
0x7d: {  	_ =	shalt  }
0x7e: {  	_ =	shalt  }
0x7f: {  	_ =	shalt  }
0x80: {  	_ =	shalt  }
0x81: {  	_ =	shalt  }
0x82: {  	_ =	shalt  }
0x83: {  	_ =	shalt  }
0x84: {  	_ =	shalt  }
0x85: {  	_ =	shalt  }
0x86: {  	_ =	shalt  }
0x87: {  	_ =	shalt  }
.Lfunc_end0:
.L_simem_size_0:
called_computation_lowered:
.L_overlay_start_0:
0x88: {  	s2 =	sld [smem:$0x3FD9]  }
0x89: {  	s3 =	sld [smem:$0x3FFE];
	_ =	sdelay $0x1  }
0x8a: {  	s1 =	srdreg.scid  }
0x8b: {  	s0 =	sand.u32 $0x1, s1  }
0x8c: {  	s17 =	sshll.u32 s0, $0xA;
	s2 =	sadd.s32 s3, s2  }
0x8d: {  	s2 =	sadd.s32 s2, s17  }
0x8e: {  	[smem:$0x3FBE] =	sst s2  }
0x8f: {  	_ = 	snop  }
0x90: {  	s2 =	sld [smem:$0x3FC9]  }
0x91: {  	s18 =	sld [smem:$0x3FC8]  }
0x92: {  	s4 =	sld [smem:$0x3FC7]  }
0x93: {  	s5 =	sld [smem:$0x3FC1]  }
0x94: {  	s6 =	sld [smem:$0x3FD0];
	(tm) =	ssettm $0x1  }
0x95: {  	s7 =	sld [smem:$0x3FFB];
	_ =	sdelay $0x3  }
0x96: {  	_ =	strace s7  }
0x97: {  	s7 =	sld [smem:$0x3FFC];
	_ =	sdelay $0x3  }
0x98: {  	_ =	strace s7  }
0x99: {  	s7 =	sld [smem:$0x3FFD];
	_ =	sdelay $0x3  }
0x9a: {  	_ =	strace s7  }
0x9b: {  	_ =	strace $0x8FFFFFFF  }
0x9c: {  	s19 =	sld [smem:$0x3FDB];
	_ =	sdelay $0x1  }
0x9d: {  	s8 =	simm.s32 $_scs_section_size  }
0x9e: {  	s9 =	simm.s32 $_size__tile_overlayer_lowered;
	s10 =	simm.s32 $_tile_overlayer_lowered  }
0x9f: {  	s22 =	simm.s32 $0x1BFF;
	s21 =	sshll.u32 s10, $0x1;
	s7 =	sadd.s32 s8, s19  }
0xa0: {  	s11 =	simm.s32 $0x0;
	s20 =	sshll.u32 s9, $0x1;
	s9 =	sadd.s32 s21, s7  }
0xa1: {  	[timem:s11], [sflag:s22] =	dma.local [hbm:s9], s20  }
0xa2: {  	_ =	swait.ge [sflag:s22], s20  }
0xa3: {  	s8 =	ssub.s32 $0x0, s20;
	[sflag:s22] =	ssyncset.done $0x0  }
0xa4: {  	[sflag:s22] =	ssyncadd.s32 s8;
	_ =	sdelay $0x1  }
0xa5: {  	s23 =	simm.s32 $0x1B8B  }
0xa6: {  	_ =	swait.ge [sflag:s23], $0x1  }
0xa7: {  	[sflag:s23] =	ssyncset.done $0x0  }
0xa8: {  	s25 =	simm.s32 $0x1B8E;
	s24 =	sld [smem:$0x3FFE];
	[sflag:s23] =	ssyncadd.s32 $0xFFFFFFFF  }
0xa9: {  	s26 =	simm.s32 $execute0_lowered;
	[smem:$0x3FD2] =	sst s25  }
0xaa: {  	s9 =	sshll.u32 s26, $0x1;
	_ =	strace $0x80000046;
	[dreg:$0x1] =	wrdreg $0xFFFFFFFF  }
0xab: {  	s28 =	simm.s32 $_size_execute0_lowered;
	s7 =	sadd.s32 s7, s9;
	[dreg:$0x0] =	wrdreg $0x0  }
0xac: {  	s9 =	sshll.u32 s28, $0x1;
	[dreg:$0x2] =	wrdreg s7  }
0xad: {  	[dreg:$0x3] =	wrdreg s9  }
0xae: {  	[dreg:$0x4] =	wrdreg $0xC0  }
0xaf: {  	_ =	task [dreg:s11], $0x5FFFF  }
0xb0: {  	[dreg:$0x1] =	wrdreg $0xFFFFFFFF  }
0xb1: {  	[dreg:$0x0] =	wrdreg $0x60  }
0xb2: {  	[dreg:$0x2] =	wrdreg s24  }
0xb3: {  	[dreg:$0x3] =	wrdreg s5  }
0xb4: {  	[dreg:$0x4] =	wrdreg s2  }
0xb5: {  	[dreg:$0x5] =	wrdreg s18  }
0xb6: {  	[dreg:$0x6] =	wrdreg s4  }
0xb7: {  	[dreg:$0x7] =	wrdreg s6  }
0xb8: {  	[dreg:$0x8] =	wrdreg $0x9  }
0xb9: {  	_ =	task.clear_ibuf [dreg:s11], $0x9FFFF;
	_ =	strace $0x90000046  }
0xba: {  	s29 =	simm.s32 $0x9;
	_ =	strace $0x80000048  }
0xbb: {  	_ =	swait.ge [sflag:s29], $0x1  }
0xbc: {  	[sflag:s29] =	ssyncadd.s32 $0xFFFFFFFF  }
0xbd: {  	_ =	strace $0x90000048  }
0xbe: {  	_ =	sfence  }
0xbf: {  	s30 =	sld [smem:$0x0];
	_ =	sdelay $0x2  }
0xc0: {  	s31 =	sshll.u32 s1, $0xD;
	s1 =	sshrl.u32 s1, $0x2  }
0xc1: {  	s3 =	sand.u32 $0x4000, s31;
	s1 =	sadd.s32 s1, s30  }
0xc2: {  	s0 =	sor.u32 s3, s0;
	s1 =	sshll.u32 s1, $0x11  }
0xc3: {  	s0 =	sor.u32 s1, s0  }
0xc4: {  	s0 =	sadd.s32 $0x8F2B, s0  }
0xc5: {  	[sflag:s0] =	ssyncadd.remote.s32 $0x1  }
0xc6: {  	_ =	sfence.sel $0xFFFF  }
0xc7: {  	[dreg:$0x0] =	wrdreg $0xFFFFFFFF;
	(pc) =	sbr.abs _section_cstart, $3  }
0xc8: {  	[dreg:$0x1] =	wrdreg $0xFFFFFFFF  }
0xc9: {  	_ =	task.clear_ibuf [dreg:s11], $0x2FFFF;
	_ =	strace $0x9FFFFFFF  }
0xca: {  	(tm) =	ssettm $0x7FFFFFFF  }
0xcb: {  	_ =	shalt  }
tec
execute0_lowered:
.L_overlay_start_1:
0x0: {  	(tag) =	ssettag $0x1  }
0x1: {  	s0 =	rddreg [dreg:$0x0]  }
0x2: {  	s1 =	rddreg [dreg:$0x2]  }
0x3: {  	s4 =	rddreg [dreg:$0x3]  }
0x4: {  	s7 =	rddreg [dreg:$0x4]  }
0x5: {  	s8 =	rddreg [dreg:$0x5];
	s2 =	simm.s32 $0x0  }
0x6: {  	s9 =	srdreg.scid;
	s24 =	stileid.u32;
	s21 =	simm.s32 $0x3  }
0x7: {  	s22 =	simm.s32 $0x200;
	s28 =	simm.s32 $0xC00;
	s29 =	simm.s32 $0xE00  }
0x8: {  	s30 =	simm.s32 $0x1000;
	s23 =	simm.s32 $0x1;
	s31 =	simm.s32 $0x11200  }
0x9: {  	[smem:$0x7FF] =	sst s2;
	s3 =	sadd.s32 $0x96200, s0;
	s5 =	sadd.s32 $0x26200, s0  }
0xa: {  	v0 =	vimm.s32 $0x0;
	v1 =	vimm.s32 $0x1;
	v2 =	vimm.s32 $0x2;
	s6 =	sadd.s32 $0x600, s0;
	s10 =	sadd.s32 $0x7800, s0;
	s9 =	sand.u32 $0x1, s9  }
0xb: {  	v3 =	vimm.s32 $0x3;
	v4 =	vimm.s32 $0x4;
	v5 =	vimm.s32 $0x5;
	s12 =	sadd.s32 $0x4600, s0;
	_ =	strace $0x80000047;
	[dreg:$0x7] =	wrdreg s10  }
0xc: {  	v6 =	vimm.s32 $0x6;
	v7 =	vimm.s32 $0x7;
	v8 =	vimm.s32 $0x8;
	s26 =	sadd.s32 $0x476200, s0;
	s10 =	sshll.u32 s24, $0x7;
	[dreg:$0x8] =	wrdreg s12  }
0xd: {  	v9 =	vimm.s32 $0x9;
	v10 =	vimm.s32 $0xA;
	v13 =	vlaneseq.u32;
	s11 =	sshll.u32 s9, $0x6;
	s9 =	ssub.s32 $0x2, s9;
	[dreg:$0x9] =	wrdreg s26  }
0xe: {  	v11 =	vimm.s32 $0xB;
	v12 =	vimm.s32 $0xC;
	v13 =	vmul.u32 $0x10, v13;
	s24 =	simm.s32 $0x100;
	s19 =	sor.u32 s11, s10;
	s25 =	sshrl.u32 s9, $0x1  }
0xf: {  	v14 =	vimm.s32 $0xD;
	v15 =	vimm.s32 $0xE;
	v16 =	vimm.s32 $0xF;
	s26 =	simm.s32 $0x9200;
	s0 =	sadd.s32 s19, s0;
	s9 =	ssub.s32 s9, s25  }
0x10: {  	v17 =	vor.u32 $0x1, v13;
	v18 =	vor.u32 $0x2, v13;
	v19 =	vor.u32 $0x3, v13;
	s16 =	sadd.s32 s1, s19;
	s17 =	sadd.s32 s4, s19;
	s18 =	sadd.s32 s7, s19  }
0x11: {  	v20 =	vor.u32 $0x4, v13;
	v21 =	vor.u32 $0x5, v13;
	v22 =	vor.u32 $0x6, v13;
	s19 =	sadd.s32 s8, s19;
	s25 =	simm.s32 $0x1200;
	s4 =	simm.s32 $0x19A10  }
0x12: {  	v23 =	vor.u32 $0x7, v13;
	v24 =	vor.u32 $0x8, v13;
	v25 =	vor.u32 $0x9, v13;
	s1 =	simm.s32 $0x0;
	s10 =	sadd.s32 $0x1E00, s0;
	s11 =	sadd.s32 $0x2E00, s0  }
0x13: {  	v26 =	vor.u32 $0xA, v13;
	v27 =	vor.u32 $0xB, v13;
	v28 =	vor.u32 $0xC, v13;
	s12 =	sadd.s32 $0x3E00, s0;
	s13 =	sadd.s32 $0x1600, s0;
	s14 =	sadd.s32 $0x2600, s0  }
0x14: {  	v29 =	vor.u32 $0xD, v13;
	v30 =	vor.u32 $0xE, v13;
	v31 =	vor.u32 $0xF, v13;
	s15 =	sadd.s32 $0x3600, s0;
	s20 =	smax.u32 s9, $0x1;
	s0 =	simm.s32 $0x2  }
.LBB2_1:
0x15: {  	[tilespmem:s2], [sflag:$0x3] =	stream.linear.gather [hbm4b:s10+s2], $0x200, $0x38;
	[tilespmem:$0x19B10] =	vst v63  }
0x16: {  	_ =	swait.ge [sflag:s21], $0x200  }
0x17: {  	[sflag:s21] =	ssyncset.done $0x0  }
0x18: {  	[sflag:s21] =	ssyncadd.s32 $0xFFFFFE00  }
0x19: {  	[tilespmem:s22], [sflag:$0x3] =	stream.linear.gather [hbm4b:s11+s2], $0x200, $0x38;
	[tilespmem:$0x19B10] =	vst v63  }
0x1a: {  	_ =	swait.ge [sflag:s21], $0x200  }
0x1b: {  	[sflag:s21] =	ssyncset.done $0x0  }
0x1c: {  	s7 =	simm.s32 $0x400;
	[sflag:s21] =	ssyncadd.s32 $0xFFFFFE00  }
0x1d: {  	[tilespmem:s7], [sflag:$0x3] =	stream.linear.gather [hbm4b:s12+s2], $0x200, $0x38;
	[tilespmem:$0x19B10] =	vst v63  }
0x1e: {  	_ =	swait.ge [sflag:s21], $0x200  }
0x1f: {  	[sflag:s21] =	ssyncset.done $0x0  }
0x20: {  	s8 =	simm.s32 $0x600;
	[sflag:s21] =	ssyncadd.s32 $0xFFFFFE00  }
0x21: {  	[tilespmem:s8], [sflag:$0x3] =	stream.linear.gather [hbm4b:s13+s2], $0x200, $0x38;
	[tilespmem:$0x19B10] =	vst v63  }
0x22: {  	_ =	swait.ge [sflag:s21], $0x200  }
0x23: {  	[sflag:s21] =	ssyncset.done $0x0  }
0x24: {  	s9 =	simm.s32 $0x800;
	[sflag:s21] =	ssyncadd.s32 $0xFFFFFE00  }
0x25: {  	[tilespmem:s9], [sflag:$0x3] =	stream.linear.gather [hbm4b:s14+s2], $0x200, $0x38;
	[tilespmem:$0x19B10] =	vst v63  }
0x26: {  	_ =	swait.ge [sflag:s21], $0x200  }
0x27: {  	[sflag:s21] =	ssyncset.done $0x0  }
0x28: {  	s8 =	simm.s32 $0xA00;
	[sflag:s21] =	ssyncadd.s32 $0xFFFFFE00  }
0x29: {  	[tilespmem:s8], [sflag:$0x3] =	stream.linear.gather [hbm4b:s15+s2], $0x200, $0x38;
	[tilespmem:$0x19B10] =	vst v63  }
0x2a: {  	_ =	swait.ge [sflag:s21], $0x200  }
0x2b: {  	[sflag:s21] =	ssyncset.done $0x0  }
0x2c: {  	[sflag:s21] =	ssyncadd.s32 $0xFFFFFE00  }
0x2d: {  	[tilespmem:s28], [sflag:$0x3] =	stream.linear.gather [hbm4b:s16+s2], $0x200, $0x38;
	[tilespmem:$0x19B10] =	vst v63  }
0x2e: {  	_ =	swait.ge [sflag:s21], $0x200  }
0x2f: {  	[sflag:s21] =	ssyncset.done $0x0  }
0x30: {  	[sflag:s21] =	ssyncadd.s32 $0xFFFFFE00  }
0x31: {  	[tilespmem:s29], [sflag:$0x3] =	stream.linear.gather [hbm4b:s17+s2], $0x200, $0x38;
	[tilespmem:$0x19B10] =	vst v63  }
0x32: {  	_ =	swait.ge [sflag:s21], $0x200  }
0x33: {  	[sflag:s21] =	ssyncset.done $0x0  }
0x34: {  	[sflag:s21] =	ssyncadd.s32 $0xFFFFFE00  }
0x35: {  	[tilespmem:s30], [sflag:$0x3] =	stream.linear.gather [hbm4b:s18+s2], $0x200, $0x38;
	[tilespmem:$0x19B10] =	vst v63  }
0x36: {  	_ =	swait.ge [sflag:s21], $0x200  }
0x37: {  	[sflag:s21] =	ssyncset.done $0x0  }
0x38: {  	s8 =	simm.s32 $0x19800;
	s9 =	rddreg [dreg:$0x9];
	[sflag:s21] =	ssyncadd.s32 $0xFFFFFE00  }
0x39: {  	[tilespmem:s8], [sflag:$0x3] =	stream.linear.gather [hbm4b:s9+s2], $0x10, $0x38;
	[tilespmem:$0x19B10] =	vst v63  }
0x3a: {  	_ =	swait.ge [sflag:s21], $0x10  }
0x3b: {  	[sflag:s21] =	ssyncset.done $0x0  }
0x3c: {  	s9 =	simm.s32 $0x19200;
	s8 =	rddreg [dreg:$0x7];
	[sflag:s21] =	ssyncadd.s32 $0xFFFFFFF0  }
0x3d: {  	[tilespmem:s9], [sflag:$0x1] =	stream.indirect.gather [hbm4b:s8+s22], $0x1, s28, s22, $0xb8;
	[tilespmem:$0x19B10] =	vst v63  }
0x3e: {  	s8 =	rddreg [dreg:$0x8];
	s9 =	simm.s32 $0x19400  }
0x3f: {  	[tilespmem:s9], [sflag:$0x1] =	stream.indirect.gather [hbm4b:s8+s22], $0x1, s29, s22, $0xb8;
	[tilespmem:$0x19B10] =	vst v63  }
0x40: {  	s8 =	rddreg [dreg:$0x1];
	s9 =	simm.s32 $0x19600  }
0x41: {  	[tilespmem:s9], [sflag:$0x1] =	stream.indirect.gather [hbm4b:s8+s22], $0x1, s30, s22, $0xb8;
	[tilespmem:$0x19B10] =	vst v63  }
0x42: {  	v32 =	vld [tilespmem:$0x19800];
	_ =	swait.ge [sflag:s23], $0x200  }
0x43: {  	[sflag:s23] =	ssyncset.done $0x0  }
0x44: {  	[sflag:s23] =	ssyncadd.s32 $0xFFFFFE00  }
0x45: {  	_ =	swait.ge [sflag:s23], $0x200  }
0x46: {  	[sflag:s23] =	ssyncset.done $0x0  }
0x47: {  	[sflag:s23] =	ssyncadd.s32 $0xFFFFFE00  }
0x48: {  	_ =	swait.ge [sflag:s23], $0x200  }
0x49: {  	[sflag:s23] =	ssyncset.done $0x0  }
0x4a: {  	p1 =	por $0x1, $0x1;
	s8 =	simm.s32 $0x0;
	[sflag:s23] =	ssyncadd.s32 $0xFFFFFE00  }
.LBB2_2:
0x4b: {  	[tilespmem:s25], [sflag:$0x2] =	stream.indirect.gather [hbm4b:s3+s24], $0x80, s8, s24, $0xb8;
	[tilespmem:$0x19B10] =	vst v63  }
0x4c: {  	s7 =	sadd.s32 $0x200, s8  }
0x4d: {  	[tilespmem:s26], [sflag:$0x2] =	stream.indirect.gather [hbm4b:s5+s24], $0x80, s7, s24, $0xb8;
	[tilespmem:$0x19B10] =	vst v63  }
0x4e: {  	s9 =	sadd.s32 $0x400, s8  }
0x4f: {  	[tilespmem:s31], [sflag:$0x2] =	stream.indirect.gather [hbm4b:s6+s24], $0x80, s9, s24, $0xb8;
	[tilespmem:$0x19B10] =	vst v63  }
0x50: {  	_ =	swait.ge [sflag:s0], $0x8000  }
0x51: {  	[sflag:s0] =	ssyncset.done $0x0  }
0x52: {  	[sflag:s0] =	ssyncadd.s32 $0xFFFF8000  }
0x53: {  	_ =	swait.ge [sflag:s0], $0x8000  }
0x54: {  	[sflag:s0] =	ssyncset.done $0x0  }
0x55: {  	v33 =	vmov s8;
	[sflag:s0] =	ssyncadd.s32 $0xFFFF8000  }
0x56: {  	_ =	swait.ge [sflag:s0], $0x8000  }
0x57: {  	[sflag:s0] =	ssyncset.done $0x0  }
0x58: {  	p0 =	por p1, p1;
	s7 =	simm.s32 $0x0;
	[sflag:s0] =	ssyncadd.s32 $0xFFFF8000  }
.LBB2_3:
0x59: {  	s8 =	sshll.u32 s7, $0x4  }
0x5a: {  	v36 =	vld.idx.msk [tilespmem:v33+s8+$0x600 ss:$0x1], $0xffff  }
0x5b: {  	v35 =	vld.idx.msk [tilespmem:v33+s8+$0x800 ss:$0x1], $0xffff  }
0x5c: {  	s9 =	sshll.u32 s7, $0xB;
	v34 =	vld.idx.msk [tilespmem:v33+s8+$0xA00 ss:$0x1], $0xffff  }
0x5d: {  	v37 =	vld [tilespmem:s9+$0x1200]  }
0x5e: {  	v38 =	vld [tilespmem:s9+$0x1220]  }
0x5f: {  	v39 =	vld [tilespmem:s9+$0x1240]  }
0x60: {  	v40 =	vld [tilespmem:s9+$0x1260]  }
0x61: {  	v41 =	vld [tilespmem:s9+$0x1210]  }
0x62: {  	v42 =	vld [tilespmem:s9+$0x1230]  }
0x63: {  	v43 =	vld [tilespmem:s9+$0x1250]  }
0x64: {  	v44 =	vld [tilespmem:s9+$0x1270]  }
0x65: {  	v45 =	vld [tilespmem:s9+$0x9200]  }
0x66: {  	v46 =	vld [tilespmem:s9+$0x9220]  }
0x67: {  	v47 =	vld [tilespmem:s9+$0x9240]  }
0x68: {  	v48 =	vld [tilespmem:s9+$0x9260]  }
0x69: {  	v49 =	vld [tilespmem:s9+$0x9210]  }
0x6a: {  	v50 =	vld [tilespmem:s9+$0x9230]  }
0x6b: {  	v51 =	vld [tilespmem:s9+$0x9250]  }
0x6c: {  	v53 =	vld [tilespmem:s9+$0x9270]  }
0x6d: {  	v54 =	vld [tilespmem:s9+$0x11200]  }
0x6e: {  	v55 =	vld [tilespmem:s9+$0x11220];
	v52 =	vperm.xlane v36, v0  }
0x6f: {  	v57 =	vld [tilespmem:s9+$0x11260];
	v56 =	vperm.xlane v35, v0;
	v58 =	vperm.xlane v34, v0  }
0x70: {  	v59 =	vld [tilespmem:s9+$0x11210];
	vm0 =	veq.s32 v52, $0x1;
	vm1 =	veq.s32 v52, $0x2;
	vm7 =	veq.s32 v52, $0x3  }
0x71: {  	v61 =	vld [tilespmem:s9+$0x11230];
	vm8 =	veq.s32 v56, $0x1;
	vm9 =	veq.s32 v56, $0x2;
	vm2 =	veq.s32 v56, $0x3  }
0x72: {  	v63 =	vld [tilespmem:s9+$0x11250];
	vm10 =	veq.s32 v58, $0x1;
	vm11 =	veq.s32 v58, $0x2;
	vm12 =	veq.s32 v58, $0x3  }
0x73: {  	v37 =	vsel vm0, v38, v37;
	v38 =	vld [tilespmem:s9+$0x11240];
	v41 =	vsel vm0, v42, v41;
	v62 =	vsel vm8, v46, v45  }
0x74: {  	v49 =	vsel vm8, v50, v49;
	v50 =	vld [tilespmem:s9+$0x11270];
	v56 =	vsel vm10, v55, v54;
	v37 =	vsel vm1, v39, v37  }
0x75: {  	v60 =	vsel vm1, v43, v41;
	v43 =	vsel vm9, v47, v62;
	v45 =	vsel vm9, v51, v49  }
0x76: {  	v41 =	vsel vm10, v61, v59;
	v37 =	vsel vm7, v40, v37;
	v40 =	vsel vm7, v44, v60  }
0x77: {  	v43 =	vsel vm2, v48, v43;
	v45 =	vsel vm2, v53, v45;
	v41 =	vsel vm11, v63, v41  }
0x78: {  	v37 =	vmul.f32 v43, v37;
	v40 =	vmul.f32 v45, v40;
	v38 =	vsel vm11, v38, v56  }
0x79: {  	v38 =	vsel vm12, v57, v38;
	v57 =	vsel vm12, v50, v41  }
0x7a: {  	v37 =	vmul.f32 v38, v37;
	v58 =	vmul.f32 v57, v40;
	_ =	sdelay $0x1  }
0x7b: {  	v37 =	vadd.f32 v58, v37;
	_ =	sdelay $0x1  }
0x7c: {  	[tilespmem:$0x19A10] =	vst v37  }
0x7d: {  	v37 =	vld [tilespmem:s9+$0x1280]  }
0x7e: {  	v59 =	vld [tilespmem:s9+$0x12A0]  }
0x7f: {  	v39 =	vld [tilespmem:s9+$0x12C0]  }
0x80: {  	v40 =	vld [tilespmem:s9+$0x12E0]  }
0x81: {  	v41 =	vld [tilespmem:s9+$0x1290]  }
0x82: {  	v60 =	vld [tilespmem:s9+$0x12B0]  }
0x83: {  	v61 =	vld [tilespmem:s9+$0x12D0]  }
0x84: {  	v44 =	vld [tilespmem:s9+$0x12F0]  }
0x85: {  	v45 =	vld [tilespmem:s9+$0x9280]  }
0x86: {  	v62 =	vld [tilespmem:s9+$0x92A0]  }
0x87: {  	v47 =	vld [tilespmem:s9+$0x92C0]  }
0x88: {  	v48 =	vld [tilespmem:s9+$0x92E0]  }
0x89: {  	v49 =	vld [tilespmem:s9+$0x9290]  }
0x8a: {  	v50 =	vld [tilespmem:s9+$0x92B0]  }
0x8b: {  	v51 =	vld [tilespmem:s9+$0x92D0]  }
0x8c: {  	v53 =	vld [tilespmem:s9+$0x92F0]  }
0x8d: {  	v63 =	vperm.xlane v36, v1;
	v54 =	vld [tilespmem:s9+$0x11280]  }
0x8e: {  	v56 =	vperm.xlane v35, v1;
	v55 =	vld [tilespmem:s9+$0x112A0]  }
0x8f: {  	vm13 =	veq.s32 v63, $0x1;
	v38 =	vld [tilespmem:s9+$0x112C0]  }
0x90: {  	vm14 =	veq.s32 v63, $0x2;
	vm15 =	veq.s32 v63, $0x3;
	vm4 =	veq.s32 v56, $0x1;
	v57 =	vld [tilespmem:s9+$0x112E0]  }
0x91: {  	v58 =	vperm.xlane v34, v1;
	v37 =	vsel vm13, v59, v37;
	v41 =	vsel vm13, v60, v41;
	v59 =	vld [tilespmem:s9+$0x11290]  }
0x92: {  	vm5 =	veq.s32 v56, $0x2;
	vm6 =	veq.s32 v56, $0x3;
	v60 =	vsel vm14, v61, v41;
	v61 =	vld [tilespmem:s9+$0x112B0]  }
0x93: {  	vm7 =	veq.s32 v58, $0x1;
	vm8 =	veq.s32 v58, $0x2;
	vm9 =	veq.s32 v58, $0x3;
	v63 =	vld [tilespmem:s9+$0x112D0]  }
0x94: {  	v62 =	vsel vm4, v62, v45;
	v49 =	vsel vm4, v50, v49;
	v50 =	vld [tilespmem:s9+$0x112F0];
	v56 =	vsel vm7, v55, v54  }
0x95: {  	v37 =	vsel vm14, v39, v37;
	v43 =	vsel vm5, v47, v62;
	v45 =	vsel vm5, v51, v49  }
0x96: {  	v38 =	vsel vm8, v38, v56;
	v37 =	vsel vm15, v40, v37;
	v40 =	vsel vm15, v44, v60  }
0x97: {  	v43 =	vsel vm6, v48, v43;
	v45 =	vsel vm6, v53, v45;
	v41 =	vsel vm7, v61, v59  }
0x98: {  	v37 =	vmul.f32 v43, v37;
	v40 =	vmul.f32 v45, v40;
	v41 =	vsel vm8, v63, v41  }
0x99: {  	v38 =	vsel vm9, v57, v38;
	v57 =	vsel vm9, v50, v41  }
0x9a: {  	v37 =	vmul.f32 v38, v37;
	v58 =	vmul.f32 v57, v40;
	_ =	sdelay $0x1  }
0x9b: {  	v37 =	vadd.f32 v58, v37;
	_ =	sdelay $0x1  }
0x9c: {  	[tilespmem:$0x19A20] =	vst v37  }
0x9d: {  	v37 =	vld [tilespmem:s9+$0x1300]  }
0x9e: {  	v59 =	vld [tilespmem:s9+$0x1320]  }
0x9f: {  	v39 =	vld [tilespmem:s9+$0x1340]  }
0xa0: {  	v40 =	vld [tilespmem:s9+$0x1360]  }
0xa1: {  	v41 =	vld [tilespmem:s9+$0x1310]  }
0xa2: {  	v60 =	vld [tilespmem:s9+$0x1330]  }
0xa3: {  	v61 =	vld [tilespmem:s9+$0x1350]  }
0xa4: {  	v44 =	vld [tilespmem:s9+$0x1370]  }
0xa5: {  	v45 =	vld [tilespmem:s9+$0x9300]  }
0xa6: {  	v62 =	vld [tilespmem:s9+$0x9320]  }
0xa7: {  	v47 =	vld [tilespmem:s9+$0x9340]  }
0xa8: {  	v48 =	vld [tilespmem:s9+$0x9360]  }
0xa9: {  	v49 =	vld [tilespmem:s9+$0x9310]  }
0xaa: {  	v50 =	vld [tilespmem:s9+$0x9330]  }
0xab: {  	v51 =	vld [tilespmem:s9+$0x9350]  }
0xac: {  	v53 =	vld [tilespmem:s9+$0x9370]  }
0xad: {  	v56 =	vperm.xlane v35, v2;
	v54 =	vld [tilespmem:s9+$0x11300]  }
0xae: {  	v63 =	vperm.xlane v36, v2;
	v55 =	vld [tilespmem:s9+$0x11320]  }
0xaf: {  	vm13 =	veq.s32 v56, $0x1;
	v38 =	vld [tilespmem:s9+$0x11340]  }
0xb0: {  	vm14 =	veq.s32 v56, $0x2;
	vm10 =	veq.s32 v63, $0x1;
	vm11 =	veq.s32 v63, $0x2;
	v57 =	vld [tilespmem:s9+$0x11360]  }
0xb1: {  	v58 =	vperm.xlane v34, v2;
	v37 =	vsel vm10, v59, v37;
	v41 =	vsel vm10, v60, v41;
	v59 =	vld [tilespmem:s9+$0x11310]  }
0xb2: {  	vm15 =	veq.s32 v56, $0x3;
	vm12 =	veq.s32 v63, $0x3;
	v60 =	vsel vm11, v61, v41;
	v61 =	vld [tilespmem:s9+$0x11330]  }
0xb3: {  	vm4 =	veq.s32 v58, $0x1;
	vm5 =	veq.s32 v58, $0x2;
	vm6 =	veq.s32 v58, $0x3;
	v63 =	vld [tilespmem:s9+$0x11350]  }
0xb4: {  	v62 =	vsel vm13, v62, v45;
	v49 =	vsel vm13, v50, v49;
	v50 =	vld [tilespmem:s9+$0x11370];
	v56 =	vsel vm4, v55, v54  }
0xb5: {  	v37 =	vsel vm11, v39, v37;
	v43 =	vsel vm14, v47, v62;
	v45 =	vsel vm14, v51, v49  }
0xb6: {  	v38 =	vsel vm5, v38, v56;
	v37 =	vsel vm12, v40, v37;
	v40 =	vsel vm12, v44, v60  }
0xb7: {  	v43 =	vsel vm15, v48, v43;
	v45 =	vsel vm15, v53, v45;
	v41 =	vsel vm4, v61, v59  }
0xb8: {  	v37 =	vmul.f32 v43, v37;
	v40 =	vmul.f32 v45, v40;
	v41 =	vsel vm5, v63, v41  }
0xb9: {  	v38 =	vsel vm6, v57, v38;
	v57 =	vsel vm6, v50, v41  }
0xba: {  	v37 =	vmul.f32 v38, v37;
	v58 =	vmul.f32 v57, v40;
	_ =	sdelay $0x1  }
0xbb: {  	v37 =	vadd.f32 v58, v37;
	_ =	sdelay $0x1  }
0xbc: {  	[tilespmem:$0x19A30] =	vst v37  }
0xbd: {  	v37 =	vld [tilespmem:s9+$0x1380]  }
0xbe: {  	v59 =	vld [tilespmem:s9+$0x13A0]  }
0xbf: {  	v39 =	vld [tilespmem:s9+$0x13C0]  }
0xc0: {  	v40 =	vld [tilespmem:s9+$0x13E0]  }
0xc1: {  	v41 =	vld [tilespmem:s9+$0x1390]  }
0xc2: {  	v60 =	vld [tilespmem:s9+$0x13B0]  }
0xc3: {  	v61 =	vld [tilespmem:s9+$0x13D0]  }
0xc4: {  	v44 =	vld [tilespmem:s9+$0x13F0]  }
0xc5: {  	v45 =	vld [tilespmem:s9+$0x9380]  }
0xc6: {  	v62 =	vld [tilespmem:s9+$0x93A0]  }
0xc7: {  	v47 =	vld [tilespmem:s9+$0x93C0]  }
0xc8: {  	v48 =	vld [tilespmem:s9+$0x93E0]  }
0xc9: {  	v49 =	vld [tilespmem:s9+$0x9390]  }
0xca: {  	v50 =	vld [tilespmem:s9+$0x93B0]  }
0xcb: {  	v51 =	vld [tilespmem:s9+$0x93D0]  }
0xcc: {  	v53 =	vld [tilespmem:s9+$0x93F0]  }
0xcd: {  	v56 =	vperm.xlane v35, v3;
	v54 =	vld [tilespmem:s9+$0x11380]  }
0xce: {  	v63 =	vperm.xlane v36, v3;
	v55 =	vld [tilespmem:s9+$0x113A0]  }
0xcf: {  	vm10 =	veq.s32 v56, $0x1;
	v38 =	vld [tilespmem:s9+$0x113C0]  }
0xd0: {  	vm11 =	veq.s32 v56, $0x2;
	vm7 =	veq.s32 v63, $0x1;
	vm8 =	veq.s32 v63, $0x2;
	v57 =	vld [tilespmem:s9+$0x113E0]  }
0xd1: {  	v58 =	vperm.xlane v34, v3;
	v37 =	vsel vm7, v59, v37;
	v41 =	vsel vm7, v60, v41;
	v59 =	vld [tilespmem:s9+$0x11390]  }
0xd2: {  	vm12 =	veq.s32 v56, $0x3;
	vm9 =	veq.s32 v63, $0x3;
	v60 =	vsel vm8, v61, v41;
	v61 =	vld [tilespmem:s9+$0x113B0]  }
0xd3: {  	vm13 =	veq.s32 v58, $0x1;
	vm14 =	veq.s32 v58, $0x2;
	vm15 =	veq.s32 v58, $0x3;
	v63 =	vld [tilespmem:s9+$0x113D0]  }
0xd4: {  	v62 =	vsel vm10, v62, v45;
	v49 =	vsel vm10, v50, v49;
	v50 =	vld [tilespmem:s9+$0x113F0];
	v56 =	vsel vm13, v55, v54  }
0xd5: {  	v37 =	vsel vm8, v39, v37;
	v43 =	vsel vm11, v47, v62;
	v45 =	vsel vm11, v51, v49  }
0xd6: {  	v38 =	vsel vm14, v38, v56;
	v37 =	vsel vm9, v40, v37;
	v40 =	vsel vm9, v44, v60  }
0xd7: {  	v43 =	vsel vm12, v48, v43;
	v45 =	vsel vm12, v53, v45;
	v41 =	vsel vm13, v61, v59  }
0xd8: {  	v37 =	vmul.f32 v43, v37;
	v40 =	vmul.f32 v45, v40;
	v41 =	vsel vm14, v63, v41  }
0xd9: {  	v38 =	vsel vm15, v57, v38;
	v57 =	vsel vm15, v50, v41  }
0xda: {  	v37 =	vmul.f32 v38, v37;
	v58 =	vmul.f32 v57, v40;
	_ =	sdelay $0x1  }
0xdb: {  	v37 =	vadd.f32 v58, v37;
	_ =	sdelay $0x1  }
0xdc: {  	[tilespmem:$0x19A40] =	vst v37  }
0xdd: {  	v37 =	vld [tilespmem:s9+$0x1400]  }
0xde: {  	v59 =	vld [tilespmem:s9+$0x1420]  }
0xdf: {  	v39 =	vld [tilespmem:s9+$0x1440]  }
0xe0: {  	v40 =	vld [tilespmem:s9+$0x1460]  }
0xe1: {  	v41 =	vld [tilespmem:s9+$0x1410]  }
0xe2: {  	v60 =	vld [tilespmem:s9+$0x1430]  }
0xe3: {  	v61 =	vld [tilespmem:s9+$0x1450]  }
0xe4: {  	v44 =	vld [tilespmem:s9+$0x1470]  }
0xe5: {  	v45 =	vld [tilespmem:s9+$0x9400]  }
0xe6: {  	v62 =	vld [tilespmem:s9+$0x9420]  }
0xe7: {  	v47 =	vld [tilespmem:s9+$0x9440]  }
0xe8: {  	v48 =	vld [tilespmem:s9+$0x9460]  }
0xe9: {  	v49 =	vld [tilespmem:s9+$0x9410]  }
0xea: {  	v50 =	vld [tilespmem:s9+$0x9430]  }
0xeb: {  	v51 =	vld [tilespmem:s9+$0x9450]  }
0xec: {  	v53 =	vld [tilespmem:s9+$0x9470]  }
0xed: {  	v56 =	vperm.xlane v35, v4;
	v54 =	vld [tilespmem:s9+$0x11400]  }
0xee: {  	v63 =	vperm.xlane v36, v4;
	v55 =	vld [tilespmem:s9+$0x11420]  }
0xef: {  	vm7 =	veq.s32 v56, $0x1;
	v38 =	vld [tilespmem:s9+$0x11440]  }
0xf0: {  	vm8 =	veq.s32 v56, $0x2;
	vm4 =	veq.s32 v63, $0x1;
	vm5 =	veq.s32 v63, $0x2;
	v57 =	vld [tilespmem:s9+$0x11460]  }
0xf1: {  	v58 =	vperm.xlane v34, v4;
	v37 =	vsel vm4, v59, v37;
	v41 =	vsel vm4, v60, v41;
	v59 =	vld [tilespmem:s9+$0x11410]  }
0xf2: {  	vm9 =	veq.s32 v56, $0x3;
	vm6 =	veq.s32 v63, $0x3;
	v60 =	vsel vm5, v61, v41;
	v61 =	vld [tilespmem:s9+$0x11430]  }
0xf3: {  	vm10 =	veq.s32 v58, $0x1;
	vm11 =	veq.s32 v58, $0x2;
	vm12 =	veq.s32 v58, $0x3;
	v63 =	vld [tilespmem:s9+$0x11450]  }
0xf4: {  	v62 =	vsel vm7, v62, v45;
	v49 =	vsel vm7, v50, v49;
	v50 =	vld [tilespmem:s9+$0x11470];
	v56 =	vsel vm10, v55, v54  }
0xf5: {  	v37 =	vsel vm5, v39, v37;
	v43 =	vsel vm8, v47, v62;
	v45 =	vsel vm8, v51, v49  }
0xf6: {  	v38 =	vsel vm11, v38, v56;
	v37 =	vsel vm6, v40, v37;
	v40 =	vsel vm6, v44, v60  }
0xf7: {  	v43 =	vsel vm9, v48, v43;
	v45 =	vsel vm9, v53, v45;
	v41 =	vsel vm10, v61, v59  }
0xf8: {  	v37 =	vmul.f32 v43, v37;
	v40 =	vmul.f32 v45, v40;
	v41 =	vsel vm11, v63, v41  }
0xf9: {  	v38 =	vsel vm12, v57, v38;
	v57 =	vsel vm12, v50, v41  }
0xfa: {  	v37 =	vmul.f32 v38, v37;
	v58 =	vmul.f32 v57, v40;
	_ =	sdelay $0x1  }
0xfb: {  	v37 =	vadd.f32 v58, v37;
	_ =	sdelay $0x1  }
0xfc: {  	[tilespmem:$0x19A50] =	vst v37  }
0xfd: {  	v37 =	vld [tilespmem:s9+$0x1480]  }
0xfe: {  	v59 =	vld [tilespmem:s9+$0x14A0]  }
0xff: {  	v39 =	vld [tilespmem:s9+$0x14C0]  }
0x100: {  	v40 =	vld [tilespmem:s9+$0x14E0]  }
0x101: {  	v41 =	vld [tilespmem:s9+$0x1490]  }
0x102: {  	v60 =	vld [tilespmem:s9+$0x14B0]  }
0x103: {  	v61 =	vld [tilespmem:s9+$0x14D0]  }
0x104: {  	v44 =	vld [tilespmem:s9+$0x14F0]  }
0x105: {  	v45 =	vld [tilespmem:s9+$0x9480]  }
0x106: {  	v62 =	vld [tilespmem:s9+$0x94A0]  }
0x107: {  	v47 =	vld [tilespmem:s9+$0x94C0]  }
0x108: {  	v48 =	vld [tilespmem:s9+$0x94E0]  }
0x109: {  	v49 =	vld [tilespmem:s9+$0x9490]  }
0x10a: {  	v50 =	vld [tilespmem:s9+$0x94B0]  }
0x10b: {  	v51 =	vld [tilespmem:s9+$0x94D0]  }
0x10c: {  	v53 =	vld [tilespmem:s9+$0x94F0]  }
0x10d: {  	v56 =	vperm.xlane v35, v5;
	v54 =	vld [tilespmem:s9+$0x11480]  }
0x10e: {  	v63 =	vperm.xlane v36, v5;
	v55 =	vld [tilespmem:s9+$0x114A0]  }
0x10f: {  	vm4 =	veq.s32 v56, $0x1;
	v38 =	vld [tilespmem:s9+$0x114C0]  }
0x110: {  	vm5 =	veq.s32 v56, $0x2;
	vm13 =	veq.s32 v63, $0x1;
	vm14 =	veq.s32 v63, $0x2;
	v57 =	vld [tilespmem:s9+$0x114E0]  }
0x111: {  	v58 =	vperm.xlane v34, v5;
	v37 =	vsel vm13, v59, v37;
	v41 =	vsel vm13, v60, v41;
	v59 =	vld [tilespmem:s9+$0x11490]  }
0x112: {  	vm6 =	veq.s32 v56, $0x3;
	vm15 =	veq.s32 v63, $0x3;
	v60 =	vsel vm14, v61, v41;
	v61 =	vld [tilespmem:s9+$0x114B0]  }
0x113: {  	vm7 =	veq.s32 v58, $0x1;
	vm8 =	veq.s32 v58, $0x2;
	vm9 =	veq.s32 v58, $0x3;
	v63 =	vld [tilespmem:s9+$0x114D0]  }
0x114: {  	v62 =	vsel vm4, v62, v45;
	v49 =	vsel vm4, v50, v49;
	v50 =	vld [tilespmem:s9+$0x114F0];
	v56 =	vsel vm7, v55, v54  }
0x115: {  	v37 =	vsel vm14, v39, v37;
	v43 =	vsel vm5, v47, v62;
	v45 =	vsel vm5, v51, v49  }
0x116: {  	v38 =	vsel vm8, v38, v56;
	v37 =	vsel vm15, v40, v37;
	v40 =	vsel vm15, v44, v60  }
0x117: {  	v43 =	vsel vm6, v48, v43;
	v45 =	vsel vm6, v53, v45;
	v41 =	vsel vm7, v61, v59  }
0x118: {  	v37 =	vmul.f32 v43, v37;
	v40 =	vmul.f32 v45, v40;
	v41 =	vsel vm8, v63, v41  }
0x119: {  	v38 =	vsel vm9, v57, v38;
	v57 =	vsel vm9, v50, v41  }
0x11a: {  	v37 =	vmul.f32 v38, v37;
	v58 =	vmul.f32 v57, v40;
	_ =	sdelay $0x1  }
0x11b: {  	v37 =	vadd.f32 v58, v37;
	_ =	sdelay $0x1  }
0x11c: {  	[tilespmem:$0x19A60] =	vst v37  }
0x11d: {  	v37 =	vld [tilespmem:s9+$0x1500]  }
0x11e: {  	v59 =	vld [tilespmem:s9+$0x1520]  }
0x11f: {  	v39 =	vld [tilespmem:s9+$0x1540]  }
0x120: {  	v40 =	vld [tilespmem:s9+$0x1560]  }
0x121: {  	v41 =	vld [tilespmem:s9+$0x1510]  }
0x122: {  	v60 =	vld [tilespmem:s9+$0x1530]  }
0x123: {  	v61 =	vld [tilespmem:s9+$0x1550]  }
0x124: {  	v44 =	vld [tilespmem:s9+$0x1570]  }
0x125: {  	v45 =	vld [tilespmem:s9+$0x9500]  }
0x126: {  	v62 =	vld [tilespmem:s9+$0x9520]  }
0x127: {  	v47 =	vld [tilespmem:s9+$0x9540]  }
0x128: {  	v48 =	vld [tilespmem:s9+$0x9560]  }
0x129: {  	v49 =	vld [tilespmem:s9+$0x9510]  }
0x12a: {  	v50 =	vld [tilespmem:s9+$0x9530]  }
0x12b: {  	v51 =	vld [tilespmem:s9+$0x9550]  }
0x12c: {  	v53 =	vld [tilespmem:s9+$0x9570]  }
0x12d: {  	v56 =	vperm.xlane v35, v6;
	v54 =	vld [tilespmem:s9+$0x11500]  }
0x12e: {  	v63 =	vperm.xlane v36, v6;
	v55 =	vld [tilespmem:s9+$0x11520]  }
0x12f: {  	vm13 =	veq.s32 v56, $0x1;
	v38 =	vld [tilespmem:s9+$0x11540]  }
0x130: {  	vm14 =	veq.s32 v56, $0x2;
	vm10 =	veq.s32 v63, $0x1;
	vm11 =	veq.s32 v63, $0x2;
	v57 =	vld [tilespmem:s9+$0x11560]  }
0x131: {  	v58 =	vperm.xlane v34, v6;
	v37 =	vsel vm10, v59, v37;
	v41 =	vsel vm10, v60, v41;
	v59 =	vld [tilespmem:s9+$0x11510]  }
0x132: {  	vm15 =	veq.s32 v56, $0x3;
	vm12 =	veq.s32 v63, $0x3;
	v60 =	vsel vm11, v61, v41;
	v61 =	vld [tilespmem:s9+$0x11530]  }
0x133: {  	vm4 =	veq.s32 v58, $0x1;
	vm5 =	veq.s32 v58, $0x2;
	vm6 =	veq.s32 v58, $0x3;
	v63 =	vld [tilespmem:s9+$0x11550]  }
0x134: {  	v62 =	vsel vm13, v62, v45;
	v49 =	vsel vm13, v50, v49;
	v50 =	vld [tilespmem:s9+$0x11570];
	v56 =	vsel vm4, v55, v54  }
0x135: {  	v37 =	vsel vm11, v39, v37;
	v43 =	vsel vm14, v47, v62;
	v45 =	vsel vm14, v51, v49  }
0x136: {  	v38 =	vsel vm5, v38, v56;
	v37 =	vsel vm12, v40, v37;
	v40 =	vsel vm12, v44, v60  }
0x137: {  	v43 =	vsel vm15, v48, v43;
	v45 =	vsel vm15, v53, v45;
	v41 =	vsel vm4, v61, v59  }
0x138: {  	v37 =	vmul.f32 v43, v37;
	v40 =	vmul.f32 v45, v40;
	v41 =	vsel vm5, v63, v41  }
0x139: {  	v38 =	vsel vm6, v57, v38;
	v57 =	vsel vm6, v50, v41  }
0x13a: {  	v37 =	vmul.f32 v38, v37;
	v58 =	vmul.f32 v57, v40;
	_ =	sdelay $0x1  }
0x13b: {  	v37 =	vadd.f32 v58, v37;
	_ =	sdelay $0x1  }
0x13c: {  	[tilespmem:$0x19A70] =	vst v37  }
0x13d: {  	v37 =	vld [tilespmem:s9+$0x1580]  }
0x13e: {  	v59 =	vld [tilespmem:s9+$0x15A0]  }
0x13f: {  	v39 =	vld [tilespmem:s9+$0x15C0]  }
0x140: {  	v40 =	vld [tilespmem:s9+$0x15E0]  }
0x141: {  	v41 =	vld [tilespmem:s9+$0x1590]  }
0x142: {  	v60 =	vld [tilespmem:s9+$0x15B0]  }
0x143: {  	v61 =	vld [tilespmem:s9+$0x15D0]  }
0x144: {  	v44 =	vld [tilespmem:s9+$0x15F0]  }
0x145: {  	v45 =	vld [tilespmem:s9+$0x9580]  }
0x146: {  	v62 =	vld [tilespmem:s9+$0x95A0]  }
0x147: {  	v47 =	vld [tilespmem:s9+$0x95C0]  }
0x148: {  	v48 =	vld [tilespmem:s9+$0x95E0]  }
0x149: {  	v49 =	vld [tilespmem:s9+$0x9590]  }
0x14a: {  	v50 =	vld [tilespmem:s9+$0x95B0]  }
0x14b: {  	v51 =	vld [tilespmem:s9+$0x95D0]  }
0x14c: {  	v53 =	vld [tilespmem:s9+$0x95F0]  }
0x14d: {  	v56 =	vperm.xlane v35, v7;
	v54 =	vld [tilespmem:s9+$0x11580]  }
0x14e: {  	v63 =	vperm.xlane v36, v7;
	v55 =	vld [tilespmem:s9+$0x115A0]  }
0x14f: {  	vm10 =	veq.s32 v56, $0x1;
	v38 =	vld [tilespmem:s9+$0x115C0]  }
0x150: {  	vm11 =	veq.s32 v56, $0x2;
	vm7 =	veq.s32 v63, $0x1;
	vm8 =	veq.s32 v63, $0x2;
	v57 =	vld [tilespmem:s9+$0x115E0]  }
0x151: {  	v58 =	vperm.xlane v34, v7;
	v37 =	vsel vm7, v59, v37;
	v41 =	vsel vm7, v60, v41;
	v59 =	vld [tilespmem:s9+$0x11590]  }
0x152: {  	vm12 =	veq.s32 v56, $0x3;
	vm9 =	veq.s32 v63, $0x3;
	v60 =	vsel vm8, v61, v41;
	v61 =	vld [tilespmem:s9+$0x115B0]  }
0x153: {  	vm13 =	veq.s32 v58, $0x1;
	vm14 =	veq.s32 v58, $0x2;
	vm15 =	veq.s32 v58, $0x3;
	v63 =	vld [tilespmem:s9+$0x115D0]  }
0x154: {  	v62 =	vsel vm10, v62, v45;
	v49 =	vsel vm10, v50, v49;
	v50 =	vld [tilespmem:s9+$0x115F0];
	v56 =	vsel vm13, v55, v54  }
0x155: {  	v37 =	vsel vm8, v39, v37;
	v43 =	vsel vm11, v47, v62;
	v45 =	vsel vm11, v51, v49  }
0x156: {  	v38 =	vsel vm14, v38, v56;
	v37 =	vsel vm9, v40, v37;
	v40 =	vsel vm9, v44, v60  }
0x157: {  	v43 =	vsel vm12, v48, v43;
	v45 =	vsel vm12, v53, v45;
	v41 =	vsel vm13, v61, v59  }
0x158: {  	v37 =	vmul.f32 v43, v37;
	v40 =	vmul.f32 v45, v40;
	v41 =	vsel vm14, v63, v41  }
0x159: {  	v38 =	vsel vm15, v57, v38;
	v57 =	vsel vm15, v50, v41  }
0x15a: {  	v37 =	vmul.f32 v38, v37;
	v58 =	vmul.f32 v57, v40;
	_ =	sdelay $0x1  }
0x15b: {  	v37 =	vadd.f32 v58, v37;
	_ =	sdelay $0x1  }
0x15c: {  	[tilespmem:$0x19A80] =	vst v37  }
0x15d: {  	v37 =	vld [tilespmem:s9+$0x1600]  }
0x15e: {  	v59 =	vld [tilespmem:s9+$0x1620]  }
0x15f: {  	v39 =	vld [tilespmem:s9+$0x1640]  }
0x160: {  	v40 =	vld [tilespmem:s9+$0x1660]  }
0x161: {  	v41 =	vld [tilespmem:s9+$0x1610]  }
0x162: {  	v60 =	vld [tilespmem:s9+$0x1630]  }
0x163: {  	v61 =	vld [tilespmem:s9+$0x1650]  }
0x164: {  	v44 =	vld [tilespmem:s9+$0x1670]  }
0x165: {  	v45 =	vld [tilespmem:s9+$0x9600]  }
0x166: {  	v62 =	vld [tilespmem:s9+$0x9620]  }
0x167: {  	v47 =	vld [tilespmem:s9+$0x9640]  }
0x168: {  	v48 =	vld [tilespmem:s9+$0x9660]  }
0x169: {  	v49 =	vld [tilespmem:s9+$0x9610]  }
0x16a: {  	v50 =	vld [tilespmem:s9+$0x9630]  }
0x16b: {  	v51 =	vld [tilespmem:s9+$0x9650]  }
0x16c: {  	v53 =	vld [tilespmem:s9+$0x9670]  }
0x16d: {  	v56 =	vperm.xlane v35, v8;
	v54 =	vld [tilespmem:s9+$0x11600]  }
0x16e: {  	v63 =	vperm.xlane v36, v8;
	v55 =	vld [tilespmem:s9+$0x11620]  }
0x16f: {  	vm7 =	veq.s32 v56, $0x1;
	v38 =	vld [tilespmem:s9+$0x11640]  }
0x170: {  	vm8 =	veq.s32 v56, $0x2;
	vm4 =	veq.s32 v63, $0x1;
	vm5 =	veq.s32 v63, $0x2;
	v57 =	vld [tilespmem:s9+$0x11660]  }
0x171: {  	v58 =	vperm.xlane v34, v8;
	v37 =	vsel vm4, v59, v37;
	v41 =	vsel vm4, v60, v41;
	v59 =	vld [tilespmem:s9+$0x11610]  }
0x172: {  	vm9 =	veq.s32 v56, $0x3;
	vm6 =	veq.s32 v63, $0x3;
	v60 =	vsel vm5, v61, v41;
	v61 =	vld [tilespmem:s9+$0x11630]  }
0x173: {  	vm10 =	veq.s32 v58, $0x1;
	vm11 =	veq.s32 v58, $0x2;
	vm12 =	veq.s32 v58, $0x3;
	v63 =	vld [tilespmem:s9+$0x11650]  }
0x174: {  	v62 =	vsel vm7, v62, v45;
	v49 =	vsel vm7, v50, v49;
	v50 =	vld [tilespmem:s9+$0x11670];
	v56 =	vsel vm10, v55, v54  }
0x175: {  	v37 =	vsel vm5, v39, v37;
	v43 =	vsel vm8, v47, v62;
	v45 =	vsel vm8, v51, v49  }
0x176: {  	v38 =	vsel vm11, v38, v56;
	v37 =	vsel vm6, v40, v37;
	v40 =	vsel vm6, v44, v60  }
0x177: {  	v43 =	vsel vm9, v48, v43;
	v45 =	vsel vm9, v53, v45;
	v41 =	vsel vm10, v61, v59  }
0x178: {  	v37 =	vmul.f32 v43, v37;
	v40 =	vmul.f32 v45, v40;
	v41 =	vsel vm11, v63, v41  }
0x179: {  	v38 =	vsel vm12, v57, v38;
	v57 =	vsel vm12, v50, v41  }
0x17a: {  	v37 =	vmul.f32 v38, v37;
	v58 =	vmul.f32 v57, v40;
	_ =	sdelay $0x1  }
0x17b: {  	v37 =	vadd.f32 v58, v37;
	_ =	sdelay $0x1  }
0x17c: {  	[tilespmem:$0x19A90] =	vst v37  }
0x17d: {  	v37 =	vld [tilespmem:s9+$0x1680]  }
0x17e: {  	v59 =	vld [tilespmem:s9+$0x16A0]  }
0x17f: {  	v39 =	vld [tilespmem:s9+$0x16C0]  }
0x180: {  	v40 =	vld [tilespmem:s9+$0x16E0]  }
0x181: {  	v41 =	vld [tilespmem:s9+$0x1690]  }
0x182: {  	v60 =	vld [tilespmem:s9+$0x16B0]  }
0x183: {  	v61 =	vld [tilespmem:s9+$0x16D0]  }
0x184: {  	v44 =	vld [tilespmem:s9+$0x16F0]  }
0x185: {  	v45 =	vld [tilespmem:s9+$0x9680]  }
0x186: {  	v62 =	vld [tilespmem:s9+$0x96A0]  }
0x187: {  	v47 =	vld [tilespmem:s9+$0x96C0]  }
0x188: {  	v48 =	vld [tilespmem:s9+$0x96E0]  }
0x189: {  	v49 =	vld [tilespmem:s9+$0x9690]  }
0x18a: {  	v50 =	vld [tilespmem:s9+$0x96B0]  }
0x18b: {  	v51 =	vld [tilespmem:s9+$0x96D0]  }
0x18c: {  	v53 =	vld [tilespmem:s9+$0x96F0]  }
0x18d: {  	v56 =	vperm.xlane v35, v9;
	v54 =	vld [tilespmem:s9+$0x11680]  }
0x18e: {  	v63 =	vperm.xlane v36, v9;
	v55 =	vld [tilespmem:s9+$0x116A0]  }
0x18f: {  	vm4 =	veq.s32 v56, $0x1;
	v38 =	vld [tilespmem:s9+$0x116C0]  }
0x190: {  	vm5 =	veq.s32 v56, $0x2;
	vm13 =	veq.s32 v63, $0x1;
	vm14 =	veq.s32 v63, $0x2;
	v57 =	vld [tilespmem:s9+$0x116E0]  }
0x191: {  	v58 =	vperm.xlane v34, v9;
	v37 =	vsel vm13, v59, v37;
	v41 =	vsel vm13, v60, v41;
	v59 =	vld [tilespmem:s9+$0x11690]  }
0x192: {  	vm6 =	veq.s32 v56, $0x3;
	vm15 =	veq.s32 v63, $0x3;
	v60 =	vsel vm14, v61, v41;
	v61 =	vld [tilespmem:s9+$0x116B0]  }
0x193: {  	vm7 =	veq.s32 v58, $0x1;
	vm8 =	veq.s32 v58, $0x2;
	vm9 =	veq.s32 v58, $0x3;
	v63 =	vld [tilespmem:s9+$0x116D0]  }
0x194: {  	v62 =	vsel vm4, v62, v45;
	v49 =	vsel vm4, v50, v49;
	v50 =	vld [tilespmem:s9+$0x116F0];
	v56 =	vsel vm7, v55, v54  }
0x195: {  	v37 =	vsel vm14, v39, v37;
	v43 =	vsel vm5, v47, v62;
	v45 =	vsel vm5, v51, v49  }
0x196: {  	v38 =	vsel vm8, v38, v56;
	v37 =	vsel vm15, v40, v37;
	v40 =	vsel vm15, v44, v60  }
0x197: {  	v43 =	vsel vm6, v48, v43;
	v45 =	vsel vm6, v53, v45;
	v41 =	vsel vm7, v61, v59  }
0x198: {  	v37 =	vmul.f32 v43, v37;
	v40 =	vmul.f32 v45, v40;
	v41 =	vsel vm8, v63, v41  }
0x199: {  	v38 =	vsel vm9, v57, v38;
	v57 =	vsel vm9, v50, v41  }
0x19a: {  	v37 =	vmul.f32 v38, v37;
	v58 =	vmul.f32 v57, v40;
	_ =	sdelay $0x1  }
0x19b: {  	v37 =	vadd.f32 v58, v37;
	_ =	sdelay $0x1  }
0x19c: {  	[tilespmem:$0x19AA0] =	vst v37  }
0x19d: {  	v37 =	vld [tilespmem:s9+$0x1700]  }
0x19e: {  	v59 =	vld [tilespmem:s9+$0x1720]  }
0x19f: {  	v39 =	vld [tilespmem:s9+$0x1740]  }
0x1a0: {  	v40 =	vld [tilespmem:s9+$0x1760]  }
0x1a1: {  	v41 =	vld [tilespmem:s9+$0x1710]  }
0x1a2: {  	v60 =	vld [tilespmem:s9+$0x1730]  }
0x1a3: {  	v61 =	vld [tilespmem:s9+$0x1750]  }
0x1a4: {  	v44 =	vld [tilespmem:s9+$0x1770]  }
0x1a5: {  	v45 =	vld [tilespmem:s9+$0x9700]  }
0x1a6: {  	v62 =	vld [tilespmem:s9+$0x9720]  }
0x1a7: {  	v47 =	vld [tilespmem:s9+$0x9740]  }
0x1a8: {  	v48 =	vld [tilespmem:s9+$0x9760]  }
0x1a9: {  	v49 =	vld [tilespmem:s9+$0x9710]  }
0x1aa: {  	v50 =	vld [tilespmem:s9+$0x9730]  }
0x1ab: {  	v51 =	vld [tilespmem:s9+$0x9750]  }
0x1ac: {  	v53 =	vld [tilespmem:s9+$0x9770]  }
0x1ad: {  	v56 =	vperm.xlane v35, v10;
	v54 =	vld [tilespmem:s9+$0x11700]  }
0x1ae: {  	v63 =	vperm.xlane v36, v10;
	v55 =	vld [tilespmem:s9+$0x11720]  }
0x1af: {  	vm13 =	veq.s32 v56, $0x1;
	v38 =	vld [tilespmem:s9+$0x11740]  }
0x1b0: {  	vm14 =	veq.s32 v56, $0x2;
	vm10 =	veq.s32 v63, $0x1;
	vm11 =	veq.s32 v63, $0x2;
	v57 =	vld [tilespmem:s9+$0x11760]  }
0x1b1: {  	v58 =	vperm.xlane v34, v10;
	v37 =	vsel vm10, v59, v37;
	v41 =	vsel vm10, v60, v41;
	v59 =	vld [tilespmem:s9+$0x11710]  }
0x1b2: {  	vm15 =	veq.s32 v56, $0x3;
	vm12 =	veq.s32 v63, $0x3;
	v60 =	vsel vm11, v61, v41;
	v61 =	vld [tilespmem:s9+$0x11730]  }
0x1b3: {  	vm4 =	veq.s32 v58, $0x1;
	vm5 =	veq.s32 v58, $0x2;
	vm6 =	veq.s32 v58, $0x3;
	v63 =	vld [tilespmem:s9+$0x11750]  }
0x1b4: {  	v62 =	vsel vm13, v62, v45;
	v49 =	vsel vm13, v50, v49;
	v50 =	vld [tilespmem:s9+$0x11770];
	v56 =	vsel vm4, v55, v54  }
0x1b5: {  	v37 =	vsel vm11, v39, v37;
	v43 =	vsel vm14, v47, v62;
	v45 =	vsel vm14, v51, v49  }
0x1b6: {  	v38 =	vsel vm5, v38, v56;
	v37 =	vsel vm12, v40, v37;
	v40 =	vsel vm12, v44, v60  }
0x1b7: {  	v43 =	vsel vm15, v48, v43;
	v45 =	vsel vm15, v53, v45;
	v41 =	vsel vm4, v61, v59  }
0x1b8: {  	v37 =	vmul.f32 v43, v37;
	v40 =	vmul.f32 v45, v40;
	v41 =	vsel vm5, v63, v41  }
0x1b9: {  	v38 =	vsel vm6, v57, v38;
	v57 =	vsel vm6, v50, v41  }
0x1ba: {  	v37 =	vmul.f32 v38, v37;
	v58 =	vmul.f32 v57, v40;
	_ =	sdelay $0x1  }
0x1bb: {  	v37 =	vadd.f32 v58, v37;
	_ =	sdelay $0x1  }
0x1bc: {  	[tilespmem:$0x19AB0] =	vst v37  }
0x1bd: {  	v37 =	vld [tilespmem:s9+$0x1780]  }
0x1be: {  	v59 =	vld [tilespmem:s9+$0x17A0]  }
0x1bf: {  	v39 =	vld [tilespmem:s9+$0x17C0]  }
0x1c0: {  	v40 =	vld [tilespmem:s9+$0x17E0]  }
0x1c1: {  	v41 =	vld [tilespmem:s9+$0x1790]  }
0x1c2: {  	v60 =	vld [tilespmem:s9+$0x17B0]  }
0x1c3: {  	v61 =	vld [tilespmem:s9+$0x17D0]  }
0x1c4: {  	v44 =	vld [tilespmem:s9+$0x17F0]  }
0x1c5: {  	v45 =	vld [tilespmem:s9+$0x9780]  }
0x1c6: {  	v62 =	vld [tilespmem:s9+$0x97A0]  }
0x1c7: {  	v47 =	vld [tilespmem:s9+$0x97C0]  }
0x1c8: {  	v48 =	vld [tilespmem:s9+$0x97E0]  }
0x1c9: {  	v49 =	vld [tilespmem:s9+$0x9790]  }
0x1ca: {  	v50 =	vld [tilespmem:s9+$0x97B0]  }
0x1cb: {  	v51 =	vld [tilespmem:s9+$0x97D0]  }
0x1cc: {  	v53 =	vld [tilespmem:s9+$0x97F0]  }
0x1cd: {  	v56 =	vperm.xlane v35, v11;
	v54 =	vld [tilespmem:s9+$0x11780]  }
0x1ce: {  	v63 =	vperm.xlane v36, v11;
	v55 =	vld [tilespmem:s9+$0x117A0]  }
0x1cf: {  	vm10 =	veq.s32 v56, $0x1;
	v38 =	vld [tilespmem:s9+$0x117C0]  }
0x1d0: {  	vm11 =	veq.s32 v56, $0x2;
	vm7 =	veq.s32 v63, $0x1;
	vm8 =	veq.s32 v63, $0x2;
	v57 =	vld [tilespmem:s9+$0x117E0]  }
0x1d1: {  	v58 =	vperm.xlane v34, v11;
	v37 =	vsel vm7, v59, v37;
	v41 =	vsel vm7, v60, v41;
	v59 =	vld [tilespmem:s9+$0x11790]  }
0x1d2: {  	vm12 =	veq.s32 v56, $0x3;
	vm9 =	veq.s32 v63, $0x3;
	v60 =	vsel vm8, v61, v41;
	v61 =	vld [tilespmem:s9+$0x117B0]  }
0x1d3: {  	vm13 =	veq.s32 v58, $0x1;
	vm14 =	veq.s32 v58, $0x2;
	vm15 =	veq.s32 v58, $0x3;
	v63 =	vld [tilespmem:s9+$0x117D0]  }
0x1d4: {  	v62 =	vsel vm10, v62, v45;
	v49 =	vsel vm10, v50, v49;
	v50 =	vld [tilespmem:s9+$0x117F0];
	v56 =	vsel vm13, v55, v54  }
0x1d5: {  	v37 =	vsel vm8, v39, v37;
	v43 =	vsel vm11, v47, v62;
	v45 =	vsel vm11, v51, v49  }
0x1d6: {  	v38 =	vsel vm14, v38, v56;
	v37 =	vsel vm9, v40, v37;
	v40 =	vsel vm9, v44, v60  }
0x1d7: {  	v43 =	vsel vm12, v48, v43;
	v45 =	vsel vm12, v53, v45;
	v41 =	vsel vm13, v61, v59  }
0x1d8: {  	v37 =	vmul.f32 v43, v37;
	v40 =	vmul.f32 v45, v40;
	v41 =	vsel vm14, v63, v41  }
0x1d9: {  	v38 =	vsel vm15, v57, v38;
	v57 =	vsel vm15, v50, v41  }
0x1da: {  	v37 =	vmul.f32 v38, v37;
	v58 =	vmul.f32 v57, v40;
	_ =	sdelay $0x1  }
0x1db: {  	v37 =	vadd.f32 v58, v37;
	_ =	sdelay $0x1  }
0x1dc: {  	[tilespmem:$0x19AC0] =	vst v37  }
0x1dd: {  	v37 =	vld [tilespmem:s9+$0x1800]  }
0x1de: {  	v59 =	vld [tilespmem:s9+$0x1820]  }
0x1df: {  	v39 =	vld [tilespmem:s9+$0x1840]  }
0x1e0: {  	v40 =	vld [tilespmem:s9+$0x1860]  }
0x1e1: {  	v41 =	vld [tilespmem:s9+$0x1810]  }
0x1e2: {  	v60 =	vld [tilespmem:s9+$0x1830]  }
0x1e3: {  	v61 =	vld [tilespmem:s9+$0x1850]  }
0x1e4: {  	v44 =	vld [tilespmem:s9+$0x1870]  }
0x1e5: {  	v45 =	vld [tilespmem:s9+$0x9800]  }
0x1e6: {  	v62 =	vld [tilespmem:s9+$0x9820]  }
0x1e7: {  	v47 =	vld [tilespmem:s9+$0x9840]  }
0x1e8: {  	v48 =	vld [tilespmem:s9+$0x9860]  }
0x1e9: {  	v49 =	vld [tilespmem:s9+$0x9810]  }
0x1ea: {  	v50 =	vld [tilespmem:s9+$0x9830]  }
0x1eb: {  	v51 =	vld [tilespmem:s9+$0x9850]  }
0x1ec: {  	v53 =	vld [tilespmem:s9+$0x9870]  }
0x1ed: {  	v56 =	vperm.xlane v35, v12;
	v54 =	vld [tilespmem:s9+$0x11800]  }
0x1ee: {  	v63 =	vperm.xlane v36, v12;
	v55 =	vld [tilespmem:s9+$0x11820]  }
0x1ef: {  	vm7 =	veq.s32 v56, $0x1;
	v38 =	vld [tilespmem:s9+$0x11840]  }
0x1f0: {  	vm8 =	veq.s32 v56, $0x2;
	vm4 =	veq.s32 v63, $0x1;
	vm5 =	veq.s32 v63, $0x2;
	v57 =	vld [tilespmem:s9+$0x11860]  }
0x1f1: {  	v58 =	vperm.xlane v34, v12;
	v37 =	vsel vm4, v59, v37;
	v41 =	vsel vm4, v60, v41;
	v59 =	vld [tilespmem:s9+$0x11810]  }
0x1f2: {  	vm9 =	veq.s32 v56, $0x3;
	vm6 =	veq.s32 v63, $0x3;
	v60 =	vsel vm5, v61, v41;
	v61 =	vld [tilespmem:s9+$0x11830]  }
0x1f3: {  	vm10 =	veq.s32 v58, $0x1;
	vm11 =	veq.s32 v58, $0x2;
	vm12 =	veq.s32 v58, $0x3;
	v63 =	vld [tilespmem:s9+$0x11850]  }
0x1f4: {  	v62 =	vsel vm7, v62, v45;
	v49 =	vsel vm7, v50, v49;
	v50 =	vld [tilespmem:s9+$0x11870];
	v56 =	vsel vm10, v55, v54  }
0x1f5: {  	v37 =	vsel vm5, v39, v37;
	v43 =	vsel vm8, v47, v62;
	v45 =	vsel vm8, v51, v49  }
0x1f6: {  	v38 =	vsel vm11, v38, v56;
	v37 =	vsel vm6, v40, v37;
	v40 =	vsel vm6, v44, v60  }
0x1f7: {  	v43 =	vsel vm9, v48, v43;
	v45 =	vsel vm9, v53, v45;
	v41 =	vsel vm10, v61, v59  }
0x1f8: {  	v37 =	vmul.f32 v43, v37;
	v40 =	vmul.f32 v45, v40;
	v41 =	vsel vm11, v63, v41  }
0x1f9: {  	v38 =	vsel vm12, v57, v38;
	v57 =	vsel vm12, v50, v41  }
0x1fa: {  	v37 =	vmul.f32 v38, v37;
	v58 =	vmul.f32 v57, v40;
	_ =	sdelay $0x1  }
0x1fb: {  	v37 =	vadd.f32 v58, v37;
	_ =	sdelay $0x1  }
0x1fc: {  	[tilespmem:$0x19AD0] =	vst v37  }
0x1fd: {  	v37 =	vld [tilespmem:s9+$0x1880]  }
0x1fe: {  	v59 =	vld [tilespmem:s9+$0x18A0]  }
0x1ff: {  	v39 =	vld [tilespmem:s9+$0x18C0]  }
0x200: {  	v40 =	vld [tilespmem:s9+$0x18E0]  }
0x201: {  	v41 =	vld [tilespmem:s9+$0x1890]  }
0x202: {  	v60 =	vld [tilespmem:s9+$0x18B0]  }
0x203: {  	v61 =	vld [tilespmem:s9+$0x18D0]  }
0x204: {  	v44 =	vld [tilespmem:s9+$0x18F0]  }
0x205: {  	v45 =	vld [tilespmem:s9+$0x9880]  }
0x206: {  	v62 =	vld [tilespmem:s9+$0x98A0]  }
0x207: {  	v47 =	vld [tilespmem:s9+$0x98C0]  }
0x208: {  	v48 =	vld [tilespmem:s9+$0x98E0]  }
0x209: {  	v49 =	vld [tilespmem:s9+$0x9890]  }
0x20a: {  	v50 =	vld [tilespmem:s9+$0x98B0]  }
0x20b: {  	v51 =	vld [tilespmem:s9+$0x98D0]  }
0x20c: {  	v53 =	vld [tilespmem:s9+$0x98F0]  }
0x20d: {  	v63 =	vperm.xlane v36, v14;
	v54 =	vld [tilespmem:s9+$0x11880]  }
0x20e: {  	v56 =	vperm.xlane v35, v14;
	v55 =	vld [tilespmem:s9+$0x118A0]  }
0x20f: {  	vm13 =	veq.s32 v63, $0x1;
	v38 =	vld [tilespmem:s9+$0x118C0]  }
0x210: {  	vm4 =	veq.s32 v56, $0x1;
	vm14 =	veq.s32 v63, $0x2;
	v57 =	vld [tilespmem:s9+$0x118E0];
	v37 =	vsel vm13, v59, v37  }
0x211: {  	vm15 =	veq.s32 v63, $0x3;
	v58 =	vsel vm13, v60, v41;
	v59 =	vld [tilespmem:s9+$0x11890];
	v37 =	vsel vm14, v39, v37  }
0x212: {  	v60 =	vperm.xlane v34, v14;
	v37 =	vsel vm15, v40, v37;
	v40 =	vsel vm14, v61, v58;
	v61 =	vld [tilespmem:s9+$0x118B0]  }
0x213: {  	vm5 =	veq.s32 v56, $0x2;
	vm6 =	veq.s32 v56, $0x3;
	v63 =	vld [tilespmem:s9+$0x118D0];
	v50 =	vsel vm4, v50, v49  }
0x214: {  	v52 =	vld [tilespmem:s9+$0x118F0];
	v62 =	vsel vm4, v62, v45;
	v46 =	vsel vm5, v51, v50;
	vm7 =	veq.s32 v60, $0x1  }
0x215: {  	v46 =	vsel vm6, v53, v46;
	vm8 =	veq.s32 v60, $0x2;
	vm9 =	veq.s32 v60, $0x3  }
0x216: {  	v40 =	vsel vm15, v44, v40;
	v44 =	vsel vm5, v47, v62;
	v56 =	vsel vm7, v55, v54  }
0x217: {  	v44 =	vsel vm6, v48, v44;
	v38 =	vsel vm8, v38, v56;
	v41 =	vsel vm7, v61, v59  }
0x218: {  	v40 =	vmul.f32 v46, v40;
	v37 =	vmul.f32 v44, v37;
	v41 =	vsel vm8, v63, v41  }
0x219: {  	v38 =	vsel vm9, v57, v38;
	v57 =	vsel vm9, v52, v41  }
0x21a: {  	v37 =	vmul.f32 v38, v37;
	v58 =	vmul.f32 v57, v40;
	_ =	sdelay $0x1  }
0x21b: {  	v37 =	vadd.f32 v58, v37;
	_ =	sdelay $0x1  }
0x21c: {  	[tilespmem:$0x19AE0] =	vst v37  }
0x21d: {  	v37 =	vld [tilespmem:s9+$0x1900]  }
0x21e: {  	v59 =	vld [tilespmem:s9+$0x1920]  }
0x21f: {  	v39 =	vld [tilespmem:s9+$0x1940]  }
0x220: {  	v40 =	vld [tilespmem:s9+$0x1960]  }
0x221: {  	v41 =	vld [tilespmem:s9+$0x1910]  }
0x222: {  	v42 =	vld [tilespmem:s9+$0x1930]  }
0x223: {  	v60 =	vld [tilespmem:s9+$0x1950]  }
0x224: {  	v61 =	vld [tilespmem:s9+$0x1970]  }
0x225: {  	v45 =	vld [tilespmem:s9+$0x9900]  }
0x226: {  	v62 =	vld [tilespmem:s9+$0x9920]  }
0x227: {  	v47 =	vld [tilespmem:s9+$0x9940]  }
0x228: {  	v48 =	vld [tilespmem:s9+$0x9960]  }
0x229: {  	v49 =	vld [tilespmem:s9+$0x9910]  }
0x22a: {  	v50 =	vld [tilespmem:s9+$0x9930]  }
0x22b: {  	v51 =	vld [tilespmem:s9+$0x9950]  }
0x22c: {  	v53 =	vld [tilespmem:s9+$0x9970]  }
0x22d: {  	v56 =	vperm.xlane v35, v15;
	v54 =	vld [tilespmem:s9+$0x11900]  }
0x22e: {  	v63 =	vperm.xlane v36, v15;
	v55 =	vld [tilespmem:s9+$0x11920]  }
0x22f: {  	vm13 =	veq.s32 v56, $0x1;
	v38 =	vld [tilespmem:s9+$0x11940]  }
0x230: {  	vm14 =	veq.s32 v56, $0x2;
	vm15 =	veq.s32 v56, $0x3;
	vm10 =	veq.s32 v63, $0x1;
	v57 =	vld [tilespmem:s9+$0x11960]  }
0x231: {  	vm11 =	veq.s32 v63, $0x2;
	v37 =	vsel vm10, v59, v37;
	v41 =	vsel vm10, v42, v41;
	v59 =	vld [tilespmem:s9+$0x11910]  }
0x232: {  	vm12 =	veq.s32 v63, $0x3;
	v62 =	vsel vm13, v62, v45;
	v58 =	vsel vm11, v60, v41;
	v60 =	vld [tilespmem:s9+$0x11930]  }
0x233: {  	v63 =	vld [tilespmem:s9+$0x11950];
	v50 =	vsel vm13, v50, v49;
	v37 =	vsel vm11, v39, v37;
	v44 =	vsel vm14, v47, v62  }
0x234: {  	v52 =	vld [tilespmem:s9+$0x11970];
	v46 =	vsel vm14, v51, v50;
	v39 =	vsel vm12, v61, v58;
	v61 =	vperm.xlane v34, v15  }
0x235: {  	v37 =	vsel vm12, v40, v37;
	v44 =	vsel vm15, v48, v44;
	v46 =	vsel vm15, v53, v46  }
0x236: {  	v37 =	vmul.f32 v44, v37;
	v39 =	vmul.f32 v46, v39;
	vm4 =	veq.s32 v61, $0x1  }
0x237: {  	vm5 =	veq.s32 v61, $0x2;
	v55 =	vsel vm4, v55, v54;
	v40 =	vsel vm4, v60, v59  }
0x238: {  	vm6 =	veq.s32 v61, $0x3;
	v38 =	vsel vm5, v38, v55;
	v40 =	vsel vm5, v63, v40  }
0x239: {  	v38 =	vsel vm6, v57, v38;
	v40 =	vsel vm6, v52, v40  }
0x23a: {  	v37 =	vmul.f32 v38, v37;
	v56 =	vmul.f32 v40, v39;
	_ =	sdelay $0x1  }
0x23b: {  	v37 =	vadd.f32 v56, v37;
	_ =	sdelay $0x1  }
0x23c: {  	[tilespmem:$0x19AF0] =	vst v37  }
0x23d: {  	v37 =	vld [tilespmem:s9+$0x1980]  }
0x23e: {  	v38 =	vld [tilespmem:s9+$0x19A0]  }
0x23f: {  	v39 =	vld [tilespmem:s9+$0x19C0]  }
0x240: {  	v40 =	vld [tilespmem:s9+$0x19E0]  }
0x241: {  	v41 =	vld [tilespmem:s9+$0x1990]  }
0x242: {  	v42 =	vld [tilespmem:s9+$0x19B0]  }
0x243: {  	v57 =	vld [tilespmem:s9+$0x19D0]  }
0x244: {  	v58 =	vld [tilespmem:s9+$0x19F0]  }
0x245: {  	v59 =	vld [tilespmem:s9+$0x9980]  }
0x246: {  	v60 =	vld [tilespmem:s9+$0x99A0]  }
0x247: {  	v47 =	vld [tilespmem:s9+$0x99C0]  }
0x248: {  	v48 =	vld [tilespmem:s9+$0x99E0]  }
0x249: {  	v61 =	vld [tilespmem:s9+$0x9990]  }
0x24a: {  	v62 =	vld [tilespmem:s9+$0x99B0]  }
0x24b: {  	v51 =	vld [tilespmem:s9+$0x99D0]  }
0x24c: {  	v52 =	vld [tilespmem:s9+$0x99F0]  }
0x24d: {  	v36 =	vperm.xlane v36, v16;
	v53 =	vld [tilespmem:s9+$0x11980]  }
0x24e: {  	v63 =	vld [tilespmem:s9+$0x119A0]  }
0x24f: {  	v35 =	vperm.xlane v35, v16;
	vm7 =	veq.s32 v36, $0x1;
	v55 =	vld [tilespmem:s9+$0x119E0]  }
0x250: {  	vm8 =	veq.s32 v36, $0x2;
	v37 =	vsel vm7, v38, v37;
	v38 =	vld [tilespmem:s9+$0x119C0];
	v41 =	vsel vm7, v42, v41  }
0x251: {  	vm9 =	veq.s32 v36, $0x3;
	vm10 =	veq.s32 v35, $0x1;
	v56 =	vsel vm8, v57, v41;
	v57 =	vld [tilespmem:s9+$0x11990]  }
0x252: {  	v34 =	vperm.xlane v34, v16;
	v37 =	vsel vm8, v39, v37;
	v39 =	vsel vm9, v58, v56;
	v58 =	vld [tilespmem:s9+$0x119B0]  }
0x253: {  	vm11 =	veq.s32 v35, $0x2;
	vm12 =	veq.s32 v35, $0x3;
	v59 =	vsel vm10, v60, v59;
	v60 =	vld [tilespmem:s9+$0x119D0]  }
0x254: {  	vm13 =	veq.s32 v34, $0x1;
	vm14 =	veq.s32 v34, $0x2;
	v61 =	vsel vm10, v62, v61;
	v62 =	vld [tilespmem:s9+$0x119F0]  }
0x255: {  	vm15 =	veq.s32 v34, $0x3;
	v63 =	vsel vm13, v63, v53;
	v41 =	vsel vm11, v47, v59  }
0x256: {  	v44 =	vsel vm11, v51, v61;
	v37 =	vsel vm9, v40, v37;
	v41 =	vsel vm12, v48, v41  }
0x257: {  	v44 =	vsel vm12, v52, v44;
	v43 =	vmul.f32 v41, v37;
	v40 =	vsel vm13, v58, v57  }
0x258: {  	v44 =	vmul.f32 v44, v39;
	v38 =	vsel vm14, v38, v63;
	v34 =	vsel vm14, v60, v40  }
0x259: {  	v38 =	vsel vm15, v55, v38;
	v34 =	vsel vm15, v62, v34  }
0x25a: {  	v45 =	vmul.f32 v38, v43;
	v34 =	vmul.f32 v34, v44;
	_ =	sdelay $0x1  }
0x25b: {  	v34 =	vadd.f32 v34, v45;
	_ =	sdelay $0x1  }
0x25c: {  	[tilespmem:$0x19B00] =	vst v34  }
0x25d: {  	v34 =	vld.idx.msk [tilespmem:v33+s8+$0x19200 ss:$0x1], $0xffff  }
0x25e: {  	v46 =	vld.idx.msk [tilespmem:v33+s8+$0x19400 ss:$0x1], $0xffff;
	_ =	sdelay $0x1  }
0x25f: {  	v47 =	vld.idx.msk [tilespmem:v33+s8+$0x19600 ss:$0x1], $0xffff;
	_ =	sdelay $0x2  }
0x260: {  	v34 =	vadd.f32 v46, v34  }
0x261: {  	v48 =	vld.idx.msk [tilespmem:v13+s4+$0x0], $0xffff  }
0x262: {  	v34 =	vadd.f32 v47, v34  }
0x263: {  	v49 =	vld.idx.msk [tilespmem:v17+s4+$0x0], $0xffff  }
0x264: {  	v34 =	vadd.f32 v34, v32  }
0x265: {  	v50 =	vld.idx.msk [tilespmem:v18+s4+$0x0], $0xffff  }
0x266: {  	v34 =	vadd.f32 v34, v48  }
0x267: {  	v51 =	vld.idx.msk [tilespmem:v19+s4+$0x0], $0xffff  }
0x268: {  	v34 =	vadd.f32 v34, v49  }
0x269: {  	v52 =	vld.idx.msk [tilespmem:v20+s4+$0x0], $0xffff  }
0x26a: {  	v34 =	vadd.f32 v34, v50  }
0x26b: {  	v53 =	vld.idx.msk [tilespmem:v21+s4+$0x0], $0xffff  }
0x26c: {  	v34 =	vadd.f32 v34, v51  }
0x26d: {  	v54 =	vld.idx.msk [tilespmem:v22+s4+$0x0], $0xffff  }
0x26e: {  	v34 =	vadd.f32 v34, v52  }
0x26f: {  	v55 =	vld.idx.msk [tilespmem:v23+s4+$0x0], $0xffff  }
0x270: {  	v34 =	vadd.f32 v34, v53  }
0x271: {  	v56 =	vld.idx.msk [tilespmem:v24+s4+$0x0], $0xffff  }
0x272: {  	v34 =	vadd.f32 v34, v54  }
0x273: {  	v57 =	vld.idx.msk [tilespmem:v25+s4+$0x0], $0xffff  }
0x274: {  	v34 =	vadd.f32 v34, v55  }
0x275: {  	v58 =	vld.idx.msk [tilespmem:v26+s4+$0x0], $0xffff  }
0x276: {  	v34 =	vadd.f32 v34, v56  }
0x277: {  	v59 =	vld.idx.msk [tilespmem:v27+s4+$0x0], $0xffff  }
0x278: {  	v34 =	vadd.f32 v34, v57  }
0x279: {  	v60 =	vld.idx.msk [tilespmem:v28+s4+$0x0], $0xffff  }
0x27a: {  	v34 =	vadd.f32 v34, v58  }
0x27b: {  	v61 =	vld.idx.msk [tilespmem:v29+s4+$0x0], $0xffff  }
0x27c: {  	v34 =	vadd.f32 v34, v59  }
0x27d: {  	v62 =	vld.idx.msk [tilespmem:v30+s4+$0x0], $0xffff  }
0x27e: {  	v34 =	vadd.f32 v34, v60  }
0x27f: {  	v63 =	vld.idx.msk [tilespmem:v31+s4+$0x0], $0xffff  }
0x280: {  	v34 =	vadd.f32 v34, v61  }
0x281: {  	p1 =	sne.s32 s7, $0xF  }
.Ltmp0:
0x282: {  	v34 =	vadd.f32 v34, v62;
	(pc) =	sbr.rel @p1 .LBB2_3-.Ltmp0, $3  }
0x283: {  	_ = 	snop  }
0x284: {  	v34 =	vadd.f32 v34, v63;
	_ =	sdelay $0x1  }
0x285: {  	s7 =	sadd.s32 $0x1, s7;
	[tilespmem:v33+s8+$0x19810 ss:$0x1] =	vst.idx.msk $0xffff, v34  }
.Ltmp1:
0x286: {  	(pc) =	sbr.rel @p0 .LBB2_2-.Ltmp1, $2  }
0x287: {  	_ =	sdelay $0x2  }
0x288: {  	s8 =	simm.s32 $0x100;
	p1 =	por $0x0, $0x0  }
0x289: {  	s1 =	sadd.s32 $0x1, s1  }
0x28a: {  	p0 =	sne.s32 s1, s20  }
.Ltmp2:
0x28b: {  	s7 =	simm.s32 $0x19810;
	(pc) =	sbr.rel @p0 .LBB2_1-.Ltmp2, $4  }
0x28c: {  	[hbm4b:s19+s2] =	stream.linear.scatter [tilespmem:s7], [sflag:$0x3], $0x200, $0x38;
	[tilespmem:$0x19B10] =	vst v63  }
0x28d: {  	_ =	swait.ge [sflag:s21], $0x200  }
0x28e: {  	[sflag:s21] =	ssyncset.done $0x0  }
0x28f: {  	[sflag:s21] =	ssyncadd.s32 $0xFFFFFE00  }
0x290: {  	_ =	sfence.sel $0x180000  }
0x291: {  	[bflag:$0x0] =	sbarrier.arrive $0xFFFF  }
0x292: {  	_ =	strace $0x90000047  }
0x293: {  	s0 =	stileid.u32;
	[bflag:$0x2] =	sbarrier.arrive $0xFFFF  }
0x294: {  	p0 =	sne.s32 s0, $0x0;
	s0 =	rddreg [dreg:$0x6]  }
0x295: {  	s0 =	sadd.s32 @!p0 $0x100000, s0  }
0x296: {  	[sflag:s0] =	ssyncadd.tile.s32 @!p0 $0x1;
	_ =	shalt  }
.Lfunc_end2:
_tile_overlayer_lowered:
.L_overlay_start_2:
0x297: {  	(tag) =	ssettag $0x2  }
0x298: {  	s0 =	rddreg [dreg:$0x0];
	s2 =	stileid.u32  }
0x299: {  	s1 =	rddreg [dreg:$0x1];
	p0 =	sne.s32 s2, $0x0  }
0x29a: {  	s3 =	rddreg [dreg:$0x2];
	[bflag:$0x3] =	sbarrier.arrive $0xFFFF;
	s2 =	simm.s32 @!p0 $0x1C03  }
0x29b: {  	[timem:s3], [sflag:s2] =	dma.local @!p0 [hbm:s0], s1  }
0x29c: {  	s0 =	simm.s32 @!p0 $0x3  }
0x29d: {  	_ =	swait.ge @!p0 [sflag:s0], s1  }
0x29e: {  	s1 =	ssub.s32 @!p0 $0x0, s1;
	[sflag:s0] =	ssyncset.done @!p0 $0x0  }
0x29f: {  	[sflag:s0] =	ssyncadd.s32 @!p0 s1  }
0x2a0: {  	[bflag:$0x3] =	sbarrier.arrive $0xFFFF  }
0x2a1: {  	_ =	shalt  }

</sc_bundles>
